<compile_context>
chip_gen: v7x
topology: tpu7x:2x2x1
jax: 0.10.2.dev20260603
libtpu: 0.0.44.dev20260713+nightly
codegen_flags: <defaults>
</compile_context>

<pallas_src>
import functools

import jax
import jax.numpy as jnp
from jax import lax
from jax.experimental import pallas as pl
from jax.experimental.pallas import tpu as pltpu
from jax.experimental.pallas import tpu_sc as plsc

N = 10000
E = 320000
D = 128
H = 128
C = 10

NC = 2
NS = 16
NW = NC * NS
EW = E // NW
K = 40
NCHUNK = EW // K
NPAD = 10112
RPT = NPAD // NS
NBUF = 3


def _tc_prep(x_ref, we_ref, be_ref, tsrc_ref, tdst_ref):
    x = x_ref[...]
    a = jnp.dot(x, we_ref[:D, :], preferred_element_type=jnp.float32)
    b = jnp.dot(x, we_ref[D:, :], preferred_element_type=jnp.float32) + be_ref[...]
    tsrc_ref[:, :D] = x
    tsrc_ref[:, D:] = a
    tdst_ref[...] = b


def _sc_edge_body(tsrc_hbm, tdst_hbm, src_hbm, dst_hbm, zero_hbm, out_hbm,
                  sidx, didx, sbufs, dbufs, acc, isems, gsems, ssems):
    c = lax.axis_index("c")
    s = lax.axis_index("s")
    w = s * NC + c
    base_e = w * EW
    pltpu.sync_copy(zero_hbm.at[pl.ds(s * RPT, RPT)], acc.at[pl.ds(s * RPT, RPT)])
    plsc.subcore_barrier()

    def fire_idx(ci, b):
        pltpu.async_copy(src_hbm.at[pl.ds(base_e + ci * K, K)], sidx[b], isems[b])
        pltpu.async_copy(dst_hbm.at[pl.ds(base_e + ci * K, K)], didx[b], isems[b])

    def wait_idx(b):
        pltpu.make_async_copy(src_hbm.at[pl.ds(0, K)], sidx[b], isems[b]).wait()
        pltpu.make_async_copy(dst_hbm.at[pl.ds(0, K)], didx[b], isems[b]).wait()

    def fire_gather(b):
        pltpu.async_copy(tsrc_hbm.at[sidx[b]], sbufs[b], gsems[b])
        pltpu.async_copy(tdst_hbm.at[didx[b]], dbufs[b], gsems[b])

    def wait_gather(b):
        pltpu.make_async_copy(tsrc_hbm.at[sidx[b]], sbufs[b], gsems[b]).wait()
        pltpu.make_async_copy(tdst_hbm.at[didx[b]], dbufs[b], gsems[b]).wait()

    def fire_scatter(b):
        pltpu.async_copy(dbufs[b], acc.at[didx[b]], ssems[b], add=True)

    def wait_scatter(b):
        pltpu.make_async_copy(dbufs[b], acc.at[didx[b]], ssems[b]).wait()

    def compute(b):
        srows, drows = sbufs[b], dbufs[b]

        @plsc.parallel_loop(0, K, 1, unroll=4)
        def _(k):
            for j in range(H // 16):
                xv = srows[k, pl.ds(j * 16, 16)]
                av = srows[k, pl.ds(D + j * 16, 16)]
                bv = drows[k, pl.ds(j * 16, 16)]
                drows[k, pl.ds(j * 16, 16)] = xv * jnp.maximum(av + bv, 0.0)

    def chunk_step(ci, b):
        nb = (b + 2) % NBUF
        b1 = (b + 1) % NBUF

        @pl.when(ci + 1 < NCHUNK)
        def _():
            wait_idx(b1)
            fire_gather(b1)

        @pl.when(ci >= 1)
        def _():
            wait_scatter(nb)

        @pl.when(ci + 2 < NCHUNK)
        def _():
            fire_idx(ci + 2, nb)

        wait_gather(b)
        compute(b)
        fire_scatter(b)

    fire_idx(0, 0)
    fire_idx(1, 1)
    wait_idx(0)
    fire_gather(0)

    def loop_body(j, carry):
        for t in range(NBUF):
            chunk_step(j * NBUF + t, t)
        return carry

    lax.fori_loop(0, NCHUNK // NBUF, loop_body, 0)
    for ci in range(NCHUNK - NCHUNK % NBUF, NCHUNK):
        chunk_step(ci, ci % NBUF)
    wait_scatter((NCHUNK - 1) % NBUF)

    plsc.subcore_barrier()
    pltpu.sync_copy(acc.at[pl.ds(s * RPT, RPT)], out_hbm.at[c, pl.ds(s * RPT, RPT)])


def _sc_edge_entry(tsrc_hbm, tdst_hbm, src_hbm, dst_hbm, zero_hbm, out_hbm,
                   si0, si1, si2, di0, di1, di2, s0, s1, s2, d0, d1, d2,
                   acc, i0, i1, i2, g0, g1, g2, x0, x1, x2):
    _sc_edge_body(tsrc_hbm, tdst_hbm, src_hbm, dst_hbm, zero_hbm, out_hbm,
                  (si0, si1, si2), (di0, di1, di2),
                  (s0, s1, s2), (d0, d1, d2), acc,
                  (i0, i1, i2), (g0, g1, g2), (x0, x1, x2))


@functools.cache
def _sc_edge():
    return pl.kernel(
        _sc_edge_entry,
        out_type=jax.ShapeDtypeStruct((NC, NPAD, H), jnp.float32),
        mesh=plsc.VectorSubcoreMesh(core_axis_name="c", subcore_axis_name="s",
                                    num_cores=NC, num_subcores=NS),
        scratch_types=(
            [pltpu.VMEM((K,), jnp.int32) for _ in range(6)]
            + [pltpu.VMEM((K, 2 * D), jnp.float32) for _ in range(3)]
            + [pltpu.VMEM((K, H), jnp.float32) for _ in range(3)]
            + [pltpu.VMEM_SHARED((NPAD, H), jnp.float32)]
            + [pltpu.SemaphoreType.DMA for _ in range(9)]
        ),
    )


def _tc_finish(p_ref, wn_ref, bn_ref, wg_ref, bg_ref, wf_ref, bf_ref, out_ref):
    hn = p_ref[0, :N, :] + p_ref[1, :N, :]
    h = jnp.maximum(
        jnp.dot(hn, wn_ref[...], preferred_element_type=jnp.float32) + bn_ref[...],
        0.0)
    g = jnp.sum(h * wg_ref[...], axis=1, keepdims=True) + bg_ref[...]
    m = jnp.max(g)
    e = jnp.exp(g - m)
    ssum = jnp.sum(e)
    r = jnp.sum(e * h, axis=0, keepdims=True) / ssum
    out_ref[...] = jnp.dot(r, wf_ref[...], preferred_element_type=jnp.float32) + bf_ref[...]


def kernel(x, edge_index, W_edge, b_edge, W_node, b_node, W_gate, b_gate, W_fc, b_fc):
    tsrc, tdst = pl.pallas_call(
        _tc_prep,
        out_shape=[
            jax.ShapeDtypeStruct((N, 2 * D), jnp.float32),
            jax.ShapeDtypeStruct((N, H), jnp.float32),
        ],
    )(x, W_edge, b_edge.reshape(1, H))
    p = _sc_edge()(tsrc, tdst, edge_index[0], edge_index[1],
                   jnp.zeros((NPAD, H), jnp.float32))
    out = pl.pallas_call(
        _tc_finish,
        out_shape=jax.ShapeDtypeStruct((1, C), jnp.float32),
    )(p, W_node, b_node.reshape(1, H), W_gate.reshape(1, H),
      b_gate.reshape(1, 1), W_fc, b_fc.reshape(1, C))
    return out

# --- scband reference (transcript-rebuilt; emitter-appended) ---
"""Pipeline reference for scband-mpnnmodel-15401752723912 (READ-ONLY COPY).

The authoritative reference and input builder live on the scoring server;
editing this copy changes nothing except your own understanding.
"""

import jax, jax.numpy as jnp
import numpy as np

N = 10000
E = 320000
D = 128   # input_dim
H = 128   # hidden_dim
C = 10    # num_classes


def setup_inputs(seed: int = 0) -> dict:
    key = jax.random.key(seed)
    ks = jax.random.split(key, 12)
    x = jax.random.normal(ks[0], (N, D), dtype=jnp.float32)
    edge_index = jax.random.randint(ks[1], (2, E), 0, N, dtype=jnp.int32)
    # EdgeUpdateNetwork(input_dim, hidden_dim): message from concat(src,dst)
    W_edge = jax.random.normal(ks[2], (2 * D, H), dtype=jnp.float32) / np.sqrt(2 * D)
    b_edge = jnp.zeros((H,), dtype=jnp.float32)
    # NodeUpdateNetwork(hidden_dim, hidden_dim)
    W_node = jax.random.normal(ks[3], (H, H), dtype=jnp.float32) / np.sqrt(H)
    b_node = jnp.zeros((H,), dtype=jnp.float32)
    # GlobalAttentionPooling gate: nn.Linear(hidden_dim, 1)
    W_gate = jax.random.normal(ks[4], (H, 1), dtype=jnp.float32) / np.sqrt(H)
    b_gate = jnp.zeros((1,), dtype=jnp.float32)
    # fc: nn.Linear(hidden_dim, num_classes)
    W_fc = jax.random.normal(ks[5], (H, C), dtype=jnp.float32) / np.sqrt(H)
    b_fc = jnp.zeros((C,), dtype=jnp.float32)
    return {
        "x": x, "edge_index": edge_index,
        "W_edge": W_edge, "b_edge": b_edge,
        "W_node": W_node, "b_node": b_node,
        "W_gate": W_gate, "b_gate": b_gate,
        "W_fc": W_fc, "b_fc": b_fc,
    }


def reference(x, edge_index, W_edge, b_edge, W_node, b_node, W_gate, b_gate, W_fc, b_fc):
    src = edge_index[0]
    dst = edge_index[1]
    h_src = jnp.take(x, src, axis=0)          # gather [E, D]
    h_dst = jnp.take(x, dst, axis=0)          # gather [E, D]
    # apply_edges: edge feature m = EdgeUpdateNetwork(concat(h_src, h_dst))
    m = jax.nn.relu(jnp.concatenate([h_src, h_dst], axis=-1) @ W_edge + b_edge)  # [E, H]
    # update_all: u_mul_e('h','m','m') then sum reduce -> h_neigh
    msg = h_src * m                            # [E, H] (requires D == H)
    h_neigh = jax.ops.segment_sum(msg, dst, num_segments=N)  # scatter-add [N, H]
    # apply_nodes: NodeUpdateNetwork
    h = jax.nn.relu(h_neigh @ W_node + b_node)  # [N, H]
    # GlobalAttentionPooling over the single graph
    gate = h @ W_gate + b_gate                  # [N, 1]
    alpha = jax.nn.softmax(gate, axis=0)        # softmax over nodes
    readout = jnp.sum(alpha * h, axis=0)        # [H]
    out = readout @ W_fc + b_fc                 # [C]
    return out[None, :]                         # [1, C]

if __name__ == "__main__":
    import jax
    _d = setup_inputs()
    print(jax.jit(kernel)(*tuple(_d.values())))

</pallas_src>

<mosaic_0001>
#map = affine_map<(d0, d1) -> (0, 0)>
#map1 = affine_map<(d0, d1) -> (0)>
#map2 = affine_map<(d0, d1) -> (0, 0, 0)>
module attributes {stable_mosaic.version = 14 : i64} {
  func.func @_sc_edge_entry(%arg0: i32, %arg1: i32, %arg2: memref<10000x256xf32, #tpu.memory_space<hbm>>, %arg3: memref<10000x128xf32, #tpu.memory_space<hbm>>, %arg4: memref<320000xi32, #tpu.memory_space<hbm>>, %arg5: memref<320000xi32, #tpu.memory_space<hbm>>, %arg6: memref<10112x128xf32, #tpu.memory_space<hbm>>, %arg7: memref<2x10112x128xf32, #tpu.memory_space<hbm>>, %arg8: memref<40xi32, #tpu.memory_space<vmem>>, %arg9: memref<40xi32, #tpu.memory_space<vmem>>, %arg10: memref<40xi32, #tpu.memory_space<vmem>>, %arg11: memref<40xi32, #tpu.memory_space<vmem>>, %arg12: memref<40xi32, #tpu.memory_space<vmem>>, %arg13: memref<40xi32, #tpu.memory_space<vmem>>, %arg14: memref<40x256xf32, #tpu.memory_space<vmem>>, %arg15: memref<40x256xf32, #tpu.memory_space<vmem>>, %arg16: memref<40x256xf32, #tpu.memory_space<vmem>>, %arg17: memref<40x128xf32, #tpu.memory_space<vmem>>, %arg18: memref<40x128xf32, #tpu.memory_space<vmem>>, %arg19: memref<40x128xf32, #tpu.memory_space<vmem>>, %arg20: memref<10112x128xf32, #tpu.memory_space<vmem_shared>>, %arg21: memref<!tpu.dma_semaphore, #tpu.memory_space<semaphore_mem>>, %arg22: memref<!tpu.dma_semaphore, #tpu.memory_space<semaphore_mem>>, %arg23: memref<!tpu.dma_semaphore, #tpu.memory_space<semaphore_mem>>, %arg24: memref<!tpu.dma_semaphore, #tpu.memory_space<semaphore_mem>>, %arg25: memref<!tpu.dma_semaphore, #tpu.memory_space<semaphore_mem>>, %arg26: memref<!tpu.dma_semaphore, #tpu.memory_space<semaphore_mem>>, %arg27: memref<!tpu.dma_semaphore, #tpu.memory_space<semaphore_mem>>, %arg28: memref<!tpu.dma_semaphore, #tpu.memory_space<semaphore_mem>>, %arg29: memref<!tpu.dma_semaphore, #tpu.memory_space<semaphore_mem>>) attributes {dimension_semantics = [#tpu.dimension_semantics<core_parallel>, #tpu.dimension_semantics<subcore_parallel>], iteration_bounds = array<i64: 2, 16>, scalar_prefetch = 0 : i64, scratch_operands = 22 : i64, tpu.core_type = #tpu.core_type<sc_vector_subcore>, window_params = [{transform_indices = #map}, {transform_indices = #map}, {transform_indices = #map1}, {transform_indices = #map1}, {transform_indices = #map}, {transform_indices = #map2}]} {
    %mul3A = arith.constant 2 : i32
    %mul3A_0 = arith.muli %arg1, %mul3A : i32
    %add3A = arith.addi %mul3A_0, %arg0 : i32
    %mul3A_1 = arith.constant 10000 : i32
    %mul3A_2 = arith.muli %add3A, %mul3A_1 : i32
    %mul3A_3 = arith.constant 632 : i32
    %mul3A_4 = arith.muli %arg1, %mul3A_3 : i32
    %mul3A_5 = arith.constant 632 : i32
    %mul3A_6 = arith.muli %arg1, %mul3A_5 : i32
    "tpu.region"() ({
      %run_scoped3A = tpu.sem_alloc : memref<!tpu.dma_semaphore, #tpu.memory_space<semaphore_mem>>
      %dma_start3A_62 = arith.constant 0 : i32
      %dma_start3A_63 = tpu.memref_slice %arg20[%mul3A_6, %dma_start3A_62] : memref<10112x128xf32, #tpu.memory_space<vmem_shared>> -> memref<632x128xf32, #tpu.memory_space<vmem_shared>>
      %dma_start3A_64 = arith.constant 0 : i32
      %dma_start3A_65 = tpu.memref_slice %arg6[%mul3A_4, %dma_start3A_64] : memref<10112x128xf32, #tpu.memory_space<hbm>> -> memref<632x128xf32, #tpu.memory_space<hbm>>
      tpu.enqueue_dma source(%dma_start3A_65 : memref<632x128xf32, #tpu.memory_space<hbm>>) target(%dma_start3A_63 : memref<632x128xf32, #tpu.memory_space<vmem_shared>>) target_semaphore(%run_scoped3A : memref<!tpu.dma_semaphore, #tpu.memory_space<semaphore_mem>>)
      %dma_wait3A_66 = arith.constant 0 : i32
      %dma_wait3A_67 = tpu.memref_slice %arg20[%mul3A_6, %dma_wait3A_66] : memref<10112x128xf32, #tpu.memory_space<vmem_shared>> -> memref<632x128xf32, #tpu.memory_space<vmem_shared>>
      %dma_wait3A_68 = arith.constant 0 : i32
      %dma_wait3A_69 = tpu.memref_slice %arg6[%mul3A_4, %dma_wait3A_68] : memref<10112x128xf32, #tpu.memory_space<hbm>> -> memref<632x128xf32, #tpu.memory_space<hbm>>
      tpu.wait_dma2 semaphore(%run_scoped3A : memref<!tpu.dma_semaphore, #tpu.memory_space<semaphore_mem>>) src(%dma_wait3A_69 : memref<632x128xf32, #tpu.memory_space<hbm>>) dst(%dma_wait3A_67 : memref<632x128xf32, #tpu.memory_space<vmem_shared>>)
      tpu.yield
    }) : () -> ()
    %barrier3A = arith.constant 0 : index
    tpu.barrier barrier_id(%barrier3A)
    %add3A_7 = arith.constant 0 : i32
    %add3A_8 = arith.addi %mul3A_2, %add3A_7 : i32
    %dma_start3A = tpu.memref_slice %arg4[%add3A_8] : memref<320000xi32, #tpu.memory_space<hbm>> -> memref<40xi32, #tpu.memory_space<hbm>>
    %dma_start3A_9 = tpu.memref_slice %arg4[%add3A_8] : memref<320000xi32, #tpu.memory_space<hbm>> -> memref<40xi32, #tpu.memory_space<hbm>>
    tpu.enqueue_dma source(%dma_start3A_9 : memref<40xi32, #tpu.memory_space<hbm>>) target(%arg8 : memref<40xi32, #tpu.memory_space<vmem>>) target_semaphore(%arg21 : memref<!tpu.dma_semaphore, #tpu.memory_space<semaphore_mem>>)
    %add3A_10 = arith.constant 0 : i32
    %add3A_11 = arith.addi %mul3A_2, %add3A_10 : i32
    %dma_start3A_12 = tpu.memref_slice %arg5[%add3A_11] : memref<320000xi32, #tpu.memory_space<hbm>> -> memref<40xi32, #tpu.memory_space<hbm>>
    %dma_start3A_13 = tpu.memref_slice %arg5[%add3A_11] : memref<320000xi32, #tpu.memory_space<hbm>> -> memref<40xi32, #tpu.memory_space<hbm>>
    tpu.enqueue_dma source(%dma_start3A_13 : memref<40xi32, #tpu.memory_space<hbm>>) target(%arg11 : memref<40xi32, #tpu.memory_space<vmem>>) target_semaphore(%arg21 : memref<!tpu.dma_semaphore, #tpu.memory_space<semaphore_mem>>)
    %add3A_14 = arith.constant 40 : i32
    %add3A_15 = arith.addi %mul3A_2, %add3A_14 : i32
    %dma_start3A_16 = tpu.memref_slice %arg4[%add3A_15] : memref<320000xi32, #tpu.memory_space<hbm>> -> memref<40xi32, #tpu.memory_space<hbm>>
    %dma_start3A_17 = tpu.memref_slice %arg4[%add3A_15] : memref<320000xi32, #tpu.memory_space<hbm>> -> memref<40xi32, #tpu.memory_space<hbm>>
    tpu.enqueue_dma source(%dma_start3A_17 : memref<40xi32, #tpu.memory_space<hbm>>) target(%arg9 : memref<40xi32, #tpu.memory_space<vmem>>) target_semaphore(%arg22 : memref<!tpu.dma_semaphore, #tpu.memory_space<semaphore_mem>>)
    %add3A_18 = arith.constant 40 : i32
    %add3A_19 = arith.addi %mul3A_2, %add3A_18 : i32
    %dma_start3A_20 = tpu.memref_slice %arg5[%add3A_19] : memref<320000xi32, #tpu.memory_space<hbm>> -> memref<40xi32, #tpu.memory_space<hbm>>
    %dma_start3A_21 = tpu.memref_slice %arg5[%add3A_19] : memref<320000xi32, #tpu.memory_space<hbm>> -> memref<40xi32, #tpu.memory_space<hbm>>
    tpu.enqueue_dma source(%dma_start3A_21 : memref<40xi32, #tpu.memory_space<hbm>>) target(%arg12 : memref<40xi32, #tpu.memory_space<vmem>>) target_semaphore(%arg22 : memref<!tpu.dma_semaphore, #tpu.memory_space<semaphore_mem>>)
    %dma_wait3A = arith.constant 0 : i32
    %dma_wait3A_22 = tpu.memref_slice %arg4[%dma_wait3A] : memref<320000xi32, #tpu.memory_space<hbm>> -> memref<40xi32, #tpu.memory_space<hbm>>
    %dma_wait3A_23 = arith.constant 0 : i32
    %dma_wait3A_24 = tpu.memref_slice %arg4[%dma_wait3A_23] : memref<320000xi32, #tpu.memory_space<hbm>> -> memref<40xi32, #tpu.memory_space<hbm>>
    tpu.wait_dma2 semaphore(%arg21 : memref<!tpu.dma_semaphore, #tpu.memory_space<semaphore_mem>>) src(%dma_wait3A_24 : memref<40xi32, #tpu.memory_space<hbm>>) dst(%arg8 : memref<40xi32, #tpu.memory_space<vmem>>)
    %dma_wait3A_25 = arith.constant 0 : i32
    %dma_wait3A_26 = tpu.memref_slice %arg5[%dma_wait3A_25] : memref<320000xi32, #tpu.memory_space<hbm>> -> memref<40xi32, #tpu.memory_space<hbm>>
    %dma_wait3A_27 = arith.constant 0 : i32
    %dma_wait3A_28 = tpu.memref_slice %arg5[%dma_wait3A_27] : memref<320000xi32, #tpu.memory_space<hbm>> -> memref<40xi32, #tpu.memory_space<hbm>>
    tpu.wait_dma2 semaphore(%arg21 : memref<!tpu.dma_semaphore, #tpu.memory_space<semaphore_mem>>) src(%dma_wait3A_28 : memref<40xi32, #tpu.memory_space<hbm>>) dst(%arg11 : memref<40xi32, #tpu.memory_space<vmem>>)
    %dma_start3A_29 = arith.constant 0 : i32
    %dma_start3A_30 = arith.constant 0 : i32
    %dma_start3A_31 = tpu.memref_slice %arg2[%dma_start3A_29, %dma_start3A_30] : memref<10000x256xf32, #tpu.memory_space<hbm>> -> memref<10000x256xf32, #tpu.memory_space<hbm>>
    tpu.enqueue_indirect_dma source(%dma_start3A_31 : memref<10000x256xf32, #tpu.memory_space<hbm>>) target(%arg14 : memref<40x256xf32, #tpu.memory_space<vmem>>) offsets(%arg8 : memref<40xi32, #tpu.memory_space<vmem>>) semaphore(%arg24 : memref<!tpu.dma_semaphore, #tpu.memory_space<semaphore_mem>>)
    %dma_start3A_32 = arith.constant 0 : i32
    %dma_start3A_33 = arith.constant 0 : i32
    %dma_start3A_34 = tpu.memref_slice %arg3[%dma_start3A_32, %dma_start3A_33] : memref<10000x128xf32, #tpu.memory_space<hbm>> -> memref<10000x128xf32, #tpu.memory_space<hbm>>
    tpu.enqueue_indirect_dma source(%dma_start3A_34 : memref<10000x128xf32, #tpu.memory_space<hbm>>) target(%arg17 : memref<40x128xf32, #tpu.memory_space<vmem>>) offsets(%arg11 : memref<40xi32, #tpu.memory_space<vmem>>) semaphore(%arg24 : memref<!tpu.dma_semaphore, #tpu.memory_space<semaphore_mem>>)
    %scan3A = arith.constant 0 : i32
    %scan3A_35 = arith.constant 0 : i32
    %scan3A_36 = arith.constant 83 : i32
    %scan3A_37 = arith.addi %scan3A_35, %scan3A_36 : i32
    %scan3A_38 = arith.constant 1 : i32
    scf.for %scan3A_62 = %scan3A_35 to %scan3A_37 step %scan3A_38  : i32 {
      %mul3A_63 = arith.constant 3 : i32
      %mul3A_64 = arith.muli %scan3A_62, %mul3A_63 : i32
      %add3A_65 = arith.constant 0 : i32
      %add3A_66 = arith.addi %mul3A_64, %add3A_65 : i32
      %add3A_67 = arith.constant 1 : i32
      %add3A_68 = arith.addi %add3A_66, %add3A_67 : i32
      %lt3A = arith.constant 250 : i32
      %lt3A_69 = arith.cmpi slt, %add3A_68, %lt3A : i32
      %convert_element_type3A = arith.extui %lt3A_69 : i1 to i32
      %cond3A = arith.constant 0 : i32
      %cond3A_70 = arith.cmpi ne, %convert_element_type3A, %cond3A : i32
      scf.if %cond3A_70 {
        %dma_wait3A_164 = arith.constant 0 : i32
        %dma_wait3A_165 = tpu.memref_slice %arg4[%dma_wait3A_164] : memref<320000xi32, #tpu.memory_space<hbm>> -> memref<40xi32, #tpu.memory_space<hbm>>
        %dma_wait3A_166 = arith.constant 0 : i32
        %dma_wait3A_167 = tpu.memref_slice %arg4[%dma_wait3A_166] : memref<320000xi32, #tpu.memory_space<hbm>> -> memref<40xi32, #tpu.memory_space<hbm>>
        tpu.wait_dma2 semaphore(%arg22 : memref<!tpu.dma_semaphore, #tpu.memory_space<semaphore_mem>>) src(%dma_wait3A_167 : memref<40xi32, #tpu.memory_space<hbm>>) dst(%arg9 : memref<40xi32, #tpu.memory_space<vmem>>)
        %dma_wait3A_168 = arith.constant 0 : i32
        %dma_wait3A_169 = tpu.memref_slice %arg5[%dma_wait3A_168] : memref<320000xi32, #tpu.memory_space<hbm>> -> memref<40xi32, #tpu.memory_space<hbm>>
        %dma_wait3A_170 = arith.constant 0 : i32
        %dma_wait3A_171 = tpu.memref_slice %arg5[%dma_wait3A_170] : memref<320000xi32, #tpu.memory_space<hbm>> -> memref<40xi32, #tpu.memory_space<hbm>>
        tpu.wait_dma2 semaphore(%arg22 : memref<!tpu.dma_semaphore, #tpu.memory_space<semaphore_mem>>) src(%dma_wait3A_171 : memref<40xi32, #tpu.memory_space<hbm>>) dst(%arg12 : memref<40xi32, #tpu.memory_space<vmem>>)
        %dma_start3A_172 = arith.constant 0 : i32
        %dma_start3A_173 = arith.constant 0 : i32
        %dma_start3A_174 = tpu.memref_slice %arg2[%dma_start3A_172, %dma_start3A_173] : memref<10000x256xf32, #tpu.memory_space<hbm>> -> memref<10000x256xf32, #tpu.memory_space<hbm>>
        tpu.enqueue_indirect_dma source(%dma_start3A_174 : memref<10000x256xf32, #tpu.memory_space<hbm>>) target(%arg15 : memref<40x256xf32, #tpu.memory_space<vmem>>) offsets(%arg9 : memref<40xi32, #tpu.memory_space<vmem>>) semaphore(%arg25 : memref<!tpu.dma_semaphore, #tpu.memory_space<semaphore_mem>>)
        %dma_start3A_175 = arith.constant 0 : i32
        %dma_start3A_176 = arith.constant 0 : i32
        %dma_start3A_177 = tpu.memref_slice %arg3[%dma_start3A_175, %dma_start3A_176] : memref<10000x128xf32, #tpu.memory_space<hbm>> -> memref<10000x128xf32, #tpu.memory_space<hbm>>
        tpu.enqueue_indirect_dma source(%dma_start3A_177 : memref<10000x128xf32, #tpu.memory_space<hbm>>) target(%arg18 : memref<40x128xf32, #tpu.memory_space<vmem>>) offsets(%arg12 : memref<40xi32, #tpu.memory_space<vmem>>) semaphore(%arg25 : memref<!tpu.dma_semaphore, #tpu.memory_space<semaphore_mem>>)
      } else {
      }
      %ge3A = arith.constant 1 : i32
      %ge3A_71 = arith.cmpi sge, %add3A_66, %ge3A : i32
      %convert_element_type3A_72 = arith.extui %ge3A_71 : i1 to i32
      %cond3A_73 = arith.constant 0 : i32
      %cond3A_74 = arith.cmpi ne, %convert_element_type3A_72, %cond3A_73 : i32
      scf.if %cond3A_74 {
        %dma_wait3A_164 = arith.constant 0 : i32
        %dma_wait3A_165 = arith.constant 0 : i32
        %dma_wait3A_166 = tpu.memref_slice %arg20[%dma_wait3A_164, %dma_wait3A_165] : memref<10112x128xf32, #tpu.memory_space<vmem_shared>> -> memref<10112x128xf32, #tpu.memory_space<vmem_shared>>
        tpu.wait_indirect_dma semaphore(%arg29 : memref<!tpu.dma_semaphore, #tpu.memory_space<semaphore_mem>>) src(%arg19 : memref<40x128xf32, #tpu.memory_space<vmem>>) dst(%dma_wait3A_166 : memref<10112x128xf32, #tpu.memory_space<vmem_shared>>)
      } else {
      }
      %add3A_75 = arith.constant 2 : i32
      %add3A_76 = arith.addi %add3A_66, %add3A_75 : i32
      %lt3A_77 = arith.constant 250 : i32
      %lt3A_78 = arith.cmpi slt, %add3A_76, %lt3A_77 : i32
      %convert_element_type3A_79 = arith.extui %lt3A_78 : i1 to i32
      %cond3A_80 = arith.constant 0 : i32
      %cond3A_81 = arith.cmpi ne, %convert_element_type3A_79, %cond3A_80 : i32
      scf.if %cond3A_81 {
        %add3A_164 = arith.constant 2 : i32
        %add3A_165 = arith.addi %add3A_66, %add3A_164 : i32
        %mul3A_166 = arith.constant 40 : i32
        %mul3A_167 = arith.muli %add3A_165, %mul3A_166 : i32
        %add3A_168 = arith.addi %mul3A_2, %mul3A_167 : i32
        %dma_start3A_169 = tpu.memref_slice %arg4[%add3A_168] : memref<320000xi32, #tpu.memory_space<hbm>> -> memref<40xi32, #tpu.memory_space<hbm>>
        %dma_start3A_170 = tpu.memref_slice %arg4[%add3A_168] : memref<320000xi32, #tpu.memory_space<hbm>> -> memref<40xi32, #tpu.memory_space<hbm>>
        tpu.enqueue_dma source(%dma_start3A_170 : memref<40xi32, #tpu.memory_space<hbm>>) target(%arg10 : memref<40xi32, #tpu.memory_space<vmem>>) target_semaphore(%arg23 : memref<!tpu.dma_semaphore, #tpu.memory_space<semaphore_mem>>)
        %mul3A_171 = arith.constant 40 : i32
        %mul3A_172 = arith.muli %add3A_165, %mul3A_171 : i32
        %add3A_173 = arith.addi %mul3A_2, %mul3A_172 : i32
        %dma_start3A_174 = tpu.memref_slice %arg5[%add3A_173] : memref<320000xi32, #tpu.memory_space<hbm>> -> memref<40xi32, #tpu.memory_space<hbm>>
        %dma_start3A_175 = tpu.memref_slice %arg5[%add3A_173] : memref<320000xi32, #tpu.memory_space<hbm>> -> memref<40xi32, #tpu.memory_space<hbm>>
        tpu.enqueue_dma source(%dma_start3A_175 : memref<40xi32, #tpu.memory_space<hbm>>) target(%arg13 : memref<40xi32, #tpu.memory_space<vmem>>) target_semaphore(%arg23 : memref<!tpu.dma_semaphore, #tpu.memory_space<semaphore_mem>>)
      } else {
      }
      %dma_wait3A_82 = arith.constant 0 : i32
      %dma_wait3A_83 = arith.constant 0 : i32
      %dma_wait3A_84 = tpu.memref_slice %arg2[%dma_wait3A_82, %dma_wait3A_83] : memref<10000x256xf32, #tpu.memory_space<hbm>> -> memref<10000x256xf32, #tpu.memory_space<hbm>>
      tpu.wait_indirect_dma semaphore(%arg24 : memref<!tpu.dma_semaphore, #tpu.memory_space<semaphore_mem>>) src(%dma_wait3A_84 : memref<10000x256xf32, #tpu.memory_space<hbm>>) dst(%arg14 : memref<40x256xf32, #tpu.memory_space<vmem>>)
      %dma_wait3A_85 = arith.constant 0 : i32
      %dma_wait3A_86 = arith.constant 0 : i32
      %dma_wait3A_87 = tpu.memref_slice %arg3[%dma_wait3A_85, %dma_wait3A_86] : memref<10000x128xf32, #tpu.memory_space<hbm>> -> memref<10000x128xf32, #tpu.memory_space<hbm>>
      tpu.wait_indirect_dma semaphore(%arg24 : memref<!tpu.dma_semaphore, #tpu.memory_space<semaphore_mem>>) src(%dma_wait3A_87 : memref<10000x128xf32, #tpu.memory_space<hbm>>) dst(%arg17 : memref<40x128xf32, #tpu.memory_space<vmem>>)
      %parallel_loop3A_88 = arith.constant 0 : i32
      %parallel_loop3A_89 = arith.constant 40 : i32
      %parallel_loop3A_90 = arith.constant 1 : i32
      scf.for %parallel_loop3A_164 = %parallel_loop3A_88 to %parallel_loop3A_89 step %parallel_loop3A_90  : i32 {
        %parallel_loop3A_165 = arith.index_cast %parallel_loop3A_164 : i32 to index
        %parallel_loop3A_166 = arith.constant 0 : index
        %parallel_loop3A_167 = tpu.vector_load %arg14[%parallel_loop3A_165, %parallel_loop3A_166] {strides = array<i32>} : memref<40x256xf32, #tpu.memory_space<vmem>>, vector<1x16xf32>,
        %parallel_loop3A_168 = vector.shape_cast %parallel_loop3A_167 : vector<1x16xf32> to vector<16xf32>
        %parallel_loop3A_169 = arith.index_cast %parallel_loop3A_164 : i32 to index
        %parallel_loop3A_170 = arith.constant 128 : index
        %parallel_loop3A_171 = tpu.vector_load %arg14[%parallel_loop3A_169, %parallel_loop3A_170] {strides = array<i32>} : memref<40x256xf32, #tpu.memory_space<vmem>>, vector<1x16xf32>,
        %parallel_loop3A_172 = vector.shape_cast %parallel_loop3A_171 : vector<1x16xf32> to vector<16xf32>
        %parallel_loop3A_173 = arith.index_cast %parallel_loop3A_164 : i32 to index
        %parallel_loop3A_174 = arith.constant 0 : index
        %parallel_loop3A_175 = tpu.vector_load %arg17[%parallel_loop3A_173, %parallel_loop3A_174] {strides = array<i32>} : memref<40x128xf32, #tpu.memory_space<vmem>>, vector<1x16xf32>,
        %parallel_loop3A_176 = vector.shape_cast %parallel_loop3A_175 : vector<1x16xf32> to vector<16xf32>
        %parallel_loop3A_177 = arith.addf %parallel_loop3A_172, %parallel_loop3A_176 : vector<16xf32>
        %parallel_loop3A_178 = arith.constant 0.000000e+00 : f32
        %parallel_loop3A_179 = vector.broadcast %parallel_loop3A_178 : f32 to vector<16xf32>
        %parallel_loop3A_180 = arith.maximumf %parallel_loop3A_177, %parallel_loop3A_179 : vector<16xf32>
        %parallel_loop3A_181 = arith.mulf %parallel_loop3A_168, %parallel_loop3A_180 : vector<16xf32>
        %parallel_loop3A_182 = arith.index_cast %parallel_loop3A_164 : i32 to index
        %parallel_loop3A_183 = arith.constant 0 : index
        %parallel_loop3A_184 = tpu.vector_load %arg17[%parallel_loop3A_182, %parallel_loop3A_183] {strides = array<i32>} : memref<40x128xf32, #tpu.memory_space<vmem>>, vector<1x16xf32>,
        %parallel_loop3A_185 = vector.shape_cast %parallel_loop3A_184 : vector<1x16xf32> to vector<16xf32>
        %parallel_loop3A_186 = vector.shape_cast %parallel_loop3A_181 : vector<16xf32> to vector<1x16xf32>
        tpu.vector_store %arg17[%parallel_loop3A_182, %parallel_loop3A_183], %parallel_loop3A_186 {strides = array<i32>} : memref<40x128xf32, #tpu.memory_space<vmem>>, vector<1x16xf32>,
        %parallel_loop3A_187 = arith.index_cast %parallel_loop3A_164 : i32 to index
        %parallel_loop3A_188 = arith.constant 16 : index
        %parallel_loop3A_189 = tpu.vector_load %arg14[%parallel_loop3A_187, %parallel_loop3A_188] {strides = array<i32>} : memref<40x256xf32, #tpu.memory_space<vmem>>, vector<1x16xf32>,
        %parallel_loop3A_190 = vector.shape_cast %parallel_loop3A_189 : vector<1x16xf32> to vector<16xf32>
        %parallel_loop3A_191 = arith.index_cast %parallel_loop3A_164 : i32 to index
        %parallel_loop3A_192 = arith.constant 144 : index
        %parallel_loop3A_193 = tpu.vector_load %arg14[%parallel_loop3A_191, %parallel_loop3A_192] {strides = array<i32>} : memref<40x256xf32, #tpu.memory_space<vmem>>, vector<1x16xf32>,
        %parallel_loop3A_194 = vector.shape_cast %parallel_loop3A_193 : vector<1x16xf32> to vector<16xf32>
        %parallel_loop3A_195 = arith.index_cast %parallel_loop3A_164 : i32 to index
        %parallel_loop3A_196 = arith.constant 16 : index
        %parallel_loop3A_197 = tpu.vector_load %arg17[%parallel_loop3A_195, %parallel_loop3A_196] {strides = array<i32>} : memref<40x128xf32, #tpu.memory_space<vmem>>, vector<1x16xf32>,
        %parallel_loop3A_198 = vector.shape_cast %parallel_loop3A_197 : vector<1x16xf32> to vector<16xf32>
        %parallel_loop3A_199 = arith.addf %parallel_loop3A_194, %parallel_loop3A_198 : vector<16xf32>
        %parallel_loop3A_200 = arith.constant 0.000000e+00 : f32
        %parallel_loop3A_201 = vector.broadcast %parallel_loop3A_200 : f32 to vector<16xf32>
        %parallel_loop3A_202 = arith.maximumf %parallel_loop3A_199, %parallel_loop3A_201 : vector<16xf32>
        %parallel_loop3A_203 = arith.mulf %parallel_loop3A_190, %parallel_loop3A_202 : vector<16xf32>
        %parallel_loop3A_204 = arith.index_cast %parallel_loop3A_164 : i32 to index
        %parallel_loop3A_205 = arith.constant 16 : index
        %parallel_loop3A_206 = tpu.vector_load %arg17[%parallel_loop3A_204, %parallel_loop3A_205] {strides = array<i32>} : memref<40x128xf32, #tpu.memory_space<vmem>>, vector<1x16xf32>,
        %parallel_loop3A_207 = vector.shape_cast %parallel_loop3A_206 : vector<1x16xf32> to vector<16xf32>
        %parallel_loop3A_208 = vector.shape_cast %parallel_loop3A_203 : vector<16xf32> to vector<1x16xf32>
        tpu.vector_store %arg17[%parallel_loop3A_204, %parallel_loop3A_205], %parallel_loop3A_208 {strides = array<i32>} : memref<40x128xf32, #tpu.memory_space<vmem>>, vector<1x16xf32>,
        %parallel_loop3A_209 = arith.index_cast %parallel_loop3A_164 : i32 to index
        %parallel_loop3A_210 = arith.constant 32 : index
        %parallel_loop3A_211 = tpu.vector_load %arg14[%parallel_loop3A_209, %parallel_loop3A_210] {strides = array<i32>} : memref<40x256xf32, #tpu.memory_space<vmem>>, vector<1x16xf32>,
        %parallel_loop3A_212 = vector.shape_cast %parallel_loop3A_211 : vector<1x16xf32> to vector<16xf32>
        %parallel_loop3A_213 = arith.index_cast %parallel_loop3A_164 : i32 to index
        %parallel_loop3A_214 = arith.constant 160 : index
        %parallel_loop3A_215 = tpu.vector_load %arg14[%parallel_loop3A_213, %parallel_loop3A_214] {strides = array<i32>} : memref<40x256xf32, #tpu.memory_space<vmem>>, vector<1x16xf32>,
        %parallel_loop3A_216 = vector.shape_cast %parallel_loop3A_215 : vector<1x16xf32> to vector<16xf32>
        %parallel_loop3A_217 = arith.index_cast %parallel_loop3A_164 : i32 to index
        %parallel_loop3A_218 = arith.constant 32 : index
        %parallel_loop3A_219 = tpu.vector_load %arg17[%parallel_loop3A_217, %parallel_loop3A_218] {strides = array<i32>} : memref<40x128xf32, #tpu.memory_space<vmem>>, vector<1x16xf32>,
        %parallel_loop3A_220 = vector.shape_cast %parallel_loop3A_219 : vector<1x16xf32> to vector<16xf32>
        %parallel_loop3A_221 = arith.addf %parallel_loop3A_216, %parallel_loop3A_220 : vector<16xf32>
        %parallel_loop3A_222 = arith.constant 0.000000e+00 : f32
        %parallel_loop3A_223 = vector.broadcast %parallel_loop3A_222 : f32 to vector<16xf32>
        %parallel_loop3A_224 = arith.maximumf %parallel_loop3A_221, %parallel_loop3A_223 : vector<16xf32>
        %parallel_loop3A_225 = arith.mulf %parallel_loop3A_212, %parallel_loop3A_224 : vector<16xf32>
        %parallel_loop3A_226 = arith.index_cast %parallel_loop3A_164 : i32 to index
        %parallel_loop3A_227 = arith.constant 32 : index
        %parallel_loop3A_228 = tpu.vector_load %arg17[%parallel_loop3A_226, %parallel_loop3A_227] {strides = array<i32>} : memref<40x128xf32, #tpu.memory_space<vmem>>, vector<1x16xf32>,
        %parallel_loop3A_229 = vector.shape_cast %parallel_loop3A_228 : vector<1x16xf32> to vector<16xf32>
        %parallel_loop3A_230 = vector.shape_cast %parallel_loop3A_225 : vector<16xf32> to vector<1x16xf32>
        tpu.vector_store %arg17[%parallel_loop3A_226, %parallel_loop3A_227], %parallel_loop3A_230 {strides = array<i32>} : memref<40x128xf32, #tpu.memory_space<vmem>>, vector<1x16xf32>,
        %parallel_loop3A_231 = arith.index_cast %parallel_loop3A_164 : i32 to index
        %parallel_loop3A_232 = arith.constant 48 : index
        %parallel_loop3A_233 = tpu.vector_load %arg14[%parallel_loop3A_231, %parallel_loop3A_232] {strides = array<i32>} : memref<40x256xf32, #tpu.memory_space<vmem>>, vector<1x16xf32>,
        %parallel_loop3A_234 = vector.shape_cast %parallel_loop3A_233 : vector<1x16xf32> to vector<16xf32>
        %parallel_loop3A_235 = arith.index_cast %parallel_loop3A_164 : i32 to index
        %parallel_loop3A_236 = arith.constant 176 : index
        %parallel_loop3A_237 = tpu.vector_load %arg14[%parallel_loop3A_235, %parallel_loop3A_236] {strides = array<i32>} : memref<40x256xf32, #tpu.memory_space<vmem>>, vector<1x16xf32>,
        %parallel_loop3A_238 = vector.shape_cast %parallel_loop3A_237 : vector<1x16xf32> to vector<16xf32>
        %parallel_loop3A_239 = arith.index_cast %parallel_loop3A_164 : i32 to index
        %parallel_loop3A_240 = arith.constant 48 : index
        %parallel_loop3A_241 = tpu.vector_load %arg17[%parallel_loop3A_239, %parallel_loop3A_240] {strides = array<i32>} : memref<40x128xf32, #tpu.memory_space<vmem>>, vector<1x16xf32>,
        %parallel_loop3A_242 = vector.shape_cast %parallel_loop3A_241 : vector<1x16xf32> to vector<16xf32>
        %parallel_loop3A_243 = arith.addf %parallel_loop3A_238, %parallel_loop3A_242 : vector<16xf32>
        %parallel_loop3A_244 = arith.constant 0.000000e+00 : f32
        %parallel_loop3A_245 = vector.broadcast %parallel_loop3A_244 : f32 to vector<16xf32>
        %parallel_loop3A_246 = arith.maximumf %parallel_loop3A_243, %parallel_loop3A_245 : vector<16xf32>
        %parallel_loop3A_247 = arith.mulf %parallel_loop3A_234, %parallel_loop3A_246 : vector<16xf32>
        %parallel_loop3A_248 = arith.index_cast %parallel_loop3A_164 : i32 to index
        %parallel_loop3A_249 = arith.constant 48 : index
        %parallel_loop3A_250 = tpu.vector_load %arg17[%parallel_loop3A_248, %parallel_loop3A_249] {strides = array<i32>} : memref<40x128xf32, #tpu.memory_space<vmem>>, vector<1x16xf32>,
        %parallel_loop3A_251 = vector.shape_cast %parallel_loop3A_250 : vector<1x16xf32> to vector<16xf32>
        %parallel_loop3A_252 = vector.shape_cast %parallel_loop3A_247 : vector<16xf32> to vector<1x16xf32>
        tpu.vector_store %arg17[%parallel_loop3A_248, %parallel_loop3A_249], %parallel_loop3A_252 {strides = array<i32>} : memref<40x128xf32, #tpu.memory_space<vmem>>, vector<1x16xf32>,
        %parallel_loop3A_253 = arith.index_cast %parallel_loop3A_164 : i32 to index
        %parallel_loop3A_254 = arith.constant 64 : index
        %parallel_loop3A_255 = tpu.vector_load %arg14[%parallel_loop3A_253, %parallel_loop3A_254] {strides = array<i32>} : memref<40x256xf32, #tpu.memory_space<vmem>>, vector<1x16xf32>,
        %parallel_loop3A_256 = vector.shape_cast %parallel_loop3A_255 : vector<1x16xf32> to vector<16xf32>
        %parallel_loop3A_257 = arith.index_cast %parallel_loop3A_164 : i32 to index
        %parallel_loop3A_258 = arith.constant 192 : index
        %parallel_loop3A_259 = tpu.vector_load %arg14[%parallel_loop3A_257, %parallel_loop3A_258] {strides = array<i32>} : memref<40x256xf32, #tpu.memory_space<vmem>>, vector<1x16xf32>,
        %parallel_loop3A_260 = vector.shape_cast %parallel_loop3A_259 : vector<1x16xf32> to vector<16xf32>
        %parallel_loop3A_261 = arith.index_cast %parallel_loop3A_164 : i32 to index
        %parallel_loop3A_262 = arith.constant 64 : index
        %parallel_loop3A_263 = tpu.vector_load %arg17[%parallel_loop3A_261, %parallel_loop3A_262] {strides = array<i32>} : memref<40x128xf32, #tpu.memory_space<vmem>>, vector<1x16xf32>,
        %parallel_loop3A_264 = vector.shape_cast %parallel_loop3A_263 : vector<1x16xf32> to vector<16xf32>
        %parallel_loop3A_265 = arith.addf %parallel_loop3A_260, %parallel_loop3A_264 : vector<16xf32>
        %parallel_loop3A_266 = arith.constant 0.000000e+00 : f32
        %parallel_loop3A_267 = vector.broadcast %parallel_loop3A_266 : f32 to vector<16xf32>
        %parallel_loop3A_268 = arith.maximumf %parallel_loop3A_265, %parallel_loop3A_267 : vector<16xf32>
        %parallel_loop3A_269 = arith.mulf %parallel_loop3A_256, %parallel_loop3A_268 : vector<16xf32>
        %parallel_loop3A_270 = arith.index_cast %parallel_loop3A_164 : i32 to index
        %parallel_loop3A_271 = arith.constant 64 : index
        %parallel_loop3A_272 = tpu.vector_load %arg17[%parallel_loop3A_270, %parallel_loop3A_271] {strides = array<i32>} : memref<40x128xf32, #tpu.memory_space<vmem>>, vector<1x16xf32>,
        %parallel_loop3A_273 = vector.shape_cast %parallel_loop3A_272 : vector<1x16xf32> to vector<16xf32>
        %parallel_loop3A_274 = vector.shape_cast %parallel_loop3A_269 : vector<16xf32> to vector<1x16xf32>
        tpu.vector_store %arg17[%parallel_loop3A_270, %parallel_loop3A_271], %parallel_loop3A_274 {strides = array<i32>} : memref<40x128xf32, #tpu.memory_space<vmem>>, vector<1x16xf32>,
        %parallel_loop3A_275 = arith.index_cast %parallel_loop3A_164 : i32 to index
        %parallel_loop3A_276 = arith.constant 80 : index
        %parallel_loop3A_277 = tpu.vector_load %arg14[%parallel_loop3A_275, %parallel_loop3A_276] {strides = array<i32>} : memref<40x256xf32, #tpu.memory_space<vmem>>, vector<1x16xf32>,
        %parallel_loop3A_278 = vector.shape_cast %parallel_loop3A_277 : vector<1x16xf32> to vector<16xf32>
        %parallel_loop3A_279 = arith.index_cast %parallel_loop3A_164 : i32 to index
        %parallel_loop3A_280 = arith.constant 208 : index
        %parallel_loop3A_281 = tpu.vector_load %arg14[%parallel_loop3A_279, %parallel_loop3A_280] {strides = array<i32>} : memref<40x256xf32, #tpu.memory_space<vmem>>, vector<1x16xf32>,
        %parallel_loop3A_282 = vector.shape_cast %parallel_loop3A_281 : vector<1x16xf32> to vector<16xf32>
        %parallel_loop3A_283 = arith.index_cast %parallel_loop3A_164 : i32 to index
        %parallel_loop3A_284 = arith.constant 80 : index
        %parallel_loop3A_285 = tpu.vector_load %arg17[%parallel_loop3A_283, %parallel_loop3A_284] {strides = array<i32>} : memref<40x128xf32, #tpu.memory_space<vmem>>, vector<1x16xf32>,
        %parallel_loop3A_286 = vector.shape_cast %parallel_loop3A_285 : vector<1x16xf32> to vector<16xf32>
        %parallel_loop3A_287 = arith.addf %parallel_loop3A_282, %parallel_loop3A_286 : vector<16xf32>
        %parallel_loop3A_288 = arith.constant 0.000000e+00 : f32
        %parallel_loop3A_289 = vector.broadcast %parallel_loop3A_288 : f32 to vector<16xf32>
        %parallel_loop3A_290 = arith.maximumf %parallel_loop3A_287, %parallel_loop3A_289 : vector<16xf32>
        %parallel_loop3A_291 = arith.mulf %parallel_loop3A_278, %parallel_loop3A_290 : vector<16xf32>
        %parallel_loop3A_292 = arith.index_cast %parallel_loop3A_164 : i32 to index
        %parallel_loop3A_293 = arith.constant 80 : index
        %parallel_loop3A_294 = tpu.vector_load %arg17[%parallel_loop3A_292, %parallel_loop3A_293] {strides = array<i32>} : memref<40x128xf32, #tpu.memory_space<vmem>>, vector<1x16xf32>,
        %parallel_loop3A_295 = vector.shape_cast %parallel_loop3A_294 : vector<1x16xf32> to vector<16xf32>
        %parallel_loop3A_296 = vector.shape_cast %parallel_loop3A_291 : vector<16xf32> to vector<1x16xf32>
        tpu.vector_store %arg17[%parallel_loop3A_292, %parallel_loop3A_293], %parallel_loop3A_296 {strides = array<i32>} : memref<40x128xf32, #tpu.memory_space<vmem>>, vector<1x16xf32>,
        %parallel_loop3A_297 = arith.index_cast %parallel_loop3A_164 : i32 to index
        %parallel_loop3A_298 = arith.constant 96 : index
        %parallel_loop3A_299 = tpu.vector_load %arg14[%parallel_loop3A_297, %parallel_loop3A_298] {strides = array<i32>} : memref<40x256xf32, #tpu.memory_space<vmem>>, vector<1x16xf32>,
        %parallel_loop3A_300 = vector.shape_cast %parallel_loop3A_299 : vector<1x16xf32> to vector<16xf32>
        %parallel_loop3A_301 = arith.index_cast %parallel_loop3A_164 : i32 to index
        %parallel_loop3A_302 = arith.constant 224 : index
        %parallel_loop3A_303 = tpu.vector_load %arg14[%parallel_loop3A_301, %parallel_loop3A_302] {strides = array<i32>} : memref<40x256xf32, #tpu.memory_space<vmem>>, vector<1x16xf32>,
        %parallel_loop3A_304 = vector.shape_cast %parallel_loop3A_303 : vector<1x16xf32> to vector<16xf32>
        %parallel_loop3A_305 = arith.index_cast %parallel_loop3A_164 : i32 to index
        %parallel_loop3A_306 = arith.constant 96 : index
        %parallel_loop3A_307 = tpu.vector_load %arg17[%parallel_loop3A_305, %parallel_loop3A_306] {strides = array<i32>} : memref<40x128xf32, #tpu.memory_space<vmem>>, vector<1x16xf32>,
        %parallel_loop3A_308 = vector.shape_cast %parallel_loop3A_307 : vector<1x16xf32> to vector<16xf32>
        %parallel_loop3A_309 = arith.addf %parallel_loop3A_304, %parallel_loop3A_308 : vector<16xf32>
        %parallel_loop3A_310 = arith.constant 0.000000e+00 : f32
        %parallel_loop3A_311 = vector.broadcast %parallel_loop3A_310 : f32 to vector<16xf32>
        %parallel_loop3A_312 = arith.maximumf %parallel_loop3A_309, %parallel_loop3A_311 : vector<16xf32>
        %parallel_loop3A_313 = arith.mulf %parallel_loop3A_300, %parallel_loop3A_312 : vector<16xf32>
        %parallel_loop3A_314 = arith.index_cast %parallel_loop3A_164 : i32 to index
        %parallel_loop3A_315 = arith.constant 96 : index
        %parallel_loop3A_316 = tpu.vector_load %arg17[%parallel_loop3A_314, %parallel_loop3A_315] {strides = array<i32>} : memref<40x128xf32, #tpu.memory_space<vmem>>, vector<1x16xf32>,
        %parallel_loop3A_317 = vector.shape_cast %parallel_loop3A_316 : vector<1x16xf32> to vector<16xf32>
        %parallel_loop3A_318 = vector.shape_cast %parallel_loop3A_313 : vector<16xf32> to vector<1x16xf32>
        tpu.vector_store %arg17[%parallel_loop3A_314, %parallel_loop3A_315], %parallel_loop3A_318 {strides = array<i32>} : memref<40x128xf32, #tpu.memory_space<vmem>>, vector<1x16xf32>,
        %parallel_loop3A_319 = arith.index_cast %parallel_loop3A_164 : i32 to index
        %parallel_loop3A_320 = arith.constant 112 : index
        %parallel_loop3A_321 = tpu.vector_load %arg14[%parallel_loop3A_319, %parallel_loop3A_320] {strides = array<i32>} : memref<40x256xf32, #tpu.memory_space<vmem>>, vector<1x16xf32>,
        %parallel_loop3A_322 = vector.shape_cast %parallel_loop3A_321 : vector<1x16xf32> to vector<16xf32>
        %parallel_loop3A_323 = arith.index_cast %parallel_loop3A_164 : i32 to index
        %parallel_loop3A_324 = arith.constant 240 : index
        %parallel_loop3A_325 = tpu.vector_load %arg14[%parallel_loop3A_323, %parallel_loop3A_324] {strides = array<i32>} : memref<40x256xf32, #tpu.memory_space<vmem>>, vector<1x16xf32>,
        %parallel_loop3A_326 = vector.shape_cast %parallel_loop3A_325 : vector<1x16xf32> to vector<16xf32>
        %parallel_loop3A_327 = arith.index_cast %parallel_loop3A_164 : i32 to index
        %parallel_loop3A_328 = arith.constant 112 : index
        %parallel_loop3A_329 = tpu.vector_load %arg17[%parallel_loop3A_327, %parallel_loop3A_328] {strides = array<i32>} : memref<40x128xf32, #tpu.memory_space<vmem>>, vector<1x16xf32>,
        %parallel_loop3A_330 = vector.shape_cast %parallel_loop3A_329 : vector<1x16xf32> to vector<16xf32>
        %parallel_loop3A_331 = arith.addf %parallel_loop3A_326, %parallel_loop3A_330 : vector<16xf32>
        %parallel_loop3A_332 = arith.constant 0.000000e+00 : f32
        %parallel_loop3A_333 = vector.broadcast %parallel_loop3A_332 : f32 to vector<16xf32>
        %parallel_loop3A_334 = arith.maximumf %parallel_loop3A_331, %parallel_loop3A_333 : vector<16xf32>
        %parallel_loop3A_335 = arith.mulf %parallel_loop3A_322, %parallel_loop3A_334 : vector<16xf32>
        %parallel_loop3A_336 = arith.index_cast %parallel_loop3A_164 : i32 to index
        %parallel_loop3A_337 = arith.constant 112 : index
        %parallel_loop3A_338 = tpu.vector_load %arg17[%parallel_loop3A_336, %parallel_loop3A_337] {strides = array<i32>} : memref<40x128xf32, #tpu.memory_space<vmem>>, vector<1x16xf32>,
        %parallel_loop3A_339 = vector.shape_cast %parallel_loop3A_338 : vector<1x16xf32> to vector<16xf32>
        %parallel_loop3A_340 = vector.shape_cast %parallel_loop3A_335 : vector<16xf32> to vector<1x16xf32>
        tpu.vector_store %arg17[%parallel_loop3A_336, %parallel_loop3A_337], %parallel_loop3A_340 {strides = array<i32>} : memref<40x128xf32, #tpu.memory_space<vmem>>, vector<1x16xf32>,
      } {sc.loop_unroll_factor = 4 : i64, sc.parallel_access}
      %dma_start3A_91 = arith.constant 0 : i32
      %dma_start3A_92 = arith.constant 0 : i32
      %dma_start3A_93 = tpu.memref_slice %arg20[%dma_start3A_91, %dma_start3A_92] : memref<10112x128xf32, #tpu.memory_space<vmem_shared>> -> memref<10112x128xf32, #tpu.memory_space<vmem_shared>>
      tpu.enqueue_indirect_dma source(%arg17 : memref<40x128xf32, #tpu.memory_space<vmem>>) target(%dma_start3A_93 : memref<10112x128xf32, #tpu.memory_space<vmem_shared>>) offsets(%arg11 : memref<40xi32, #tpu.memory_space<vmem>>) semaphore(%arg27 : memref<!tpu.dma_semaphore, #tpu.memory_space<semaphore_mem>>) {add = true}
      %mul3A_94 = arith.constant 3 : i32
      %mul3A_95 = arith.muli %scan3A_62, %mul3A_94 : i32
      %add3A_96 = arith.constant 1 : i32
      %add3A_97 = arith.addi %mul3A_95, %add3A_96 : i32
      %add3A_98 = arith.constant 1 : i32
      %add3A_99 = arith.addi %add3A_97, %add3A_98 : i32
      %lt3A_100 = arith.constant 250 : i32
      %lt3A_101 = arith.cmpi slt, %add3A_99, %lt3A_100 : i32
      %convert_element_type3A_102 = arith.extui %lt3A_101 : i1 to i32
      %cond3A_103 = arith.constant 0 : i32
      %cond3A_104 = arith.cmpi ne, %convert_element_type3A_102, %cond3A_103 : i32
      scf.if %cond3A_104 {
        %dma_wait3A_164 = arith.constant 0 : i32
        %dma_wait3A_165 = tpu.memref_slice %arg4[%dma_wait3A_164] : memref<320000xi32, #tpu.memory_space<hbm>> -> memref<40xi32, #tpu.memory_space<hbm>>
        %dma_wait3A_166 = arith.constant 0 : i32
        %dma_wait3A_167 = tpu.memref_slice %arg4[%dma_wait3A_166] : memref<320000xi32, #tpu.memory_space<hbm>> -> memref<40xi32, #tpu.memory_space<hbm>>
        tpu.wait_dma2 semaphore(%arg23 : memref<!tpu.dma_semaphore, #tpu.memory_space<semaphore_mem>>) src(%dma_wait3A_167 : memref<40xi32, #tpu.memory_space<hbm>>) dst(%arg10 : memref<40xi32, #tpu.memory_space<vmem>>)
        %dma_wait3A_168 = arith.constant 0 : i32
        %dma_wait3A_169 = tpu.memref_slice %arg5[%dma_wait3A_168] : memref<320000xi32, #tpu.memory_space<hbm>> -> memref<40xi32, #tpu.memory_space<hbm>>
        %dma_wait3A_170 = arith.constant 0 : i32
        %dma_wait3A_171 = tpu.memref_slice %arg5[%dma_wait3A_170] : memref<320000xi32, #tpu.memory_space<hbm>> -> memref<40xi32, #tpu.memory_space<hbm>>
        tpu.wait_dma2 semaphore(%arg23 : memref<!tpu.dma_semaphore, #tpu.memory_space<semaphore_mem>>) src(%dma_wait3A_171 : memref<40xi32, #tpu.memory_space<hbm>>) dst(%arg13 : memref<40xi32, #tpu.memory_space<vmem>>)
        %dma_start3A_172 = arith.constant 0 : i32
        %dma_start3A_173 = arith.constant 0 : i32
        %dma_start3A_174 = tpu.memref_slice %arg2[%dma_start3A_172, %dma_start3A_173] : memref<10000x256xf32, #tpu.memory_space<hbm>> -> memref<10000x256xf32, #tpu.memory_space<hbm>>
        tpu.enqueue_indirect_dma source(%dma_start3A_174 : memref<10000x256xf32, #tpu.memory_space<hbm>>) target(%arg16 : memref<40x256xf32, #tpu.memory_space<vmem>>) offsets(%arg10 : memref<40xi32, #tpu.memory_space<vmem>>) semaphore(%arg26 : memref<!tpu.dma_semaphore, #tpu.memory_space<semaphore_mem>>)
        %dma_start3A_175 = arith.constant 0 : i32
        %dma_start3A_176 = arith.constant 0 : i32
        %dma_start3A_177 = tpu.memref_slice %arg3[%dma_start3A_175, %dma_start3A_176] : memref<10000x128xf32, #tpu.memory_space<hbm>> -> memref<10000x128xf32, #tpu.memory_space<hbm>>
        tpu.enqueue_indirect_dma source(%dma_start3A_177 : memref<10000x128xf32, #tpu.memory_space<hbm>>) target(%arg19 : memref<40x128xf32, #tpu.memory_space<vmem>>) offsets(%arg13 : memref<40xi32, #tpu.memory_space<vmem>>) semaphore(%arg26 : memref<!tpu.dma_semaphore, #tpu.memory_space<semaphore_mem>>)
      } else {
      }
      %ge3A_105 = arith.constant 1 : i32
      %ge3A_106 = arith.cmpi sge, %add3A_97, %ge3A_105 : i32
      %convert_element_type3A_107 = arith.extui %ge3A_106 : i1 to i32
      %cond3A_108 = arith.constant 0 : i32
      %cond3A_109 = arith.cmpi ne, %convert_element_type3A_107, %cond3A_108 : i32
      scf.if %cond3A_109 {
        %dma_wait3A_164 = arith.constant 0 : i32
        %dma_wait3A_165 = arith.constant 0 : i32
        %dma_wait3A_166 = tpu.memref_slice %arg20[%dma_wait3A_164, %dma_wait3A_165] : memref<10112x128xf32, #tpu.memory_space<vmem_shared>> -> memref<10112x128xf32, #tpu.memory_space<vmem_shared>>
        tpu.wait_indirect_dma semaphore(%arg27 : memref<!tpu.dma_semaphore, #tpu.memory_space<semaphore_mem>>) src(%arg17 : memref<40x128xf32, #tpu.memory_space<vmem>>) dst(%dma_wait3A_166 : memref<10112x128xf32, #tpu.memory_space<vmem_shared>>)
      } else {
      }
      %add3A_110 = arith.constant 2 : i32
      %add3A_111 = arith.addi %add3A_97, %add3A_110 : i32
      %lt3A_112 = arith.constant 250 : i32
      %lt3A_113 = arith.cmpi slt, %add3A_111, %lt3A_112 : i32
      %convert_element_type3A_114 = arith.extui %lt3A_113 : i1 to i32
      %cond3A_115 = arith.constant 0 : i32
      %cond3A_116 = arith.cmpi ne, %convert_element_type3A_114, %cond3A_115 : i32
      scf.if %cond3A_116 {
        %add3A_164 = arith.constant 2 : i32
        %add3A_165 = arith.addi %add3A_97, %add3A_164 : i32
        %mul3A_166 = arith.constant 40 : i32
        %mul3A_167 = arith.muli %add3A_165, %mul3A_166 : i32
        %add3A_168 = arith.addi %mul3A_2, %mul3A_167 : i32
        %dma_start3A_169 = tpu.memref_slice %arg4[%add3A_168] : memref<320000xi32, #tpu.memory_space<hbm>> -> memref<40xi32, #tpu.memory_space<hbm>>
        %dma_start3A_170 = tpu.memref_slice %arg4[%add3A_168] : memref<320000xi32, #tpu.memory_space<hbm>> -> memref<40xi32, #tpu.memory_space<hbm>>
        tpu.enqueue_dma source(%dma_start3A_170 : memref<40xi32, #tpu.memory_space<hbm>>) target(%arg8 : memref<40xi32, #tpu.memory_space<vmem>>) target_semaphore(%arg21 : memref<!tpu.dma_semaphore, #tpu.memory_space<semaphore_mem>>)
        %mul3A_171 = arith.constant 40 : i32
        %mul3A_172 = arith.muli %add3A_165, %mul3A_171 : i32
        %add3A_173 = arith.addi %mul3A_2, %mul3A_172 : i32
        %dma_start3A_174 = tpu.memref_slice %arg5[%add3A_173] : memref<320000xi32, #tpu.memory_space<hbm>> -> memref<40xi32, #tpu.memory_space<hbm>>
        %dma_start3A_175 = tpu.memref_slice %arg5[%add3A_173] : memref<320000xi32, #tpu.memory_space<hbm>> -> memref<40xi32, #tpu.memory_space<hbm>>
        tpu.enqueue_dma source(%dma_start3A_175 : memref<40xi32, #tpu.memory_space<hbm>>) target(%arg11 : memref<40xi32, #tpu.memory_space<vmem>>) target_semaphore(%arg21 : memref<!tpu.dma_semaphore, #tpu.memory_space<semaphore_mem>>)
      } else {
      }
      %dma_wait3A_117 = arith.constant 0 : i32
      %dma_wait3A_118 = arith.constant 0 : i32
      %dma_wait3A_119 = tpu.memref_slice %arg2[%dma_wait3A_117, %dma_wait3A_118] : memref<10000x256xf32, #tpu.memory_space<hbm>> -> memref<10000x256xf32, #tpu.memory_space<hbm>>
      tpu.wait_indirect_dma semaphore(%arg25 : memref<!tpu.dma_semaphore, #tpu.memory_space<semaphore_mem>>) src(%dma_wait3A_119 : memref<10000x256xf32, #tpu.memory_space<hbm>>) dst(%arg15 : memref<40x256xf32, #tpu.memory_space<vmem>>)
      %dma_wait3A_120 = arith.constant 0 : i32
      %dma_wait3A_121 = arith.constant 0 : i32
      %dma_wait3A_122 = tpu.memref_slice %arg3[%dma_wait3A_120, %dma_wait3A_121] : memref<10000x128xf32, #tpu.memory_space<hbm>> -> memref<10000x128xf32, #tpu.memory_space<hbm>>
      tpu.wait_indirect_dma semaphore(%arg25 : memref<!tpu.dma_semaphore, #tpu.memory_space<semaphore_mem>>) src(%dma_wait3A_122 : memref<10000x128xf32, #tpu.memory_space<hbm>>) dst(%arg18 : memref<40x128xf32, #tpu.memory_space<vmem>>)
      %parallel_loop3A_123 = arith.constant 0 : i32
      %parallel_loop3A_124 = arith.constant 40 : i32
      %parallel_loop3A_125 = arith.constant 1 : i32
      scf.for %parallel_loop3A_164 = %parallel_loop3A_123 to %parallel_loop3A_124 step %parallel_loop3A_125  : i32 {
        %parallel_loop3A_165 = arith.index_cast %parallel_loop3A_164 : i32 to index
        %parallel_loop3A_166 = arith.constant 0 : index
        %parallel_loop3A_167 = tpu.vector_load %arg15[%parallel_loop3A_165, %parallel_loop3A_166] {strides = array<i32>} : memref<40x256xf32, #tpu.memory_space<vmem>>, vector<1x16xf32>,
        %parallel_loop3A_168 = vector.shape_cast %parallel_loop3A_167 : vector<1x16xf32> to vector<16xf32>
        %parallel_loop3A_169 = arith.index_cast %parallel_loop3A_164 : i32 to index
        %parallel_loop3A_170 = arith.constant 128 : index
        %parallel_loop3A_171 = tpu.vector_load %arg15[%parallel_loop3A_169, %parallel_loop3A_170] {strides = array<i32>} : memref<40x256xf32, #tpu.memory_space<vmem>>, vector<1x16xf32>,
        %parallel_loop3A_172 = vector.shape_cast %parallel_loop3A_171 : vector<1x16xf32> to vector<16xf32>
        %parallel_loop3A_173 = arith.index_cast %parallel_loop3A_164 : i32 to index
        %parallel_loop3A_174 = arith.constant 0 : index
        %parallel_loop3A_175 = tpu.vector_load %arg18[%parallel_loop3A_173, %parallel_loop3A_174] {strides = array<i32>} : memref<40x128xf32, #tpu.memory_space<vmem>>, vector<1x16xf32>,
        %parallel_loop3A_176 = vector.shape_cast %parallel_loop3A_175 : vector<1x16xf32> to vector<16xf32>
        %parallel_loop3A_177 = arith.addf %parallel_loop3A_172, %parallel_loop3A_176 : vector<16xf32>
        %parallel_loop3A_178 = arith.constant 0.000000e+00 : f32
        %parallel_loop3A_179 = vector.broadcast %parallel_loop3A_178 : f32 to vector<16xf32>
        %parallel_loop3A_180 = arith.maximumf %parallel_loop3A_177, %parallel_loop3A_179 : vector<16xf32>
        %parallel_loop3A_181 = arith.mulf %parallel_loop3A_168, %parallel_loop3A_180 : vector<16xf32>
        %parallel_loop3A_182 = arith.index_cast %parallel_loop3A_164 : i32 to index
        %parallel_loop3A_183 = arith.constant 0 : index
        %parallel_loop3A_184 = tpu.vector_load %arg18[%parallel_loop3A_182, %parallel_loop3A_183] {strides = array<i32>} : memref<40x128xf32, #tpu.memory_space<vmem>>, vector<1x16xf32>,
        %parallel_loop3A_185 = vector.shape_cast %parallel_loop3A_184 : vector<1x16xf32> to vector<16xf32>
        %parallel_loop3A_186 = vector.shape_cast %parallel_loop3A_181 : vector<16xf32> to vector<1x16xf32>
        tpu.vector_store %arg18[%parallel_loop3A_182, %parallel_loop3A_183], %parallel_loop3A_186 {strides = array<i32>} : memref<40x128xf32, #tpu.memory_space<vmem>>, vector<1x16xf32>,
        %parallel_loop3A_187 = arith.index_cast %parallel_loop3A_164 : i32 to index
        %parallel_loop3A_188 = arith.constant 16 : index
        %parallel_loop3A_189 = tpu.vector_load %arg15[%parallel_loop3A_187, %parallel_loop3A_188] {strides = array<i32>} : memref<40x256xf32, #tpu.memory_space<vmem>>, vector<1x16xf32>,
        %parallel_loop3A_190 = vector.shape_cast %parallel_loop3A_189 : vector<1x16xf32> to vector<16xf32>
        %parallel_loop3A_191 = arith.index_cast %parallel_loop3A_164 : i32 to index
        %parallel_loop3A_192 = arith.constant 144 : index
        %parallel_loop3A_193 = tpu.vector_load %arg15[%parallel_loop3A_191, %parallel_loop3A_192] {strides = array<i32>} : memref<40x256xf32, #tpu.memory_space<vmem>>, vector<1x16xf32>,
        %parallel_loop3A_194 = vector.shape_cast %parallel_loop3A_193 : vector<1x16xf32> to vector<16xf32>
        %parallel_loop3A_195 = arith.index_cast %parallel_loop3A_164 : i32 to index
        %parallel_loop3A_196 = arith.constant 16 : index
        %parallel_loop3A_197 = tpu.vector_load %arg18[%parallel_loop3A_195, %parallel_loop3A_196] {strides = array<i32>} : memref<40x128xf32, #tpu.memory_space<vmem>>, vector<1x16xf32>,
        %parallel_loop3A_198 = vector.shape_cast %parallel_loop3A_197 : vector<1x16xf32> to vector<16xf32>
        %parallel_loop3A_199 = arith.addf %parallel_loop3A_194, %parallel_loop3A_198 : vector<16xf32>
        %parallel_loop3A_200 = arith.constant 0.000000e+00 : f32
        %parallel_loop3A_201 = vector.broadcast %parallel_loop3A_200 : f32 to vector<16xf32>
        %parallel_loop3A_202 = arith.maximumf %parallel_loop3A_199, %parallel_loop3A_201 : vector<16xf32>
        %parallel_loop3A_203 = arith.mulf %parallel_loop3A_190, %parallel_loop3A_202 : vector<16xf32>
        %parallel_loop3A_204 = arith.index_cast %parallel_loop3A_164 : i32 to index
        %parallel_loop3A_205 = arith.constant 16 : index
        %parallel_loop3A_206 = tpu.vector_load %arg18[%parallel_loop3A_204, %parallel_loop3A_205] {strides = array<i32>} : memref<40x128xf32, #tpu.memory_space<vmem>>, vector<1x16xf32>,
        %parallel_loop3A_207 = vector.shape_cast %parallel_loop3A_206 : vector<1x16xf32> to vector<16xf32>
        %parallel_loop3A_208 = vector.shape_cast %parallel_loop3A_203 : vector<16xf32> to vector<1x16xf32>
        tpu.vector_store %arg18[%parallel_loop3A_204, %parallel_loop3A_205], %parallel_loop3A_208 {strides = array<i32>} : memref<40x128xf32, #tpu.memory_space<vmem>>, vector<1x16xf32>,
        %parallel_loop3A_209 = arith.index_cast %parallel_loop3A_164 : i32 to index
        %parallel_loop3A_210 = arith.constant 32 : index
        %parallel_loop3A_211 = tpu.vector_load %arg15[%parallel_loop3A_209, %parallel_loop3A_210] {strides = array<i32>} : memref<40x256xf32, #tpu.memory_space<vmem>>, vector<1x16xf32>,
        %parallel_loop3A_212 = vector.shape_cast %parallel_loop3A_211 : vector<1x16xf32> to vector<16xf32>
        %parallel_loop3A_213 = arith.index_cast %parallel_loop3A_164 : i32 to index
        %parallel_loop3A_214 = arith.constant 160 : index
        %parallel_loop3A_215 = tpu.vector_load %arg15[%parallel_loop3A_213, %parallel_loop3A_214] {strides = array<i32>} : memref<40x256xf32, #tpu.memory_space<vmem>>, vector<1x16xf32>,
        %parallel_loop3A_216 = vector.shape_cast %parallel_loop3A_215 : vector<1x16xf32> to vector<16xf32>
        %parallel_loop3A_217 = arith.index_cast %parallel_loop3A_164 : i32 to index
        %parallel_loop3A_218 = arith.constant 32 : index
        %parallel_loop3A_219 = tpu.vector_load %arg18[%parallel_loop3A_217, %parallel_loop3A_218] {strides = array<i32>} : memref<40x128xf32, #tpu.memory_space<vmem>>, vector<1x16xf32>,
        %parallel_loop3A_220 = vector.shape_cast %parallel_loop3A_219 : vector<1x16xf32> to vector<16xf32>
        %parallel_loop3A_221 = arith.addf %parallel_loop3A_216, %parallel_loop3A_220 : vector<16xf32>
        %parallel_loop3A_222 = arith.constant 0.000000e+00 : f32
        %parallel_loop3A_223 = vector.broadcast %parallel_loop3A_222 : f32 to vector<16xf32>
        %parallel_loop3A_224 = arith.maximumf %parallel_loop3A_221, %parallel_loop3A_223 : vector<16xf32>
        %parallel_loop3A_225 = arith.mulf %parallel_loop3A_212, %parallel_loop3A_224 : vector<16xf32>
        %parallel_loop3A_226 = arith.index_cast %parallel_loop3A_164 : i32 to index
        %parallel_loop3A_227 = arith.constant 32 : index
        %parallel_loop3A_228 = tpu.vector_load %arg18[%parallel_loop3A_226, %parallel_loop3A_227] {strides = array<i32>} : memref<40x128xf32, #tpu.memory_space<vmem>>, vector<1x16xf32>,
        %parallel_loop3A_229 = vector.shape_cast %parallel_loop3A_228 : vector<1x16xf32> to vector<16xf32>
        %parallel_loop3A_230 = vector.shape_cast %parallel_loop3A_225 : vector<16xf32> to vector<1x16xf32>
        tpu.vector_store %arg18[%parallel_loop3A_226, %parallel_loop3A_227], %parallel_loop3A_230 {strides = array<i32>} : memref<40x128xf32, #tpu.memory_space<vmem>>, vector<1x16xf32>,
        %parallel_loop3A_231 = arith.index_cast %parallel_loop3A_164 : i32 to index
        %parallel_loop3A_232 = arith.constant 48 : index
        %parallel_loop3A_233 = tpu.vector_load %arg15[%parallel_loop3A_231, %parallel_loop3A_232] {strides = array<i32>} : memref<40x256xf32, #tpu.memory_space<vmem>>, vector<1x16xf32>,
        %parallel_loop3A_234 = vector.shape_cast %parallel_loop3A_233 : vector<1x16xf32> to vector<16xf32>
        %parallel_loop3A_235 = arith.index_cast %parallel_loop3A_164 : i32 to index
        %parallel_loop3A_236 = arith.constant 176 : index
        %parallel_loop3A_237 = tpu.vector_load %arg15[%parallel_loop3A_235, %parallel_loop3A_236] {strides = array<i32>} : memref<40x256xf32, #tpu.memory_space<vmem>>, vector<1x16xf32>,
        %parallel_loop3A_238 = vector.shape_cast %parallel_loop3A_237 : vector<1x16xf32> to vector<16xf32>
        %parallel_loop3A_239 = arith.index_cast %parallel_loop3A_164 : i32 to index
        %parallel_loop3A_240 = arith.constant 48 : index
        %parallel_loop3A_241 = tpu.vector_load %arg18[%parallel_loop3A_239, %parallel_loop3A_240] {strides = array<i32>} : memref<40x128xf32, #tpu.memory_space<vmem>>, vector<1x16xf32>,
        %parallel_loop3A_242 = vector.shape_cast %parallel_loop3A_241 : vector<1x16xf32> to vector<16xf32>
        %parallel_loop3A_243 = arith.addf %parallel_loop3A_238, %parallel_loop3A_242 : vector<16xf32>
        %parallel_loop3A_244 = arith.constant 0.000000e+00 : f32
        %parallel_loop3A_245 = vector.broadcast %parallel_loop3A_244 : f32 to vector<16xf32>
        %parallel_loop3A_246 = arith.maximumf %parallel_loop3A_243, %parallel_loop3A_245 : vector<16xf32>
        %parallel_loop3A_247 = arith.mulf %parallel_loop3A_234, %parallel_loop3A_246 : vector<16xf32>
        %parallel_loop3A_248 = arith.index_cast %parallel_loop3A_164 : i32 to index
        %parallel_loop3A_249 = arith.constant 48 : index
        %parallel_loop3A_250 = tpu.vector_load %arg18[%parallel_loop3A_248, %parallel_loop3A_249] {strides = array<i32>} : memref<40x128xf32, #tpu.memory_space<vmem>>, vector<1x16xf32>,
        %parallel_loop3A_251 = vector.shape_cast %parallel_loop3A_250 : vector<1x16xf32> to vector<16xf32>
        %parallel_loop3A_252 = vector.shape_cast %parallel_loop3A_247 : vector<16xf32> to vector<1x16xf32>
        tpu.vector_store %arg18[%parallel_loop3A_248, %parallel_loop3A_249], %parallel_loop3A_252 {strides = array<i32>} : memref<40x128xf32, #tpu.memory_space<vmem>>, vector<1x16xf32>,
        %parallel_loop3A_253 = arith.index_cast %parallel_loop3A_164 : i32 to index
        %parallel_loop3A_254 = arith.constant 64 : index
        %parallel_loop3A_255 = tpu.vector_load %arg15[%parallel_loop3A_253, %parallel_loop3A_254] {strides = array<i32>} : memref<40x256xf32, #tpu.memory_space<vmem>>, vector<1x16xf32>,
        %parallel_loop3A_256 = vector.shape_cast %parallel_loop3A_255 : vector<1x16xf32> to vector<16xf32>
        %parallel_loop3A_257 = arith.index_cast %parallel_loop3A_164 : i32 to index
        %parallel_loop3A_258 = arith.constant 192 : index
        %parallel_loop3A_259 = tpu.vector_load %arg15[%parallel_loop3A_257, %parallel_loop3A_258] {strides = array<i32>} : memref<40x256xf32, #tpu.memory_space<vmem>>, vector<1x16xf32>,
        %parallel_loop3A_260 = vector.shape_cast %parallel_loop3A_259 : vector<1x16xf32> to vector<16xf32>
        %parallel_loop3A_261 = arith.index_cast %parallel_loop3A_164 : i32 to index
        %parallel_loop3A_262 = arith.constant 64 : index
        %parallel_loop3A_263 = tpu.vector_load %arg18[%parallel_loop3A_261, %parallel_loop3A_262] {strides = array<i32>} : memref<40x128xf32, #tpu.memory_space<vmem>>, vector<1x16xf32>,
        %parallel_loop3A_264 = vector.shape_cast %parallel_loop3A_263 : vector<1x16xf32> to vector<16xf32>
        %parallel_loop3A_265 = arith.addf %parallel_loop3A_260, %parallel_loop3A_264 : vector<16xf32>
        %parallel_loop3A_266 = arith.constant 0.000000e+00 : f32
        %parallel_loop3A_267 = vector.broadcast %parallel_loop3A_266 : f32 to vector<16xf32>
        %parallel_loop3A_268 = arith.maximumf %parallel_loop3A_265, %parallel_loop3A_267 : vector<16xf32>
        %parallel_loop3A_269 = arith.mulf %parallel_loop3A_256, %parallel_loop3A_268 : vector<16xf32>
        %parallel_loop3A_270 = arith.index_cast %parallel_loop3A_164 : i32 to index
        %parallel_loop3A_271 = arith.constant 64 : index
        %parallel_loop3A_272 = tpu.vector_load %arg18[%parallel_loop3A_270, %parallel_loop3A_271] {strides = array<i32>} : memref<40x128xf32, #tpu.memory_space<vmem>>, vector<1x16xf32>,
        %parallel_loop3A_273 = vector.shape_cast %parallel_loop3A_272 : vector<1x16xf32> to vector<16xf32>
        %parallel_loop3A_274 = vector.shape_cast %parallel_loop3A_269 : vector<16xf32> to vector<1x16xf32>
        tpu.vector_store %arg18[%parallel_loop3A_270, %parallel_loop3A_271], %parallel_loop3A_274 {strides = array<i32>} : memref<40x128xf32, #tpu.memory_space<vmem>>, vector<1x16xf32>,
        %parallel_loop3A_275 = arith.index_cast %parallel_loop3A_164 : i32 to index
        %parallel_loop3A_276 = arith.constant 80 : index
        %parallel_loop3A_277 = tpu.vector_load %arg15[%parallel_loop3A_275, %parallel_loop3A_276] {strides = array<i32>} : memref<40x256xf32, #tpu.memory_space<vmem>>, vector<1x16xf32>,
        %parallel_loop3A_278 = vector.shape_cast %parallel_loop3A_277 : vector<1x16xf32> to vector<16xf32>
        %parallel_loop3A_279 = arith.index_cast %parallel_loop3A_164 : i32 to index
        %parallel_loop3A_280 = arith.constant 208 : index
        %parallel_loop3A_281 = tpu.vector_load %arg15[%parallel_loop3A_279, %parallel_loop3A_280] {strides = array<i32>} : memref<40x256xf32, #tpu.memory_space<vmem>>, vector<1x16xf32>,
        %parallel_loop3A_282 = vector.shape_cast %parallel_loop3A_281 : vector<1x16xf32> to vector<16xf32>
        %parallel_loop3A_283 = arith.index_cast %parallel_loop3A_164 : i32 to index
        %parallel_loop3A_284 = arith.constant 80 : index
        %parallel_loop3A_285 = tpu.vector_load %arg18[%parallel_loop3A_283, %parallel_loop3A_284] {strides = array<i32>} : memref<40x128xf32, #tpu.memory_space<vmem>>, vector<1x16xf32>,
        %parallel_loop3A_286 = vector.shape_cast %parallel_loop3A_285 : vector<1x16xf32> to vector<16xf32>
        %parallel_loop3A_287 = arith.addf %parallel_loop3A_282, %parallel_loop3A_286 : vector<16xf32>
        %parallel_loop3A_288 = arith.constant 0.000000e+00 : f32
        %parallel_loop3A_289 = vector.broadcast %parallel_loop3A_288 : f32 to vector<16xf32>
        %parallel_loop3A_290 = arith.maximumf %parallel_loop3A_287, %parallel_loop3A_289 : vector<16xf32>
        %parallel_loop3A_291 = arith.mulf %parallel_loop3A_278, %parallel_loop3A_290 : vector<16xf32>
        %parallel_loop3A_292 = arith.index_cast %parallel_loop3A_164 : i32 to index
        %parallel_loop3A_293 = arith.constant 80 : index
        %parallel_loop3A_294 = tpu.vector_load %arg18[%parallel_loop3A_292, %parallel_loop3A_293] {strides = array<i32>} : memref<40x128xf32, #tpu.memory_space<vmem>>, vector<1x16xf32>,
        %parallel_loop3A_295 = vector.shape_cast %parallel_loop3A_294 : vector<1x16xf32> to vector<16xf32>
        %parallel_loop3A_296 = vector.shape_cast %parallel_loop3A_291 : vector<16xf32> to vector<1x16xf32>
        tpu.vector_store %arg18[%parallel_loop3A_292, %parallel_loop3A_293], %parallel_loop3A_296 {strides = array<i32>} : memref<40x128xf32, #tpu.memory_space<vmem>>, vector<1x16xf32>,
        %parallel_loop3A_297 = arith.index_cast %parallel_loop3A_164 : i32 to index
        %parallel_loop3A_298 = arith.constant 96 : index
        %parallel_loop3A_299 = tpu.vector_load %arg15[%parallel_loop3A_297, %parallel_loop3A_298] {strides = array<i32>} : memref<40x256xf32, #tpu.memory_space<vmem>>, vector<1x16xf32>,
        %parallel_loop3A_300 = vector.shape_cast %parallel_loop3A_299 : vector<1x16xf32> to vector<16xf32>
        %parallel_loop3A_301 = arith.index_cast %parallel_loop3A_164 : i32 to index
        %parallel_loop3A_302 = arith.constant 224 : index
        %parallel_loop3A_303 = tpu.vector_load %arg15[%parallel_loop3A_301, %parallel_loop3A_302] {strides = array<i32>} : memref<40x256xf32, #tpu.memory_space<vmem>>, vector<1x16xf32>,
        %parallel_loop3A_304 = vector.shape_cast %parallel_loop3A_303 : vector<1x16xf32> to vector<16xf32>
        %parallel_loop3A_305 = arith.index_cast %parallel_loop3A_164 : i32 to index
        %parallel_loop3A_306 = arith.constant 96 : index
        %parallel_loop3A_307 = tpu.vector_load %arg18[%parallel_loop3A_305, %parallel_loop3A_306] {strides = array<i32>} : memref<40x128xf32, #tpu.memory_space<vmem>>, vector<1x16xf32>,
        %parallel_loop3A_308 = vector.shape_cast %parallel_loop3A_307 : vector<1x16xf32> to vector<16xf32>
        %parallel_loop3A_309 = arith.addf %parallel_loop3A_304, %parallel_loop3A_308 : vector<16xf32>
        %parallel_loop3A_310 = arith.constant 0.000000e+00 : f32
        %parallel_loop3A_311 = vector.broadcast %parallel_loop3A_310 : f32 to vector<16xf32>
        %parallel_loop3A_312 = arith.maximumf %parallel_loop3A_309, %parallel_loop3A_311 : vector<16xf32>
        %parallel_loop3A_313 = arith.mulf %parallel_loop3A_300, %parallel_loop3A_312 : vector<16xf32>
        %parallel_loop3A_314 = arith.index_cast %parallel_loop3A_164 : i32 to index
        %parallel_loop3A_315 = arith.constant 96 : index
        %parallel_loop3A_316 = tpu.vector_load %arg18[%parallel_loop3A_314, %parallel_loop3A_315] {strides = array<i32>} : memref<40x128xf32, #tpu.memory_space<vmem>>, vector<1x16xf32>,
        %parallel_loop3A_317 = vector.shape_cast %parallel_loop3A_316 : vector<1x16xf32> to vector<16xf32>
        %parallel_loop3A_318 = vector.shape_cast %parallel_loop3A_313 : vector<16xf32> to vector<1x16xf32>
        tpu.vector_store %arg18[%parallel_loop3A_314, %parallel_loop3A_315], %parallel_loop3A_318 {strides = array<i32>} : memref<40x128xf32, #tpu.memory_space<vmem>>, vector<1x16xf32>,
        %parallel_loop3A_319 = arith.index_cast %parallel_loop3A_164 : i32 to index
        %parallel_loop3A_320 = arith.constant 112 : index
        %parallel_loop3A_321 = tpu.vector_load %arg15[%parallel_loop3A_319, %parallel_loop3A_320] {strides = array<i32>} : memref<40x256xf32, #tpu.memory_space<vmem>>, vector<1x16xf32>,
        %parallel_loop3A_322 = vector.shape_cast %parallel_loop3A_321 : vector<1x16xf32> to vector<16xf32>
        %parallel_loop3A_323 = arith.index_cast %parallel_loop3A_164 : i32 to index
        %parallel_loop3A_324 = arith.constant 240 : index
        %parallel_loop3A_325 = tpu.vector_load %arg15[%parallel_loop3A_323, %parallel_loop3A_324] {strides = array<i32>} : memref<40x256xf32, #tpu.memory_space<vmem>>, vector<1x16xf32>,
        %parallel_loop3A_326 = vector.shape_cast %parallel_loop3A_325 : vector<1x16xf32> to vector<16xf32>
        %parallel_loop3A_327 = arith.index_cast %parallel_loop3A_164 : i32 to index
        %parallel_loop3A_328 = arith.constant 112 : index
        %parallel_loop3A_329 = tpu.vector_load %arg18[%parallel_loop3A_327, %parallel_loop3A_328] {strides = array<i32>} : memref<40x128xf32, #tpu.memory_space<vmem>>, vector<1x16xf32>,
        %parallel_loop3A_330 = vector.shape_cast %parallel_loop3A_329 : vector<1x16xf32> to vector<16xf32>
        %parallel_loop3A_331 = arith.addf %parallel_loop3A_326, %parallel_loop3A_330 : vector<16xf32>
        %parallel_loop3A_332 = arith.constant 0.000000e+00 : f32
        %parallel_loop3A_333 = vector.broadcast %parallel_loop3A_332 : f32 to vector<16xf32>
        %parallel_loop3A_334 = arith.maximumf %parallel_loop3A_331, %parallel_loop3A_333 : vector<16xf32>
        %parallel_loop3A_335 = arith.mulf %parallel_loop3A_322, %parallel_loop3A_334 : vector<16xf32>
        %parallel_loop3A_336 = arith.index_cast %parallel_loop3A_164 : i32 to index
        %parallel_loop3A_337 = arith.constant 112 : index
        %parallel_loop3A_338 = tpu.vector_load %arg18[%parallel_loop3A_336, %parallel_loop3A_337] {strides = array<i32>} : memref<40x128xf32, #tpu.memory_space<vmem>>, vector<1x16xf32>,
        %parallel_loop3A_339 = vector.shape_cast %parallel_loop3A_338 : vector<1x16xf32> to vector<16xf32>
        %parallel_loop3A_340 = vector.shape_cast %parallel_loop3A_335 : vector<16xf32> to vector<1x16xf32>
        tpu.vector_store %arg18[%parallel_loop3A_336, %parallel_loop3A_337], %parallel_loop3A_340 {strides = array<i32>} : memref<40x128xf32, #tpu.memory_space<vmem>>, vector<1x16xf32>,
      } {sc.loop_unroll_factor = 4 : i64, sc.parallel_access}
      %dma_start3A_126 = arith.constant 0 : i32
      %dma_start3A_127 = arith.constant 0 : i32
      %dma_start3A_128 = tpu.memref_slice %arg20[%dma_start3A_126, %dma_start3A_127] : memref<10112x128xf32, #tpu.memory_space<vmem_shared>> -> memref<10112x128xf32, #tpu.memory_space<vmem_shared>>
      tpu.enqueue_indirect_dma source(%arg18 : memref<40x128xf32, #tpu.memory_space<vmem>>) target(%dma_start3A_128 : memref<10112x128xf32, #tpu.memory_space<vmem_shared>>) offsets(%arg12 : memref<40xi32, #tpu.memory_space<vmem>>) semaphore(%arg28 : memref<!tpu.dma_semaphore, #tpu.memory_space<semaphore_mem>>) {add = true}
      %mul3A_129 = arith.constant 3 : i32
      %mul3A_130 = arith.muli %scan3A_62, %mul3A_129 : i32
      %add3A_131 = arith.constant 2 : i32
      %add3A_132 = arith.addi %mul3A_130, %add3A_131 : i32
      %add3A_133 = arith.constant 1 : i32
      %add3A_134 = arith.addi %add3A_132, %add3A_133 : i32
      %lt3A_135 = arith.constant 250 : i32
      %lt3A_136 = arith.cmpi slt, %add3A_134, %lt3A_135 : i32
      %convert_element_type3A_137 = arith.extui %lt3A_136 : i1 to i32
      %cond3A_138 = arith.constant 0 : i32
      %cond3A_139 = arith.cmpi ne, %convert_element_type3A_137, %cond3A_138 : i32
      scf.if %cond3A_139 {
        %dma_wait3A_164 = arith.constant 0 : i32
        %dma_wait3A_165 = tpu.memref_slice %arg4[%dma_wait3A_164] : memref<320000xi32, #tpu.memory_space<hbm>> -> memref<40xi32, #tpu.memory_space<hbm>>
        %dma_wait3A_166 = arith.constant 0 : i32
        %dma_wait3A_167 = tpu.memref_slice %arg4[%dma_wait3A_166] : memref<320000xi32, #tpu.memory_space<hbm>> -> memref<40xi32, #tpu.memory_space<hbm>>
        tpu.wait_dma2 semaphore(%arg21 : memref<!tpu.dma_semaphore, #tpu.memory_space<semaphore_mem>>) src(%dma_wait3A_167 : memref<40xi32, #tpu.memory_space<hbm>>) dst(%arg8 : memref<40xi32, #tpu.memory_space<vmem>>)
        %dma_wait3A_168 = arith.constant 0 : i32
        %dma_wait3A_169 = tpu.memref_slice %arg5[%dma_wait3A_168] : memref<320000xi32, #tpu.memory_space<hbm>> -> memref<40xi32, #tpu.memory_space<hbm>>
        %dma_wait3A_170 = arith.constant 0 : i32
        %dma_wait3A_171 = tpu.memref_slice %arg5[%dma_wait3A_170] : memref<320000xi32, #tpu.memory_space<hbm>> -> memref<40xi32, #tpu.memory_space<hbm>>
        tpu.wait_dma2 semaphore(%arg21 : memref<!tpu.dma_semaphore, #tpu.memory_space<semaphore_mem>>) src(%dma_wait3A_171 : memref<40xi32, #tpu.memory_space<hbm>>) dst(%arg11 : memref<40xi32, #tpu.memory_space<vmem>>)
        %dma_start3A_172 = arith.constant 0 : i32
        %dma_start3A_173 = arith.constant 0 : i32
        %dma_start3A_174 = tpu.memref_slice %arg2[%dma_start3A_172, %dma_start3A_173] : memref<10000x256xf32, #tpu.memory_space<hbm>> -> memref<10000x256xf32, #tpu.memory_space<hbm>>
        tpu.enqueue_indirect_dma source(%dma_start3A_174 : memref<10000x256xf32, #tpu.memory_space<hbm>>) target(%arg14 : memref<40x256xf32, #tpu.memory_space<vmem>>) offsets(%arg8 : memref<40xi32, #tpu.memory_space<vmem>>) semaphore(%arg24 : memref<!tpu.dma_semaphore, #tpu.memory_space<semaphore_mem>>)
        %dma_start3A_175 = arith.constant 0 : i32
        %dma_start3A_176 = arith.constant 0 : i32
        %dma_start3A_177 = tpu.memref_slice %arg3[%dma_start3A_175, %dma_start3A_176] : memref<10000x128xf32, #tpu.memory_space<hbm>> -> memref<10000x128xf32, #tpu.memory_space<hbm>>
        tpu.enqueue_indirect_dma source(%dma_start3A_177 : memref<10000x128xf32, #tpu.memory_space<hbm>>) target(%arg17 : memref<40x128xf32, #tpu.memory_space<vmem>>) offsets(%arg11 : memref<40xi32, #tpu.memory_space<vmem>>) semaphore(%arg24 : memref<!tpu.dma_semaphore, #tpu.memory_space<semaphore_mem>>)
      } else {
      }
      %ge3A_140 = arith.constant 1 : i32
      %ge3A_141 = arith.cmpi sge, %add3A_132, %ge3A_140 : i32
      %convert_element_type3A_142 = arith.extui %ge3A_141 : i1 to i32
      %cond3A_143 = arith.constant 0 : i32
      %cond3A_144 = arith.cmpi ne, %convert_element_type3A_142, %cond3A_143 : i32
      scf.if %cond3A_144 {
        %dma_wait3A_164 = arith.constant 0 : i32
        %dma_wait3A_165 = arith.constant 0 : i32
        %dma_wait3A_166 = tpu.memref_slice %arg20[%dma_wait3A_164, %dma_wait3A_165] : memref<10112x128xf32, #tpu.memory_space<vmem_shared>> -> memref<10112x128xf32, #tpu.memory_space<vmem_shared>>
        tpu.wait_indirect_dma semaphore(%arg28 : memref<!tpu.dma_semaphore, #tpu.memory_space<semaphore_mem>>) src(%arg18 : memref<40x128xf32, #tpu.memory_space<vmem>>) dst(%dma_wait3A_166 : memref<10112x128xf32, #tpu.memory_space<vmem_shared>>)
      } else {
      }
      %add3A_145 = arith.constant 2 : i32
      %add3A_146 = arith.addi %add3A_132, %add3A_145 : i32
      %lt3A_147 = arith.constant 250 : i32
      %lt3A_148 = arith.cmpi slt, %add3A_146, %lt3A_147 : i32
      %convert_element_type3A_149 = arith.extui %lt3A_148 : i1 to i32
      %cond3A_150 = arith.constant 0 : i32
      %cond3A_151 = arith.cmpi ne, %convert_element_type3A_149, %cond3A_150 : i32
      scf.if %cond3A_151 {
        %add3A_164 = arith.constant 2 : i32
        %add3A_165 = arith.addi %add3A_132, %add3A_164 : i32
        %mul3A_166 = arith.constant 40 : i32
        %mul3A_167 = arith.muli %add3A_165, %mul3A_166 : i32
        %add3A_168 = arith.addi %mul3A_2, %mul3A_167 : i32
        %dma_start3A_169 = tpu.memref_slice %arg4[%add3A_168] : memref<320000xi32, #tpu.memory_space<hbm>> -> memref<40xi32, #tpu.memory_space<hbm>>
        %dma_start3A_170 = tpu.memref_slice %arg4[%add3A_168] : memref<320000xi32, #tpu.memory_space<hbm>> -> memref<40xi32, #tpu.memory_space<hbm>>
        tpu.enqueue_dma source(%dma_start3A_170 : memref<40xi32, #tpu.memory_space<hbm>>) target(%arg9 : memref<40xi32, #tpu.memory_space<vmem>>) target_semaphore(%arg22 : memref<!tpu.dma_semaphore, #tpu.memory_space<semaphore_mem>>)
        %mul3A_171 = arith.constant 40 : i32
        %mul3A_172 = arith.muli %add3A_165, %mul3A_171 : i32
        %add3A_173 = arith.addi %mul3A_2, %mul3A_172 : i32
        %dma_start3A_174 = tpu.memref_slice %arg5[%add3A_173] : memref<320000xi32, #tpu.memory_space<hbm>> -> memref<40xi32, #tpu.memory_space<hbm>>
        %dma_start3A_175 = tpu.memref_slice %arg5[%add3A_173] : memref<320000xi32, #tpu.memory_space<hbm>> -> memref<40xi32, #tpu.memory_space<hbm>>
        tpu.enqueue_dma source(%dma_start3A_175 : memref<40xi32, #tpu.memory_space<hbm>>) target(%arg12 : memref<40xi32, #tpu.memory_space<vmem>>) target_semaphore(%arg22 : memref<!tpu.dma_semaphore, #tpu.memory_space<semaphore_mem>>)
      } else {
      }
      %dma_wait3A_152 = arith.constant 0 : i32
      %dma_wait3A_153 = arith.constant 0 : i32
      %dma_wait3A_154 = tpu.memref_slice %arg2[%dma_wait3A_152, %dma_wait3A_153] : memref<10000x256xf32, #tpu.memory_space<hbm>> -> memref<10000x256xf32, #tpu.memory_space<hbm>>
      tpu.wait_indirect_dma semaphore(%arg26 : memref<!tpu.dma_semaphore, #tpu.memory_space<semaphore_mem>>) src(%dma_wait3A_154 : memref<10000x256xf32, #tpu.memory_space<hbm>>) dst(%arg16 : memref<40x256xf32, #tpu.memory_space<vmem>>)
      %dma_wait3A_155 = arith.constant 0 : i32
      %dma_wait3A_156 = arith.constant 0 : i32
      %dma_wait3A_157 = tpu.memref_slice %arg3[%dma_wait3A_155, %dma_wait3A_156] : memref<10000x128xf32, #tpu.memory_space<hbm>> -> memref<10000x128xf32, #tpu.memory_space<hbm>>
      tpu.wait_indirect_dma semaphore(%arg26 : memref<!tpu.dma_semaphore, #tpu.memory_space<semaphore_mem>>) src(%dma_wait3A_157 : memref<10000x128xf32, #tpu.memory_space<hbm>>) dst(%arg19 : memref<40x128xf32, #tpu.memory_space<vmem>>)
      %parallel_loop3A_158 = arith.constant 0 : i32
      %parallel_loop3A_159 = arith.constant 40 : i32
      %parallel_loop3A_160 = arith.constant 1 : i32
      scf.for %parallel_loop3A_164 = %parallel_loop3A_158 to %parallel_loop3A_159 step %parallel_loop3A_160  : i32 {
        %parallel_loop3A_165 = arith.index_cast %parallel_loop3A_164 : i32 to index
        %parallel_loop3A_166 = arith.constant 0 : index
        %parallel_loop3A_167 = tpu.vector_load %arg16[%parallel_loop3A_165, %parallel_loop3A_166] {strides = array<i32>} : memref<40x256xf32, #tpu.memory_space<vmem>>, vector<1x16xf32>,
        %parallel_loop3A_168 = vector.shape_cast %parallel_loop3A_167 : vector<1x16xf32> to vector<16xf32>
        %parallel_loop3A_169 = arith.index_cast %parallel_loop3A_164 : i32 to index
        %parallel_loop3A_170 = arith.constant 128 : index
        %parallel_loop3A_171 = tpu.vector_load %arg16[%parallel_loop3A_169, %parallel_loop3A_170] {strides = array<i32>} : memref<40x256xf32, #tpu.memory_space<vmem>>, vector<1x16xf32>,
        %parallel_loop3A_172 = vector.shape_cast %parallel_loop3A_171 : vector<1x16xf32> to vector<16xf32>
        %parallel_loop3A_173 = arith.index_cast %parallel_loop3A_164 : i32 to index
        %parallel_loop3A_174 = arith.constant 0 : index
        %parallel_loop3A_175 = tpu.vector_load %arg19[%parallel_loop3A_173, %parallel_loop3A_174] {strides = array<i32>} : memref<40x128xf32, #tpu.memory_space<vmem>>, vector<1x16xf32>,
        %parallel_loop3A_176 = vector.shape_cast %parallel_loop3A_175 : vector<1x16xf32> to vector<16xf32>
        %parallel_loop3A_177 = arith.addf %parallel_loop3A_172, %parallel_loop3A_176 : vector<16xf32>
        %parallel_loop3A_178 = arith.constant 0.000000e+00 : f32
        %parallel_loop3A_179 = vector.broadcast %parallel_loop3A_178 : f32 to vector<16xf32>
        %parallel_loop3A_180 = arith.maximumf %parallel_loop3A_177, %parallel_loop3A_179 : vector<16xf32>
        %parallel_loop3A_181 = arith.mulf %parallel_loop3A_168, %parallel_loop3A_180 : vector<16xf32>
        %parallel_loop3A_182 = arith.index_cast %parallel_loop3A_164 : i32 to index
        %parallel_loop3A_183 = arith.constant 0 : index
        %parallel_loop3A_184 = tpu.vector_load %arg19[%parallel_loop3A_182, %parallel_loop3A_183] {strides = array<i32>} : memref<40x128xf32, #tpu.memory_space<vmem>>, vector<1x16xf32>,
        %parallel_loop3A_185 = vector.shape_cast %parallel_loop3A_184 : vector<1x16xf32> to vector<16xf32>
        %parallel_loop3A_186 = vector.shape_cast %parallel_loop3A_181 : vector<16xf32> to vector<1x16xf32>
        tpu.vector_store %arg19[%parallel_loop3A_182, %parallel_loop3A_183], %parallel_loop3A_186 {strides = array<i32>} : memref<40x128xf32, #tpu.memory_space<vmem>>, vector<1x16xf32>,
        %parallel_loop3A_187 = arith.index_cast %parallel_loop3A_164 : i32 to index
        %parallel_loop3A_188 = arith.constant 16 : index
        %parallel_loop3A_189 = tpu.vector_load %arg16[%parallel_loop3A_187, %parallel_loop3A_188] {strides = array<i32>} : memref<40x256xf32, #tpu.memory_space<vmem>>, vector<1x16xf32>,
        %parallel_loop3A_190 = vector.shape_cast %parallel_loop3A_189 : vector<1x16xf32> to vector<16xf32>
        %parallel_loop3A_191 = arith.index_cast %parallel_loop3A_164 : i32 to index
        %parallel_loop3A_192 = arith.constant 144 : index
        %parallel_loop3A_193 = tpu.vector_load %arg16[%parallel_loop3A_191, %parallel_loop3A_192] {strides = array<i32>} : memref<40x256xf32, #tpu.memory_space<vmem>>, vector<1x16xf32>,
        %parallel_loop3A_194 = vector.shape_cast %parallel_loop3A_193 : vector<1x16xf32> to vector<16xf32>
        %parallel_loop3A_195 = arith.index_cast %parallel_loop3A_164 : i32 to index
        %parallel_loop3A_196 = arith.constant 16 : index
        %parallel_loop3A_197 = tpu.vector_load %arg19[%parallel_loop3A_195, %parallel_loop3A_196] {strides = array<i32>} : memref<40x128xf32, #tpu.memory_space<vmem>>, vector<1x16xf32>,
        %parallel_loop3A_198 = vector.shape_cast %parallel_loop3A_197 : vector<1x16xf32> to vector<16xf32>
        %parallel_loop3A_199 = arith.addf %parallel_loop3A_194, %parallel_loop3A_198 : vector<16xf32>
        %parallel_loop3A_200 = arith.constant 0.000000e+00 : f32
        %parallel_loop3A_201 = vector.broadcast %parallel_loop3A_200 : f32 to vector<16xf32>
        %parallel_loop3A_202 = arith.maximumf %parallel_loop3A_199, %parallel_loop3A_201 : vector<16xf32>
        %parallel_loop3A_203 = arith.mulf %parallel_loop3A_190, %parallel_loop3A_202 : vector<16xf32>
        %parallel_loop3A_204 = arith.index_cast %parallel_loop3A_164 : i32 to index
        %parallel_loop3A_205 = arith.constant 16 : index
        %parallel_loop3A_206 = tpu.vector_load %arg19[%parallel_loop3A_204, %parallel_loop3A_205] {strides = array<i32>} : memref<40x128xf32, #tpu.memory_space<vmem>>, vector<1x16xf32>,
        %parallel_loop3A_207 = vector.shape_cast %parallel_loop3A_206 : vector<1x16xf32> to vector<16xf32>
        %parallel_loop3A_208 = vector.shape_cast %parallel_loop3A_203 : vector<16xf32> to vector<1x16xf32>
        tpu.vector_store %arg19[%parallel_loop3A_204, %parallel_loop3A_205], %parallel_loop3A_208 {strides = array<i32>} : memref<40x128xf32, #tpu.memory_space<vmem>>, vector<1x16xf32>,
        %parallel_loop3A_209 = arith.index_cast %parallel_loop3A_164 : i32 to index
        %parallel_loop3A_210 = arith.constant 32 : index
        %parallel_loop3A_211 = tpu.vector_load %arg16[%parallel_loop3A_209, %parallel_loop3A_210] {strides = array<i32>} : memref<40x256xf32, #tpu.memory_space<vmem>>, vector<1x16xf32>,
        %parallel_loop3A_212 = vector.shape_cast %parallel_loop3A_211 : vector<1x16xf32> to vector<16xf32>
        %parallel_loop3A_213 = arith.index_cast %parallel_loop3A_164 : i32 to index
        %parallel_loop3A_214 = arith.constant 160 : index
        %parallel_loop3A_215 = tpu.vector_load %arg16[%parallel_loop3A_213, %parallel_loop3A_214] {strides = array<i32>} : memref<40x256xf32, #tpu.memory_space<vmem>>, vector<1x16xf32>,
        %parallel_loop3A_216 = vector.shape_cast %parallel_loop3A_215 : vector<1x16xf32> to vector<16xf32>
        %parallel_loop3A_217 = arith.index_cast %parallel_loop3A_164 : i32 to index
        %parallel_loop3A_218 = arith.constant 32 : index
        %parallel_loop3A_219 = tpu.vector_load %arg19[%parallel_loop3A_217, %parallel_loop3A_218] {strides = array<i32>} : memref<40x128xf32, #tpu.memory_space<vmem>>, vector<1x16xf32>,
        %parallel_loop3A_220 = vector.shape_cast %parallel_loop3A_219 : vector<1x16xf32> to vector<16xf32>
        %parallel_loop3A_221 = arith.addf %parallel_loop3A_216, %parallel_loop3A_220 : vector<16xf32>
        %parallel_loop3A_222 = arith.constant 0.000000e+00 : f32
        %parallel_loop3A_223 = vector.broadcast %parallel_loop3A_222 : f32 to vector<16xf32>
        %parallel_loop3A_224 = arith.maximumf %parallel_loop3A_221, %parallel_loop3A_223 : vector<16xf32>
        %parallel_loop3A_225 = arith.mulf %parallel_loop3A_212, %parallel_loop3A_224 : vector<16xf32>
        %parallel_loop3A_226 = arith.index_cast %parallel_loop3A_164 : i32 to index
        %parallel_loop3A_227 = arith.constant 32 : index
        %parallel_loop3A_228 = tpu.vector_load %arg19[%parallel_loop3A_226, %parallel_loop3A_227] {strides = array<i32>} : memref<40x128xf32, #tpu.memory_space<vmem>>, vector<1x16xf32>,
        %parallel_loop3A_229 = vector.shape_cast %parallel_loop3A_228 : vector<1x16xf32> to vector<16xf32>
        %parallel_loop3A_230 = vector.shape_cast %parallel_loop3A_225 : vector<16xf32> to vector<1x16xf32>
        tpu.vector_store %arg19[%parallel_loop3A_226, %parallel_loop3A_227], %parallel_loop3A_230 {strides = array<i32>} : memref<40x128xf32, #tpu.memory_space<vmem>>, vector<1x16xf32>,
        %parallel_loop3A_231 = arith.index_cast %parallel_loop3A_164 : i32 to index
        %parallel_loop3A_232 = arith.constant 48 : index
        %parallel_loop3A_233 = tpu.vector_load %arg16[%parallel_loop3A_231, %parallel_loop3A_232] {strides = array<i32>} : memref<40x256xf32, #tpu.memory_space<vmem>>, vector<1x16xf32>,
        %parallel_loop3A_234 = vector.shape_cast %parallel_loop3A_233 : vector<1x16xf32> to vector<16xf32>
        %parallel_loop3A_235 = arith.index_cast %parallel_loop3A_164 : i32 to index
        %parallel_loop3A_236 = arith.constant 176 : index
        %parallel_loop3A_237 = tpu.vector_load %arg16[%parallel_loop3A_235, %parallel_loop3A_236] {strides = array<i32>} : memref<40x256xf32, #tpu.memory_space<vmem>>, vector<1x16xf32>,
        %parallel_loop3A_238 = vector.shape_cast %parallel_loop3A_237 : vector<1x16xf32> to vector<16xf32>
        %parallel_loop3A_239 = arith.index_cast %parallel_loop3A_164 : i32 to index
        %parallel_loop3A_240 = arith.constant 48 : index
        %parallel_loop3A_241 = tpu.vector_load %arg19[%parallel_loop3A_239, %parallel_loop3A_240] {strides = array<i32>} : memref<40x128xf32, #tpu.memory_space<vmem>>, vector<1x16xf32>,
        %parallel_loop3A_242 = vector.shape_cast %parallel_loop3A_241 : vector<1x16xf32> to vector<16xf32>
        %parallel_loop3A_243 = arith.addf %parallel_loop3A_238, %parallel_loop3A_242 : vector<16xf32>
        %parallel_loop3A_244 = arith.constant 0.000000e+00 : f32
        %parallel_loop3A_245 = vector.broadcast %parallel_loop3A_244 : f32 to vector<16xf32>
        %parallel_loop3A_246 = arith.maximumf %parallel_loop3A_243, %parallel_loop3A_245 : vector<16xf32>
        %parallel_loop3A_247 = arith.mulf %parallel_loop3A_234, %parallel_loop3A_246 : vector<16xf32>
        %parallel_loop3A_248 = arith.index_cast %parallel_loop3A_164 : i32 to index
        %parallel_loop3A_249 = arith.constant 48 : index
        %parallel_loop3A_250 = tpu.vector_load %arg19[%parallel_loop3A_248, %parallel_loop3A_249] {strides = array<i32>} : memref<40x128xf32, #tpu.memory_space<vmem>>, vector<1x16xf32>,
        %parallel_loop3A_251 = vector.shape_cast %parallel_loop3A_250 : vector<1x16xf32> to vector<16xf32>
        %parallel_loop3A_252 = vector.shape_cast %parallel_loop3A_247 : vector<16xf32> to vector<1x16xf32>
        tpu.vector_store %arg19[%parallel_loop3A_248, %parallel_loop3A_249], %parallel_loop3A_252 {strides = array<i32>} : memref<40x128xf32, #tpu.memory_space<vmem>>, vector<1x16xf32>,
        %parallel_loop3A_253 = arith.index_cast %parallel_loop3A_164 : i32 to index
        %parallel_loop3A_254 = arith.constant 64 : index
        %parallel_loop3A_255 = tpu.vector_load %arg16[%parallel_loop3A_253, %parallel_loop3A_254] {strides = array<i32>} : memref<40x256xf32, #tpu.memory_space<vmem>>, vector<1x16xf32>,
        %parallel_loop3A_256 = vector.shape_cast %parallel_loop3A_255 : vector<1x16xf32> to vector<16xf32>
        %parallel_loop3A_257 = arith.index_cast %parallel_loop3A_164 : i32 to index
        %parallel_loop3A_258 = arith.constant 192 : index
        %parallel_loop3A_259 = tpu.vector_load %arg16[%parallel_loop3A_257, %parallel_loop3A_258] {strides = array<i32>} : memref<40x256xf32, #tpu.memory_space<vmem>>, vector<1x16xf32>,
        %parallel_loop3A_260 = vector.shape_cast %parallel_loop3A_259 : vector<1x16xf32> to vector<16xf32>
        %parallel_loop3A_261 = arith.index_cast %parallel_loop3A_164 : i32 to index
        %parallel_loop3A_262 = arith.constant 64 : index
        %parallel_loop3A_263 = tpu.vector_load %arg19[%parallel_loop3A_261, %parallel_loop3A_262] {strides = array<i32>} : memref<40x128xf32, #tpu.memory_space<vmem>>, vector<1x16xf32>,
        %parallel_loop3A_264 = vector.shape_cast %parallel_loop3A_263 : vector<1x16xf32> to vector<16xf32>
        %parallel_loop3A_265 = arith.addf %parallel_loop3A_260, %parallel_loop3A_264 : vector<16xf32>
        %parallel_loop3A_266 = arith.constant 0.000000e+00 : f32
        %parallel_loop3A_267 = vector.broadcast %parallel_loop3A_266 : f32 to vector<16xf32>
        %parallel_loop3A_268 = arith.maximumf %parallel_loop3A_265, %parallel_loop3A_267 : vector<16xf32>
        %parallel_loop3A_269 = arith.mulf %parallel_loop3A_256, %parallel_loop3A_268 : vector<16xf32>
        %parallel_loop3A_270 = arith.index_cast %parallel_loop3A_164 : i32 to index
        %parallel_loop3A_271 = arith.constant 64 : index
        %parallel_loop3A_272 = tpu.vector_load %arg19[%parallel_loop3A_270, %parallel_loop3A_271] {strides = array<i32>} : memref<40x128xf32, #tpu.memory_space<vmem>>, vector<1x16xf32>,
        %parallel_loop3A_273 = vector.shape_cast %parallel_loop3A_272 : vector<1x16xf32> to vector<16xf32>
        %parallel_loop3A_274 = vector.shape_cast %parallel_loop3A_269 : vector<16xf32> to vector<1x16xf32>
        tpu.vector_store %arg19[%parallel_loop3A_270, %parallel_loop3A_271], %parallel_loop3A_274 {strides = array<i32>} : memref<40x128xf32, #tpu.memory_space<vmem>>, vector<1x16xf32>,
        %parallel_loop3A_275 = arith.index_cast %parallel_loop3A_164 : i32 to index
        %parallel_loop3A_276 = arith.constant 80 : index
        %parallel_loop3A_277 = tpu.vector_load %arg16[%parallel_loop3A_275, %parallel_loop3A_276] {strides = array<i32>} : memref<40x256xf32, #tpu.memory_space<vmem>>, vector<1x16xf32>,
        %parallel_loop3A_278 = vector.shape_cast %parallel_loop3A_277 : vector<1x16xf32> to vector<16xf32>
        %parallel_loop3A_279 = arith.index_cast %parallel_loop3A_164 : i32 to index
        %parallel_loop3A_280 = arith.constant 208 : index
        %parallel_loop3A_281 = tpu.vector_load %arg16[%parallel_loop3A_279, %parallel_loop3A_280] {strides = array<i32>} : memref<40x256xf32, #tpu.memory_space<vmem>>, vector<1x16xf32>,
        %parallel_loop3A_282 = vector.shape_cast %parallel_loop3A_281 : vector<1x16xf32> to vector<16xf32>
        %parallel_loop3A_283 = arith.index_cast %parallel_loop3A_164 : i32 to index
        %parallel_loop3A_284 = arith.constant 80 : index
        %parallel_loop3A_285 = tpu.vector_load %arg19[%parallel_loop3A_283, %parallel_loop3A_284] {strides = array<i32>} : memref<40x128xf32, #tpu.memory_space<vmem>>, vector<1x16xf32>,
        %parallel_loop3A_286 = vector.shape_cast %parallel_loop3A_285 : vector<1x16xf32> to vector<16xf32>
        %parallel_loop3A_287 = arith.addf %parallel_loop3A_282, %parallel_loop3A_286 : vector<16xf32>
        %parallel_loop3A_288 = arith.constant 0.000000e+00 : f32
        %parallel_loop3A_289 = vector.broadcast %parallel_loop3A_288 : f32 to vector<16xf32>
        %parallel_loop3A_290 = arith.maximumf %parallel_loop3A_287, %parallel_loop3A_289 : vector<16xf32>
        %parallel_loop3A_291 = arith.mulf %parallel_loop3A_278, %parallel_loop3A_290 : vector<16xf32>
        %parallel_loop3A_292 = arith.index_cast %parallel_loop3A_164 : i32 to index
        %parallel_loop3A_293 = arith.constant 80 : index
        %parallel_loop3A_294 = tpu.vector_load %arg19[%parallel_loop3A_292, %parallel_loop3A_293] {strides = array<i32>} : memref<40x128xf32, #tpu.memory_space<vmem>>, vector<1x16xf32>,
        %parallel_loop3A_295 = vector.shape_cast %parallel_loop3A_294 : vector<1x16xf32> to vector<16xf32>
        %parallel_loop3A_296 = vector.shape_cast %parallel_loop3A_291 : vector<16xf32> to vector<1x16xf32>
        tpu.vector_store %arg19[%parallel_loop3A_292, %parallel_loop3A_293], %parallel_loop3A_296 {strides = array<i32>} : memref<40x128xf32, #tpu.memory_space<vmem>>, vector<1x16xf32>,
        %parallel_loop3A_297 = arith.index_cast %parallel_loop3A_164 : i32 to index
        %parallel_loop3A_298 = arith.constant 96 : index
        %parallel_loop3A_299 = tpu.vector_load %arg16[%parallel_loop3A_297, %parallel_loop3A_298] {strides = array<i32>} : memref<40x256xf32, #tpu.memory_space<vmem>>, vector<1x16xf32>,
        %parallel_loop3A_300 = vector.shape_cast %parallel_loop3A_299 : vector<1x16xf32> to vector<16xf32>
        %parallel_loop3A_301 = arith.index_cast %parallel_loop3A_164 : i32 to index
        %parallel_loop3A_302 = arith.constant 224 : index
        %parallel_loop3A_303 = tpu.vector_load %arg16[%parallel_loop3A_301, %parallel_loop3A_302] {strides = array<i32>} : memref<40x256xf32, #tpu.memory_space<vmem>>, vector<1x16xf32>,
        %parallel_loop3A_304 = vector.shape_cast %parallel_loop3A_303 : vector<1x16xf32> to vector<16xf32>
        %parallel_loop3A_305 = arith.index_cast %parallel_loop3A_164 : i32 to index
        %parallel_loop3A_306 = arith.constant 96 : index
        %parallel_loop3A_307 = tpu.vector_load %arg19[%parallel_loop3A_305, %parallel_loop3A_306] {strides = array<i32>} : memref<40x128xf32, #tpu.memory_space<vmem>>, vector<1x16xf32>,
        %parallel_loop3A_308 = vector.shape_cast %parallel_loop3A_307 : vector<1x16xf32> to vector<16xf32>
        %parallel_loop3A_309 = arith.addf %parallel_loop3A_304, %parallel_loop3A_308 : vector<16xf32>
        %parallel_loop3A_310 = arith.constant 0.000000e+00 : f32
        %parallel_loop3A_311 = vector.broadcast %parallel_loop3A_310 : f32 to vector<16xf32>
        %parallel_loop3A_312 = arith.maximumf %parallel_loop3A_309, %parallel_loop3A_311 : vector<16xf32>
        %parallel_loop3A_313 = arith.mulf %parallel_loop3A_300, %parallel_loop3A_312 : vector<16xf32>
        %parallel_loop3A_314 = arith.index_cast %parallel_loop3A_164 : i32 to index
        %parallel_loop3A_315 = arith.constant 96 : index
        %parallel_loop3A_316 = tpu.vector_load %arg19[%parallel_loop3A_314, %parallel_loop3A_315] {strides = array<i32>} : memref<40x128xf32, #tpu.memory_space<vmem>>, vector<1x16xf32>,
        %parallel_loop3A_317 = vector.shape_cast %parallel_loop3A_316 : vector<1x16xf32> to vector<16xf32>
        %parallel_loop3A_318 = vector.shape_cast %parallel_loop3A_313 : vector<16xf32> to vector<1x16xf32>
        tpu.vector_store %arg19[%parallel_loop3A_314, %parallel_loop3A_315], %parallel_loop3A_318 {strides = array<i32>} : memref<40x128xf32, #tpu.memory_space<vmem>>, vector<1x16xf32>,
        %parallel_loop3A_319 = arith.index_cast %parallel_loop3A_164 : i32 to index
        %parallel_loop3A_320 = arith.constant 112 : index
        %parallel_loop3A_321 = tpu.vector_load %arg16[%parallel_loop3A_319, %parallel_loop3A_320] {strides = array<i32>} : memref<40x256xf32, #tpu.memory_space<vmem>>, vector<1x16xf32>,
        %parallel_loop3A_322 = vector.shape_cast %parallel_loop3A_321 : vector<1x16xf32> to vector<16xf32>
        %parallel_loop3A_323 = arith.index_cast %parallel_loop3A_164 : i32 to index
        %parallel_loop3A_324 = arith.constant 240 : index
        %parallel_loop3A_325 = tpu.vector_load %arg16[%parallel_loop3A_323, %parallel_loop3A_324] {strides = array<i32>} : memref<40x256xf32, #tpu.memory_space<vmem>>, vector<1x16xf32>,
        %parallel_loop3A_326 = vector.shape_cast %parallel_loop3A_325 : vector<1x16xf32> to vector<16xf32>
        %parallel_loop3A_327 = arith.index_cast %parallel_loop3A_164 : i32 to index
        %parallel_loop3A_328 = arith.constant 112 : index
        %parallel_loop3A_329 = tpu.vector_load %arg19[%parallel_loop3A_327, %parallel_loop3A_328] {strides = array<i32>} : memref<40x128xf32, #tpu.memory_space<vmem>>, vector<1x16xf32>,
        %parallel_loop3A_330 = vector.shape_cast %parallel_loop3A_329 : vector<1x16xf32> to vector<16xf32>
        %parallel_loop3A_331 = arith.addf %parallel_loop3A_326, %parallel_loop3A_330 : vector<16xf32>
        %parallel_loop3A_332 = arith.constant 0.000000e+00 : f32
        %parallel_loop3A_333 = vector.broadcast %parallel_loop3A_332 : f32 to vector<16xf32>
        %parallel_loop3A_334 = arith.maximumf %parallel_loop3A_331, %parallel_loop3A_333 : vector<16xf32>
        %parallel_loop3A_335 = arith.mulf %parallel_loop3A_322, %parallel_loop3A_334 : vector<16xf32>
        %parallel_loop3A_336 = arith.index_cast %parallel_loop3A_164 : i32 to index
        %parallel_loop3A_337 = arith.constant 112 : index
        %parallel_loop3A_338 = tpu.vector_load %arg19[%parallel_loop3A_336, %parallel_loop3A_337] {strides = array<i32>} : memref<40x128xf32, #tpu.memory_space<vmem>>, vector<1x16xf32>,
        %parallel_loop3A_339 = vector.shape_cast %parallel_loop3A_338 : vector<1x16xf32> to vector<16xf32>
        %parallel_loop3A_340 = vector.shape_cast %parallel_loop3A_335 : vector<16xf32> to vector<1x16xf32>
        tpu.vector_store %arg19[%parallel_loop3A_336, %parallel_loop3A_337], %parallel_loop3A_340 {strides = array<i32>} : memref<40x128xf32, #tpu.memory_space<vmem>>, vector<1x16xf32>,
      } {sc.loop_unroll_factor = 4 : i64, sc.parallel_access}
      %dma_start3A_161 = arith.constant 0 : i32
      %dma_start3A_162 = arith.constant 0 : i32
      %dma_start3A_163 = tpu.memref_slice %arg20[%dma_start3A_161, %dma_start3A_162] : memref<10112x128xf32, #tpu.memory_space<vmem_shared>> -> memref<10112x128xf32, #tpu.memory_space<vmem_shared>>
      tpu.enqueue_indirect_dma source(%arg19 : memref<40x128xf32, #tpu.memory_space<vmem>>) target(%dma_start3A_163 : memref<10112x128xf32, #tpu.memory_space<vmem_shared>>) offsets(%arg13 : memref<40xi32, #tpu.memory_space<vmem>>) semaphore(%arg29 : memref<!tpu.dma_semaphore, #tpu.memory_space<semaphore_mem>>) {add = true}
    }
    %scan3A_39 = arith.constant 83 : i32
    %dma_wait3A_40 = arith.constant 0 : i32
    %dma_wait3A_41 = arith.constant 0 : i32
    %dma_wait3A_42 = tpu.memref_slice %arg20[%dma_wait3A_40, %dma_wait3A_41] : memref<10112x128xf32, #tpu.memory_space<vmem_shared>> -> memref<10112x128xf32, #tpu.memory_space<vmem_shared>>
    tpu.wait_indirect_dma semaphore(%arg29 : memref<!tpu.dma_semaphore, #tpu.memory_space<semaphore_mem>>) src(%arg19 : memref<40x128xf32, #tpu.memory_space<vmem>>) dst(%dma_wait3A_42 : memref<10112x128xf32, #tpu.memory_space<vmem_shared>>)
    %dma_wait3A_43 = arith.constant 0 : i32
    %dma_wait3A_44 = arith.constant 0 : i32
    %dma_wait3A_45 = tpu.memref_slice %arg2[%dma_wait3A_43, %dma_wait3A_44] : memref<10000x256xf32, #tpu.memory_space<hbm>> -> memref<10000x256xf32, #tpu.memory_space<hbm>>
    tpu.wait_indirect_dma semaphore(%arg24 : memref<!tpu.dma_semaphore, #tpu.memory_space<semaphore_mem>>) src(%dma_wait3A_45 : memref<10000x256xf32, #tpu.memory_space<hbm>>) dst(%arg14 : memref<40x256xf32, #tpu.memory_space<vmem>>)
    %dma_wait3A_46 = arith.constant 0 : i32
    %dma_wait3A_47 = arith.constant 0 : i32
    %dma_wait3A_48 = tpu.memref_slice %arg3[%dma_wait3A_46, %dma_wait3A_47] : memref<10000x128xf32, #tpu.memory_space<hbm>> -> memref<10000x128xf32, #tpu.memory_space<hbm>>
    tpu.wait_indirect_dma semaphore(%arg24 : memref<!tpu.dma_semaphore, #tpu.memory_space<semaphore_mem>>) src(%dma_wait3A_48 : memref<10000x128xf32, #tpu.memory_space<hbm>>) dst(%arg17 : memref<40x128xf32, #tpu.memory_space<vmem>>)
    %parallel_loop3A = arith.constant 0 : i32
    %parallel_loop3A_49 = arith.constant 40 : i32
    %parallel_loop3A_50 = arith.constant 1 : i32
    scf.for %parallel_loop3A_62 = %parallel_loop3A to %parallel_loop3A_49 step %parallel_loop3A_50  : i32 {
      %parallel_loop3A_63 = arith.index_cast %parallel_loop3A_62 : i32 to index
      %parallel_loop3A_64 = arith.constant 0 : index
      %parallel_loop3A_65 = tpu.vector_load %arg14[%parallel_loop3A_63, %parallel_loop3A_64] {strides = array<i32>} : memref<40x256xf32, #tpu.memory_space<vmem>>, vector<1x16xf32>,
      %parallel_loop3A_66 = vector.shape_cast %parallel_loop3A_65 : vector<1x16xf32> to vector<16xf32>
      %parallel_loop3A_67 = arith.index_cast %parallel_loop3A_62 : i32 to index
      %parallel_loop3A_68 = arith.constant 128 : index
      %parallel_loop3A_69 = tpu.vector_load %arg14[%parallel_loop3A_67, %parallel_loop3A_68] {strides = array<i32>} : memref<40x256xf32, #tpu.memory_space<vmem>>, vector<1x16xf32>,
      %parallel_loop3A_70 = vector.shape_cast %parallel_loop3A_69 : vector<1x16xf32> to vector<16xf32>
      %parallel_loop3A_71 = arith.index_cast %parallel_loop3A_62 : i32 to index
      %parallel_loop3A_72 = arith.constant 0 : index
      %parallel_loop3A_73 = tpu.vector_load %arg17[%parallel_loop3A_71, %parallel_loop3A_72] {strides = array<i32>} : memref<40x128xf32, #tpu.memory_space<vmem>>, vector<1x16xf32>,
      %parallel_loop3A_74 = vector.shape_cast %parallel_loop3A_73 : vector<1x16xf32> to vector<16xf32>
      %parallel_loop3A_75 = arith.addf %parallel_loop3A_70, %parallel_loop3A_74 : vector<16xf32>
      %parallel_loop3A_76 = arith.constant 0.000000e+00 : f32
      %parallel_loop3A_77 = vector.broadcast %parallel_loop3A_76 : f32 to vector<16xf32>
      %parallel_loop3A_78 = arith.maximumf %parallel_loop3A_75, %parallel_loop3A_77 : vector<16xf32>
      %parallel_loop3A_79 = arith.mulf %parallel_loop3A_66, %parallel_loop3A_78 : vector<16xf32>
      %parallel_loop3A_80 = arith.index_cast %parallel_loop3A_62 : i32 to index
      %parallel_loop3A_81 = arith.constant 0 : index
      %parallel_loop3A_82 = tpu.vector_load %arg17[%parallel_loop3A_80, %parallel_loop3A_81] {strides = array<i32>} : memref<40x128xf32, #tpu.memory_space<vmem>>, vector<1x16xf32>,
      %parallel_loop3A_83 = vector.shape_cast %parallel_loop3A_82 : vector<1x16xf32> to vector<16xf32>
      %parallel_loop3A_84 = vector.shape_cast %parallel_loop3A_79 : vector<16xf32> to vector<1x16xf32>
      tpu.vector_store %arg17[%parallel_loop3A_80, %parallel_loop3A_81], %parallel_loop3A_84 {strides = array<i32>} : memref<40x128xf32, #tpu.memory_space<vmem>>, vector<1x16xf32>,
      %parallel_loop3A_85 = arith.index_cast %parallel_loop3A_62 : i32 to index
      %parallel_loop3A_86 = arith.constant 16 : index
      %parallel_loop3A_87 = tpu.vector_load %arg14[%parallel_loop3A_85, %parallel_loop3A_86] {strides = array<i32>} : memref<40x256xf32, #tpu.memory_space<vmem>>, vector<1x16xf32>,
      %parallel_loop3A_88 = vector.shape_cast %parallel_loop3A_87 : vector<1x16xf32> to vector<16xf32>
      %parallel_loop3A_89 = arith.index_cast %parallel_loop3A_62 : i32 to index
      %parallel_loop3A_90 = arith.constant 144 : index
      %parallel_loop3A_91 = tpu.vector_load %arg14[%parallel_loop3A_89, %parallel_loop3A_90] {strides = array<i32>} : memref<40x256xf32, #tpu.memory_space<vmem>>, vector<1x16xf32>,
      %parallel_loop3A_92 = vector.shape_cast %parallel_loop3A_91 : vector<1x16xf32> to vector<16xf32>
      %parallel_loop3A_93 = arith.index_cast %parallel_loop3A_62 : i32 to index
      %parallel_loop3A_94 = arith.constant 16 : index
      %parallel_loop3A_95 = tpu.vector_load %arg17[%parallel_loop3A_93, %parallel_loop3A_94] {strides = array<i32>} : memref<40x128xf32, #tpu.memory_space<vmem>>, vector<1x16xf32>,
      %parallel_loop3A_96 = vector.shape_cast %parallel_loop3A_95 : vector<1x16xf32> to vector<16xf32>
      %parallel_loop3A_97 = arith.addf %parallel_loop3A_92, %parallel_loop3A_96 : vector<16xf32>
      %parallel_loop3A_98 = arith.constant 0.000000e+00 : f32
      %parallel_loop3A_99 = vector.broadcast %parallel_loop3A_98 : f32 to vector<16xf32>
      %parallel_loop3A_100 = arith.maximumf %parallel_loop3A_97, %parallel_loop3A_99 : vector<16xf32>
      %parallel_loop3A_101 = arith.mulf %parallel_loop3A_88, %parallel_loop3A_100 : vector<16xf32>
      %parallel_loop3A_102 = arith.index_cast %parallel_loop3A_62 : i32 to index
      %parallel_loop3A_103 = arith.constant 16 : index
      %parallel_loop3A_104 = tpu.vector_load %arg17[%parallel_loop3A_102, %parallel_loop3A_103] {strides = array<i32>} : memref<40x128xf32, #tpu.memory_space<vmem>>, vector<1x16xf32>,
      %parallel_loop3A_105 = vector.shape_cast %parallel_loop3A_104 : vector<1x16xf32> to vector<16xf32>
      %parallel_loop3A_106 = vector.shape_cast %parallel_loop3A_101 : vector<16xf32> to vector<1x16xf32>
      tpu.vector_store %arg17[%parallel_loop3A_102, %parallel_loop3A_103], %parallel_loop3A_106 {strides = array<i32>} : memref<40x128xf32, #tpu.memory_space<vmem>>, vector<1x16xf32>,
      %parallel_loop3A_107 = arith.index_cast %parallel_loop3A_62 : i32 to index
      %parallel_loop3A_108 = arith.constant 32 : index
      %parallel_loop3A_109 = tpu.vector_load %arg14[%parallel_loop3A_107, %parallel_loop3A_108] {strides = array<i32>} : memref<40x256xf32, #tpu.memory_space<vmem>>, vector<1x16xf32>,
      %parallel_loop3A_110 = vector.shape_cast %parallel_loop3A_109 : vector<1x16xf32> to vector<16xf32>
      %parallel_loop3A_111 = arith.index_cast %parallel_loop3A_62 : i32 to index
      %parallel_loop3A_112 = arith.constant 160 : index
      %parallel_loop3A_113 = tpu.vector_load %arg14[%parallel_loop3A_111, %parallel_loop3A_112] {strides = array<i32>} : memref<40x256xf32, #tpu.memory_space<vmem>>, vector<1x16xf32>,
      %parallel_loop3A_114 = vector.shape_cast %parallel_loop3A_113 : vector<1x16xf32> to vector<16xf32>
      %parallel_loop3A_115 = arith.index_cast %parallel_loop3A_62 : i32 to index
      %parallel_loop3A_116 = arith.constant 32 : index
      %parallel_loop3A_117 = tpu.vector_load %arg17[%parallel_loop3A_115, %parallel_loop3A_116] {strides = array<i32>} : memref<40x128xf32, #tpu.memory_space<vmem>>, vector<1x16xf32>,
      %parallel_loop3A_118 = vector.shape_cast %parallel_loop3A_117 : vector<1x16xf32> to vector<16xf32>
      %parallel_loop3A_119 = arith.addf %parallel_loop3A_114, %parallel_loop3A_118 : vector<16xf32>
      %parallel_loop3A_120 = arith.constant 0.000000e+00 : f32
      %parallel_loop3A_121 = vector.broadcast %parallel_loop3A_120 : f32 to vector<16xf32>
      %parallel_loop3A_122 = arith.maximumf %parallel_loop3A_119, %parallel_loop3A_121 : vector<16xf32>
      %parallel_loop3A_123 = arith.mulf %parallel_loop3A_110, %parallel_loop3A_122 : vector<16xf32>
      %parallel_loop3A_124 = arith.index_cast %parallel_loop3A_62 : i32 to index
      %parallel_loop3A_125 = arith.constant 32 : index
      %parallel_loop3A_126 = tpu.vector_load %arg17[%parallel_loop3A_124, %parallel_loop3A_125] {strides = array<i32>} : memref<40x128xf32, #tpu.memory_space<vmem>>, vector<1x16xf32>,
      %parallel_loop3A_127 = vector.shape_cast %parallel_loop3A_126 : vector<1x16xf32> to vector<16xf32>
      %parallel_loop3A_128 = vector.shape_cast %parallel_loop3A_123 : vector<16xf32> to vector<1x16xf32>
      tpu.vector_store %arg17[%parallel_loop3A_124, %parallel_loop3A_125], %parallel_loop3A_128 {strides = array<i32>} : memref<40x128xf32, #tpu.memory_space<vmem>>, vector<1x16xf32>,
      %parallel_loop3A_129 = arith.index_cast %parallel_loop3A_62 : i32 to index
      %parallel_loop3A_130 = arith.constant 48 : index
      %parallel_loop3A_131 = tpu.vector_load %arg14[%parallel_loop3A_129, %parallel_loop3A_130] {strides = array<i32>} : memref<40x256xf32, #tpu.memory_space<vmem>>, vector<1x16xf32>,
      %parallel_loop3A_132 = vector.shape_cast %parallel_loop3A_131 : vector<1x16xf32> to vector<16xf32>
      %parallel_loop3A_133 = arith.index_cast %parallel_loop3A_62 : i32 to index
      %parallel_loop3A_134 = arith.constant 176 : index
      %parallel_loop3A_135 = tpu.vector_load %arg14[%parallel_loop3A_133, %parallel_loop3A_134] {strides = array<i32>} : memref<40x256xf32, #tpu.memory_space<vmem>>, vector<1x16xf32>,
      %parallel_loop3A_136 = vector.shape_cast %parallel_loop3A_135 : vector<1x16xf32> to vector<16xf32>
      %parallel_loop3A_137 = arith.index_cast %parallel_loop3A_62 : i32 to index
      %parallel_loop3A_138 = arith.constant 48 : index
      %parallel_loop3A_139 = tpu.vector_load %arg17[%parallel_loop3A_137, %parallel_loop3A_138] {strides = array<i32>} : memref<40x128xf32, #tpu.memory_space<vmem>>, vector<1x16xf32>,
      %parallel_loop3A_140 = vector.shape_cast %parallel_loop3A_139 : vector<1x16xf32> to vector<16xf32>
      %parallel_loop3A_141 = arith.addf %parallel_loop3A_136, %parallel_loop3A_140 : vector<16xf32>
      %parallel_loop3A_142 = arith.constant 0.000000e+00 : f32
      %parallel_loop3A_143 = vector.broadcast %parallel_loop3A_142 : f32 to vector<16xf32>
      %parallel_loop3A_144 = arith.maximumf %parallel_loop3A_141, %parallel_loop3A_143 : vector<16xf32>
      %parallel_loop3A_145 = arith.mulf %parallel_loop3A_132, %parallel_loop3A_144 : vector<16xf32>
      %parallel_loop3A_146 = arith.index_cast %parallel_loop3A_62 : i32 to index
      %parallel_loop3A_147 = arith.constant 48 : index
      %parallel_loop3A_148 = tpu.vector_load %arg17[%parallel_loop3A_146, %parallel_loop3A_147] {strides = array<i32>} : memref<40x128xf32, #tpu.memory_space<vmem>>, vector<1x16xf32>,
      %parallel_loop3A_149 = vector.shape_cast %parallel_loop3A_148 : vector<1x16xf32> to vector<16xf32>
      %parallel_loop3A_150 = vector.shape_cast %parallel_loop3A_145 : vector<16xf32> to vector<1x16xf32>
      tpu.vector_store %arg17[%parallel_loop3A_146, %parallel_loop3A_147], %parallel_loop3A_150 {strides = array<i32>} : memref<40x128xf32, #tpu.memory_space<vmem>>, vector<1x16xf32>,
      %parallel_loop3A_151 = arith.index_cast %parallel_loop3A_62 : i32 to index
      %parallel_loop3A_152 = arith.constant 64 : index
      %parallel_loop3A_153 = tpu.vector_load %arg14[%parallel_loop3A_151, %parallel_loop3A_152] {strides = array<i32>} : memref<40x256xf32, #tpu.memory_space<vmem>>, vector<1x16xf32>,
      %parallel_loop3A_154 = vector.shape_cast %parallel_loop3A_153 : vector<1x16xf32> to vector<16xf32>
      %parallel_loop3A_155 = arith.index_cast %parallel_loop3A_62 : i32 to index
      %parallel_loop3A_156 = arith.constant 192 : index
      %parallel_loop3A_157 = tpu.vector_load %arg14[%parallel_loop3A_155, %parallel_loop3A_156] {strides = array<i32>} : memref<40x256xf32, #tpu.memory_space<vmem>>, vector<1x16xf32>,
      %parallel_loop3A_158 = vector.shape_cast %parallel_loop3A_157 : vector<1x16xf32> to vector<16xf32>
      %parallel_loop3A_159 = arith.index_cast %parallel_loop3A_62 : i32 to index
      %parallel_loop3A_160 = arith.constant 64 : index
      %parallel_loop3A_161 = tpu.vector_load %arg17[%parallel_loop3A_159, %parallel_loop3A_160] {strides = array<i32>} : memref<40x128xf32, #tpu.memory_space<vmem>>, vector<1x16xf32>,
      %parallel_loop3A_162 = vector.shape_cast %parallel_loop3A_161 : vector<1x16xf32> to vector<16xf32>
      %parallel_loop3A_163 = arith.addf %parallel_loop3A_158, %parallel_loop3A_162 : vector<16xf32>
      %parallel_loop3A_164 = arith.constant 0.000000e+00 : f32
      %parallel_loop3A_165 = vector.broadcast %parallel_loop3A_164 : f32 to vector<16xf32>
      %parallel_loop3A_166 = arith.maximumf %parallel_loop3A_163, %parallel_loop3A_165 : vector<16xf32>
      %parallel_loop3A_167 = arith.mulf %parallel_loop3A_154, %parallel_loop3A_166 : vector<16xf32>
      %parallel_loop3A_168 = arith.index_cast %parallel_loop3A_62 : i32 to index
      %parallel_loop3A_169 = arith.constant 64 : index
      %parallel_loop3A_170 = tpu.vector_load %arg17[%parallel_loop3A_168, %parallel_loop3A_169] {strides = array<i32>} : memref<40x128xf32, #tpu.memory_space<vmem>>, vector<1x16xf32>,
      %parallel_loop3A_171 = vector.shape_cast %parallel_loop3A_170 : vector<1x16xf32> to vector<16xf32>
      %parallel_loop3A_172 = vector.shape_cast %parallel_loop3A_167 : vector<16xf32> to vector<1x16xf32>
      tpu.vector_store %arg17[%parallel_loop3A_168, %parallel_loop3A_169], %parallel_loop3A_172 {strides = array<i32>} : memref<40x128xf32, #tpu.memory_space<vmem>>, vector<1x16xf32>,
      %parallel_loop3A_173 = arith.index_cast %parallel_loop3A_62 : i32 to index
      %parallel_loop3A_174 = arith.constant 80 : index
      %parallel_loop3A_175 = tpu.vector_load %arg14[%parallel_loop3A_173, %parallel_loop3A_174] {strides = array<i32>} : memref<40x256xf32, #tpu.memory_space<vmem>>, vector<1x16xf32>,
      %parallel_loop3A_176 = vector.shape_cast %parallel_loop3A_175 : vector<1x16xf32> to vector<16xf32>
      %parallel_loop3A_177 = arith.index_cast %parallel_loop3A_62 : i32 to index
      %parallel_loop3A_178 = arith.constant 208 : index
      %parallel_loop3A_179 = tpu.vector_load %arg14[%parallel_loop3A_177, %parallel_loop3A_178] {strides = array<i32>} : memref<40x256xf32, #tpu.memory_space<vmem>>, vector<1x16xf32>,
      %parallel_loop3A_180 = vector.shape_cast %parallel_loop3A_179 : vector<1x16xf32> to vector<16xf32>
      %parallel_loop3A_181 = arith.index_cast %parallel_loop3A_62 : i32 to index
      %parallel_loop3A_182 = arith.constant 80 : index
      %parallel_loop3A_183 = tpu.vector_load %arg17[%parallel_loop3A_181, %parallel_loop3A_182] {strides = array<i32>} : memref<40x128xf32, #tpu.memory_space<vmem>>, vector<1x16xf32>,
      %parallel_loop3A_184 = vector.shape_cast %parallel_loop3A_183 : vector<1x16xf32> to vector<16xf32>
      %parallel_loop3A_185 = arith.addf %parallel_loop3A_180, %parallel_loop3A_184 : vector<16xf32>
      %parallel_loop3A_186 = arith.constant 0.000000e+00 : f32
      %parallel_loop3A_187 = vector.broadcast %parallel_loop3A_186 : f32 to vector<16xf32>
      %parallel_loop3A_188 = arith.maximumf %parallel_loop3A_185, %parallel_loop3A_187 : vector<16xf32>
      %parallel_loop3A_189 = arith.mulf %parallel_loop3A_176, %parallel_loop3A_188 : vector<16xf32>
      %parallel_loop3A_190 = arith.index_cast %parallel_loop3A_62 : i32 to index
      %parallel_loop3A_191 = arith.constant 80 : index
      %parallel_loop3A_192 = tpu.vector_load %arg17[%parallel_loop3A_190, %parallel_loop3A_191] {strides = array<i32>} : memref<40x128xf32, #tpu.memory_space<vmem>>, vector<1x16xf32>,
      %parallel_loop3A_193 = vector.shape_cast %parallel_loop3A_192 : vector<1x16xf32> to vector<16xf32>
      %parallel_loop3A_194 = vector.shape_cast %parallel_loop3A_189 : vector<16xf32> to vector<1x16xf32>
      tpu.vector_store %arg17[%parallel_loop3A_190, %parallel_loop3A_191], %parallel_loop3A_194 {strides = array<i32>} : memref<40x128xf32, #tpu.memory_space<vmem>>, vector<1x16xf32>,
      %parallel_loop3A_195 = arith.index_cast %parallel_loop3A_62 : i32 to index
      %parallel_loop3A_196 = arith.constant 96 : index
      %parallel_loop3A_197 = tpu.vector_load %arg14[%parallel_loop3A_195, %parallel_loop3A_196] {strides = array<i32>} : memref<40x256xf32, #tpu.memory_space<vmem>>, vector<1x16xf32>,
      %parallel_loop3A_198 = vector.shape_cast %parallel_loop3A_197 : vector<1x16xf32> to vector<16xf32>
      %parallel_loop3A_199 = arith.index_cast %parallel_loop3A_62 : i32 to index
      %parallel_loop3A_200 = arith.constant 224 : index
      %parallel_loop3A_201 = tpu.vector_load %arg14[%parallel_loop3A_199, %parallel_loop3A_200] {strides = array<i32>} : memref<40x256xf32, #tpu.memory_space<vmem>>, vector<1x16xf32>,
      %parallel_loop3A_202 = vector.shape_cast %parallel_loop3A_201 : vector<1x16xf32> to vector<16xf32>
      %parallel_loop3A_203 = arith.index_cast %parallel_loop3A_62 : i32 to index
      %parallel_loop3A_204 = arith.constant 96 : index
      %parallel_loop3A_205 = tpu.vector_load %arg17[%parallel_loop3A_203, %parallel_loop3A_204] {strides = array<i32>} : memref<40x128xf32, #tpu.memory_space<vmem>>, vector<1x16xf32>,
      %parallel_loop3A_206 = vector.shape_cast %parallel_loop3A_205 : vector<1x16xf32> to vector<16xf32>
      %parallel_loop3A_207 = arith.addf %parallel_loop3A_202, %parallel_loop3A_206 : vector<16xf32>
      %parallel_loop3A_208 = arith.constant 0.000000e+00 : f32
      %parallel_loop3A_209 = vector.broadcast %parallel_loop3A_208 : f32 to vector<16xf32>
      %parallel_loop3A_210 = arith.maximumf %parallel_loop3A_207, %parallel_loop3A_209 : vector<16xf32>
      %parallel_loop3A_211 = arith.mulf %parallel_loop3A_198, %parallel_loop3A_210 : vector<16xf32>
      %parallel_loop3A_212 = arith.index_cast %parallel_loop3A_62 : i32 to index
      %parallel_loop3A_213 = arith.constant 96 : index
      %parallel_loop3A_214 = tpu.vector_load %arg17[%parallel_loop3A_212, %parallel_loop3A_213] {strides = array<i32>} : memref<40x128xf32, #tpu.memory_space<vmem>>, vector<1x16xf32>,
      %parallel_loop3A_215 = vector.shape_cast %parallel_loop3A_214 : vector<1x16xf32> to vector<16xf32>
      %parallel_loop3A_216 = vector.shape_cast %parallel_loop3A_211 : vector<16xf32> to vector<1x16xf32>
      tpu.vector_store %arg17[%parallel_loop3A_212, %parallel_loop3A_213], %parallel_loop3A_216 {strides = array<i32>} : memref<40x128xf32, #tpu.memory_space<vmem>>, vector<1x16xf32>,
      %parallel_loop3A_217 = arith.index_cast %parallel_loop3A_62 : i32 to index
      %parallel_loop3A_218 = arith.constant 112 : index
      %parallel_loop3A_219 = tpu.vector_load %arg14[%parallel_loop3A_217, %parallel_loop3A_218] {strides = array<i32>} : memref<40x256xf32, #tpu.memory_space<vmem>>, vector<1x16xf32>,
      %parallel_loop3A_220 = vector.shape_cast %parallel_loop3A_219 : vector<1x16xf32> to vector<16xf32>
      %parallel_loop3A_221 = arith.index_cast %parallel_loop3A_62 : i32 to index
      %parallel_loop3A_222 = arith.constant 240 : index
      %parallel_loop3A_223 = tpu.vector_load %arg14[%parallel_loop3A_221, %parallel_loop3A_222] {strides = array<i32>} : memref<40x256xf32, #tpu.memory_space<vmem>>, vector<1x16xf32>,
      %parallel_loop3A_224 = vector.shape_cast %parallel_loop3A_223 : vector<1x16xf32> to vector<16xf32>
      %parallel_loop3A_225 = arith.index_cast %parallel_loop3A_62 : i32 to index
      %parallel_loop3A_226 = arith.constant 112 : index
      %parallel_loop3A_227 = tpu.vector_load %arg17[%parallel_loop3A_225, %parallel_loop3A_226] {strides = array<i32>} : memref<40x128xf32, #tpu.memory_space<vmem>>, vector<1x16xf32>,
      %parallel_loop3A_228 = vector.shape_cast %parallel_loop3A_227 : vector<1x16xf32> to vector<16xf32>
      %parallel_loop3A_229 = arith.addf %parallel_loop3A_224, %parallel_loop3A_228 : vector<16xf32>
      %parallel_loop3A_230 = arith.constant 0.000000e+00 : f32
      %parallel_loop3A_231 = vector.broadcast %parallel_loop3A_230 : f32 to vector<16xf32>
      %parallel_loop3A_232 = arith.maximumf %parallel_loop3A_229, %parallel_loop3A_231 : vector<16xf32>
      %parallel_loop3A_233 = arith.mulf %parallel_loop3A_220, %parallel_loop3A_232 : vector<16xf32>
      %parallel_loop3A_234 = arith.index_cast %parallel_loop3A_62 : i32 to index
      %parallel_loop3A_235 = arith.constant 112 : index
      %parallel_loop3A_236 = tpu.vector_load %arg17[%parallel_loop3A_234, %parallel_loop3A_235] {strides = array<i32>} : memref<40x128xf32, #tpu.memory_space<vmem>>, vector<1x16xf32>,
      %parallel_loop3A_237 = vector.shape_cast %parallel_loop3A_236 : vector<1x16xf32> to vector<16xf32>
      %parallel_loop3A_238 = vector.shape_cast %parallel_loop3A_233 : vector<16xf32> to vector<1x16xf32>
      tpu.vector_store %arg17[%parallel_loop3A_234, %parallel_loop3A_235], %parallel_loop3A_238 {strides = array<i32>} : memref<40x128xf32, #tpu.memory_space<vmem>>, vector<1x16xf32>,
    } {sc.loop_unroll_factor = 4 : i64, sc.parallel_access}
    %dma_start3A_51 = arith.constant 0 : i32
    %dma_start3A_52 = arith.constant 0 : i32
    %dma_start3A_53 = tpu.memref_slice %arg20[%dma_start3A_51, %dma_start3A_52] : memref<10112x128xf32, #tpu.memory_space<vmem_shared>> -> memref<10112x128xf32, #tpu.memory_space<vmem_shared>>
    tpu.enqueue_indirect_dma source(%arg17 : memref<40x128xf32, #tpu.memory_space<vmem>>) target(%dma_start3A_53 : memref<10112x128xf32, #tpu.memory_space<vmem_shared>>) offsets(%arg11 : memref<40xi32, #tpu.memory_space<vmem>>) semaphore(%arg27 : memref<!tpu.dma_semaphore, #tpu.memory_space<semaphore_mem>>) {add = true}
    %dma_wait3A_54 = arith.constant 0 : i32
    %dma_wait3A_55 = arith.constant 0 : i32
    %dma_wait3A_56 = tpu.memref_slice %arg20[%dma_wait3A_54, %dma_wait3A_55] : memref<10112x128xf32, #tpu.memory_space<vmem_shared>> -> memref<10112x128xf32, #tpu.memory_space<vmem_shared>>
    tpu.wait_indirect_dma semaphore(%arg27 : memref<!tpu.dma_semaphore, #tpu.memory_space<semaphore_mem>>) src(%arg17 : memref<40x128xf32, #tpu.memory_space<vmem>>) dst(%dma_wait3A_56 : memref<10112x128xf32, #tpu.memory_space<vmem_shared>>)
    %barrier3A_57 = arith.constant 0 : index
    tpu.barrier barrier_id(%barrier3A_57)
    %mul3A_58 = arith.constant 632 : i32
    %mul3A_59 = arith.muli %arg1, %mul3A_58 : i32
    %mul3A_60 = arith.constant 632 : i32
    %mul3A_61 = arith.muli %arg1, %mul3A_60 : i32
    "tpu.region"() ({
      %run_scoped3A = tpu.sem_alloc : memref<!tpu.dma_semaphore, #tpu.memory_space<semaphore_mem>>
      %dma_start3A_62 = arith.constant 0 : i32
      %dma_start3A_63 = tpu.memref_slice %arg7[%arg0, %mul3A_61, %dma_start3A_62] : memref<2x10112x128xf32, #tpu.memory_space<hbm>> -> memref<1x632x128xf32, #tpu.memory_space<hbm>>
      %dma_start3A_64 = tpu.memref_squeeze %dma_start3A_63 : memref<1x632x128xf32, #tpu.memory_space<hbm>> -> memref<632x128xf32, #tpu.memory_space<hbm>>
      %dma_start3A_65 = arith.constant 0 : i32
      %dma_start3A_66 = tpu.memref_slice %arg20[%mul3A_59, %dma_start3A_65] : memref<10112x128xf32, #tpu.memory_space<vmem_shared>> -> memref<632x128xf32, #tpu.memory_space<vmem_shared>>
      tpu.enqueue_dma source(%dma_start3A_66 : memref<632x128xf32, #tpu.memory_space<vmem_shared>>) target(%dma_start3A_64 : memref<632x128xf32, #tpu.memory_space<hbm>>) target_semaphore(%run_scoped3A : memref<!tpu.dma_semaphore, #tpu.memory_space<semaphore_mem>>)
      %dma_wait3A_67 = arith.constant 0 : i32
      %dma_wait3A_68 = tpu.memref_slice %arg7[%arg0, %mul3A_61, %dma_wait3A_67] : memref<2x10112x128xf32, #tpu.memory_space<hbm>> -> memref<1x632x128xf32, #tpu.memory_space<hbm>>
      %dma_wait3A_69 = tpu.memref_squeeze %dma_wait3A_68 : memref<1x632x128xf32, #tpu.memory_space<hbm>> -> memref<632x128xf32, #tpu.memory_space<hbm>>
      %dma_wait3A_70 = arith.constant 0 : i32
      %dma_wait3A_71 = tpu.memref_slice %arg20[%mul3A_59, %dma_wait3A_70] : memref<10112x128xf32, #tpu.memory_space<vmem_shared>> -> memref<632x128xf32, #tpu.memory_space<vmem_shared>>
      tpu.wait_dma2 semaphore(%run_scoped3A : memref<!tpu.dma_semaphore, #tpu.memory_space<semaphore_mem>>) src(%dma_wait3A_71 : memref<632x128xf32, #tpu.memory_space<vmem_shared>>) dst(%dma_wait3A_69 : memref<632x128xf32, #tpu.memory_space<hbm>>)
      tpu.yield
    }) : () -> ()
    return
  }
}

module attributes {stable_mosaic.version = 14 : i64} {
  func.func @_tc_prep(%arg0: memref<10000x128xf32, #tpu.memory_space<vmem>>, %arg1: memref<256x128xf32, #tpu.memory_space<vmem>>, %arg2: memref<1x128xf32, #tpu.memory_space<vmem>>, %arg3: memref<10000x256xf32, #tpu.memory_space<vmem>>, %arg4: memref<10000x128xf32, #tpu.memory_space<vmem>>) attributes {dimension_semantics = [], scalar_prefetch = 0 : i64, scratch_operands = 0 : i64, tpu.core_type = #tpu.core_type<tc>} {
    %get3A = arith.constant 0 : index
    %get3A_0 = arith.constant 0 : index
    %get3A_1 = vector.load %arg0[%get3A, %get3A_0] : memref<10000x128xf32, #tpu.memory_space<vmem>>, vector<10000x128xf32>
    %get3A_2 = arith.constant 0 : index
    %get3A_3 = arith.constant 0 : index
    %get3A_4 = vector.load %arg1[%get3A_2, %get3A_3] : memref<256x128xf32, #tpu.memory_space<vmem>>, vector<128x128xf32>
    %dot_general3A = arith.constant dense<0.000000e+00> : vector<10000x128xf32>
    %dot_general3A_5 = tpu.matmul %get3A_1, %get3A_4, %dot_general3A {dimension_numbers = #tpu.dot_dimension_numbers<[1], [0], [0], [1], [0, 0, 1, 1], [], []>, transpose_lhs_hint = false} : vector<10000x128xf32>, vector<128x128xf32>, vector<10000x128xf32> -> vector<10000x128xf32>
    %get3A_6 = arith.constant 128 : index
    %get3A_7 = arith.constant 0 : index
    %get3A_8 = vector.load %arg1[%get3A_6, %get3A_7] : memref<256x128xf32, #tpu.memory_space<vmem>>, vector<128x128xf32>
    %dot_general3A_9 = arith.constant dense<0.000000e+00> : vector<10000x128xf32>
    %dot_general3A_10 = tpu.matmul %get3A_1, %get3A_8, %dot_general3A_9 {dimension_numbers = #tpu.dot_dimension_numbers<[1], [0], [0], [1], [0, 0, 1, 1], [], []>, transpose_lhs_hint = false} : vector<10000x128xf32>, vector<128x128xf32>, vector<10000x128xf32> -> vector<10000x128xf32>
    %get3A_11 = arith.constant 0 : index
    %get3A_12 = arith.constant 0 : index
    %get3A_13 = vector.load %arg2[%get3A_11, %get3A_12] : memref<1x128xf32, #tpu.memory_space<vmem>>, vector<1x128xf32>
    %add3A = vector.broadcast %get3A_13 : vector<1x128xf32> to vector<10000x128xf32>
    %add3A_14 = arith.addf %dot_general3A_10, %add3A : vector<10000x128xf32>
    %swap3A = arith.constant 0 : index
    %swap3A_15 = arith.constant 0 : index
    %swap3A_16 = vector.load %arg3[%swap3A, %swap3A_15] : memref<10000x256xf32, #tpu.memory_space<vmem>>, vector<10000x128xf32>
    tpu.vector_store %arg3[%swap3A, %swap3A_15], %get3A_1 {strides = array<i32>} : memref<10000x256xf32, #tpu.memory_space<vmem>>, vector<10000x128xf32>,
    %swap3A_17 = arith.constant 0 : index
    %swap3A_18 = arith.constant 128 : index
    %swap3A_19 = vector.load %arg3[%swap3A_17, %swap3A_18] : memref<10000x256xf32, #tpu.memory_space<vmem>>, vector<10000x128xf32>
    tpu.vector_store %arg3[%swap3A_17, %swap3A_18], %dot_general3A_5 {strides = array<i32>} : memref<10000x256xf32, #tpu.memory_space<vmem>>, vector<10000x128xf32>,
    %swap3A_20 = arith.constant 0 : index
    %swap3A_21 = arith.constant 0 : index
    %swap3A_22 = vector.load %arg4[%swap3A_20, %swap3A_21] : memref<10000x128xf32, #tpu.memory_space<vmem>>, vector<10000x128xf32>
    tpu.vector_store %arg4[%swap3A_20, %swap3A_21], %add3A_14 {strides = array<i32>} : memref<10000x128xf32, #tpu.memory_space<vmem>>, vector<10000x128xf32>,
    return
  }
}

module attributes {stable_mosaic.version = 14 : i64} {
  func.func @_tc_finish(%arg0: memref<2x10112x128xf32, #tpu.memory_space<vmem>>, %arg1: memref<128x128xf32, #tpu.memory_space<vmem>>, %arg2: memref<1x128xf32, #tpu.memory_space<vmem>>, %arg3: memref<1x128xf32, #tpu.memory_space<vmem>>, %arg4: memref<1x1xf32, #tpu.memory_space<vmem>>, %arg5: memref<128x10xf32, #tpu.memory_space<vmem>>, %arg6: memref<1x10xf32, #tpu.memory_space<vmem>>, %arg7: memref<1x10xf32, #tpu.memory_space<vmem>>) attributes {dimension_semantics = [], scalar_prefetch = 0 : i64, scratch_operands = 0 : i64, tpu.core_type = #tpu.core_type<tc>} {
    %get3A = arith.constant 0 : index
    %get3A_0 = arith.constant 0 : index
    %get3A_1 = arith.constant 0 : index
    %get3A_2 = vector.load %arg0[%get3A, %get3A_0, %get3A_1] : memref<2x10112x128xf32, #tpu.memory_space<vmem>>, vector<1x10000x128xf32>
    %get3A_3 = vector.shape_cast %get3A_2 : vector<1x10000x128xf32> to vector<10000x128xf32>
    %get3A_4 = arith.constant 1 : index
    %get3A_5 = arith.constant 0 : index
    %get3A_6 = arith.constant 0 : index
    %get3A_7 = vector.load %arg0[%get3A_4, %get3A_5, %get3A_6] : memref<2x10112x128xf32, #tpu.memory_space<vmem>>, vector<1x10000x128xf32>
    %get3A_8 = vector.shape_cast %get3A_7 : vector<1x10000x128xf32> to vector<10000x128xf32>
    %add3A = arith.addf %get3A_3, %get3A_8 : vector<10000x128xf32>
    %get3A_9 = arith.constant 0 : index
    %get3A_10 = arith.constant 0 : index
    %get3A_11 = vector.load %arg1[%get3A_9, %get3A_10] : memref<128x128xf32, #tpu.memory_space<vmem>>, vector<128x128xf32>
    %dot_general3A = arith.constant dense<0.000000e+00> : vector<10000x128xf32>
    %dot_general3A_12 = tpu.matmul %add3A, %get3A_11, %dot_general3A {dimension_numbers = #tpu.dot_dimension_numbers<[1], [0], [0], [1], [0, 0, 1, 1], [], []>, transpose_lhs_hint = false} : vector<10000x128xf32>, vector<128x128xf32>, vector<10000x128xf32> -> vector<10000x128xf32>
    %get3A_13 = arith.constant 0 : index
    %get3A_14 = arith.constant 0 : index
    %get3A_15 = vector.load %arg2[%get3A_13, %get3A_14] : memref<1x128xf32, #tpu.memory_space<vmem>>, vector<1x128xf32>
    %add3A_16 = vector.broadcast %get3A_15 : vector<1x128xf32> to vector<10000x128xf32>
    %add3A_17 = arith.addf %dot_general3A_12, %add3A_16 : vector<10000x128xf32>
    %max3A = arith.constant 0.000000e+00 : f32
    %max3A_18 = vector.broadcast %max3A : f32 to vector<10000x128xf32>
    %max3A_19 = arith.maximumf %add3A_17, %max3A_18 : vector<10000x128xf32>
    %get3A_20 = arith.constant 0 : index
    %get3A_21 = arith.constant 0 : index
    %get3A_22 = vector.load %arg3[%get3A_20, %get3A_21] : memref<1x128xf32, #tpu.memory_space<vmem>>, vector<1x128xf32>
    %mul3A = vector.broadcast %get3A_22 : vector<1x128xf32> to vector<10000x128xf32>
    %mul3A_23 = arith.mulf %max3A_19, %mul3A : vector<10000x128xf32>
    %reduce_sum3A = arith.constant dense<0.000000e+00> : vector<10000xf32>
    %reduce_sum3A_24 = vector.multi_reduction <add>, %mul3A_23, %reduce_sum3A [1] : vector<10000x128xf32> to vector<10000xf32>
    %broadcast_in_dim3A = vector.shape_cast %reduce_sum3A_24 : vector<10000xf32> to vector<10000x1xf32>
    %get3A_25 = arith.constant 0 : index
    %get3A_26 = arith.constant 0 : index
    %get3A_27 = vector.load %arg4[%get3A_25, %get3A_26] : memref<1x1xf32, #tpu.memory_space<vmem>>, vector<1x1xf32>
    %add3A_28 = vector.broadcast %get3A_27 : vector<1x1xf32> to vector<10000x1xf32>
    %add3A_29 = arith.addf %broadcast_in_dim3A, %add3A_28 : vector<10000x1xf32>
    %reduce_max3A = vector.shape_cast %add3A_29 : vector<10000x1xf32> to vector<1x10000x1xf32>
    %reduce_max3A_30 = arith.constant dense<0xFF800000> : vector<1xf32>
    %reduce_max3A_31 = vector.multi_reduction <maximumf>, %reduce_max3A, %reduce_max3A_30 [1, 2] : vector<1x10000x1xf32> to vector<1xf32>
    %reduce_max3A_32 = vector.shape_cast %reduce_max3A_31 : vector<1xf32> to vector<1x1x1xf32>
    %reduce_max3A_33 = vector.extract %reduce_max3A_32[0, 0, 0] : f32 from vector<1x1x1xf32>
    %sub3A = vector.broadcast %reduce_max3A_33 : f32 to vector<10000x1xf32>
    %sub3A_34 = arith.subf %add3A_29, %sub3A : vector<10000x1xf32>
    %exp3A = math.exp %sub3A_34 : vector<10000x1xf32>
    %reduce_sum3A_35 = vector.shape_cast %exp3A : vector<10000x1xf32> to vector<1x10000x1xf32>
    %reduce_sum3A_36 = arith.constant dense<0.000000e+00> : vector<1xf32>
    %reduce_sum3A_37 = vector.multi_reduction <add>, %reduce_sum3A_35, %reduce_sum3A_36 [1, 2] : vector<1x10000x1xf32> to vector<1xf32>
    %reduce_sum3A_38 = vector.shape_cast %reduce_sum3A_37 : vector<1xf32> to vector<1x1x1xf32>
    %reduce_sum3A_39 = vector.extract %reduce_sum3A_38[0, 0, 0] : f32 from vector<1x1x1xf32>
    %mul3A_40 = vector.broadcast %exp3A : vector<10000x1xf32> to vector<10000x128xf32>
    %mul3A_41 = arith.mulf %mul3A_40, %max3A_19 : vector<10000x128xf32>
    %reduce_sum3A_42 = arith.constant dense<0.000000e+00> : vector<128xf32>
    %reduce_sum3A_43 = vector.multi_reduction <add>, %mul3A_41, %reduce_sum3A_42 [0] : vector<10000x128xf32> to vector<128xf32>
    %broadcast_in_dim3A_44 = vector.shape_cast %reduce_sum3A_43 : vector<128xf32> to vector<1x128xf32>
    %div3A = vector.broadcast %reduce_sum3A_39 : f32 to vector<1x128xf32>
    %div3A_45 = arith.divf %broadcast_in_dim3A_44, %div3A : vector<1x128xf32>
    %get3A_46 = arith.constant 0 : index
    %get3A_47 = arith.constant 0 : index
    %get3A_48 = vector.load %arg5[%get3A_46, %get3A_47] : memref<128x10xf32, #tpu.memory_space<vmem>>, vector<128x10xf32>
    %dot_general3A_49 = arith.constant dense<0.000000e+00> : vector<1x10xf32>
    %dot_general3A_50 = tpu.matmul %div3A_45, %get3A_48, %dot_general3A_49 {dimension_numbers = #tpu.dot_dimension_numbers<[1], [0], [0], [1], [0, 0, 1, 1], [], []>, transpose_lhs_hint = false} : vector<1x128xf32>, vector<128x10xf32>, vector<1x10xf32> -> vector<1x10xf32>
    %get3A_51 = arith.constant 0 : index
    %get3A_52 = arith.constant 0 : index
    %get3A_53 = vector.load %arg6[%get3A_51, %get3A_52] : memref<1x10xf32, #tpu.memory_space<vmem>>, vector<1x10xf32>
    %add3A_54 = arith.addf %dot_general3A_50, %get3A_53 : vector<1x10xf32>
    %swap3A = arith.constant 0 : index
    %swap3A_55 = arith.constant 0 : index
    %swap3A_56 = vector.load %arg7[%swap3A, %swap3A_55] : memref<1x10xf32, #tpu.memory_space<vmem>>, vector<1x10xf32>
    tpu.vector_store %arg7[%swap3A, %swap3A_55], %add3A_54 {strides = array<i32>} : memref<1x10xf32, #tpu.memory_space<vmem>>, vector<1x10xf32>,
    return
  }
}

</mosaic_0001>

<sc_bundles>
// kernel: kernel.5.cloned.1.call-start
scs
__scs_entry_jumppad:
0x0: {  	(pc) =	sbr.rel $0x88, $3  }
0x1: {  	(tag) =	ssettag $0x0;
	lr =	simm.s32 $0x1  }
0x2: {  	[smem:$0x3F97] =	sst lr;
	_ =	strace $0xD0000000  }
0x3: {  	_ = 	snop  }
0x4: {  	_ = 	snop  }
0x5: {  	_ = 	snop  }
0x6: {  	_ = 	snop  }
0x7: {  	_ = 	snop  }
__scs_overlays_trampoline_lowered:
0x8: {  	[smem:$0x3FA6] =	sst s0  }
0x9: {  	[smem:$0x3FA7] =	sst s1  }
0xa: {  	[smem:$0x3FA8] =	sst s2  }
0xb: {  	[smem:$0x3FA9] =	sst s3  }
0xc: {  	[smem:$0x3FAA] =	sst s4  }
0xd: {  	[smem:$0x3FAB] =	sst s5  }
0xe: {  	[smem:$0x3FAC] =	sst s6  }
0xf: {  	[smem:$0x3FAD] =	sst s7  }
0x10: {  	[smem:$0x3FAE] =	sst s8  }
0x11: {  	[smem:$0x3FAF] =	sst s9;
	s0 =	simm.s32 @!p0 $0x0  }
0x12: {  	s1 =	sld [smem:$0x3F95];
	s0 =	simm.s32 @p0 $0x1  }
0x13: {  	[smem:$0x3FB0] =	sst s0;
	s0 =	simm.s32 @!p1 $0x0  }
0x14: {  	s2 =	sld [smem:$0x3F94];
	s0 =	simm.s32 @p1 $0x1  }
0x15: {  	[smem:$0x3FB1] =	sst s0;
	s0 =	simm.s32 @!p2 $0x0  }
0x16: {  	s3 =	sld [smem:$0x3FDB];
	s0 =	simm.s32 @p2 $0x1  }
0x17: {  	s4 =	simm.s32 $0x1BF5;
	[smem:$0x3FB3] =	sst s0  }
0x18: {  	s0 =	sld [smem:$0x3F96];
	_ =	swait.ge [sflag:s4], $0x0  }
0x19: {  	s7 =	sld [smem:$0x3F97]  }
0x1a: {  	s8 =	sadd.s32 $0xFFFFE003, lr  }
0x1b: {  	s9 =	sadd.s32 $0xFFFFFEF7, lr;
	s5 =	simm.s32 $0xFFFFFFFF;
	p2 =	slt.u32 s8, $0xFFFFF086  }
0x1c: {  	p1 =	slt.u32 s9, $0xF7A;
	s5 =	simm.s32 @!p2 $0x0  }
0x1d: {  	s5 =	simm.s32 @p1 $0x1;
	p0 =	seq.s32 s7, s2  }
0x1e: {  	s7 =	smul.u32 @!p0 $0xF7A, s2;
	p2 =	seq.s32 @!p0 s5, $0x0  }
0x1f: {  	s9 =	smul.u32 $0xF7A, s1;
	s8 =	simm.s32 @!p0 $0x1BF5;
	p2 =	por !p2, p0  }
0x20: {  	[sflag:s8] =	ssyncset.s32 @!p0 $0xFFFFF086;
	s6 =	sadd.s32 @!p0 s3, s7;
	s7 =	simm.s32 @!p0 $0x108  }
0x21: {  	s3 =	sadd.s32 s3, s9;
	s6 =	sadd.s32 @!p0 $0x88, s6;
	s7 =	simm.s32 @p2 $0x1082  }
0x22: {  	[simem:s7], [sflag:s8] =	dma.local @!p0 [hbm:s6], $0xF7A  }
0x23: {  	s9 =	sor.u32 $0xD0000000, s2;
	s6 =	simm.s32 $0x108;
	_ =	swait.ge @!p0 [sflag:s8], $0x0  }
0x24: {  	s3 =	sadd.s32 $0x88, s3;
	s6 =	simm.s32 @!p1 $0x1082;
	[sflag:s4] =	ssyncset.s32 $0xFFFFF086  }
0x25: {  	[simem:s6], [sflag:s4] =	dma.local [hbm:s3], $0xF7A  }
0x26: {  	[smem:$0x3F97] =	sst s1;
	(tag) =	ssettag s2;
	_ =	strace s9  }
0x27: {  	s1 =	sld [smem:$0x3FA7]  }
0x28: {  	s2 =	sld [smem:$0x3FA8]  }
0x29: {  	s4 =	sld [smem:$0x3FAA]  }
0x2a: {  	p0 =	seq.s32 s5, $0x0;
	s5 =	sld [smem:$0x3FAB]  }
0x2b: {  	s6 =	sld [smem:$0x3FAC]  }
0x2c: {  	s7 =	sld [smem:$0x3FAD]  }
0x2d: {  	s3 =	simm.s32 $0x108;
	s8 =	sld [smem:$0x3FAE]  }
0x2e: {  	s3 =	simm.s32 @!p0 $0x1082;
	s9 =	sld [smem:$0x3FAF]  }
0x2f: {  	lr =	sadd.s32 s0, s3;
	s0 =	sld [smem:$0x3FA6]  }
0x30: {  	s3 =	sld [smem:$0x3FA9]  }
0x31: {  	[smem:$0x3FB2] =	sst s10  }
0x32: {  	s10 =	sld [smem:$0x3FB0];
	_ =	sdelay $0x3  }
0x33: {  	p0 =	seq.s32 s10, $0x1;
	s10 =	sld [smem:$0x3FB2];
	_ =	sdelay $0x3  }
0x34: {  	[smem:$0x3FB2] =	sst s10  }
0x35: {  	s10 =	sld [smem:$0x3FB1];
	_ =	sdelay $0x3  }
0x36: {  	p1 =	seq.s32 s10, $0x1;
	s10 =	sld [smem:$0x3FB2];
	_ =	sdelay $0x3  }
0x37: {  	[smem:$0x3FB2] =	sst s10  }
0x38: {  	s10 =	sld [smem:$0x3FB3]  }
0x39: {  	_ = 	snop;
	(pc) =	sbr.ind lr, $3  }
0x3a: {  	_ = 	snop  }
0x3b: {  	_ = 	snop  }
0x3c: {  	p2 =	seq.s32 s10, $0x1;
	s10 =	sld [smem:$0x3FB2]  }
0x3d: {  	_ =	shalt  }
0x3e: {  	_ =	shalt  }
0x3f: {  	_ =	shalt  }
0x40: {  	_ =	shalt  }
0x41: {  	_ =	shalt  }
0x42: {  	_ =	shalt  }
0x43: {  	_ =	shalt  }
0x44: {  	_ =	shalt  }
0x45: {  	_ =	shalt  }
0x46: {  	_ =	shalt  }
0x47: {  	_ =	shalt  }
0x48: {  	_ =	shalt  }
0x49: {  	_ =	shalt  }
0x4a: {  	_ =	shalt  }
0x4b: {  	_ =	shalt  }
0x4c: {  	_ =	shalt  }
0x4d: {  	_ =	shalt  }
0x4e: {  	_ =	shalt  }
0x4f: {  	_ =	shalt  }
0x50: {  	_ =	shalt  }
0x51: {  	_ =	shalt  }
0x52: {  	_ =	shalt  }
0x53: {  	_ =	shalt  }
0x54: {  	_ =	shalt  }
0x55: {  	_ =	shalt  }
0x56: {  	_ =	shalt  }
0x57: {  	_ =	shalt  }
0x58: {  	_ =	shalt  }
0x59: {  	_ =	shalt  }
0x5a: {  	_ =	shalt  }
0x5b: {  	_ =	shalt  }
0x5c: {  	_ =	shalt  }
0x5d: {  	_ =	shalt  }
0x5e: {  	_ =	shalt  }
0x5f: {  	_ =	shalt  }
0x60: {  	_ =	shalt  }
0x61: {  	_ =	shalt  }
0x62: {  	_ =	shalt  }
0x63: {  	_ =	shalt  }
0x64: {  	_ =	shalt  }
0x65: {  	_ =	shalt  }
0x66: {  	_ =	shalt  }
0x67: {  	_ =	shalt  }
0x68: {  	_ =	shalt  }
0x69: {  	_ =	shalt  }
0x6a: {  	_ =	shalt  }
0x6b: {  	_ =	shalt  }
0x6c: {  	_ =	shalt  }
0x6d: {  	_ =	shalt  }
0x6e: {  	_ =	shalt  }
0x6f: {  	_ =	shalt  }
0x70: {  	_ =	shalt  }
0x71: {  	_ =	shalt  }
0x72: {  	_ =	shalt  }
0x73: {  	_ =	shalt  }
0x74: {  	_ =	shalt  }
0x75: {  	_ =	shalt  }
0x76: {  	_ =	shalt  }
0x77: {  	_ =	shalt  }
0x78: {  	_ =	shalt  }
0x79: {  	_ =	shalt  }
0x7a: {  	_ =	shalt  }
0x7b: {  	_ =	shalt  }
0x7c: {  	_ =	shalt  }
0x7d: {  	_ =	shalt  }
0x7e: {  	_ =	shalt  }
0x7f: {  	_ =	shalt  }
0x80: {  	_ =	shalt  }
0x81: {  	_ =	shalt  }
0x82: {  	_ =	shalt  }
0x83: {  	_ =	shalt  }
0x84: {  	_ =	shalt  }
0x85: {  	_ =	shalt  }
0x86: {  	_ =	shalt  }
0x87: {  	_ =	shalt  }
.Lfunc_end0:
.L_simem_size_0:
called_computation_lowered:
.L_overlay_start_0:
0x88: {  	s2 =	sld [smem:$0x3FD9]  }
0x89: {  	s3 =	sld [smem:$0x3FFE];
	_ =	sdelay $0x1  }
0x8a: {  	s1 =	srdreg.scid  }
0x8b: {  	s0 =	sand.u32 $0x1, s1  }
0x8c: {  	s16 =	sshll.u32 s0, $0xA;
	s2 =	sadd.s32 s3, s2  }
0x8d: {  	s2 =	sadd.s32 s2, s16  }
0x8e: {  	[smem:$0x3FBE] =	sst s2  }
0x8f: {  	_ = 	snop  }
0x90: {  	(tm) =	ssettm $0x1  }
0x91: {  	s17 =	sld [smem:$0x3FFB];
	_ =	sdelay $0x3  }
0x92: {  	_ =	strace s17  }
0x93: {  	s2 =	sld [smem:$0x3FFC];
	_ =	sdelay $0x3  }
0x94: {  	_ =	strace s2  }
0x95: {  	s2 =	sld [smem:$0x3FFD];
	_ =	sdelay $0x3  }
0x96: {  	_ =	strace s2  }
0x97: {  	_ =	strace $0x8FFFFFFF  }
0x98: {  	s18 =	sld [smem:$0x3FDB];
	_ =	sdelay $0x1  }
0x99: {  	s19 =	simm.s32 $_scs_section_size  }
0x9a: {  	s4 =	simm.s32 $_size__tile_overlayer_lowered;
	s5 =	simm.s32 $_tile_overlayer_lowered  }
0x9b: {  	s22 =	simm.s32 $0x1BFF;
	s21 =	sshll.u32 s5, $0x1;
	s2 =	sadd.s32 s19, s18  }
0x9c: {  	s6 =	simm.s32 $0x0;
	s20 =	sshll.u32 s4, $0x1;
	s4 =	sadd.s32 s21, s2  }
0x9d: {  	[timem:s6], [sflag:s22] =	dma.local [hbm:s4], s20  }
0x9e: {  	_ =	swait.ge [sflag:s22], s20  }
0x9f: {  	s3 =	ssub.s32 $0x0, s20;
	[sflag:s22] =	ssyncset.done $0x0  }
0xa0: {  	[sflag:s22] =	ssyncadd.s32 s3;
	_ =	sdelay $0x1  }
0xa1: {  	s23 =	simm.s32 $0x1B8B  }
0xa2: {  	_ =	swait.ge [sflag:s23], $0x1  }
0xa3: {  	[sflag:s23] =	ssyncset.done $0x0  }
0xa4: {  	s25 =	simm.s32 $0x1B8E;
	s24 =	sld [smem:$0x3FFE];
	[sflag:s23] =	ssyncadd.s32 $0xFFFFFFFF  }
0xa5: {  	s26 =	simm.s32 $execute0_lowered;
	[smem:$0x3FD2] =	sst s25  }
0xa6: {  	s4 =	sshll.u32 s26, $0x1;
	_ =	strace $0x80000046;
	[dreg:$0x1] =	wrdreg $0xFFFFFFFF  }
0xa7: {  	s28 =	simm.s32 $_size_execute0_lowered;
	s2 =	sadd.s32 s2, s4;
	[dreg:$0x0] =	wrdreg $0x0  }
0xa8: {  	s4 =	sshll.u32 s28, $0x1;
	[dreg:$0x2] =	wrdreg s2  }
0xa9: {  	[dreg:$0x3] =	wrdreg s4  }
0xaa: {  	[dreg:$0x4] =	wrdreg $0xC0  }
0xab: {  	_ =	task [dreg:s6], $0x5FFFF  }
0xac: {  	[dreg:$0x1] =	wrdreg $0xFFFFFFFF  }
0xad: {  	[dreg:$0x0] =	wrdreg $0x60  }
0xae: {  	[dreg:$0x2] =	wrdreg s24  }
0xaf: {  	[dreg:$0x3] =	wrdreg $0xB7000  }
0xb0: {  	[dreg:$0x4] =	wrdreg $0x9  }
0xb1: {  	_ =	task.clear_ibuf [dreg:s6], $0x5FFFF;
	_ =	strace $0x90000046  }
0xb2: {  	s29 =	simm.s32 $0x9;
	_ =	strace $0x80000048  }
0xb3: {  	_ =	swait.ge [sflag:s29], $0x1  }
0xb4: {  	[sflag:s29] =	ssyncadd.s32 $0xFFFFFFFF  }
0xb5: {  	_ =	strace $0x90000048  }
0xb6: {  	_ =	sfence  }
0xb7: {  	s30 =	sld [smem:$0x0];
	_ =	sdelay $0x2  }
0xb8: {  	s31 =	sshll.u32 s1, $0xD;
	s1 =	sshrl.u32 s1, $0x2  }
0xb9: {  	s3 =	sand.u32 $0x4000, s31;
	s1 =	sadd.s32 s1, s30  }
0xba: {  	s0 =	sor.u32 s3, s0;
	s1 =	sshll.u32 s1, $0x11  }
0xbb: {  	s0 =	sor.u32 s1, s0  }
0xbc: {  	s0 =	sadd.s32 $0x8F2B, s0  }
0xbd: {  	[sflag:s0] =	ssyncadd.remote.s32 $0x1  }
0xbe: {  	_ =	sfence.sel $0xFFFF  }
0xbf: {  	[dreg:$0x0] =	wrdreg $0xFFFFFFFF;
	(pc) =	sbr.abs _section_cstart, $3  }
0xc0: {  	[dreg:$0x1] =	wrdreg $0xFFFFFFFF  }
0xc1: {  	_ =	task.clear_ibuf [dreg:s6], $0x2FFFF;
	_ =	strace $0x9FFFFFFF  }
0xc2: {  	(tm) =	ssettm $0x7FFFFFFF  }
0xc3: {  	_ =	shalt  }
tec
execute0_lowered:
.L_overlay_start_1:
0x0: {  	(tag) =	ssettag $0x1  }
0x1: {  	s0 =	rddreg [dreg:$0x0]  }
0x2: {  	s8 =	rddreg [dreg:$0x1];
	s1 =	simm.s32 $0x0;
	s7 =	stileid.u32  }
0x3: {  	s2 =	srdreg.scid;
	[smem:$0x7FF] =	sst s1  }
0x4: {  	s15 =	smul.u32 $0x13C00, s7;
	s3 =	sadd.s32 $0x15000, s0;
	s2 =	sand.u32 $0x1, s2  }
0x5: {  	s16 =	sadd.s32 $0x63200, s0;
	s9 =	sadd.s32 $0xB200, s0;
	s10 =	sadd.s32 $0x1400, s0  }
0x6: {  	s18 =	sshll.u32 s7, $0x1;
	_ =	strace $0x80000047;
	[dreg:$0x1b] =	wrdreg s3  }
0x7: {  	s5 =	smul.u32 $0x4F000, s7;
	s22 =	sshll.u32 s7, $0x6;
	[dreg:$0x1c] =	wrdreg s16  }
0x8: {  	s7 =	simm.s32 $0x280;
	s4 =	smul.u32 $0x13C000, s2;
	[dreg:$0x1d] =	wrdreg s9  }
0x9: {  	s6 =	ssub.s32 $0x2, s2;
	s2 =	sor.u32 s2, s18;
	[dreg:$0x1e] =	wrdreg s10  }
0xa: {  	s17 =	sshrl.u32 s15, $0x3;
	s19 =	sshrl.u32 s6, $0x1;
	s2 =	smul.u32 $0x2710, s2  }
0xb: {  	s3 =	sadd.s32 s17, s0;
	s20 =	ssub.s32 s6, s19;
	s6 =	sor.u32 $0x1C0A, s22  }
0xc: {  	s5 =	sshrl.u32 s5, $0x2;
	s3 =	sadd.s32 $0x8A400, s3;
	[smem:$0x7FC] =	sst s6  }
0xd: {  	s1 =	sadd.s32 s15, s4;
	s29 =	sadd.s32 $0x50, s2;
	[dreg:$0x1f] =	wrdreg s3  }
0xe: {  	s23 =	sadd.s32 $0x28, s2;
	s30 =	sadd.s32 $0x78, s2;
	[smem:$0x7F7] =	sst s29  }
0xf: {  	s24 =	sshrl.u32 s2, $0x3;
	s2 =	sadd.s32 $0xA0, s2;
	[smem:$0x7F8] =	sst s30  }
0x10: {  	s21 =	sadd.s32 s5, s8;
	s31 =	smax.u32 s20, $0x1;
	[smem:$0x7F9] =	sst s2  }
0x11: {  	s1 =	sshrl.u32 s1, $0x3;
	s25 =	sadd.s32 s9, s24;
	[smem:$0x7FB] =	sst s31  }
0x12: {  	s0 =	sadd.s32 s1, s0;
	s3 =	sadd.s32 s10, s24;
	[smem:$0x7F3] =	sst s25  }
0x13: {  	s5 =	sshrl.u32 s23, $0x3;
	s1 =	sshrl.u32 s21, $0x3;
	[smem:$0x7F4] =	sst s3  }
0x14: {  	s4 =	simm.s32 $0x28;
	s26 =	sadd.s32 s9, s5;
	[smem:$0x7FD] =	sst s1  }
0x15: {  	v2 =	vlaneseq.u32;
	s8 =	simm.s32 $0x0;
	s28 =	sadd.s32 s10, s5;
	[smem:$0x7F5] =	sst s26  }
0x16: {  	vm0 =	vmmov $0xffff;
	v1 =	vshrl.u32 v2, $0x3;
	s2 =	simm.s32 $0xA;
	s0 =	sadd.s32 $0xB1C00, s0;
	[smem:$0x7F6] =	sst s28  }
0x17: {  	v0 =	vand.u32 $0x7, v2;
	v2 =	vor.u32 $0x8, v2;
	v1 =	vmul.u32 $0x8, v1;
	s3 =	simm.s32 $0x180;
	s5 =	simm.s32 $0x7B00;
	[smem:$0x7FA] =	sst s0  }
.LBB2_1:
0x18: {  	[smem:$0x7F2] =	sst s8  }
0x19: {  	s0 =	rddreg [dreg:$0x1f]  }
0x1a: {  	[spmem:s1], [sflag:s6] =	dma.local [hbm:s0], $0x2780  }
0x1b: {  	_ =	swait.ge [sflag:s2], $0x2780  }
0x1c: {  	[sflag:s2] =	ssyncset.done $0x0  }
0x1d: {  	[sflag:s2] =	ssyncadd.s32 $0xFFFFD880  }
0x1e: {  	[bflag:$0x0] =	sbarrier.arrive $0xFFFF  }
0x1f: {  	s17 =	sld [smem:$0x7F3];
	_ =	sdelay $0x1  }
0x20: {  	s16 =	simm.s32 $0x0;
	s18 =	sld [smem:$0x7F4]  }
0x21: {  	[tilespmem:s16], [sflag:$0x1] =	stream.linear.gather [hbm4b:s17+s16], $0x28, $0x38;
	[tilespmem:$0x1F300] =	vst v63  }
0x22: {  	s19 =	sld [smem:$0x7F5]  }
0x23: {  	[tilespmem:s3], [sflag:$0x1] =	stream.linear.gather [hbm4b:s18+s16], $0x28, $0x38;
	[tilespmem:$0x1F300] =	vst v63  }
0x24: {  	s20 =	simm.s32 $0x80;
	s21 =	sld [smem:$0x7F6]  }
0x25: {  	[tilespmem:s20], [sflag:$0x2] =	stream.linear.gather [hbm4b:s19+s16], $0x28, $0x38;
	[tilespmem:$0x1F300] =	vst v63  }
0x26: {  	s22 =	simm.s32 $0x200;
	s23 =	simm.s32 $0x1  }
0x27: {  	[tilespmem:s22], [sflag:$0x2] =	stream.linear.gather [hbm4b:s21+s16], $0x28, $0x38;
	[tilespmem:$0x1F300] =	vst v63  }
0x28: {  	_ =	swait.ge [sflag:s23], $0x28  }
0x29: {  	[sflag:s23] =	ssyncset.done $0x0  }
0x2a: {  	[sflag:s23] =	ssyncadd.s32 $0xFFFFFFD8  }
0x2b: {  	_ =	swait.ge [sflag:s23], $0x28  }
0x2c: {  	[sflag:s23] =	ssyncset.done $0x0  }
0x2d: {  	[sflag:s23] =	ssyncadd.s32 $0xFFFFFFD8  }
0x2e: {  	v3 =	vld [tilespmem:$0x0];
	_ =	sdelay $0x4  }
0x2f: {  	v4 =	vshll.u32 v3, $0x1  }
0x30: {  	v3 =	vand.u32 $0x7, v3;
	v4 =	vand.u32 $0xFFFFFFF0, v4  }
0x31: {  	v3 =	vor.u32 v3, v4  }
0x32: {  	v4 =	vperm.xlane v3, v0;
	_ =	sdelay $0x1  }
0x33: {  	v3 =	vperm.xlane v3, v2;
	v4 =	vadd.s32 v1, v4;
	_ =	sdelay $0x1  }
0x34: {  	v3 =	vadd.s32 v1, v3;
	_ =	sdelay $0x1  }
0x35: {  	s25 =	simm.s32 $0x300;
	s24 =	rddreg [dreg:$0x1b]  }
0x36: {  	[tilespmem:s25], [sflag:$0x4] =	stream.indirect_vreg.gather [hbm4b:s24+s16], $0x80, v4, vm0, $0xb8;
	[tilespmem:$0x1F300] =	vst v63  }
0x37: {  	s26 =	simm.s32 $0xB00  }
0x38: {  	[tilespmem:s26], [sflag:$0x4] =	stream.indirect_vreg.gather [hbm4b:s24+s16], $0x80, v3, vm0, $0xb8;
	[tilespmem:$0x1F300] =	vst v63  }
0x39: {  	v3 =	vld [tilespmem:$0x10];
	_ =	sdelay $0x4  }
0x3a: {  	v62 =	vshll.u32 v3, $0x1  }
0x3b: {  	v3 =	vand.u32 $0x7, v3;
	v4 =	vand.u32 $0xFFFFFFF0, v62  }
0x3c: {  	v3 =	vor.u32 v3, v4  }
0x3d: {  	v4 =	vperm.xlane v3, v0;
	_ =	sdelay $0x1  }
0x3e: {  	v3 =	vperm.xlane v3, v2;
	v4 =	vadd.s32 v1, v4;
	_ =	sdelay $0x1  }
0x3f: {  	v3 =	vadd.s32 v1, v3;
	_ =	sdelay $0x1  }
0x40: {  	s28 =	simm.s32 $0x1300  }
0x41: {  	[tilespmem:s28], [sflag:$0x4] =	stream.indirect_vreg.gather [hbm4b:s24+s16], $0x80, v4, vm0, $0xb8;
	[tilespmem:$0x1F300] =	vst v63  }
0x42: {  	s29 =	simm.s32 $0x1B00  }
0x43: {  	[tilespmem:s29], [sflag:$0x4] =	stream.indirect_vreg.gather [hbm4b:s24+s16], $0x80, v3, vm0, $0xb8;
	[tilespmem:$0x1F300] =	vst v63  }
0x44: {  	v3 =	vld.msk [tilespmem:$0x20], $0xff;
	_ =	sdelay $0x4  }
0x45: {  	v63 =	vshll.u32 v3, $0x1  }
0x46: {  	v3 =	vand.u32 $0x7, v3;
	v4 =	vand.u32 $0xFFFFFFF0, v63  }
0x47: {  	v3 =	vor.u32 v3, v4  }
0x48: {  	v3 =	vperm.xlane v3, v0;
	_ =	sdelay $0x1  }
0x49: {  	v3 =	vadd.s32 v1, v3;
	_ =	sdelay $0x3  }
0x4a: {  	s30 =	simm.s32 $0x2300  }
0x4b: {  	[tilespmem:s30], [sflag:$0x4] =	stream.indirect_vreg.gather [hbm4b:s24+s16], $0x80, v3, vm0, $0xb8;
	[tilespmem:$0x1F300] =	vst v63  }
0x4c: {  	s31 =	rddreg [dreg:$0x1c]  }
0x4d: {  	[tilespmem:s5], [sflag:$0x4] =	stream.indirect.gather [hbm4b:s31+s4], $0x80, s3, s4, $0xb8;
	[tilespmem:$0x1F300] =	vst v63  }
0x4e: {  	s3 =	simm.s32 $0x0  }
.LBB2_2:
0x4f: {  	s0 =	simm.s32 $0x2  }
0x50: {  	_ =	swait.ge [sflag:s0], $0x28  }
0x51: {  	[sflag:s0] =	ssyncset.done $0x0  }
0x52: {  	[sflag:s0] =	ssyncadd.s32 $0xFFFFFFD8  }
0x53: {  	_ =	swait.ge [sflag:s0], $0x28  }
0x54: {  	[sflag:s0] =	ssyncset.done $0x0  }
0x55: {  	[sflag:s0] =	ssyncadd.s32 $0xFFFFFFD8  }
0x56: {  	v3 =	vld [tilespmem:$0x80];
	_ =	sdelay $0x4  }
0x57: {  	v4 =	vshll.u32 v3, $0x1  }
0x58: {  	v3 =	vand.u32 $0x7, v3;
	v4 =	vand.u32 $0xFFFFFFF0, v4  }
0x59: {  	v3 =	vor.u32 v3, v4  }
0x5a: {  	v4 =	vperm.xlane v3, v0;
	_ =	sdelay $0x1  }
0x5b: {  	v3 =	vperm.xlane v3, v2;
	v4 =	vadd.s32 v1, v4;
	_ =	sdelay $0x1  }
0x5c: {  	v3 =	vadd.s32 v1, v3;
	_ =	sdelay $0x1  }
0x5d: {  	s30 =	simm.s32 $0x0;
	s2 =	simm.s32 $0x2B00;
	s1 =	rddreg [dreg:$0x1b]  }
0x5e: {  	[tilespmem:s2], [sflag:$0x5] =	stream.indirect_vreg.gather [hbm4b:s1+s30], $0x80, v4, vm0, $0xb8;
	[tilespmem:$0x1F300] =	vst v63  }
0x5f: {  	s5 =	simm.s32 $0x3300  }
0x60: {  	[tilespmem:s5], [sflag:$0x5] =	stream.indirect_vreg.gather [hbm4b:s1+s30], $0x80, v3, vm0, $0xb8;
	[tilespmem:$0x1F300] =	vst v63  }
0x61: {  	v3 =	vld [tilespmem:$0x90];
	_ =	sdelay $0x4  }
0x62: {  	v4 =	vshll.u32 v3, $0x1  }
0x63: {  	v3 =	vand.u32 $0x7, v3;
	v4 =	vand.u32 $0xFFFFFFF0, v4  }
0x64: {  	v3 =	vor.u32 v3, v4  }
0x65: {  	v4 =	vperm.xlane v3, v0;
	_ =	sdelay $0x1  }
0x66: {  	v3 =	vperm.xlane v3, v2;
	v4 =	vadd.s32 v1, v4;
	_ =	sdelay $0x1  }
0x67: {  	v3 =	vadd.s32 v1, v3;
	_ =	sdelay $0x1  }
0x68: {  	s6 =	simm.s32 $0x3B00  }
0x69: {  	[tilespmem:s6], [sflag:$0x5] =	stream.indirect_vreg.gather [hbm4b:s1+s30], $0x80, v4, vm0, $0xb8;
	[tilespmem:$0x1F300] =	vst v63  }
0x6a: {  	s8 =	simm.s32 $0x4300  }
0x6b: {  	[tilespmem:s8], [sflag:$0x5] =	stream.indirect_vreg.gather [hbm4b:s1+s30], $0x80, v3, vm0, $0xb8;
	[tilespmem:$0x1F300] =	vst v63  }
0x6c: {  	v3 =	vld.msk [tilespmem:$0xA0], $0xff;
	_ =	sdelay $0x4  }
0x6d: {  	v4 =	vshll.u32 v3, $0x1  }
0x6e: {  	v3 =	vand.u32 $0x7, v3;
	v4 =	vand.u32 $0xFFFFFFF0, v4  }
0x6f: {  	v3 =	vor.u32 v3, v4  }
0x70: {  	v3 =	vperm.xlane v3, v0;
	_ =	sdelay $0x1  }
0x71: {  	v3 =	vadd.s32 v1, v3;
	_ =	sdelay $0x2  }
0x72: {  	s9 =	simm.s32 $0x4B00  }
0x73: {  	s11 =	simm.s32 $0x200;
	p0 =	seq.s32 s3, $0x0;
	s10 =	rddreg [dreg:$0x1c]  }
0x74: {  	[tilespmem:s9], [sflag:$0x5] =	stream.indirect_vreg.gather [hbm4b:s1+s30], $0x80, v3, vm0, $0xb8;
	[tilespmem:$0x1F300] =	vst v63  }
0x75: {  	s12 =	simm.s32 $0x8F00;
	[smem:$0x7F0] =	sst s3;
	s0 =	simm.s32 @!p0 $0x9  }
0x76: {  	[tilespmem:s12], [sflag:$0x5] =	stream.indirect.gather [hbm4b:s10+s4], $0x80, s11, s4, $0xb8;
	[tilespmem:$0x1F300] =	vst v63  }
0x77: {  	_ =	swait.ge @!p0 [sflag:s0], $0x1400  }
0x78: {  	s14 =	sld [smem:$0x7F7]  }
0x79: {  	s13 =	smul.u32 $0x78, s3;
	_ =	sdelay $0x1  }
0x7a: {  	s16 =	simm.s32 $0x0;
	s17 =	simm.s32 $0x100;
	s1 =	sadd.s32 s13, s14  }
0x7b: {  	[sflag:s0] =	ssyncset.done @!p0 $0x0;
	s15 =	rddreg [dreg:$0x1d];
	s1 =	sshrl.u32 s1, $0x3  }
0x7c: {  	s18 =	rddreg [dreg:$0x1e];
	[sflag:s0] =	ssyncadd.s32 @!p0 $0xFFFFEC00;
	s0 =	sadd.s32 s15, s1  }
0x7d: {  	[tilespmem:s17], [sflag:$0x3] =	stream.linear.gather [hbm4b:s0+s16], $0x28, $0x38;
	[tilespmem:$0x1F300] =	vst v63  }
0x7e: {  	s19 =	simm.s32 $0x4;
	[smem:$0x7F1] =	sst s13;
	s0 =	sadd.s32 s18, s1  }
0x7f: {  	[tilespmem:s7], [sflag:$0x3] =	stream.linear.gather [hbm4b:s0+s16], $0x28, $0x38;
	[tilespmem:$0x1F300] =	vst v63  }
0x80: {  	_ =	swait.ge [sflag:s19], $0x2800  }
0x81: {  	s22 =	simm.s32 $0x180;
	s20 =	sand.u32 $0x7, s16;
	[sflag:s19] =	ssyncset.done $0x0  }
0x82: {  	s23 =	sand.u32 $0x3800, s16;
	s24 =	sand.u32 $0x380, s22;
	[sflag:s19] =	ssyncadd.s32 $0xFFFFD800  }
0x83: {  	s2 =	sand.u32 $0x3, s16;
	s0 =	sshll.u32 s20, $0x7;
	_ =	swait.ge [sflag:s19], $0x1400  }
0x84: {  	s2 =	sshll.u32 s2, $0x8;
	s0 =	sadd.s32 $0x0, s0;
	[sflag:s19] =	ssyncset.done $0x0  }
0x85: {  	s11 =	simm.s32 $0x7C00;
	s7 =	sadd.s32 $0x180, s0;
	[sflag:s19] =	ssyncadd.s32 $0xFFFFEC00  }
0x86: {  	s4 =	simm.s32 $0x1;
	p0 =	por $0x0, $0x0;
	s21 =	sor.u32 $0x400, s7;
	v3 =	vld [tilespmem:s11+$0x80]  }
0x87: {  	s5 =	sor.u32 $0x300, s23;
	s2 =	sadd.s32 $0x0, s2;
	s4 =	simm.s32 @!p0 $0x0;
	v4 =	vld [tilespmem:s21+$0x300]  }
0x88: {  	s2 =	sadd.s32 $0x100, s2;
	s28 =	sshll.u32 s4, $0x9;
	s1 =	sadd.s32 s24, s5  }
0x89: {  	s25 =	sor.u32 $0x400, s2;
	s4 =	sadd.s32 $0x0, s28;
	v5 =	vld [tilespmem:s1+$0x0]  }
0x8a: {  	s8 =	sor.u32 $0x400, s4;
	v6 =	vld [tilespmem:s25+$0x300]  }
0x8b: {  	v9 =	vld [tilespmem:s8+$0x300]  }
0x8c: {  	s6 =	sadd.s32 $0x80, s0;
	v10 =	vld [tilespmem:s11+$0x0];
	v3 =	vadd.f32 v3, v4  }
0x8d: {  	s0 =	sor.u32 $0x400, s6;
	v11 =	vld [tilespmem:s11+$0xFFFFFF00]  }
0x8e: {  	s26 =	simm.s32 $0x80;
	v4 =	vld [tilespmem:s0+$0x300];
	v3 =	vmax.f32 v3, $0.0e+00  }
0x8f: {  	s29 =	simm.s32 $0x7E00;
	s0 =	sand.u32 $0x280, s26;
	v3 =	vmul.f32 v3, v5;
	v5 =	vld [tilespmem:s11+$0xFFFFFF80]  }
0x90: {  	v59 =	vld [tilespmem:s29+$0xFFFFFF90];
	s0 =	sadd.s32 s0, s5  }
0x91: {  	v7 =	vld [tilespmem:s0+$0x0]  }
0x92: {  	s30 =	sor.u32 $0x410, s7;
	[tilespmem:s11+$0x80] =	vst v3;
	v3 =	vld [tilespmem:s11+$0x90]  }
0x93: {  	v8 =	vld [tilespmem:s30+$0x300]  }
0x94: {  	s8 =	simm.s32 $0x100;
	v63 =	vld [tilespmem:s29+$0xFFFFFF10];
	v4 =	vadd.f32 v5, v4  }
0x95: {  	v30 =	vld [tilespmem:s29+$0x20];
	s3 =	sand.u32 $0x300, s8  }
0x96: {  	s9 =	simm.s32 $0x0;
	s10 =	sadd.s32 s3, s5;
	v5 =	vld [tilespmem:s1+$0x10];
	v4 =	vmax.f32 v4, $0.0e+00  }
0x97: {  	s12 =	sand.u32 $0x200, s9;
	v12 =	vld [tilespmem:s10+$0x0];
	v4 =	vmul.f32 v4, v7  }
0x98: {  	s19 =	sadd.s32 s12, s5;
	v3 =	vadd.f32 v3, v8;
	v7 =	vld [tilespmem:s11+$0xFFFFFF90]  }
0x99: {  	s13 =	sor.u32 $0x410, s6;
	v8 =	vld [tilespmem:s19+$0x0];
	[tilespmem:s11+$0xFFFFFF80] =	vst v4  }
0x9a: {  	v3 =	vmax.f32 v3, $0.0e+00;
	v4 =	vadd.f32 v10, v6;
	v6 =	vld [tilespmem:s13+$0x300]  }
0x9b: {  	v9 =	vadd.f32 v11, v9;
	v3 =	vmul.f32 v3, v5;
	v5 =	vld [tilespmem:s11+$0x10]  }
0x9c: {  	v10 =	vld [tilespmem:s0+$0x10];
	v4 =	vmax.f32 v4, $0.0e+00  }
0x9d: {  	v9 =	vmax.f32 v9, $0.0e+00;
	[tilespmem:s11+$0x90] =	vst v3;
	v3 =	vmul.f32 v4, v12;
	v4 =	vld [tilespmem:s11+$0xA0]  }
0x9e: {  	s14 =	sor.u32 $0x420, s7;
	v8 =	vmul.f32 v9, v8;
	v9 =	vld [tilespmem:s11+$0xFFFFFF10]  }
0x9f: {  	v11 =	vld [tilespmem:s14+$0x300]  }
0xa0: {  	s15 =	sor.u32 $0x410, s2;
	v12 =	vld [tilespmem:s11+$0xFFFFFF20];
	[tilespmem:s11+$0x0] =	vst v3  }
0xa1: {  	v3 =	vadd.f32 v7, v6;
	v6 =	vld [tilespmem:s15+$0x300]  }
0xa2: {  	s16 =	sor.u32 $0x410, s4;
	[tilespmem:s11+$0xFFFFFF00] =	vst v8;
	v7 =	vld [tilespmem:s1+$0x20]  }
0xa3: {  	v8 =	vld [tilespmem:s16+$0x300];
	v3 =	vmax.f32 v3, $0.0e+00  }
0xa4: {  	v3 =	vmul.f32 v3, v10;
	v10 =	vld [tilespmem:s10+$0x10];
	v4 =	vadd.f32 v4, v11  }
0xa5: {  	v11 =	vld [tilespmem:s19+$0x10]  }
0xa6: {  	s17 =	sor.u32 $0x420, s6;
	[tilespmem:s11+$0xFFFFFF90] =	vst v3;
	v3 =	vld [tilespmem:s11+$0xFFFFFFA0];
	v4 =	vmax.f32 v4, $0.0e+00;
	v5 =	vadd.f32 v5, v6  }
0xa7: {  	v6 =	vld [tilespmem:s17+$0x300];
	v4 =	vmul.f32 v4, v7  }
0xa8: {  	v8 =	vadd.f32 v9, v8;
	v7 =	vld [tilespmem:s11+$0x20];
	v5 =	vmax.f32 v5, $0.0e+00  }
0xa9: {  	v9 =	vld [tilespmem:s0+$0x20];
	[tilespmem:s11+$0xA0] =	vst v4;
	v4 =	vmul.f32 v5, v10  }
0xaa: {  	s18 =	sor.u32 $0x430, s7;
	v8 =	vmax.f32 v8, $0.0e+00;
	v5 =	vld [tilespmem:s11+$0xB0]  }
0xab: {  	s20 =	sor.u32 $0x420, s2;
	v8 =	vmul.f32 v8, v11;
	v10 =	vld [tilespmem:s18+$0x300];
	[tilespmem:s11+$0x10] =	vst v4  }
0xac: {  	v4 =	vld [tilespmem:s20+$0x300]  }
0xad: {  	s21 =	sor.u32 $0x420, s4;
	[tilespmem:s11+$0xFFFFFF10] =	vst v8;
	v3 =	vadd.f32 v3, v6;
	v6 =	vld [tilespmem:s1+$0x30]  }
0xae: {  	v8 =	vld [tilespmem:s21+$0x300]  }
0xaf: {  	v11 =	vld [tilespmem:s10+$0x20];
	v3 =	vmax.f32 v3, $0.0e+00  }
0xb0: {  	v3 =	vmul.f32 v3, v9;
	v5 =	vadd.f32 v5, v10;
	v9 =	vld [tilespmem:s19+$0x20]  }
0xb1: {  	v10 =	vld [tilespmem:s11+$0xFFFFFF30]  }
0xb2: {  	s22 =	sor.u32 $0x430, s6;
	[tilespmem:s11+$0xFFFFFFA0] =	vst v3;
	v3 =	vmax.f32 v5, $0.0e+00;
	v4 =	vadd.f32 v7, v4;
	v7 =	vld [tilespmem:s11+$0x30]  }
0xb3: {  	v5 =	vld [tilespmem:s22+$0x300];
	v3 =	vmul.f32 v3, v6  }
0xb4: {  	v6 =	vld [tilespmem:s11+$0xFFFFFFB0];
	v4 =	vmax.f32 v4, $0.0e+00  }
0xb5: {  	s23 =	sor.u32 $0x440, s7;
	[tilespmem:s11+$0xB0] =	vst v3;
	v3 =	vadd.f32 v12, v8;
	v4 =	vmul.f32 v4, v11;
	v8 =	vld [tilespmem:s11+$0xC0]  }
0xb6: {  	v11 =	vld [tilespmem:s23+$0x300]  }
0xb7: {  	s24 =	sor.u32 $0x430, s2;
	v12 =	vld [tilespmem:s0+$0x30];
	v3 =	vmax.f32 v3, $0.0e+00;
	[tilespmem:s11+$0x20] =	vst v4  }
0xb8: {  	v3 =	vmul.f32 v3, v9;
	v4 =	vld [tilespmem:s24+$0x300]  }
0xb9: {  	v5 =	vadd.f32 v6, v5;
	v6 =	vld [tilespmem:s1+$0x40]  }
0xba: {  	s25 =	sor.u32 $0x430, s4;
	v9 =	vld [tilespmem:s10+$0x30];
	[tilespmem:s11+$0xFFFFFF20] =	vst v3  }
0xbb: {  	v5 =	vmax.f32 v5, $0.0e+00;
	v3 =	vld [tilespmem:s25+$0x300];
	v8 =	vadd.f32 v8, v11  }
0xbc: {  	v5 =	vmul.f32 v5, v12;
	v11 =	vld [tilespmem:s19+$0x30]  }
0xbd: {  	v12 =	vld [tilespmem:s11+$0xFFFFFF40];
	v8 =	vmax.f32 v8, $0.0e+00;
	v4 =	vadd.f32 v7, v4  }
0xbe: {  	s26 =	sor.u32 $0x440, s6;
	[tilespmem:s11+$0xFFFFFFB0] =	vst v5;
	v7 =	vld [tilespmem:s11+$0x40];
	v5 =	vmul.f32 v8, v6  }
0xbf: {  	v6 =	vld [tilespmem:s26+$0x300];
	v4 =	vmax.f32 v4, $0.0e+00  }
0xc0: {  	v3 =	vadd.f32 v10, v3;
	[tilespmem:s11+$0xC0] =	vst v5;
	v4 =	vmul.f32 v4, v9;
	v5 =	vld [tilespmem:s11+$0xD0]  }
0xc1: {  	s28 =	sor.u32 $0x450, s7;
	v9 =	vld [tilespmem:s11+$0xFFFFFFC0]  }
0xc2: {  	s30 =	sor.u32 $0x440, s2;
	v8 =	vld [tilespmem:s28+$0x300];
	v3 =	vmax.f32 v3, $0.0e+00;
	[tilespmem:s11+$0x30] =	vst v4  }
0xc3: {  	v3 =	vmul.f32 v3, v11;
	v4 =	vld [tilespmem:s30+$0x300]  }
0xc4: {  	v11 =	vld [tilespmem:s0+$0x40]  }
0xc5: {  	s5 =	sor.u32 $0x440, s4;
	[tilespmem:s11+$0xFFFFFF30] =	vst v3;
	v3 =	vld [tilespmem:s1+$0x50]  }
0xc6: {  	v10 =	vld [tilespmem:s5+$0x300]  }
0xc7: {  	v5 =	vadd.f32 v5, v8;
	v8 =	vld [tilespmem:s10+$0x40]  }
0xc8: {  	v6 =	vadd.f32 v9, v6;
	v9 =	vld [tilespmem:s19+$0x40]  }
0xc9: {  	v5 =	vmax.f32 v5, $0.0e+00;
	v4 =	vadd.f32 v7, v4;
	v7 =	vld [tilespmem:s11+$0xFFFFFF50]  }
0xca: {  	v3 =	vmul.f32 v5, v3;
	v5 =	vmax.f32 v6, $0.0e+00;
	v6 =	vld [tilespmem:s11+$0xFFFFFFD0]  }
0xcb: {  	v4 =	vmax.f32 v4, $0.0e+00;
	v10 =	vadd.f32 v12, v10;
	v5 =	vmul.f32 v5, v11;
	v11 =	vld [tilespmem:s11+$0x50]  }
0xcc: {  	s8 =	sor.u32 $0x460, s7;
	[tilespmem:s11+$0xD0] =	vst v3;
	v3 =	vmul.f32 v4, v8;
	v4 =	vld [tilespmem:s11+$0xE0]  }
0xcd: {  	s9 =	sor.u32 $0x450, s6;
	v8 =	vmax.f32 v10, $0.0e+00;
	[tilespmem:s11+$0xFFFFFFC0] =	vst v5;
	v5 =	vld [tilespmem:s8+$0x300]  }
0xce: {  	v8 =	vmul.f32 v8, v9;
	v9 =	vld [tilespmem:s9+$0x300]  }
0xcf: {  	[tilespmem:s11+$0x40] =	vst v3;
	v12 =	vld [tilespmem:s0+$0x50]  }
0xd0: {  	s12 =	sor.u32 $0x450, s2;
	[tilespmem:s11+$0xFFFFFF40] =	vst v8;
	v8 =	vld [tilespmem:s1+$0x60]  }
0xd1: {  	s13 =	sor.u32 $0x450, s4;
	v3 =	vld [tilespmem:s12+$0x300]  }
0xd2: {  	v10 =	vld [tilespmem:s13+$0x300];
	v4 =	vadd.f32 v4, v5  }
0xd3: {  	v32 =	vld [tilespmem:s29+$0xFFFFFF20]  }
0xd4: {  	v5 =	vadd.f32 v6, v9;
	v6 =	vld [tilespmem:s10+$0x50];
	v4 =	vmax.f32 v4, $0.0e+00  }
0xd5: {  	v9 =	vld [tilespmem:s19+$0x50];
	v4 =	vmul.f32 v4, v8  }
0xd6: {  	v3 =	vadd.f32 v11, v3;
	v8 =	vld [tilespmem:s11+$0xFFFFFF60];
	v5 =	vmax.f32 v5, $0.0e+00  }
0xd7: {  	s14 =	sor.u32 $0x470, s7;
	v7 =	vadd.f32 v7, v10;
	v10 =	vld [tilespmem:s11+$0xFFFFFFE0];
	v5 =	vmul.f32 v5, v12;
	[tilespmem:s11+$0xE0] =	vst v4  }
0xd8: {  	v4 =	vmax.f32 v3, $0.0e+00;
	v3 =	vld [tilespmem:s14+$0x300]  }
0xd9: {  	s15 =	sor.u32 $0x460, s6;
	v7 =	vmax.f32 v7, $0.0e+00;
	[tilespmem:s11+$0xFFFFFFD0] =	vst v5;
	v5 =	vld [tilespmem:s11+$0x60]  }
0xda: {  	v4 =	vmul.f32 v4, v6;
	v6 =	vmul.f32 v7, v9;
	v7 =	vld [tilespmem:s15+$0x300]  }
0xdb: {  	v11 =	vld [tilespmem:s0+$0x60]  }
0xdc: {  	s16 =	sor.u32 $0x460, s2;
	s15 =	simm.s32 $0x4;
	[tilespmem:s11+$0x50] =	vst v4;
	v4 =	vld [tilespmem:s1+$0x70]  }
0xdd: {  	s17 =	sor.u32 $0x460, s4;
	s18 =	sand.u32 $0x7, s15;
	[tilespmem:s11+$0xFFFFFF50] =	vst v6;
	v6 =	vld [tilespmem:s16+$0x300]  }
0xde: {  	s1 =	sshll.u32 s18, $0x7;
	v9 =	vld [tilespmem:s17+$0x300]  }
0xdf: {  	v12 =	vld [tilespmem:s10+$0x60];
	s20 =	sadd.s32 $0x400, s1  }
0xe0: {  	v13 =	vld [tilespmem:s19+$0x60];
	s1 =	sadd.s32 $0x180, s20  }
0xe1: {  	s21 =	simm.s32 $0x400;
	v7 =	vadd.f32 v10, v7;
	s22 =	sor.u32 $0x400, s1;
	v10 =	vld [tilespmem:s29+$0x80]  }
0xe2: {  	s23 =	sand.u32 $0x3800, s21;
	s14 =	simm.s32 $0x380;
	v15 =	vld [tilespmem:s22+$0x300];
	v14 =	vadd.f32 v5, v6  }
0xe3: {  	v35 =	vld [tilespmem:s29+$0xFFFFFFB0];
	s7 =	sor.u32 $0x300, s23;
	s24 =	sand.u32 $0x380, s14;
	v7 =	vmax.f32 v7, $0.0e+00;
	v8 =	vadd.f32 v8, v9  }
0xe4: {  	v37 =	vld [tilespmem:s29+$0x30];
	s3 =	sadd.s32 s24, s7;
	v9 =	vmul.f32 v7, v11;
	v7 =	vmax.f32 v14, $0.0e+00  }
0xe5: {  	v8 =	vmax.f32 v8, $0.0e+00;
	v11 =	vmul.f32 v7, v12;
	v12 =	vld [tilespmem:s3+$0x0]  }
0xe6: {  	s6 =	sor.u32 $0x470, s6;
	v14 =	vld [tilespmem:s29+$0xFFFFFF80];
	[tilespmem:s11+$0xFFFFFFE0] =	vst v9;
	v13 =	vmul.f32 v8, v13  }
0xe7: {  	s2 =	sor.u32 $0x470, s2;
	v8 =	vld [tilespmem:s6+$0x300];
	[tilespmem:s11+$0x60] =	vst v11;
	v11 =	vadd.f32 v10, v15  }
0xe8: {  	s4 =	sor.u32 $0x470, s4;
	[tilespmem:s11+$0xFFFFFF60] =	vst v13;
	v9 =	vld [tilespmem:s2+$0x300]  }
0xe9: {  	s31 =	simm.s32 $0x2;
	s2 =	sadd.s32 $0x80, s20;
	v10 =	vld [tilespmem:s4+$0x300];
	v13 =	vmax.f32 v11, $0.0e+00  }
0xea: {  	p0 =	por !p0, !p0;
	s25 =	sand.u32 $0x3, s31;
	v11 =	vld [tilespmem:s0+$0x70];
	s26 =	sor.u32 $0x400, s2;
	v12 =	vmul.f32 v13, v12  }
0xeb: {  	s28 =	simm.s32 $0x280;
	s30 =	sor.u32 $0x410, s1;
	s4 =	sshll.u32 s25, $0x8;
	v13 =	vld [tilespmem:s26+$0x300]  }
0xec: {  	s6 =	sand.u32 $0x280, s28;
	s0 =	simm.s32 $0x1;
	s4 =	sadd.s32 $0x400, s4;
	[tilespmem:s29+$0x80] =	vst v12;
	v12 =	vld [tilespmem:s29+$0x90]  }
0xed: {  	s13 =	sadd.s32 s6, s7;
	s0 =	simm.s32 @!p0 $0x0;
	s4 =	sadd.s32 $0x100, s4;
	v15 =	vld [tilespmem:s30+$0x300]  }
0xee: {  	v17 =	vld [tilespmem:s13+$0x0];
	s0 =	sshll.u32 s0, $0x9;
	s9 =	sor.u32 $0x400, s4  }
0xef: {  	s6 =	sadd.s32 $0x400, s0;
	v16 =	vld [tilespmem:s9+$0x300]  }
0xf0: {  	s0 =	sor.u32 $0x400, s6;
	v18 =	vld [tilespmem:s3+$0x10]  }
0xf1: {  	v19 =	vld [tilespmem:s0+$0x300];
	v13 =	vadd.f32 v14, v13  }
0xf2: {  	s5 =	simm.s32 $0x200;
	v14 =	vld [tilespmem:s29+$0xFFFFFF00];
	v12 =	vadd.f32 v12, v15  }
0xf3: {  	s8 =	sand.u32 $0x200, s5;
	s9 =	simm.s32 $0x300;
	v13 =	vmax.f32 v13, $0.0e+00;
	v15 =	vld [tilespmem:s29+$0x0]  }
0xf4: {  	v21 =	vld [tilespmem:s29+$0xFFFFFF30];
	s16 =	sadd.s32 s8, s7;
	s12 =	sand.u32 $0x300, s9;
	v13 =	vmul.f32 v13, v17;
	v12 =	vmax.f32 v12, $0.0e+00  }
0xf5: {  	v20 =	vld [tilespmem:s16+$0x0];
	s12 =	sadd.s32 s12, s7;
	v12 =	vmul.f32 v12, v18  }
0xf6: {  	v60 =	vld [tilespmem:s12+$0x0];
	[tilespmem:s29+$0xFFFFFF80] =	vst v13  }
0xf7: {  	v42 =	vld [tilespmem:s29+$0xFFFFFF40];
	s17 =	sor.u32 $0x410, s2;
	[tilespmem:s29+$0x90] =	vst v12;
	v12 =	vadd.f32 v14, v19  }
0xf8: {  	v13 =	vld [tilespmem:s17+$0x300];
	v15 =	vadd.f32 v15, v16  }
0xf9: {  	v62 =	vld [tilespmem:s13+$0x10];
	v12 =	vmax.f32 v12, $0.0e+00  }
0xfa: {  	s18 =	sor.u32 $0x420, s1;
	v14 =	vld [tilespmem:s29+$0xA0];
	v15 =	vmax.f32 v15, $0.0e+00;
	v12 =	vmul.f32 v12, v20  }
0xfb: {  	v61 =	vld [tilespmem:s18+$0x300];
	v15 =	vmul.f32 v15, v60  }
0xfc: {  	v23 =	vld [tilespmem:s3+$0x20];
	[tilespmem:s29+$0xFFFFFF00] =	vst v12  }
0xfd: {  	s22 =	sor.u32 $0x410, s4;
	v12 =	vld [tilespmem:s29+$0x10];
	[tilespmem:s29+$0x0] =	vst v15  }
0xfe: {  	s20 =	sor.u32 $0x410, s6;
	v13 =	vadd.f32 v59, v13;
	v15 =	vld [tilespmem:s22+$0x300]  }
0xff: {  	v24 =	vld [tilespmem:s20+$0x300]  }
0x100: {  	v44 =	vld [tilespmem:s29+$0xFFFFFFC0];
	v13 =	vmax.f32 v13, $0.0e+00;
	v14 =	vadd.f32 v14, v61  }
0x101: {  	v13 =	vmul.f32 v13, v62;
	v25 =	vld [tilespmem:s12+$0x10]  }
0x102: {  	v26 =	vld [tilespmem:s16+$0x10];
	v14 =	vmax.f32 v14, $0.0e+00  }
0x103: {  	s23 =	sor.u32 $0x420, s2;
	[tilespmem:s29+$0xFFFFFF90] =	vst v13;
	v13 =	vmul.f32 v14, v23;
	v14 =	vld [tilespmem:s29+$0xFFFFFFA0];
	v12 =	vadd.f32 v12, v15  }
0x104: {  	v27 =	vld [tilespmem:s23+$0x300];
	v15 =	vadd.f32 v63, v24  }
0x105: {  	s24 =	sor.u32 $0x430, s1;
	[tilespmem:s29+$0xA0] =	vst v13;
	v13 =	vld [tilespmem:s29+$0xB0];
	v12 =	vmax.f32 v12, $0.0e+00  }
0x106: {  	v28 =	vld [tilespmem:s24+$0x300];
	v15 =	vmax.f32 v15, $0.0e+00;
	v12 =	vmul.f32 v12, v25  }
0x107: {  	v29 =	vld [tilespmem:s13+$0x20];
	v15 =	vmul.f32 v15, v26  }
0x108: {  	s25 =	sor.u32 $0x420, s4;
	v31 =	vld [tilespmem:s3+$0x30];
	[tilespmem:s29+$0x10] =	vst v12  }
0x109: {  	s26 =	sor.u32 $0x420, s6;
	v14 =	vadd.f32 v14, v27;
	[tilespmem:s29+$0xFFFFFF10] =	vst v15;
	v12 =	vld [tilespmem:s25+$0x300]  }
0x10a: {  	v15 =	vld [tilespmem:s26+$0x300]  }
0x10b: {  	v45 =	vld [tilespmem:s29+$0x40];
	v14 =	vmax.f32 v14, $0.0e+00;
	v13 =	vadd.f32 v13, v28  }
0x10c: {  	v14 =	vmul.f32 v14, v29;
	v33 =	vld [tilespmem:s12+$0x20]  }
0x10d: {  	v34 =	vld [tilespmem:s16+$0x20];
	v13 =	vmax.f32 v13, $0.0e+00  }
0x10e: {  	v50 =	vld [tilespmem:s29+$0xFFFFFFD0];
	s28 =	sor.u32 $0x430, s2;
	[tilespmem:s29+$0xFFFFFFA0] =	vst v14;
	v13 =	vmul.f32 v13, v31;
	v12 =	vadd.f32 v30, v12  }
0x10f: {  	v14 =	vld [tilespmem:s28+$0x300];
	v15 =	vadd.f32 v32, v15  }
0x110: {  	s30 =	sor.u32 $0x440, s1;
	[tilespmem:s29+$0xB0] =	vst v13;
	v13 =	vld [tilespmem:s29+$0xC0];
	v12 =	vmax.f32 v12, $0.0e+00  }
0x111: {  	v36 =	vld [tilespmem:s30+$0x300];
	v15 =	vmax.f32 v15, $0.0e+00;
	v12 =	vmul.f32 v12, v33  }
0x112: {  	v38 =	vld [tilespmem:s13+$0x30];
	v15 =	vmul.f32 v15, v34  }
0x113: {  	s5 =	sor.u32 $0x430, s4;
	v39 =	vld [tilespmem:s3+$0x40];
	[tilespmem:s29+$0x20] =	vst v12  }
0x114: {  	s7 =	sor.u32 $0x430, s6;
	v12 =	vadd.f32 v35, v14;
	[tilespmem:s29+$0xFFFFFF20] =	vst v15;
	v14 =	vld [tilespmem:s5+$0x300]  }
0x115: {  	v15 =	vld [tilespmem:s7+$0x300]  }
0x116: {  	v52 =	vld [tilespmem:s29+$0xE0];
	v13 =	vadd.f32 v13, v36;
	v12 =	vmax.f32 v12, $0.0e+00  }
0x117: {  	v40 =	vld [tilespmem:s12+$0x30];
	v12 =	vmul.f32 v12, v38  }
0x118: {  	v41 =	vld [tilespmem:s16+$0x30];
	v13 =	vmax.f32 v13, $0.0e+00  }
0x119: {  	v53 =	vld [tilespmem:s29+$0xFFFFFF50];
	v13 =	vmul.f32 v13, v39;
	[tilespmem:s29+$0xFFFFFFB0] =	vst v12;
	v12 =	vadd.f32 v37, v14  }
0x11a: {  	v58 =	vld [tilespmem:s29+$0xFFFFFF60];
	v15 =	vadd.f32 v21, v15  }
0x11b: {  	s9 =	sor.u32 $0x450, s1;
	[tilespmem:s29+$0xC0] =	vst v13;
	v13 =	vld [tilespmem:s29+$0xD0];
	v12 =	vmax.f32 v12, $0.0e+00  }
0x11c: {  	s8 =	sor.u32 $0x440, s2;
	v43 =	vld [tilespmem:s9+$0x300];
	v15 =	vmax.f32 v15, $0.0e+00;
	v12 =	vmul.f32 v12, v40  }
0x11d: {  	v14 =	vld [tilespmem:s8+$0x300];
	v15 =	vmul.f32 v15, v41  }
0x11e: {  	[tilespmem:s29+$0x30] =	vst v12;
	v12 =	vld [tilespmem:s3+$0x50]  }
0x11f: {  	s17 =	sor.u32 $0x440, s4;
	[tilespmem:s29+$0xFFFFFF30] =	vst v15;
	v15 =	vld [tilespmem:s13+$0x40]  }
0x120: {  	s18 =	sor.u32 $0x440, s6;
	v46 =	vld [tilespmem:s17+$0x300]  }
0x121: {  	v13 =	vadd.f32 v13, v43;
	v47 =	vld [tilespmem:s18+$0x300]  }
0x122: {  	v55 =	vld [tilespmem:s11+$0xF0]  }
0x123: {  	v14 =	vadd.f32 v44, v14;
	v48 =	vld [tilespmem:s12+$0x40];
	v13 =	vmax.f32 v13, $0.0e+00  }
0x124: {  	v49 =	vld [tilespmem:s16+$0x40];
	v12 =	vmul.f32 v13, v12  }
0x125: {  	v5 =	vld [tilespmem:s11+$0xFFFFFF70];
	v13 =	vmax.f32 v14, $0.0e+00;
	v14 =	vadd.f32 v45, v46  }
0x126: {  	v6 =	vld [tilespmem:s11+$0xFFFFFFF0];
	v13 =	vmul.f32 v13, v15;
	[tilespmem:s29+$0xD0] =	vst v12;
	v12 =	vadd.f32 v42, v47  }
0x127: {  	s20 =	sor.u32 $0x460, s1;
	v15 =	vld [tilespmem:s29+$0x50];
	v14 =	vmax.f32 v14, $0.0e+00  }
0x128: {  	s22 =	sor.u32 $0x450, s2;
	v51 =	vld [tilespmem:s20+$0x300];
	[tilespmem:s29+$0xFFFFFFC0] =	vst v13;
	v14 =	vmul.f32 v14, v48;
	v12 =	vmax.f32 v12, $0.0e+00  }
0x129: {  	v13 =	vld [tilespmem:s22+$0x300];
	v12 =	vmul.f32 v12, v49  }
0x12a: {  	v56 =	vld [tilespmem:s13+$0x50];
	[tilespmem:s29+$0x40] =	vst v14  }
0x12b: {  	s23 =	sor.u32 $0x450, s4;
	[tilespmem:s29+$0xFFFFFF40] =	vst v12;
	v12 =	vld [tilespmem:s3+$0x60]  }
0x12c: {  	s24 =	sor.u32 $0x450, s6;
	v14 =	vld [tilespmem:s23+$0x300]  }
0x12d: {  	v54 =	vld [tilespmem:s24+$0x300];
	v17 =	vadd.f32 v52, v51  }
0x12e: {  	v7 =	vld [tilespmem:s11+$0x70];
	v13 =	vadd.f32 v50, v13  }
0x12f: {  	v22 =	vld [tilespmem:s12+$0x50];
	v17 =	vmax.f32 v17, $0.0e+00  }
0x130: {  	v57 =	vld [tilespmem:s16+$0x50];
	v13 =	vmax.f32 v13, $0.0e+00;
	v12 =	vmul.f32 v17, v12  }
0x131: {  	v59 =	vld [tilespmem:s29+$0xF0];
	v14 =	vadd.f32 v15, v14;
	v13 =	vmul.f32 v13, v56  }
0x132: {  	v15 =	vadd.f32 v53, v54;
	[tilespmem:s29+$0xE0] =	vst v12;
	v12 =	vld [tilespmem:s29+$0xFFFFFFE0]  }
0x133: {  	s25 =	sor.u32 $0x470, s1;
	v14 =	vmax.f32 v14, $0.0e+00;
	[tilespmem:s29+$0xFFFFFFD0] =	vst v13;
	v13 =	vld [tilespmem:s29+$0x60]  }
0x134: {  	s26 =	sor.u32 $0x460, s2;
	v60 =	vld [tilespmem:s25+$0x300];
	v14 =	vmul.f32 v14, v22;
	v15 =	vmax.f32 v15, $0.0e+00  }
0x135: {  	v3 =	vadd.f32 v55, v3;
	v61 =	vld [tilespmem:s26+$0x300];
	v15 =	vmul.f32 v15, v57  }
0x136: {  	s28 =	sor.u32 $0x460, s4;
	[tilespmem:s29+$0x50] =	vst v14;
	v14 =	vld [tilespmem:s3+$0x70]  }
0x137: {  	v3 =	vmax.f32 v3, $0.0e+00;
	v6 =	vadd.f32 v6, v8;
	[tilespmem:s29+$0xFFFFFF50] =	vst v15;
	v15 =	vld [tilespmem:s28+$0x300]  }
0x138: {  	v3 =	vmul.f32 v3, v4;
	s30 =	sor.u32 $0x460, s6;
	v63 =	vld [tilespmem:s13+$0x60]  }
0x139: {  	v10 =	vadd.f32 v5, v10;
	v5 =	vmax.f32 v6, $0.0e+00;
	v62 =	vld [tilespmem:s30+$0x300];
	v4 =	vadd.f32 v59, v60  }
0x13a: {  	v6 =	vmul.f32 v5, v11;
	v5 =	vld [tilespmem:s29+$0xFFFFFF70]  }
0x13b: {  	v7 =	vadd.f32 v7, v9;
	v9 =	vld [tilespmem:s12+$0x60];
	v11 =	vadd.f32 v12, v61;
	v4 =	vmax.f32 v4, $0.0e+00  }
0x13c: {  	[tilespmem:s11+$0xF0] =	vst v3;
	v8 =	vld [tilespmem:s16+$0x60];
	v12 =	vmul.f32 v4, v14;
	v13 =	vadd.f32 v13, v15  }
0x13d: {  	p0 =	por !p0, !p0;
	s0 =	simm.s32 $0x4;
	v3 =	vmax.f32 v10, $0.0e+00;
	[tilespmem:s11+$0xFFFFFFF0] =	vst v6;
	v6 =	vld [tilespmem:s29+$0xFFFFFFF0];
	s18 =	sor.u32 $0x470, s2;
	v4 =	vmax.f32 v7, $0.0e+00;
	v7 =	vmax.f32 v11, $0.0e+00  }
0x13e: {  	s2 =	sor.u32 $0x470, s6;
	s17 =	sor.u32 $0x470, s4;
	s23 =	simm.s32 $0x7E00;
	v11 =	vadd.f32 v58, v62;
	v10 =	vmul.f32 v7, v63;
	v7 =	vld [tilespmem:s29+$0x70];
	[tilespmem:s29+$0xF0] =	vst v12;
	v12 =	vmax.f32 v13, $0.0e+00  }
.LBB2_3:
0x13f: {  	_ = 	snop  }
0x140: {  	s15 =	sadd.s32 $0x4, s15;
	v11 =	vmax.f32 v11, $0.0e+00;
	v9 =	vmul.f32 v12, v9;
	v12 =	vld [tilespmem:s10+$0x70]  }
0x141: {  	s1 =	simm.s32 $0x1;
	s31 =	sadd.s32 $0x2, s31;
	[tilespmem:s29+$0xFFFFFFE0] =	vst v10;
	v10 =	vld [tilespmem:s19+$0x70];
	s4 =	sand.u32 $0x7, s15;
	v8 =	vmul.f32 v11, v8  }
0x142: {  	s3 =	smov.u32 s12;
	s21 =	sadd.s32 $0x400, s21;
	s4 =	sshll.u32 s4, $0x7;
	v11 =	vld [tilespmem:s18+$0x300];
	[tilespmem:s29+$0x60] =	vst v9  }
0x143: {  	s14 =	sadd.s32 $0x200, s14;
	s12 =	sand.u32 $0x3, s31;
	s4 =	sadd.s32 s4, s21;
	[tilespmem:s29+$0xFFFFFF60] =	vst v8;
	v8 =	vld [tilespmem:s17+$0x300]  }
0x144: {  	[dreg:$0x13] =	wrdreg s3;
	s3 =	sshll.u32 s12, $0x8;
	v13 =	vld [tilespmem:s13+$0x70];
	s22 =	sadd.s32 $0x180, s4  }
0x145: {  	s1 =	simm.s32 @!p0 $0x0;
	s3 =	sadd.s32 s21, s3;
	s24 =	sor.u32 $0x400, s22;
	v9 =	vld [tilespmem:s2+$0x300];
	v4 =	vmul.f32 v4, v12  }
0x146: {  	s1 =	sshll.u32 s1, $0x9;
	s26 =	sadd.s32 $0x100, s3;
	s29 =	sadd.s32 $0x200, s29;
	v3 =	vmul.f32 v3, v10;
	v10 =	vld [tilespmem:s24+$0x300]  }
0x147: {  	s25 =	sand.u32 $0x3800, s21;
	s6 =	sor.u32 $0x400, s26;
	s17 =	sadd.s32 s1, s21;
	v12 =	vld [tilespmem:s29+$0x80];
	[tilespmem:s11+$0x70] =	vst v4  }
0x148: {  	s9 =	sand.u32 $0x380, s14;
	s28 =	sor.u32 $0x300, s25;
	s30 =	sor.u32 $0x400, s17;
	[tilespmem:s11+$0xFFFFFF70] =	vst v3;
	v6 =	vadd.f32 v6, v11;
	v4 =	vadd.f32 v7, v8;
	v7 =	vld [tilespmem:s6+$0x300]  }
0x149: {  	s6 =	sadd.s32 s9, s28;
	v8 =	vld [tilespmem:s30+$0x300]  }
0x14a: {  	s1 =	sadd.s32 $0x80, s4;
	v3 =	vadd.f32 v5, v9;
	v5 =	vmax.f32 v6, $0.0e+00;
	v6 =	vld [tilespmem:s6+$0x0]  }
0x14b: {  	s7 =	sadd.s32 $0xFFFFFE80, s14;
	s20 =	sor.u32 $0x400, s1;
	v9 =	vld [tilespmem:s29+$0xFFFFFF00];
	v5 =	vmul.f32 v5, v13  }
0x14c: {  	s10 =	sand.u32 $0x200, s7;
	v11 =	vld [tilespmem:s20+$0x300];
	v10 =	vadd.f32 v12, v10  }
0x14d: {  	s8 =	sadd.s32 $0xFFFFFF00, s14;
	s5 =	sadd.s32 s10, s28;
	[tilespmem:s23+$0xFFFFFFF0] =	vst v5;
	v5 =	vld [tilespmem:s29+$0xFFFFFF80]  }
0x14e: {  	s11 =	sand.u32 $0x280, s8;
	v13 =	vld [tilespmem:s5+$0x0];
	v10 =	vmax.f32 v10, $0.0e+00  }
0x14f: {  	s12 =	sadd.s32 $0xFFFFFF80, s14;
	s13 =	sadd.s32 s11, s28;
	v12 =	vld [tilespmem:s29+$0x0];
	v6 =	vmul.f32 v10, v6  }
0x150: {  	s18 =	sand.u32 $0x300, s12;
	v8 =	vadd.f32 v9, v8;
	v10 =	vld [tilespmem:s13+$0x0]  }
0x151: {  	s12 =	sadd.s32 s18, s28;
	[tilespmem:s29+$0x80] =	vst v6;
	v6 =	vld [tilespmem:s29+$0x90]  }
0x152: {  	s2 =	sor.u32 $0x410, s22;
	v8 =	vmax.f32 v8, $0.0e+00;
	v5 =	vadd.f32 v5, v11;
	v11 =	vld [tilespmem:s12+$0x0]  }
0x153: {  	v8 =	vmul.f32 v8, v13;
	v9 =	vld [tilespmem:s2+$0x300]  }
0x154: {  	v7 =	vadd.f32 v12, v7;
	v12 =	vld [tilespmem:s29+$0xFFFFFF10];
	v5 =	vmax.f32 v5, $0.0e+00  }
0x155: {  	[tilespmem:s29+$0xFFFFFF00] =	vst v8;
	v8 =	vld [tilespmem:s29+$0xFFFFFF90];
	v5 =	vmul.f32 v5, v10  }
0x156: {  	s20 =	sor.u32 $0x410, s17;
	v10 =	vld [tilespmem:s6+$0x10]  }
0x157: {  	s7 =	sor.u32 $0x410, s1;
	v7 =	vmax.f32 v7, $0.0e+00;
	v13 =	vld [tilespmem:s20+$0x300];
	[tilespmem:s29+$0xFFFFFF80] =	vst v5  }
0x158: {  	v7 =	vmul.f32 v7, v11;
	v5 =	vadd.f32 v6, v9;
	v6 =	vld [tilespmem:s7+$0x300]  }
0x159: {  	v9 =	vld [tilespmem:s29+$0x10]  }
0x15a: {  	s30 =	sor.u32 $0x410, s26;
	v11 =	vld [tilespmem:s13+$0x10];
	[tilespmem:s29+$0x0] =	vst v7;
	v5 =	vmax.f32 v5, $0.0e+00  }
0x15b: {  	s19 =	sor.u32 $0x450, s1;
	v7 =	vld [tilespmem:s30+$0x300];
	v5 =	vmul.f32 v5, v10  }
0x15c: {  	[dreg:$0x16] =	wrdreg s19;
	s19 =	sor.u32 $0x450, s17;
	v10 =	vadd.f32 v12, v13;
	v12 =	vld [tilespmem:s12+$0x10]  }
0x15d: {  	[dreg:$0xb] =	wrdreg s19;
	s19 =	sor.u32 $0x460, s17;
	s20 =	sor.u32 $0x420, s22;
	[tilespmem:s29+$0x90] =	vst v5;
	v5 =	vld [tilespmem:s29+$0xA0];
	v6 =	vadd.f32 v8, v6  }
0x15e: {  	[dreg:$0x3] =	wrdreg s19;
	s19 =	smov.u32 s16;
	s16 =	smov.u32 s5;
	v8 =	vld [tilespmem:s20+$0x300]  }
0x15f: {  	v13 =	vld [tilespmem:s16+$0x10];
	v6 =	vmax.f32 v6, $0.0e+00  }
0x160: {  	v7 =	vadd.f32 v9, v7;
	v9 =	vld [tilespmem:s6+$0x20];
	v6 =	vmul.f32 v6, v11  }
0x161: {  	v11 =	vld [tilespmem:s29+$0xFFFFFF20]  }
0x162: {  	v7 =	vmax.f32 v7, $0.0e+00;
	[tilespmem:s29+$0xFFFFFF90] =	vst v6;
	v6 =	vld [tilespmem:s29+$0xFFFFFFA0]  }
0x163: {  	s28 =	sor.u32 $0x420, s1;
	v10 =	vmax.f32 v10, $0.0e+00;
	v7 =	vmul.f32 v7, v12;
	v12 =	vld [tilespmem:s29+$0x20];
	v5 =	vadd.f32 v5, v8  }
0x164: {  	v10 =	vmul.f32 v10, v13;
	v8 =	vld [tilespmem:s28+$0x300]  }
0x165: {  	s25 =	sor.u32 $0x420, s26;
	v13 =	vld [tilespmem:s13+$0x20];
	[tilespmem:s29+$0x10] =	vst v7;
	v5 =	vmax.f32 v5, $0.0e+00  }
0x166: {  	s4 =	sor.u32 $0x420, s17;
	[tilespmem:s29+$0xFFFFFF10] =	vst v10;
	v7 =	vld [tilespmem:s25+$0x300];
	v5 =	vmul.f32 v5, v9  }
0x167: {  	v9 =	vld [tilespmem:s4+$0x300]  }
0x168: {  	s30 =	sor.u32 $0x430, s22;
	[tilespmem:s29+$0xA0] =	vst v5;
	v5 =	vld [tilespmem:s29+$0xB0]  }
0x169: {  	v6 =	vadd.f32 v6, v8;
	v8 =	vld [tilespmem:s30+$0x300];
	_ =	sdelay $0x1  }
0x16a: {  	v10 =	vld [tilespmem:s12+$0x20];
	v6 =	vmax.f32 v6, $0.0e+00  }
0x16b: {  	v7 =	vadd.f32 v12, v7;
	v12 =	vld [tilespmem:s6+$0x30];
	v6 =	vmul.f32 v6, v13  }
0x16c: {  	v13 =	vld [tilespmem:s16+$0x20]  }
0x16d: {  	s10 =	sor.u32 $0x430, s1;
	[tilespmem:s29+$0xFFFFFFA0] =	vst v6;
	v6 =	vmax.f32 v7, $0.0e+00;
	v7 =	vadd.f32 v11, v9;
	v9 =	vld [tilespmem:s29+$0xFFFFFFB0];
	v5 =	vadd.f32 v5, v8  }
0x16e: {  	v8 =	vld [tilespmem:s10+$0x300]  }
0x16f: {  	v14 =	vld [tilespmem:s29+$0xFFFFFF30];
	v6 =	vmul.f32 v6, v10;
	v5 =	vmax.f32 v5, $0.0e+00  }
0x170: {  	v10 =	vld [tilespmem:s29+$0x30];
	v7 =	vmax.f32 v7, $0.0e+00;
	v5 =	vmul.f32 v5, v12  }
0x171: {  	v11 =	vld [tilespmem:s13+$0x30];
	v7 =	vmul.f32 v7, v13;
	[tilespmem:s29+$0x20] =	vst v6  }
0x172: {  	s3 =	sor.u32 $0x430, s26;
	[tilespmem:s29+$0xB0] =	vst v5;
	v5 =	vld [tilespmem:s29+$0xC0]  }
0x173: {  	s5 =	sor.u32 $0x440, s22;
	[tilespmem:s29+$0xFFFFFF20] =	vst v7;
	v7 =	vadd.f32 v9, v8;
	v8 =	vld [tilespmem:s3+$0x300]  }
0x174: {  	s11 =	sor.u32 $0x430, s17;
	v6 =	vld [tilespmem:s5+$0x300]  }
0x175: {  	v9 =	vld [tilespmem:s11+$0x300];
	v7 =	vmax.f32 v7, $0.0e+00  }
0x176: {  	v7 =	vmul.f32 v7, v11;
	v11 =	vld [tilespmem:s12+$0x30]  }
0x177: {  	v12 =	vld [tilespmem:s6+$0x40]  }
0x178: {  	v13 =	vld [tilespmem:s16+$0x30];
	[tilespmem:s29+$0xFFFFFFB0] =	vst v7;
	v7 =	vadd.f32 v10, v8  }
0x179: {  	v5 =	vadd.f32 v5, v6  }
0x17a: {  	s9 =	sor.u32 $0x440, s1;
	v8 =	vadd.f32 v14, v9;
	v10 =	vld [tilespmem:s29+$0xFFFFFFC0];
	v7 =	vmax.f32 v7, $0.0e+00  }
0x17b: {  	v9 =	vld [tilespmem:s9+$0x300];
	v5 =	vmax.f32 v5, $0.0e+00;
	v7 =	vmul.f32 v7, v11  }
0x17c: {  	v8 =	vmax.f32 v8, $0.0e+00;
	v11 =	vld [tilespmem:s29+$0x40];
	v5 =	vmul.f32 v5, v12  }
0x17d: {  	v8 =	vmul.f32 v8, v13;
	v13 =	vld [tilespmem:s13+$0x40];
	[tilespmem:s29+$0x30] =	vst v7  }
0x17e: {  	s8 =	sor.u32 $0x440, s26;
	[tilespmem:s29+$0xC0] =	vst v5;
	v5 =	vld [tilespmem:s29+$0xD0]  }
0x17f: {  	s7 =	sor.u32 $0x450, s22;
	[tilespmem:s29+$0xFFFFFF30] =	vst v8;
	v8 =	vld [tilespmem:s8+$0x300]  }
0x180: {  	v7 =	vld [tilespmem:s7+$0x300]  }
0x181: {  	s24 =	sor.u32 $0x440, s17;
	v6 =	vld [tilespmem:s29+$0xFFFFFF40]  }
0x182: {  	v12 =	vld [tilespmem:s24+$0x300];
	v9 =	vadd.f32 v10, v9  }
0x183: {  	v10 =	vld [tilespmem:s6+$0x50]  }
0x184: {  	v14 =	vld [tilespmem:s12+$0x40];
	v9 =	vmax.f32 v9, $0.0e+00  }
0x185: {  	v9 =	vmul.f32 v9, v13;
	v8 =	vadd.f32 v11, v8;
	v11 =	vld [tilespmem:s29+$0xFFFFFF50];
	v5 =	vadd.f32 v5, v7  }
0x186: {  	v7 =	vld [tilespmem:s16+$0x40]  }
0x187: {  	s20 =	rddreg [dreg:$0x16];
	v6 =	vadd.f32 v6, v12;
	v12 =	vld [tilespmem:s29+$0xFFFFFFD0];
	[tilespmem:s29+$0xFFFFFFC0] =	vst v9;
	v5 =	vmax.f32 v5, $0.0e+00  }
0x188: {  	v9 =	vld [tilespmem:s20+$0x300];
	v8 =	vmax.f32 v8, $0.0e+00;
	v5 =	vmul.f32 v5, v10  }
0x189: {  	v8 =	vmul.f32 v8, v14;
	v14 =	vld [tilespmem:s13+$0x50]  }
0x18a: {  	s9 =	sor.u32 $0x460, s22;
	v6 =	vmax.f32 v6, $0.0e+00;
	[tilespmem:s29+$0xD0] =	vst v5;
	v5 =	vld [tilespmem:s29+$0xE0]  }
0x18b: {  	s18 =	sor.u32 $0x450, s26;
	v6 =	vmul.f32 v6, v7;
	v7 =	vld [tilespmem:s9+$0x300]  }
0x18c: {  	[dreg:$0xf] =	wrdreg s18;
	v10 =	vld [tilespmem:s29+$0x50]  }
0x18d: {  	s24 =	rddreg [dreg:$0xf];
	[tilespmem:s29+$0x40] =	vst v8;
	v8 =	vld [tilespmem:s6+$0x60]  }
0x18e: {  	s25 =	rddreg [dreg:$0xb];
	[tilespmem:s29+$0xFFFFFF40] =	vst v6;
	v6 =	vld [tilespmem:s24+$0x300]  }
0x18f: {  	v13 =	vld [tilespmem:s25+$0x300]  }
0x190: {  	v5 =	vadd.f32 v5, v7  }
0x191: {  	v7 =	vadd.f32 v12, v9;
	v9 =	vld [tilespmem:s12+$0x50]  }
0x192: {  	v12 =	vld [tilespmem:s16+$0x50];
	v5 =	vmax.f32 v5, $0.0e+00  }
0x193: {  	s18 =	sor.u32 $0x460, s1;
	v6 =	vadd.f32 v10, v6;
	v10 =	vld [tilespmem:s29+$0xFFFFFF60];
	v7 =	vmax.f32 v7, $0.0e+00;
	v5 =	vmul.f32 v5, v8  }
0x194: {  	[dreg:$0x7] =	wrdreg s18;
	s18 =	sor.u32 $0x470, s1;
	s1 =	sor.u32 $0x460, s26;
	v8 =	vadd.f32 v11, v13;
	v11 =	vld [tilespmem:s29+$0xFFFFFFE0];
	v7 =	vmul.f32 v7, v14  }
0x195: {  	s2 =	sor.u32 $0x470, s17;
	s17 =	sor.u32 $0x470, s26;
	s26 =	smov.u32 s23;
	[tilespmem:s29+$0xE0] =	vst v5;
	v5 =	vld [tilespmem:s29+$0xF0]  }
0x196: {  	s11 =	smov.u32 s26;
	s26 =	sor.u32 $0x470, s22;
	v6 =	vmax.f32 v6, $0.0e+00;
	[tilespmem:s29+$0xFFFFFFD0] =	vst v7;
	v7 =	vld [tilespmem:s29+$0x60]  }
0x197: {  	s28 =	rddreg [dreg:$0x7];
	v8 =	vmax.f32 v8, $0.0e+00;
	v6 =	vmul.f32 v6, v9;
	v9 =	vld [tilespmem:s26+$0x300]  }
0x198: {  	v8 =	vmul.f32 v8, v12;
	v12 =	vld [tilespmem:s28+$0x300]  }
0x199: {  	[tilespmem:s29+$0x50] =	vst v6;
	v6 =	vld [tilespmem:s6+$0x70]  }
0x19a: {  	v13 =	vld [tilespmem:s1+$0x300]  }
0x19b: {  	s0 =	sadd.s32 $0x4, s0;
	s30 =	rddreg [dreg:$0x3];
	v15 =	vld [tilespmem:s13+$0x60];
	[tilespmem:s29+$0xFFFFFF50] =	vst v8  }
0x19c: {  	p1 =	slt.u32 s0, $0x24;
	v14 =	vld [tilespmem:s30+$0x300];
	v5 =	vadd.f32 v5, v9  }
.Ltmp0:
0x19d: {  	v8 =	vld [tilespmem:s16+$0x60];
	(pc) =	sbr.rel @p1 .LBB2_3-.Ltmp0, $4  }
0x19e: {  	v11 =	vadd.f32 v11, v12;
	v9 =	vld [tilespmem:s12+$0x60];
	v5 =	vmax.f32 v5, $0.0e+00  }
0x19f: {  	v7 =	vadd.f32 v7, v13;
	v12 =	vmul.f32 v5, v6;
	v5 =	vld [tilespmem:s29+$0xFFFFFF70]  }
0x1a0: {  	v4 =	vmax.f32 v4, $0.0e+00;
	v3 =	vmax.f32 v3, $0.0e+00;
	v16 =	vmax.f32 v11, $0.0e+00;
	v6 =	vld [tilespmem:s29+$0xFFFFFFF0]  }
0x1a1: {  	p0 =	por !p0, !p0;
	s23 =	smov.u32 s29;
	s10 =	rddreg [dreg:$0x13];
	v11 =	vadd.f32 v10, v14;
	v10 =	vmul.f32 v16, v15;
	[tilespmem:s29+$0xF0] =	vst v12;
	v12 =	vmax.f32 v7, $0.0e+00;
	v7 =	vld [tilespmem:s29+$0x70]  }
0x1a2: {  	_ = 	snop  }
0x1a3: {  	v11 =	vmax.f32 v11, $0.0e+00;
	v9 =	vmul.f32 v12, v9;
	v12 =	vld [tilespmem:s10+$0x70]  }
0x1a4: {  	[tilespmem:s29+$0xFFFFFFE0] =	vst v10;
	v10 =	vld [tilespmem:s19+$0x70];
	v8 =	vmul.f32 v11, v8  }
0x1a5: {  	v11 =	vld [tilespmem:s18+$0x300];
	[tilespmem:s29+$0x60] =	vst v9  }
0x1a6: {  	[tilespmem:s29+$0xFFFFFF60] =	vst v8;
	v8 =	vld [tilespmem:s17+$0x300]  }
0x1a7: {  	v9 =	vld [tilespmem:s2+$0x300]  }
0x1a8: {  	v13 =	vld [tilespmem:s13+$0x70]  }
0x1a9: {  	v14 =	vld [tilespmem:s12+$0x70]  }
0x1aa: {  	v6 =	vadd.f32 v6, v11;
	v11 =	vld [tilespmem:s16+$0x70]  }
0x1ab: {  	v4 =	vmul.f32 v4, v12;
	v7 =	vadd.f32 v7, v8  }
0x1ac: {  	v3 =	vmul.f32 v3, v10;
	v6 =	vmax.f32 v6, $0.0e+00;
	v5 =	vadd.f32 v5, v9  }
0x1ad: {  	[tilespmem:s11+$0x70] =	vst v4;
	v4 =	vmul.f32 v6, v13;
	v6 =	vmax.f32 v7, $0.0e+00  }
0x1ae: {  	[tilespmem:s11+$0xFFFFFF70] =	vst v3;
	v3 =	vmax.f32 v5, $0.0e+00;
	v5 =	vmul.f32 v6, v14  }
0x1af: {  	[tilespmem:s23+$0xFFFFFFF0] =	vst v4;
	v3 =	vmul.f32 v3, v11  }
0x1b0: {  	s0 =	simm.s32 $0x180;
	s1 =	rddreg [dreg:$0x1];
	[tilespmem:s23+$0x70] =	vst v5  }
0x1b1: {  	s3 =	simm.s32 $0x28;
	s26 =	simm.s32 $0x7B00;
	s28 =	simm.s32 $0x3;
	[tilespmem:s23+$0xFFFFFF70] =	vst v3  }
0x1b2: {  	[spmem:s1] =	stream.indirect.scatter.add.f32 [tilespmem:s26], [sflag:$0x7], $0x80, s0, s3, $0xb8;
	[tilespmem:$0x1F300] =	vst v63  }
0x1b3: {  	_ =	swait.ge [sflag:s28], $0x28  }
0x1b4: {  	[sflag:s28] =	ssyncset.done $0x0  }
0x1b5: {  	[sflag:s28] =	ssyncadd.s32 $0xFFFFFFD8  }
0x1b6: {  	_ =	swait.ge [sflag:s28], $0x28  }
0x1b7: {  	[sflag:s28] =	ssyncset.done $0x0  }
0x1b8: {  	[sflag:s28] =	ssyncadd.s32 $0xFFFFFFD8  }
0x1b9: {  	v3 =	vld [tilespmem:$0x100];
	_ =	sdelay $0x4  }
0x1ba: {  	v4 =	vshll.u32 v3, $0x1  }
0x1bb: {  	v3 =	vand.u32 $0x7, v3;
	v4 =	vand.u32 $0xFFFFFFF0, v4  }
0x1bc: {  	v3 =	vor.u32 v3, v4  }
0x1bd: {  	v4 =	vperm.xlane v3, v0;
	_ =	sdelay $0x1  }
0x1be: {  	v3 =	vperm.xlane v3, v2;
	v4 =	vadd.s32 v1, v4;
	_ =	sdelay $0x1  }
0x1bf: {  	v3 =	vadd.s32 v1, v3;
	_ =	sdelay $0x1  }
0x1c0: {  	s30 =	simm.s32 $0x0;
	s4 =	simm.s32 $0x5300;
	s6 =	rddreg [dreg:$0x1b]  }
0x1c1: {  	[tilespmem:s4], [sflag:$0x6] =	stream.indirect_vreg.gather [hbm4b:s6+s30], $0x80, v4, vm0, $0xb8;
	[tilespmem:$0x1F300] =	vst v63  }
0x1c2: {  	s7 =	simm.s32 $0x5B00  }
0x1c3: {  	[tilespmem:s7], [sflag:$0x6] =	stream.indirect_vreg.gather [hbm4b:s6+s30], $0x80, v3, vm0, $0xb8;
	[tilespmem:$0x1F300] =	vst v63  }
0x1c4: {  	v3 =	vld [tilespmem:$0x110];
	_ =	sdelay $0x4  }
0x1c5: {  	v4 =	vshll.u32 v3, $0x1  }
0x1c6: {  	v3 =	vand.u32 $0x7, v3;
	v4 =	vand.u32 $0xFFFFFFF0, v4  }
0x1c7: {  	v3 =	vor.u32 v3, v4  }
0x1c8: {  	v4 =	vperm.xlane v3, v0;
	_ =	sdelay $0x1  }
0x1c9: {  	v3 =	vperm.xlane v3, v2;
	v4 =	vadd.s32 v1, v4;
	_ =	sdelay $0x1  }
0x1ca: {  	v3 =	vadd.s32 v1, v3;
	_ =	sdelay $0x1  }
0x1cb: {  	s8 =	simm.s32 $0x6300  }
0x1cc: {  	[tilespmem:s8], [sflag:$0x6] =	stream.indirect_vreg.gather [hbm4b:s6+s30], $0x80, v4, vm0, $0xb8;
	[tilespmem:$0x1F300] =	vst v63  }
0x1cd: {  	s9 =	simm.s32 $0x6B00  }
0x1ce: {  	[tilespmem:s9], [sflag:$0x6] =	stream.indirect_vreg.gather [hbm4b:s6+s30], $0x80, v3, vm0, $0xb8;
	[tilespmem:$0x1F300] =	vst v63  }
0x1cf: {  	v3 =	vld.msk [tilespmem:$0x120], $0xff;
	_ =	sdelay $0x4  }
0x1d0: {  	v4 =	vshll.u32 v3, $0x1  }
0x1d1: {  	v3 =	vand.u32 $0x7, v3;
	v4 =	vand.u32 $0xFFFFFFF0, v4  }
0x1d2: {  	v3 =	vor.u32 v3, v4  }
0x1d3: {  	v3 =	vperm.xlane v3, v0;
	_ =	sdelay $0x1  }
0x1d4: {  	v3 =	vadd.s32 v1, v3;
	_ =	sdelay $0x3  }
0x1d5: {  	s5 =	simm.s32 $0xA300;
	s10 =	simm.s32 $0x7300  }
0x1d6: {  	[tilespmem:s10], [sflag:$0x6] =	stream.indirect_vreg.gather [hbm4b:s6+s30], $0x80, v3, vm0, $0xb8;
	[tilespmem:$0x1F300] =	vst v63  }
0x1d7: {  	s13 =	simm.s32 $0x7;
	s12 =	simm.s32 $0x280;
	s11 =	rddreg [dreg:$0x1c]  }
0x1d8: {  	[tilespmem:s5], [sflag:$0x6] =	stream.indirect.gather [hbm4b:s11+s3], $0x80, s12, s3, $0xb8;
	[tilespmem:$0x1F300] =	vst v63  }
0x1d9: {  	_ =	swait.ge [sflag:s13], $0x1400  }
0x1da: {  	s14 =	sld [smem:$0x7F8]  }
0x1db: {  	s15 =	sld [smem:$0x7F1];
	_ =	sdelay $0x2  }
0x1dc: {  	s1 =	sadd.s32 s15, s14  }
0x1dd: {  	[sflag:s13] =	ssyncset.done $0x0;
	s16 =	rddreg [dreg:$0x1d];
	s1 =	sshrl.u32 s1, $0x3  }
0x1de: {  	s17 =	rddreg [dreg:$0x1e];
	[sflag:s13] =	ssyncadd.s32 $0xFFFFEC00;
	s3 =	sadd.s32 s16, s1  }
0x1df: {  	[tilespmem:s30], [sflag:$0x1] =	stream.linear.gather [hbm4b:s3+s30], $0x28, $0x38;
	[tilespmem:$0x1F300] =	vst v63  }
0x1e0: {  	s18 =	simm.s32 $0x5;
	s1 =	sadd.s32 s17, s1  }
0x1e1: {  	[tilespmem:s0], [sflag:$0x1] =	stream.linear.gather [hbm4b:s1+s30], $0x28, $0x38;
	[tilespmem:$0x1F300] =	vst v63  }
0x1e2: {  	p0 =	por $0x0, $0x0;
	_ =	swait.ge [sflag:s18], $0x2800  }
0x1e3: {  	s19 =	sand.u32 $0x7, s30;
	s22 =	sand.u32 $0x3800, s30;
	[sflag:s18] =	ssyncset.done $0x0  }
0x1e4: {  	s24 =	sand.u32 $0x3, s30;
	s23 =	sadd.s32 $0x2B00, s22;
	[sflag:s18] =	ssyncadd.s32 $0xFFFFD800  }
0x1e5: {  	s4 =	simm.s32 $0x1;
	s1 =	sshll.u32 s19, $0x7;
	_ =	swait.ge [sflag:s18], $0x1400  }
0x1e6: {  	s11 =	simm.s32 $0x9000;
	s20 =	sadd.s32 $0x0, s1;
	[sflag:s18] =	ssyncset.done $0x0  }
0x1e7: {  	s0 =	sand.u32 $0x380, s0;
	s7 =	sadd.s32 $0x180, s20;
	[sflag:s18] =	ssyncadd.s32 $0xFFFFEC00  }
0x1e8: {  	s1 =	sadd.s32 s0, s23;
	s0 =	sshll.u32 s24, $0x8;
	s21 =	sor.u32 $0x400, s7;
	v3 =	vld [tilespmem:s11+$0x80]  }
0x1e9: {  	s4 =	simm.s32 @!p0 $0x0;
	s0 =	sadd.s32 $0x0, s0;
	v4 =	vld [tilespmem:s21+$0x2B00]  }
0x1ea: {  	s28 =	sshll.u32 s4, $0x9;
	s2 =	sadd.s32 $0x100, s0  }
0x1eb: {  	s4 =	sadd.s32 $0x0, s28;
	s0 =	sor.u32 $0x400, s2;
	v5 =	vld [tilespmem:s1+$0x0]  }
0x1ec: {  	s8 =	sor.u32 $0x400, s4;
	v6 =	vld [tilespmem:s0+$0x2B00]  }
0x1ed: {  	v9 =	vld [tilespmem:s8+$0x2B00]  }
0x1ee: {  	s6 =	sadd.s32 $0x80, s20;
	v10 =	vld [tilespmem:s11+$0x0];
	v3 =	vadd.f32 v3, v4  }
0x1ef: {  	s3 =	sor.u32 $0x400, s6;
	v11 =	vld [tilespmem:s11+$0xFFFFFF00]  }
0x1f0: {  	s25 =	simm.s32 $0x80;
	v4 =	vld [tilespmem:s3+$0x2B00];
	v3 =	vmax.f32 v3, $0.0e+00  }
0x1f1: {  	s29 =	simm.s32 $0x9200;
	s26 =	sand.u32 $0x280, s25;
	v3 =	vmul.f32 v3, v5;
	v5 =	vld [tilespmem:s11+$0xFFFFFF80]  }
0x1f2: {  	s0 =	sadd.s32 s26, s23;
	v59 =	vld [tilespmem:s29+$0xFFFFFF90]  }
0x1f3: {  	v7 =	vld [tilespmem:s0+$0x0]  }
0x1f4: {  	s30 =	sor.u32 $0x410, s7;
	[tilespmem:s11+$0x80] =	vst v3;
	v3 =	vld [tilespmem:s11+$0x90]  }
0x1f5: {  	v8 =	vld [tilespmem:s30+$0x2B00]  }
0x1f6: {  	s8 =	simm.s32 $0x100;
	v63 =	vld [tilespmem:s29+$0xFFFFFF10];
	v4 =	vadd.f32 v5, v4  }
0x1f7: {  	v30 =	vld [tilespmem:s29+$0x20];
	s3 =	sand.u32 $0x300, s8  }
0x1f8: {  	s9 =	simm.s32 $0x0;
	s10 =	sadd.s32 s3, s23;
	v5 =	vld [tilespmem:s1+$0x10];
	v4 =	vmax.f32 v4, $0.0e+00  }
0x1f9: {  	s12 =	sand.u32 $0x200, s9;
	v12 =	vld [tilespmem:s10+$0x0];
	v4 =	vmul.f32 v4, v7  }
0x1fa: {  	s19 =	sadd.s32 s12, s23;
	v3 =	vadd.f32 v3, v8;
	v7 =	vld [tilespmem:s11+$0xFFFFFF90]  }
0x1fb: {  	s13 =	sor.u32 $0x410, s6;
	v8 =	vld [tilespmem:s19+$0x0];
	[tilespmem:s11+$0xFFFFFF80] =	vst v4  }
0x1fc: {  	v3 =	vmax.f32 v3, $0.0e+00;
	v4 =	vadd.f32 v10, v6;
	v6 =	vld [tilespmem:s13+$0x2B00]  }
0x1fd: {  	v9 =	vadd.f32 v11, v9;
	v3 =	vmul.f32 v3, v5;
	v5 =	vld [tilespmem:s11+$0x10]  }
0x1fe: {  	v10 =	vld [tilespmem:s0+$0x10];
	v4 =	vmax.f32 v4, $0.0e+00  }
0x1ff: {  	v9 =	vmax.f32 v9, $0.0e+00;
	[tilespmem:s11+$0x90] =	vst v3;
	v3 =	vmul.f32 v4, v12;
	v4 =	vld [tilespmem:s11+$0xA0]  }
0x200: {  	s14 =	sor.u32 $0x420, s7;
	v8 =	vmul.f32 v9, v8;
	v9 =	vld [tilespmem:s11+$0xFFFFFF10]  }
0x201: {  	v11 =	vld [tilespmem:s14+$0x2B00]  }
0x202: {  	s15 =	sor.u32 $0x410, s2;
	v12 =	vld [tilespmem:s11+$0xFFFFFF20];
	[tilespmem:s11+$0x0] =	vst v3  }
0x203: {  	v3 =	vadd.f32 v7, v6;
	v6 =	vld [tilespmem:s15+$0x2B00]  }
0x204: {  	s16 =	sor.u32 $0x410, s4;
	[tilespmem:s11+$0xFFFFFF00] =	vst v8;
	v7 =	vld [tilespmem:s1+$0x20]  }
0x205: {  	v8 =	vld [tilespmem:s16+$0x2B00];
	v3 =	vmax.f32 v3, $0.0e+00  }
0x206: {  	v3 =	vmul.f32 v3, v10;
	v10 =	vld [tilespmem:s10+$0x10];
	v4 =	vadd.f32 v4, v11  }
0x207: {  	v11 =	vld [tilespmem:s19+$0x10]  }
0x208: {  	s17 =	sor.u32 $0x420, s6;
	[tilespmem:s11+$0xFFFFFF90] =	vst v3;
	v3 =	vld [tilespmem:s11+$0xFFFFFFA0];
	v4 =	vmax.f32 v4, $0.0e+00;
	v5 =	vadd.f32 v5, v6  }
0x209: {  	v6 =	vld [tilespmem:s17+$0x2B00];
	v4 =	vmul.f32 v4, v7  }
0x20a: {  	v8 =	vadd.f32 v9, v8;
	v7 =	vld [tilespmem:s11+$0x20];
	v5 =	vmax.f32 v5, $0.0e+00  }
0x20b: {  	v9 =	vld [tilespmem:s0+$0x20];
	[tilespmem:s11+$0xA0] =	vst v4;
	v4 =	vmul.f32 v5, v10  }
0x20c: {  	s18 =	sor.u32 $0x430, s7;
	v8 =	vmax.f32 v8, $0.0e+00;
	v5 =	vld [tilespmem:s11+$0xB0]  }
0x20d: {  	s20 =	sor.u32 $0x420, s2;
	v8 =	vmul.f32 v8, v11;
	v10 =	vld [tilespmem:s18+$0x2B00];
	[tilespmem:s11+$0x10] =	vst v4  }
0x20e: {  	v4 =	vld [tilespmem:s20+$0x2B00]  }
0x20f: {  	s21 =	sor.u32 $0x420, s4;
	[tilespmem:s11+$0xFFFFFF10] =	vst v8;
	v3 =	vadd.f32 v3, v6;
	v6 =	vld [tilespmem:s1+$0x30]  }
0x210: {  	v8 =	vld [tilespmem:s21+$0x2B00]  }
0x211: {  	v11 =	vld [tilespmem:s10+$0x20];
	v3 =	vmax.f32 v3, $0.0e+00  }
0x212: {  	v3 =	vmul.f32 v3, v9;
	v5 =	vadd.f32 v5, v10;
	v9 =	vld [tilespmem:s19+$0x20]  }
0x213: {  	v10 =	vld [tilespmem:s11+$0xFFFFFF30]  }
0x214: {  	s22 =	sor.u32 $0x430, s6;
	[tilespmem:s11+$0xFFFFFFA0] =	vst v3;
	v3 =	vmax.f32 v5, $0.0e+00;
	v4 =	vadd.f32 v7, v4;
	v7 =	vld [tilespmem:s11+$0x30]  }
0x215: {  	v5 =	vld [tilespmem:s22+$0x2B00];
	v3 =	vmul.f32 v3, v6  }
0x216: {  	v6 =	vld [tilespmem:s11+$0xFFFFFFB0];
	v4 =	vmax.f32 v4, $0.0e+00  }
0x217: {  	s23 =	sor.u32 $0x440, s7;
	[tilespmem:s11+$0xB0] =	vst v3;
	v3 =	vadd.f32 v12, v8;
	v4 =	vmul.f32 v4, v11;
	v8 =	vld [tilespmem:s11+$0xC0]  }
0x218: {  	v11 =	vld [tilespmem:s23+$0x2B00]  }
0x219: {  	s24 =	sor.u32 $0x430, s2;
	v12 =	vld [tilespmem:s0+$0x30];
	v3 =	vmax.f32 v3, $0.0e+00;
	[tilespmem:s11+$0x20] =	vst v4  }
0x21a: {  	v3 =	vmul.f32 v3, v9;
	v4 =	vld [tilespmem:s24+$0x2B00]  }
0x21b: {  	v5 =	vadd.f32 v6, v5;
	v6 =	vld [tilespmem:s1+$0x40]  }
0x21c: {  	s25 =	sor.u32 $0x430, s4;
	v9 =	vld [tilespmem:s10+$0x30];
	[tilespmem:s11+$0xFFFFFF20] =	vst v3  }
0x21d: {  	v5 =	vmax.f32 v5, $0.0e+00;
	v3 =	vld [tilespmem:s25+$0x2B00];
	v8 =	vadd.f32 v8, v11  }
0x21e: {  	v5 =	vmul.f32 v5, v12;
	v11 =	vld [tilespmem:s19+$0x30]  }
0x21f: {  	v12 =	vld [tilespmem:s11+$0xFFFFFF40];
	v8 =	vmax.f32 v8, $0.0e+00;
	v4 =	vadd.f32 v7, v4  }
0x220: {  	s26 =	sor.u32 $0x440, s6;
	[tilespmem:s11+$0xFFFFFFB0] =	vst v5;
	v7 =	vld [tilespmem:s11+$0x40];
	v5 =	vmul.f32 v8, v6  }
0x221: {  	v6 =	vld [tilespmem:s26+$0x2B00];
	v4 =	vmax.f32 v4, $0.0e+00  }
0x222: {  	v3 =	vadd.f32 v10, v3;
	[tilespmem:s11+$0xC0] =	vst v5;
	v4 =	vmul.f32 v4, v9;
	v5 =	vld [tilespmem:s11+$0xD0]  }
0x223: {  	s28 =	sor.u32 $0x450, s7;
	v9 =	vld [tilespmem:s11+$0xFFFFFFC0]  }
0x224: {  	s30 =	sor.u32 $0x440, s2;
	v8 =	vld [tilespmem:s28+$0x2B00];
	v3 =	vmax.f32 v3, $0.0e+00;
	[tilespmem:s11+$0x30] =	vst v4  }
0x225: {  	v3 =	vmul.f32 v3, v11;
	v4 =	vld [tilespmem:s30+$0x2B00]  }
0x226: {  	v11 =	vld [tilespmem:s0+$0x40]  }
0x227: {  	s5 =	sor.u32 $0x440, s4;
	[tilespmem:s11+$0xFFFFFF30] =	vst v3;
	v3 =	vld [tilespmem:s1+$0x50]  }
0x228: {  	v10 =	vld [tilespmem:s5+$0x2B00]  }
0x229: {  	v5 =	vadd.f32 v5, v8;
	v8 =	vld [tilespmem:s10+$0x40]  }
0x22a: {  	v6 =	vadd.f32 v9, v6;
	v9 =	vld [tilespmem:s19+$0x40]  }
0x22b: {  	v5 =	vmax.f32 v5, $0.0e+00;
	v4 =	vadd.f32 v7, v4;
	v7 =	vld [tilespmem:s11+$0xFFFFFF50]  }
0x22c: {  	v3 =	vmul.f32 v5, v3;
	v5 =	vmax.f32 v6, $0.0e+00;
	v6 =	vld [tilespmem:s11+$0xFFFFFFD0]  }
0x22d: {  	v4 =	vmax.f32 v4, $0.0e+00;
	v10 =	vadd.f32 v12, v10;
	v5 =	vmul.f32 v5, v11;
	v11 =	vld [tilespmem:s11+$0x50]  }
0x22e: {  	s8 =	sor.u32 $0x460, s7;
	[tilespmem:s11+$0xD0] =	vst v3;
	v3 =	vmul.f32 v4, v8;
	v4 =	vld [tilespmem:s11+$0xE0]  }
0x22f: {  	s9 =	sor.u32 $0x450, s6;
	v8 =	vmax.f32 v10, $0.0e+00;
	[tilespmem:s11+$0xFFFFFFC0] =	vst v5;
	v5 =	vld [tilespmem:s8+$0x2B00]  }
0x230: {  	v8 =	vmul.f32 v8, v9;
	v9 =	vld [tilespmem:s9+$0x2B00]  }
0x231: {  	[tilespmem:s11+$0x40] =	vst v3;
	v12 =	vld [tilespmem:s0+$0x50]  }
0x232: {  	s12 =	sor.u32 $0x450, s2;
	[tilespmem:s11+$0xFFFFFF40] =	vst v8;
	v8 =	vld [tilespmem:s1+$0x60]  }
0x233: {  	s13 =	sor.u32 $0x450, s4;
	v3 =	vld [tilespmem:s12+$0x2B00]  }
0x234: {  	v10 =	vld [tilespmem:s13+$0x2B00];
	v4 =	vadd.f32 v4, v5  }
0x235: {  	v32 =	vld [tilespmem:s29+$0xFFFFFF20]  }
0x236: {  	v5 =	vadd.f32 v6, v9;
	v6 =	vld [tilespmem:s10+$0x50];
	v4 =	vmax.f32 v4, $0.0e+00  }
0x237: {  	v9 =	vld [tilespmem:s19+$0x50];
	v4 =	vmul.f32 v4, v8  }
0x238: {  	v3 =	vadd.f32 v11, v3;
	v8 =	vld [tilespmem:s11+$0xFFFFFF60];
	v5 =	vmax.f32 v5, $0.0e+00  }
0x239: {  	s14 =	sor.u32 $0x470, s7;
	v7 =	vadd.f32 v7, v10;
	v10 =	vld [tilespmem:s11+$0xFFFFFFE0];
	v5 =	vmul.f32 v5, v12;
	[tilespmem:s11+$0xE0] =	vst v4  }
0x23a: {  	v4 =	vmax.f32 v3, $0.0e+00;
	v3 =	vld [tilespmem:s14+$0x2B00]  }
0x23b: {  	s15 =	sor.u32 $0x460, s6;
	v7 =	vmax.f32 v7, $0.0e+00;
	[tilespmem:s11+$0xFFFFFFD0] =	vst v5;
	v5 =	vld [tilespmem:s11+$0x60]  }
0x23c: {  	v4 =	vmul.f32 v4, v6;
	v6 =	vmul.f32 v7, v9;
	v7 =	vld [tilespmem:s15+$0x2B00]  }
0x23d: {  	v11 =	vld [tilespmem:s0+$0x60]  }
0x23e: {  	s16 =	sor.u32 $0x460, s2;
	s15 =	simm.s32 $0x4;
	[tilespmem:s11+$0x50] =	vst v4;
	v4 =	vld [tilespmem:s1+$0x70]  }
0x23f: {  	s17 =	sor.u32 $0x460, s4;
	s18 =	sand.u32 $0x7, s15;
	[tilespmem:s11+$0xFFFFFF50] =	vst v6;
	v6 =	vld [tilespmem:s16+$0x2B00]  }
0x240: {  	s1 =	sshll.u32 s18, $0x7;
	v9 =	vld [tilespmem:s17+$0x2B00]  }
0x241: {  	v12 =	vld [tilespmem:s10+$0x60];
	s20 =	sadd.s32 $0x400, s1  }
0x242: {  	v13 =	vld [tilespmem:s19+$0x60];
	s1 =	sadd.s32 $0x180, s20  }
0x243: {  	s21 =	simm.s32 $0x400;
	v7 =	vadd.f32 v10, v7;
	s22 =	sor.u32 $0x400, s1;
	v10 =	vld [tilespmem:s29+$0x80]  }
0x244: {  	s23 =	sand.u32 $0x3800, s21;
	s14 =	simm.s32 $0x380;
	v15 =	vld [tilespmem:s22+$0x2B00];
	v14 =	vadd.f32 v5, v6  }
0x245: {  	v35 =	vld [tilespmem:s29+$0xFFFFFFB0];
	s7 =	sadd.s32 $0x2B00, s23;
	s24 =	sand.u32 $0x380, s14;
	v7 =	vmax.f32 v7, $0.0e+00;
	v8 =	vadd.f32 v8, v9  }
0x246: {  	v37 =	vld [tilespmem:s29+$0x30];
	s3 =	sadd.s32 s24, s7;
	v9 =	vmul.f32 v7, v11;
	v7 =	vmax.f32 v14, $0.0e+00  }
0x247: {  	v8 =	vmax.f32 v8, $0.0e+00;
	v11 =	vmul.f32 v7, v12;
	v12 =	vld [tilespmem:s3+$0x0]  }
0x248: {  	s6 =	sor.u32 $0x470, s6;
	v14 =	vld [tilespmem:s29+$0xFFFFFF80];
	[tilespmem:s11+$0xFFFFFFE0] =	vst v9;
	v13 =	vmul.f32 v8, v13  }
0x249: {  	s2 =	sor.u32 $0x470, s2;
	v8 =	vld [tilespmem:s6+$0x2B00];
	[tilespmem:s11+$0x60] =	vst v11;
	v11 =	vadd.f32 v10, v15  }
0x24a: {  	s4 =	sor.u32 $0x470, s4;
	[tilespmem:s11+$0xFFFFFF60] =	vst v13;
	v9 =	vld [tilespmem:s2+$0x2B00]  }
0x24b: {  	s31 =	simm.s32 $0x2;
	s2 =	sadd.s32 $0x80, s20;
	v10 =	vld [tilespmem:s4+$0x2B00];
	v13 =	vmax.f32 v11, $0.0e+00  }
0x24c: {  	p0 =	por !p0, !p0;
	s25 =	sand.u32 $0x3, s31;
	v11 =	vld [tilespmem:s0+$0x70];
	s26 =	sor.u32 $0x400, s2;
	v12 =	vmul.f32 v13, v12  }
0x24d: {  	s28 =	simm.s32 $0x280;
	s30 =	sor.u32 $0x410, s1;
	s4 =	sshll.u32 s25, $0x8;
	v13 =	vld [tilespmem:s26+$0x2B00]  }
0x24e: {  	s6 =	sand.u32 $0x280, s28;
	s0 =	simm.s32 $0x1;
	s4 =	sadd.s32 $0x400, s4;
	[tilespmem:s29+$0x80] =	vst v12;
	v12 =	vld [tilespmem:s29+$0x90]  }
0x24f: {  	s13 =	sadd.s32 s6, s7;
	s0 =	simm.s32 @!p0 $0x0;
	s4 =	sadd.s32 $0x100, s4;
	v15 =	vld [tilespmem:s30+$0x2B00]  }
0x250: {  	v17 =	vld [tilespmem:s13+$0x0];
	s0 =	sshll.u32 s0, $0x9;
	s9 =	sor.u32 $0x400, s4  }
0x251: {  	s6 =	sadd.s32 $0x400, s0;
	v16 =	vld [tilespmem:s9+$0x2B00]  }
0x252: {  	s0 =	sor.u32 $0x400, s6;
	v18 =	vld [tilespmem:s3+$0x10]  }
0x253: {  	v19 =	vld [tilespmem:s0+$0x2B00];
	v13 =	vadd.f32 v14, v13  }
0x254: {  	s5 =	simm.s32 $0x200;
	v14 =	vld [tilespmem:s29+$0xFFFFFF00];
	v12 =	vadd.f32 v12, v15  }
0x255: {  	s8 =	sand.u32 $0x200, s5;
	s9 =	simm.s32 $0x300;
	v13 =	vmax.f32 v13, $0.0e+00;
	v15 =	vld [tilespmem:s29+$0x0]  }
0x256: {  	v21 =	vld [tilespmem:s29+$0xFFFFFF30];
	s16 =	sadd.s32 s8, s7;
	s12 =	sand.u32 $0x300, s9;
	v13 =	vmul.f32 v13, v17;
	v12 =	vmax.f32 v12, $0.0e+00  }
0x257: {  	v20 =	vld [tilespmem:s16+$0x0];
	s12 =	sadd.s32 s12, s7;
	v12 =	vmul.f32 v12, v18  }
0x258: {  	v60 =	vld [tilespmem:s12+$0x0];
	[tilespmem:s29+$0xFFFFFF80] =	vst v13  }
0x259: {  	v42 =	vld [tilespmem:s29+$0xFFFFFF40];
	s17 =	sor.u32 $0x410, s2;
	[tilespmem:s29+$0x90] =	vst v12;
	v12 =	vadd.f32 v14, v19  }
0x25a: {  	v13 =	vld [tilespmem:s17+$0x2B00];
	v15 =	vadd.f32 v15, v16  }
0x25b: {  	v62 =	vld [tilespmem:s13+$0x10];
	v12 =	vmax.f32 v12, $0.0e+00  }
0x25c: {  	s18 =	sor.u32 $0x420, s1;
	v14 =	vld [tilespmem:s29+$0xA0];
	v15 =	vmax.f32 v15, $0.0e+00;
	v12 =	vmul.f32 v12, v20  }
0x25d: {  	v61 =	vld [tilespmem:s18+$0x2B00];
	v15 =	vmul.f32 v15, v60  }
0x25e: {  	v23 =	vld [tilespmem:s3+$0x20];
	[tilespmem:s29+$0xFFFFFF00] =	vst v12  }
0x25f: {  	s22 =	sor.u32 $0x410, s4;
	v12 =	vld [tilespmem:s29+$0x10];
	[tilespmem:s29+$0x0] =	vst v15  }
0x260: {  	s20 =	sor.u32 $0x410, s6;
	v13 =	vadd.f32 v59, v13;
	v15 =	vld [tilespmem:s22+$0x2B00]  }
0x261: {  	v24 =	vld [tilespmem:s20+$0x2B00]  }
0x262: {  	v44 =	vld [tilespmem:s29+$0xFFFFFFC0];
	v13 =	vmax.f32 v13, $0.0e+00;
	v14 =	vadd.f32 v14, v61  }
0x263: {  	v13 =	vmul.f32 v13, v62;
	v25 =	vld [tilespmem:s12+$0x10]  }
0x264: {  	v26 =	vld [tilespmem:s16+$0x10];
	v14 =	vmax.f32 v14, $0.0e+00  }
0x265: {  	s23 =	sor.u32 $0x420, s2;
	[tilespmem:s29+$0xFFFFFF90] =	vst v13;
	v13 =	vmul.f32 v14, v23;
	v14 =	vld [tilespmem:s29+$0xFFFFFFA0];
	v12 =	vadd.f32 v12, v15  }
0x266: {  	v27 =	vld [tilespmem:s23+$0x2B00];
	v15 =	vadd.f32 v63, v24  }
0x267: {  	s24 =	sor.u32 $0x430, s1;
	[tilespmem:s29+$0xA0] =	vst v13;
	v13 =	vld [tilespmem:s29+$0xB0];
	v12 =	vmax.f32 v12, $0.0e+00  }
0x268: {  	v28 =	vld [tilespmem:s24+$0x2B00];
	v15 =	vmax.f32 v15, $0.0e+00;
	v12 =	vmul.f32 v12, v25  }
0x269: {  	v29 =	vld [tilespmem:s13+$0x20];
	v15 =	vmul.f32 v15, v26  }
0x26a: {  	s25 =	sor.u32 $0x420, s4;
	v31 =	vld [tilespmem:s3+$0x30];
	[tilespmem:s29+$0x10] =	vst v12  }
0x26b: {  	s26 =	sor.u32 $0x420, s6;
	v14 =	vadd.f32 v14, v27;
	[tilespmem:s29+$0xFFFFFF10] =	vst v15;
	v12 =	vld [tilespmem:s25+$0x2B00]  }
0x26c: {  	v15 =	vld [tilespmem:s26+$0x2B00]  }
0x26d: {  	v45 =	vld [tilespmem:s29+$0x40];
	v14 =	vmax.f32 v14, $0.0e+00;
	v13 =	vadd.f32 v13, v28  }
0x26e: {  	v14 =	vmul.f32 v14, v29;
	v33 =	vld [tilespmem:s12+$0x20]  }
0x26f: {  	v34 =	vld [tilespmem:s16+$0x20];
	v13 =	vmax.f32 v13, $0.0e+00  }
0x270: {  	v50 =	vld [tilespmem:s29+$0xFFFFFFD0];
	s28 =	sor.u32 $0x430, s2;
	[tilespmem:s29+$0xFFFFFFA0] =	vst v14;
	v13 =	vmul.f32 v13, v31;
	v12 =	vadd.f32 v30, v12  }
0x271: {  	v14 =	vld [tilespmem:s28+$0x2B00];
	v15 =	vadd.f32 v32, v15  }
0x272: {  	s30 =	sor.u32 $0x440, s1;
	[tilespmem:s29+$0xB0] =	vst v13;
	v13 =	vld [tilespmem:s29+$0xC0];
	v12 =	vmax.f32 v12, $0.0e+00  }
0x273: {  	v36 =	vld [tilespmem:s30+$0x2B00];
	v15 =	vmax.f32 v15, $0.0e+00;
	v12 =	vmul.f32 v12, v33  }
0x274: {  	v38 =	vld [tilespmem:s13+$0x30];
	v15 =	vmul.f32 v15, v34  }
0x275: {  	s5 =	sor.u32 $0x430, s4;
	v39 =	vld [tilespmem:s3+$0x40];
	[tilespmem:s29+$0x20] =	vst v12  }
0x276: {  	s7 =	sor.u32 $0x430, s6;
	v12 =	vadd.f32 v35, v14;
	[tilespmem:s29+$0xFFFFFF20] =	vst v15;
	v14 =	vld [tilespmem:s5+$0x2B00]  }
0x277: {  	v15 =	vld [tilespmem:s7+$0x2B00]  }
0x278: {  	v52 =	vld [tilespmem:s29+$0xE0];
	v13 =	vadd.f32 v13, v36;
	v12 =	vmax.f32 v12, $0.0e+00  }
0x279: {  	v40 =	vld [tilespmem:s12+$0x30];
	v12 =	vmul.f32 v12, v38  }
0x27a: {  	v41 =	vld [tilespmem:s16+$0x30];
	v13 =	vmax.f32 v13, $0.0e+00  }
0x27b: {  	v53 =	vld [tilespmem:s29+$0xFFFFFF50];
	v13 =	vmul.f32 v13, v39;
	[tilespmem:s29+$0xFFFFFFB0] =	vst v12;
	v12 =	vadd.f32 v37, v14  }
0x27c: {  	v58 =	vld [tilespmem:s29+$0xFFFFFF60];
	v15 =	vadd.f32 v21, v15  }
0x27d: {  	s9 =	sor.u32 $0x450, s1;
	[tilespmem:s29+$0xC0] =	vst v13;
	v13 =	vld [tilespmem:s29+$0xD0];
	v12 =	vmax.f32 v12, $0.0e+00  }
0x27e: {  	s8 =	sor.u32 $0x440, s2;
	v43 =	vld [tilespmem:s9+$0x2B00];
	v15 =	vmax.f32 v15, $0.0e+00;
	v12 =	vmul.f32 v12, v40  }
0x27f: {  	v14 =	vld [tilespmem:s8+$0x2B00];
	v15 =	vmul.f32 v15, v41  }
0x280: {  	[tilespmem:s29+$0x30] =	vst v12;
	v12 =	vld [tilespmem:s3+$0x50]  }
0x281: {  	s17 =	sor.u32 $0x440, s4;
	[tilespmem:s29+$0xFFFFFF30] =	vst v15;
	v15 =	vld [tilespmem:s13+$0x40]  }
0x282: {  	s18 =	sor.u32 $0x440, s6;
	v46 =	vld [tilespmem:s17+$0x2B00]  }
0x283: {  	v13 =	vadd.f32 v13, v43;
	v47 =	vld [tilespmem:s18+$0x2B00]  }
0x284: {  	v55 =	vld [tilespmem:s11+$0xF0]  }
0x285: {  	v14 =	vadd.f32 v44, v14;
	v48 =	vld [tilespmem:s12+$0x40];
	v13 =	vmax.f32 v13, $0.0e+00  }
0x286: {  	v49 =	vld [tilespmem:s16+$0x40];
	v12 =	vmul.f32 v13, v12  }
0x287: {  	v5 =	vld [tilespmem:s11+$0xFFFFFF70];
	v13 =	vmax.f32 v14, $0.0e+00;
	v14 =	vadd.f32 v45, v46  }
0x288: {  	v6 =	vld [tilespmem:s11+$0xFFFFFFF0];
	v13 =	vmul.f32 v13, v15;
	[tilespmem:s29+$0xD0] =	vst v12;
	v12 =	vadd.f32 v42, v47  }
0x289: {  	s20 =	sor.u32 $0x460, s1;
	v15 =	vld [tilespmem:s29+$0x50];
	v14 =	vmax.f32 v14, $0.0e+00  }
0x28a: {  	s22 =	sor.u32 $0x450, s2;
	v51 =	vld [tilespmem:s20+$0x2B00];
	[tilespmem:s29+$0xFFFFFFC0] =	vst v13;
	v14 =	vmul.f32 v14, v48;
	v12 =	vmax.f32 v12, $0.0e+00  }
0x28b: {  	v13 =	vld [tilespmem:s22+$0x2B00];
	v12 =	vmul.f32 v12, v49  }
0x28c: {  	v56 =	vld [tilespmem:s13+$0x50];
	[tilespmem:s29+$0x40] =	vst v14  }
0x28d: {  	s23 =	sor.u32 $0x450, s4;
	[tilespmem:s29+$0xFFFFFF40] =	vst v12;
	v12 =	vld [tilespmem:s3+$0x60]  }
0x28e: {  	s24 =	sor.u32 $0x450, s6;
	v14 =	vld [tilespmem:s23+$0x2B00]  }
0x28f: {  	v54 =	vld [tilespmem:s24+$0x2B00];
	v17 =	vadd.f32 v52, v51  }
0x290: {  	v7 =	vld [tilespmem:s11+$0x70];
	v13 =	vadd.f32 v50, v13  }
0x291: {  	v22 =	vld [tilespmem:s12+$0x50];
	v17 =	vmax.f32 v17, $0.0e+00  }
0x292: {  	v57 =	vld [tilespmem:s16+$0x50];
	v13 =	vmax.f32 v13, $0.0e+00;
	v12 =	vmul.f32 v17, v12  }
0x293: {  	v59 =	vld [tilespmem:s29+$0xF0];
	v14 =	vadd.f32 v15, v14;
	v13 =	vmul.f32 v13, v56  }
0x294: {  	v15 =	vadd.f32 v53, v54;
	[tilespmem:s29+$0xE0] =	vst v12;
	v12 =	vld [tilespmem:s29+$0xFFFFFFE0]  }
0x295: {  	s25 =	sor.u32 $0x470, s1;
	v14 =	vmax.f32 v14, $0.0e+00;
	[tilespmem:s29+$0xFFFFFFD0] =	vst v13;
	v13 =	vld [tilespmem:s29+$0x60]  }
0x296: {  	s26 =	sor.u32 $0x460, s2;
	v60 =	vld [tilespmem:s25+$0x2B00];
	v14 =	vmul.f32 v14, v22;
	v15 =	vmax.f32 v15, $0.0e+00  }
0x297: {  	v3 =	vadd.f32 v55, v3;
	v61 =	vld [tilespmem:s26+$0x2B00];
	v15 =	vmul.f32 v15, v57  }
0x298: {  	s28 =	sor.u32 $0x460, s4;
	[tilespmem:s29+$0x50] =	vst v14;
	v14 =	vld [tilespmem:s3+$0x70]  }
0x299: {  	v3 =	vmax.f32 v3, $0.0e+00;
	v6 =	vadd.f32 v6, v8;
	[tilespmem:s29+$0xFFFFFF50] =	vst v15;
	v15 =	vld [tilespmem:s28+$0x2B00]  }
0x29a: {  	v3 =	vmul.f32 v3, v4;
	s30 =	sor.u32 $0x460, s6;
	v63 =	vld [tilespmem:s13+$0x60]  }
0x29b: {  	v10 =	vadd.f32 v5, v10;
	v5 =	vmax.f32 v6, $0.0e+00;
	v62 =	vld [tilespmem:s30+$0x2B00];
	v4 =	vadd.f32 v59, v60  }
0x29c: {  	v6 =	vmul.f32 v5, v11;
	v5 =	vld [tilespmem:s29+$0xFFFFFF70]  }
0x29d: {  	v7 =	vadd.f32 v7, v9;
	v9 =	vld [tilespmem:s12+$0x60];
	v11 =	vadd.f32 v12, v61;
	v4 =	vmax.f32 v4, $0.0e+00  }
0x29e: {  	[tilespmem:s11+$0xF0] =	vst v3;
	v8 =	vld [tilespmem:s16+$0x60];
	v12 =	vmul.f32 v4, v14;
	v13 =	vadd.f32 v13, v15  }
0x29f: {  	p0 =	por !p0, !p0;
	s0 =	simm.s32 $0x4;
	v3 =	vmax.f32 v10, $0.0e+00;
	[tilespmem:s11+$0xFFFFFFF0] =	vst v6;
	v6 =	vld [tilespmem:s29+$0xFFFFFFF0];
	s18 =	sor.u32 $0x470, s2;
	v4 =	vmax.f32 v7, $0.0e+00;
	v7 =	vmax.f32 v11, $0.0e+00  }
0x2a0: {  	s2 =	sor.u32 $0x470, s6;
	s17 =	sor.u32 $0x470, s4;
	s23 =	simm.s32 $0x9200;
	v11 =	vadd.f32 v58, v62;
	v10 =	vmul.f32 v7, v63;
	v7 =	vld [tilespmem:s29+$0x70];
	[tilespmem:s29+$0xF0] =	vst v12;
	v12 =	vmax.f32 v13, $0.0e+00  }
.LBB2_5:
0x2a1: {  	_ = 	snop  }
0x2a2: {  	s15 =	sadd.s32 $0x4, s15;
	v11 =	vmax.f32 v11, $0.0e+00;
	v9 =	vmul.f32 v12, v9;
	v12 =	vld [tilespmem:s10+$0x70]  }
0x2a3: {  	s1 =	simm.s32 $0x1;
	s31 =	sadd.s32 $0x2, s31;
	[tilespmem:s29+$0xFFFFFFE0] =	vst v10;
	v10 =	vld [tilespmem:s19+$0x70];
	s4 =	sand.u32 $0x7, s15;
	v8 =	vmul.f32 v11, v8  }
0x2a4: {  	s3 =	smov.u32 s12;
	s21 =	sadd.s32 $0x400, s21;
	s4 =	sshll.u32 s4, $0x7;
	v11 =	vld [tilespmem:s18+$0x2B00];
	[tilespmem:s29+$0x60] =	vst v9  }
0x2a5: {  	s14 =	sadd.s32 $0x200, s14;
	s12 =	sand.u32 $0x3, s31;
	s4 =	sadd.s32 s4, s21;
	[tilespmem:s29+$0xFFFFFF60] =	vst v8;
	v8 =	vld [tilespmem:s17+$0x2B00]  }
0x2a6: {  	[dreg:$0x14] =	wrdreg s3;
	s3 =	sshll.u32 s12, $0x8;
	v13 =	vld [tilespmem:s13+$0x70];
	s22 =	sadd.s32 $0x180, s4  }
0x2a7: {  	s1 =	simm.s32 @!p0 $0x0;
	s3 =	sadd.s32 s21, s3;
	s24 =	sor.u32 $0x400, s22;
	v9 =	vld [tilespmem:s2+$0x2B00];
	v4 =	vmul.f32 v4, v12  }
0x2a8: {  	s1 =	sshll.u32 s1, $0x9;
	s26 =	sadd.s32 $0x100, s3;
	s29 =	sadd.s32 $0x200, s29;
	v3 =	vmul.f32 v3, v10;
	v10 =	vld [tilespmem:s24+$0x2B00]  }
0x2a9: {  	s25 =	sand.u32 $0x3800, s21;
	s6 =	sor.u32 $0x400, s26;
	s17 =	sadd.s32 s1, s21;
	v12 =	vld [tilespmem:s29+$0x80];
	[tilespmem:s11+$0x70] =	vst v4  }
0x2aa: {  	s9 =	sand.u32 $0x380, s14;
	s28 =	sadd.s32 $0x2B00, s25;
	s30 =	sor.u32 $0x400, s17;
	[tilespmem:s11+$0xFFFFFF70] =	vst v3;
	v6 =	vadd.f32 v6, v11;
	v4 =	vadd.f32 v7, v8;
	v7 =	vld [tilespmem:s6+$0x2B00]  }
0x2ab: {  	s6 =	sadd.s32 s9, s28;
	v8 =	vld [tilespmem:s30+$0x2B00]  }
0x2ac: {  	s1 =	sadd.s32 $0x80, s4;
	v3 =	vadd.f32 v5, v9;
	v5 =	vmax.f32 v6, $0.0e+00;
	v6 =	vld [tilespmem:s6+$0x0]  }
0x2ad: {  	s7 =	sadd.s32 $0xFFFFFE80, s14;
	s20 =	sor.u32 $0x400, s1;
	v9 =	vld [tilespmem:s29+$0xFFFFFF00];
	v5 =	vmul.f32 v5, v13  }
0x2ae: {  	s10 =	sand.u32 $0x200, s7;
	v11 =	vld [tilespmem:s20+$0x2B00];
	v10 =	vadd.f32 v12, v10  }
0x2af: {  	s8 =	sadd.s32 $0xFFFFFF00, s14;
	s5 =	sadd.s32 s10, s28;
	[tilespmem:s23+$0xFFFFFFF0] =	vst v5;
	v5 =	vld [tilespmem:s29+$0xFFFFFF80]  }
0x2b0: {  	s11 =	sand.u32 $0x280, s8;
	v13 =	vld [tilespmem:s5+$0x0];
	v10 =	vmax.f32 v10, $0.0e+00  }
0x2b1: {  	s12 =	sadd.s32 $0xFFFFFF80, s14;
	s13 =	sadd.s32 s11, s28;
	v12 =	vld [tilespmem:s29+$0x0];
	v6 =	vmul.f32 v10, v6  }
0x2b2: {  	s18 =	sand.u32 $0x300, s12;
	v8 =	vadd.f32 v9, v8;
	v10 =	vld [tilespmem:s13+$0x0]  }
0x2b3: {  	s12 =	sadd.s32 s18, s28;
	[tilespmem:s29+$0x80] =	vst v6;
	v6 =	vld [tilespmem:s29+$0x90]  }
0x2b4: {  	s2 =	sor.u32 $0x410, s22;
	v8 =	vmax.f32 v8, $0.0e+00;
	v5 =	vadd.f32 v5, v11;
	v11 =	vld [tilespmem:s12+$0x0]  }
0x2b5: {  	v8 =	vmul.f32 v8, v13;
	v9 =	vld [tilespmem:s2+$0x2B00]  }
0x2b6: {  	v7 =	vadd.f32 v12, v7;
	v12 =	vld [tilespmem:s29+$0xFFFFFF10];
	v5 =	vmax.f32 v5, $0.0e+00  }
0x2b7: {  	[tilespmem:s29+$0xFFFFFF00] =	vst v8;
	v8 =	vld [tilespmem:s29+$0xFFFFFF90];
	v5 =	vmul.f32 v5, v10  }
0x2b8: {  	s20 =	sor.u32 $0x410, s17;
	v10 =	vld [tilespmem:s6+$0x10]  }
0x2b9: {  	s7 =	sor.u32 $0x410, s1;
	v7 =	vmax.f32 v7, $0.0e+00;
	v13 =	vld [tilespmem:s20+$0x2B00];
	[tilespmem:s29+$0xFFFFFF80] =	vst v5  }
0x2ba: {  	v7 =	vmul.f32 v7, v11;
	v5 =	vadd.f32 v6, v9;
	v6 =	vld [tilespmem:s7+$0x2B00]  }
0x2bb: {  	v9 =	vld [tilespmem:s29+$0x10]  }
0x2bc: {  	s30 =	sor.u32 $0x410, s26;
	v11 =	vld [tilespmem:s13+$0x10];
	[tilespmem:s29+$0x0] =	vst v7;
	v5 =	vmax.f32 v5, $0.0e+00  }
0x2bd: {  	s19 =	sor.u32 $0x450, s1;
	v7 =	vld [tilespmem:s30+$0x2B00];
	v5 =	vmul.f32 v5, v10  }
0x2be: {  	[dreg:$0x17] =	wrdreg s19;
	s19 =	sor.u32 $0x450, s17;
	v10 =	vadd.f32 v12, v13;
	v12 =	vld [tilespmem:s12+$0x10]  }
0x2bf: {  	[dreg:$0xc] =	wrdreg s19;
	s19 =	sor.u32 $0x460, s17;
	s20 =	sor.u32 $0x420, s22;
	[tilespmem:s29+$0x90] =	vst v5;
	v5 =	vld [tilespmem:s29+$0xA0];
	v6 =	vadd.f32 v8, v6  }
0x2c0: {  	[dreg:$0x4] =	wrdreg s19;
	s19 =	smov.u32 s16;
	s16 =	smov.u32 s5;
	v8 =	vld [tilespmem:s20+$0x2B00]  }
0x2c1: {  	v13 =	vld [tilespmem:s16+$0x10];
	v6 =	vmax.f32 v6, $0.0e+00  }
0x2c2: {  	v7 =	vadd.f32 v9, v7;
	v9 =	vld [tilespmem:s6+$0x20];
	v6 =	vmul.f32 v6, v11  }
0x2c3: {  	v11 =	vld [tilespmem:s29+$0xFFFFFF20]  }
0x2c4: {  	v7 =	vmax.f32 v7, $0.0e+00;
	[tilespmem:s29+$0xFFFFFF90] =	vst v6;
	v6 =	vld [tilespmem:s29+$0xFFFFFFA0]  }
0x2c5: {  	s28 =	sor.u32 $0x420, s1;
	v10 =	vmax.f32 v10, $0.0e+00;
	v7 =	vmul.f32 v7, v12;
	v12 =	vld [tilespmem:s29+$0x20];
	v5 =	vadd.f32 v5, v8  }
0x2c6: {  	v10 =	vmul.f32 v10, v13;
	v8 =	vld [tilespmem:s28+$0x2B00]  }
0x2c7: {  	s25 =	sor.u32 $0x420, s26;
	v13 =	vld [tilespmem:s13+$0x20];
	[tilespmem:s29+$0x10] =	vst v7;
	v5 =	vmax.f32 v5, $0.0e+00  }
0x2c8: {  	s4 =	sor.u32 $0x420, s17;
	[tilespmem:s29+$0xFFFFFF10] =	vst v10;
	v7 =	vld [tilespmem:s25+$0x2B00];
	v5 =	vmul.f32 v5, v9  }
0x2c9: {  	v9 =	vld [tilespmem:s4+$0x2B00]  }
0x2ca: {  	s30 =	sor.u32 $0x430, s22;
	[tilespmem:s29+$0xA0] =	vst v5;
	v5 =	vld [tilespmem:s29+$0xB0]  }
0x2cb: {  	v6 =	vadd.f32 v6, v8;
	v8 =	vld [tilespmem:s30+$0x2B00];
	_ =	sdelay $0x1  }
0x2cc: {  	v10 =	vld [tilespmem:s12+$0x20];
	v6 =	vmax.f32 v6, $0.0e+00  }
0x2cd: {  	v7 =	vadd.f32 v12, v7;
	v12 =	vld [tilespmem:s6+$0x30];
	v6 =	vmul.f32 v6, v13  }
0x2ce: {  	v13 =	vld [tilespmem:s16+$0x20]  }
0x2cf: {  	s10 =	sor.u32 $0x430, s1;
	[tilespmem:s29+$0xFFFFFFA0] =	vst v6;
	v6 =	vmax.f32 v7, $0.0e+00;
	v7 =	vadd.f32 v11, v9;
	v9 =	vld [tilespmem:s29+$0xFFFFFFB0];
	v5 =	vadd.f32 v5, v8  }
0x2d0: {  	v8 =	vld [tilespmem:s10+$0x2B00]  }
0x2d1: {  	v14 =	vld [tilespmem:s29+$0xFFFFFF30];
	v6 =	vmul.f32 v6, v10;
	v5 =	vmax.f32 v5, $0.0e+00  }
0x2d2: {  	v10 =	vld [tilespmem:s29+$0x30];
	v7 =	vmax.f32 v7, $0.0e+00;
	v5 =	vmul.f32 v5, v12  }
0x2d3: {  	v11 =	vld [tilespmem:s13+$0x30];
	v7 =	vmul.f32 v7, v13;
	[tilespmem:s29+$0x20] =	vst v6  }
0x2d4: {  	s3 =	sor.u32 $0x430, s26;
	[tilespmem:s29+$0xB0] =	vst v5;
	v5 =	vld [tilespmem:s29+$0xC0]  }
0x2d5: {  	s5 =	sor.u32 $0x440, s22;
	[tilespmem:s29+$0xFFFFFF20] =	vst v7;
	v7 =	vadd.f32 v9, v8;
	v8 =	vld [tilespmem:s3+$0x2B00]  }
0x2d6: {  	s11 =	sor.u32 $0x430, s17;
	v6 =	vld [tilespmem:s5+$0x2B00]  }
0x2d7: {  	v9 =	vld [tilespmem:s11+$0x2B00];
	v7 =	vmax.f32 v7, $0.0e+00  }
0x2d8: {  	v7 =	vmul.f32 v7, v11;
	v11 =	vld [tilespmem:s12+$0x30]  }
0x2d9: {  	v12 =	vld [tilespmem:s6+$0x40]  }
0x2da: {  	v13 =	vld [tilespmem:s16+$0x30];
	[tilespmem:s29+$0xFFFFFFB0] =	vst v7;
	v7 =	vadd.f32 v10, v8  }
0x2db: {  	v5 =	vadd.f32 v5, v6  }
0x2dc: {  	s9 =	sor.u32 $0x440, s1;
	v8 =	vadd.f32 v14, v9;
	v10 =	vld [tilespmem:s29+$0xFFFFFFC0];
	v7 =	vmax.f32 v7, $0.0e+00  }
0x2dd: {  	v9 =	vld [tilespmem:s9+$0x2B00];
	v5 =	vmax.f32 v5, $0.0e+00;
	v7 =	vmul.f32 v7, v11  }
0x2de: {  	v8 =	vmax.f32 v8, $0.0e+00;
	v11 =	vld [tilespmem:s29+$0x40];
	v5 =	vmul.f32 v5, v12  }
0x2df: {  	v8 =	vmul.f32 v8, v13;
	v13 =	vld [tilespmem:s13+$0x40];
	[tilespmem:s29+$0x30] =	vst v7  }
0x2e0: {  	s8 =	sor.u32 $0x440, s26;
	[tilespmem:s29+$0xC0] =	vst v5;
	v5 =	vld [tilespmem:s29+$0xD0]  }
0x2e1: {  	s7 =	sor.u32 $0x450, s22;
	[tilespmem:s29+$0xFFFFFF30] =	vst v8;
	v8 =	vld [tilespmem:s8+$0x2B00]  }
0x2e2: {  	v7 =	vld [tilespmem:s7+$0x2B00]  }
0x2e3: {  	s24 =	sor.u32 $0x440, s17;
	v6 =	vld [tilespmem:s29+$0xFFFFFF40]  }
0x2e4: {  	v12 =	vld [tilespmem:s24+$0x2B00];
	v9 =	vadd.f32 v10, v9  }
0x2e5: {  	v10 =	vld [tilespmem:s6+$0x50]  }
0x2e6: {  	v14 =	vld [tilespmem:s12+$0x40];
	v9 =	vmax.f32 v9, $0.0e+00  }
0x2e7: {  	v9 =	vmul.f32 v9, v13;
	v8 =	vadd.f32 v11, v8;
	v11 =	vld [tilespmem:s29+$0xFFFFFF50];
	v5 =	vadd.f32 v5, v7  }
0x2e8: {  	v7 =	vld [tilespmem:s16+$0x40]  }
0x2e9: {  	s20 =	rddreg [dreg:$0x17];
	v6 =	vadd.f32 v6, v12;
	v12 =	vld [tilespmem:s29+$0xFFFFFFD0];
	[tilespmem:s29+$0xFFFFFFC0] =	vst v9;
	v5 =	vmax.f32 v5, $0.0e+00  }
0x2ea: {  	v9 =	vld [tilespmem:s20+$0x2B00];
	v8 =	vmax.f32 v8, $0.0e+00;
	v5 =	vmul.f32 v5, v10  }
0x2eb: {  	v8 =	vmul.f32 v8, v14;
	v14 =	vld [tilespmem:s13+$0x50]  }
0x2ec: {  	s9 =	sor.u32 $0x460, s22;
	v6 =	vmax.f32 v6, $0.0e+00;
	[tilespmem:s29+$0xD0] =	vst v5;
	v5 =	vld [tilespmem:s29+$0xE0]  }
0x2ed: {  	s18 =	sor.u32 $0x450, s26;
	v6 =	vmul.f32 v6, v7;
	v7 =	vld [tilespmem:s9+$0x2B00]  }
0x2ee: {  	[dreg:$0x10] =	wrdreg s18;
	v10 =	vld [tilespmem:s29+$0x50]  }
0x2ef: {  	s24 =	rddreg [dreg:$0x10];
	[tilespmem:s29+$0x40] =	vst v8;
	v8 =	vld [tilespmem:s6+$0x60]  }
0x2f0: {  	s25 =	rddreg [dreg:$0xc];
	[tilespmem:s29+$0xFFFFFF40] =	vst v6;
	v6 =	vld [tilespmem:s24+$0x2B00]  }
0x2f1: {  	v13 =	vld [tilespmem:s25+$0x2B00]  }
0x2f2: {  	v5 =	vadd.f32 v5, v7  }
0x2f3: {  	v7 =	vadd.f32 v12, v9;
	v9 =	vld [tilespmem:s12+$0x50]  }
0x2f4: {  	v12 =	vld [tilespmem:s16+$0x50];
	v5 =	vmax.f32 v5, $0.0e+00  }
0x2f5: {  	s18 =	sor.u32 $0x460, s1;
	v6 =	vadd.f32 v10, v6;
	v10 =	vld [tilespmem:s29+$0xFFFFFF60];
	v7 =	vmax.f32 v7, $0.0e+00;
	v5 =	vmul.f32 v5, v8  }
0x2f6: {  	[dreg:$0x8] =	wrdreg s18;
	s18 =	sor.u32 $0x470, s1;
	s1 =	sor.u32 $0x460, s26;
	v8 =	vadd.f32 v11, v13;
	v11 =	vld [tilespmem:s29+$0xFFFFFFE0];
	v7 =	vmul.f32 v7, v14  }
0x2f7: {  	s2 =	sor.u32 $0x470, s17;
	s17 =	sor.u32 $0x470, s26;
	s26 =	smov.u32 s23;
	[tilespmem:s29+$0xE0] =	vst v5;
	v5 =	vld [tilespmem:s29+$0xF0]  }
0x2f8: {  	s11 =	smov.u32 s26;
	s26 =	sor.u32 $0x470, s22;
	v6 =	vmax.f32 v6, $0.0e+00;
	[tilespmem:s29+$0xFFFFFFD0] =	vst v7;
	v7 =	vld [tilespmem:s29+$0x60]  }
0x2f9: {  	s28 =	rddreg [dreg:$0x8];
	v8 =	vmax.f32 v8, $0.0e+00;
	v6 =	vmul.f32 v6, v9;
	v9 =	vld [tilespmem:s26+$0x2B00]  }
0x2fa: {  	v8 =	vmul.f32 v8, v12;
	v12 =	vld [tilespmem:s28+$0x2B00]  }
0x2fb: {  	[tilespmem:s29+$0x50] =	vst v6;
	v6 =	vld [tilespmem:s6+$0x70]  }
0x2fc: {  	v13 =	vld [tilespmem:s1+$0x2B00]  }
0x2fd: {  	s0 =	sadd.s32 $0x4, s0;
	s30 =	rddreg [dreg:$0x4];
	v15 =	vld [tilespmem:s13+$0x60];
	[tilespmem:s29+$0xFFFFFF50] =	vst v8  }
0x2fe: {  	p1 =	slt.u32 s0, $0x24;
	v14 =	vld [tilespmem:s30+$0x2B00];
	v5 =	vadd.f32 v5, v9  }
.Ltmp1:
0x2ff: {  	v8 =	vld [tilespmem:s16+$0x60];
	(pc) =	sbr.rel @p1 .LBB2_5-.Ltmp1, $4  }
0x300: {  	v11 =	vadd.f32 v11, v12;
	v9 =	vld [tilespmem:s12+$0x60];
	v5 =	vmax.f32 v5, $0.0e+00  }
0x301: {  	v7 =	vadd.f32 v7, v13;
	v12 =	vmul.f32 v5, v6;
	v5 =	vld [tilespmem:s29+$0xFFFFFF70]  }
0x302: {  	v4 =	vmax.f32 v4, $0.0e+00;
	v3 =	vmax.f32 v3, $0.0e+00;
	v16 =	vmax.f32 v11, $0.0e+00;
	v6 =	vld [tilespmem:s29+$0xFFFFFFF0]  }
0x303: {  	p0 =	por !p0, !p0;
	s23 =	smov.u32 s29;
	s10 =	rddreg [dreg:$0x14];
	v11 =	vadd.f32 v10, v14;
	v10 =	vmul.f32 v16, v15;
	[tilespmem:s29+$0xF0] =	vst v12;
	v12 =	vmax.f32 v7, $0.0e+00;
	v7 =	vld [tilespmem:s29+$0x70]  }
0x304: {  	_ = 	snop  }
0x305: {  	v11 =	vmax.f32 v11, $0.0e+00;
	v9 =	vmul.f32 v12, v9;
	v12 =	vld [tilespmem:s10+$0x70]  }
0x306: {  	[tilespmem:s29+$0xFFFFFFE0] =	vst v10;
	v10 =	vld [tilespmem:s19+$0x70];
	v8 =	vmul.f32 v11, v8  }
0x307: {  	v11 =	vld [tilespmem:s18+$0x2B00];
	[tilespmem:s29+$0x60] =	vst v9  }
0x308: {  	[tilespmem:s29+$0xFFFFFF60] =	vst v8;
	v8 =	vld [tilespmem:s17+$0x2B00]  }
0x309: {  	v9 =	vld [tilespmem:s2+$0x2B00]  }
0x30a: {  	v13 =	vld [tilespmem:s13+$0x70]  }
0x30b: {  	v14 =	vld [tilespmem:s12+$0x70]  }
0x30c: {  	v6 =	vadd.f32 v6, v11;
	v11 =	vld [tilespmem:s16+$0x70]  }
0x30d: {  	v4 =	vmul.f32 v4, v12;
	v7 =	vadd.f32 v7, v8  }
0x30e: {  	v3 =	vmul.f32 v3, v10;
	v6 =	vmax.f32 v6, $0.0e+00;
	v5 =	vadd.f32 v5, v9  }
0x30f: {  	[tilespmem:s11+$0x70] =	vst v4;
	v4 =	vmul.f32 v6, v13;
	v6 =	vmax.f32 v7, $0.0e+00  }
0x310: {  	[tilespmem:s11+$0xFFFFFF70] =	vst v3;
	v3 =	vmax.f32 v5, $0.0e+00;
	v5 =	vmul.f32 v6, v14  }
0x311: {  	[tilespmem:s23+$0xFFFFFFF0] =	vst v4;
	v3 =	vmul.f32 v3, v11  }
0x312: {  	s0 =	rddreg [dreg:$0x1];
	s1 =	simm.s32 $0x200;
	[tilespmem:s23+$0x70] =	vst v5  }
0x313: {  	s3 =	simm.s32 $0x28;
	s31 =	simm.s32 $0x8F00;
	s4 =	simm.s32 $0x1;
	[tilespmem:s23+$0xFFFFFF70] =	vst v3  }
0x314: {  	[spmem:s0] =	stream.indirect.scatter.add.f32 [tilespmem:s31], [sflag:$0x8], $0x80, s1, s3, $0xb8;
	[tilespmem:$0x1F300] =	vst v63  }
0x315: {  	_ =	swait.ge [sflag:s4], $0x28  }
0x316: {  	[sflag:s4] =	ssyncset.done $0x0  }
0x317: {  	[sflag:s4] =	ssyncadd.s32 $0xFFFFFFD8  }
0x318: {  	_ =	swait.ge [sflag:s4], $0x28  }
0x319: {  	[sflag:s4] =	ssyncset.done $0x0  }
0x31a: {  	[sflag:s4] =	ssyncadd.s32 $0xFFFFFFD8  }
0x31b: {  	v3 =	vld [tilespmem:$0x0];
	_ =	sdelay $0x4  }
0x31c: {  	v4 =	vshll.u32 v3, $0x1  }
0x31d: {  	v3 =	vand.u32 $0x7, v3;
	v4 =	vand.u32 $0xFFFFFFF0, v4  }
0x31e: {  	v3 =	vor.u32 v3, v4  }
0x31f: {  	v4 =	vperm.xlane v3, v0;
	_ =	sdelay $0x1  }
0x320: {  	v3 =	vperm.xlane v3, v2;
	v4 =	vadd.s32 v1, v4;
	_ =	sdelay $0x1  }
0x321: {  	v3 =	vadd.s32 v1, v3;
	_ =	sdelay $0x1  }
0x322: {  	s5 =	simm.s32 $0x0;
	s7 =	simm.s32 $0x300;
	s6 =	rddreg [dreg:$0x1b]  }
0x323: {  	[tilespmem:s7], [sflag:$0x4] =	stream.indirect_vreg.gather [hbm4b:s6+s5], $0x80, v4, vm0, $0xb8;
	[tilespmem:$0x1F300] =	vst v63  }
0x324: {  	s8 =	simm.s32 $0xB00  }
0x325: {  	[tilespmem:s8], [sflag:$0x4] =	stream.indirect_vreg.gather [hbm4b:s6+s5], $0x80, v3, vm0, $0xb8;
	[tilespmem:$0x1F300] =	vst v63  }
0x326: {  	v3 =	vld [tilespmem:$0x10];
	_ =	sdelay $0x4  }
0x327: {  	v4 =	vshll.u32 v3, $0x1  }
0x328: {  	v3 =	vand.u32 $0x7, v3;
	v4 =	vand.u32 $0xFFFFFFF0, v4  }
0x329: {  	v3 =	vor.u32 v3, v4  }
0x32a: {  	v4 =	vperm.xlane v3, v0;
	_ =	sdelay $0x1  }
0x32b: {  	v3 =	vperm.xlane v3, v2;
	v4 =	vadd.s32 v1, v4;
	_ =	sdelay $0x1  }
0x32c: {  	v3 =	vadd.s32 v1, v3;
	_ =	sdelay $0x1  }
0x32d: {  	s9 =	simm.s32 $0x1300  }
0x32e: {  	[tilespmem:s9], [sflag:$0x4] =	stream.indirect_vreg.gather [hbm4b:s6+s5], $0x80, v4, vm0, $0xb8;
	[tilespmem:$0x1F300] =	vst v63  }
0x32f: {  	s10 =	simm.s32 $0x1B00  }
0x330: {  	[tilespmem:s10], [sflag:$0x4] =	stream.indirect_vreg.gather [hbm4b:s6+s5], $0x80, v3, vm0, $0xb8;
	[tilespmem:$0x1F300] =	vst v63  }
0x331: {  	v3 =	vld.msk [tilespmem:$0x20], $0xff;
	_ =	sdelay $0x4  }
0x332: {  	v4 =	vshll.u32 v3, $0x1  }
0x333: {  	v3 =	vand.u32 $0x7, v3;
	v4 =	vand.u32 $0xFFFFFFF0, v4  }
0x334: {  	v3 =	vor.u32 v3, v4  }
0x335: {  	v3 =	vperm.xlane v3, v0;
	_ =	sdelay $0x1  }
0x336: {  	v3 =	vadd.s32 v1, v3;
	_ =	sdelay $0x3  }
0x337: {  	s14 =	simm.s32 $0x7B00;
	s11 =	simm.s32 $0x2300  }
0x338: {  	[tilespmem:s11], [sflag:$0x4] =	stream.indirect_vreg.gather [hbm4b:s6+s5], $0x80, v3, vm0, $0xb8;
	[tilespmem:$0x1F300] =	vst v63  }
0x339: {  	s15 =	simm.s32 $0x8;
	s13 =	simm.s32 $0x180;
	s12 =	rddreg [dreg:$0x1c]  }
0x33a: {  	[tilespmem:s14], [sflag:$0x4] =	stream.indirect.gather [hbm4b:s12+s3], $0x80, s13, s3, $0xb8;
	[tilespmem:$0x1F300] =	vst v63  }
0x33b: {  	_ =	swait.ge [sflag:s15], $0x1400  }
0x33c: {  	s16 =	sld [smem:$0x7F0]  }
0x33d: {  	s0 =	sld [smem:$0x7F9]  }
0x33e: {  	s2 =	sld [smem:$0x7F1];
	_ =	sdelay $0x1  }
0x33f: {  	p0 =	seq.s32 s16, $0x52  }
0x340: {  	[sflag:s15] =	ssyncset.done $0x0;
	s0 =	sadd.s32 @!p0 s2, s0  }
0x341: {  	s1 =	rddreg [dreg:$0x1d];
	[sflag:s15] =	ssyncadd.s32 $0xFFFFEC00;
	s0 =	sshrl.u32 @!p0 s0, $0x3  }
0x342: {  	s2 =	simm.s32 @!p0 $0x0;
	s3 =	simm.s32 @!p0 $0x80;
	s1 =	sadd.s32 @!p0 s1, s0  }
0x343: {  	[tilespmem:s3], [sflag:$0x2] =	stream.linear.gather @!p0 [hbm4b:s1+s2], $0x28, $0x38;
	[tilespmem:$0x1F300] =	vst v63  }
0x344: {  	s1 =	rddreg [dreg:$0x1e]  }
0x345: {  	s17 =	simm.s32 $0x6;
	s0 =	sadd.s32 @!p0 s1, s0;
	s1 =	simm.s32 @!p0 $0x200  }
0x346: {  	[tilespmem:s1], [sflag:$0x2] =	stream.linear.gather @!p0 [hbm4b:s0+s2], $0x28, $0x38;
	[tilespmem:$0x1F300] =	vst v63  }
0x347: {  	s18 =	simm.s32 $0x0;
	_ =	swait.ge [sflag:s17], $0x2800  }
0x348: {  	s22 =	simm.s32 $0x180;
	s19 =	sand.u32 $0x7, s18;
	[sflag:s17] =	ssyncset.done $0x0  }
0x349: {  	s4 =	sand.u32 $0x3800, s18;
	s11 =	simm.s32 $0xA400;
	[sflag:s17] =	ssyncadd.s32 $0xFFFFD800  }
0x34a: {  	s5 =	sadd.s32 $0x5300, s4;
	s1 =	sshll.u32 s19, $0x7;
	_ =	swait.ge [sflag:s17], $0x1400  }
0x34b: {  	s4 =	simm.s32 $0x1;
	s20 =	sadd.s32 $0x0, s1;
	[sflag:s17] =	ssyncset.done $0x0  }
0x34c: {  	s0 =	sand.u32 $0x3, s18;
	s7 =	sadd.s32 $0x180, s20;
	[sflag:s17] =	ssyncadd.s32 $0xFFFFEC00  }
0x34d: {  	p0 =	por $0x0, $0x0;
	s0 =	sshll.u32 s0, $0x8;
	s21 =	sor.u32 $0x400, s7;
	v3 =	vld [tilespmem:s11+$0x80]  }
0x34e: {  	s23 =	sand.u32 $0x380, s22;
	s4 =	simm.s32 @!p0 $0x0;
	s0 =	sadd.s32 $0x0, s0;
	v4 =	vld [tilespmem:s21+$0x5300]  }
0x34f: {  	s1 =	sadd.s32 s23, s5;
	s29 =	sshll.u32 s4, $0x9;
	s2 =	sadd.s32 $0x100, s0  }
0x350: {  	s4 =	sadd.s32 $0x0, s29;
	s0 =	sor.u32 $0x400, s2;
	v5 =	vld [tilespmem:s1+$0x0]  }
0x351: {  	s8 =	sor.u32 $0x400, s4;
	v6 =	vld [tilespmem:s0+$0x5300]  }
0x352: {  	v9 =	vld [tilespmem:s8+$0x5300]  }
0x353: {  	s6 =	sadd.s32 $0x80, s20;
	v10 =	vld [tilespmem:s11+$0x0];
	v3 =	vadd.f32 v3, v4  }
0x354: {  	s24 =	sor.u32 $0x400, s6;
	v11 =	vld [tilespmem:s11+$0xFFFFFF00]  }
0x355: {  	s25 =	simm.s32 $0x80;
	v4 =	vld [tilespmem:s24+$0x5300];
	v3 =	vmax.f32 v3, $0.0e+00  }
0x356: {  	s28 =	simm.s32 $0xA600;
	s26 =	sand.u32 $0x280, s25;
	v3 =	vmul.f32 v3, v5;
	v5 =	vld [tilespmem:s11+$0xFFFFFF80]  }
0x357: {  	s0 =	sadd.s32 s26, s5;
	v59 =	vld [tilespmem:s28+$0xFFFFFF90]  }
0x358: {  	v7 =	vld [tilespmem:s0+$0x0]  }
0x359: {  	s31 =	sor.u32 $0x410, s7;
	[tilespmem:s11+$0x80] =	vst v3;
	v3 =	vld [tilespmem:s11+$0x90]  }
0x35a: {  	v8 =	vld [tilespmem:s31+$0x5300]  }
0x35b: {  	s8 =	simm.s32 $0x100;
	v63 =	vld [tilespmem:s28+$0xFFFFFF10];
	v4 =	vadd.f32 v5, v4  }
0x35c: {  	v30 =	vld [tilespmem:s28+$0x20];
	s3 =	sand.u32 $0x300, s8  }
0x35d: {  	s9 =	simm.s32 $0x0;
	s10 =	sadd.s32 s3, s5;
	v5 =	vld [tilespmem:s1+$0x10];
	v4 =	vmax.f32 v4, $0.0e+00  }
0x35e: {  	s12 =	sand.u32 $0x200, s9;
	v12 =	vld [tilespmem:s10+$0x0];
	v4 =	vmul.f32 v4, v7  }
0x35f: {  	s19 =	sadd.s32 s12, s5;
	v3 =	vadd.f32 v3, v8;
	v7 =	vld [tilespmem:s11+$0xFFFFFF90]  }
0x360: {  	s13 =	sor.u32 $0x410, s6;
	v8 =	vld [tilespmem:s19+$0x0];
	[tilespmem:s11+$0xFFFFFF80] =	vst v4  }
0x361: {  	v3 =	vmax.f32 v3, $0.0e+00;
	v4 =	vadd.f32 v10, v6;
	v6 =	vld [tilespmem:s13+$0x5300]  }
0x362: {  	v9 =	vadd.f32 v11, v9;
	v3 =	vmul.f32 v3, v5;
	v5 =	vld [tilespmem:s11+$0x10]  }
0x363: {  	v10 =	vld [tilespmem:s0+$0x10];
	v4 =	vmax.f32 v4, $0.0e+00  }
0x364: {  	v9 =	vmax.f32 v9, $0.0e+00;
	[tilespmem:s11+$0x90] =	vst v3;
	v3 =	vmul.f32 v4, v12;
	v4 =	vld [tilespmem:s11+$0xA0]  }
0x365: {  	s14 =	sor.u32 $0x420, s7;
	v8 =	vmul.f32 v9, v8;
	v9 =	vld [tilespmem:s11+$0xFFFFFF10]  }
0x366: {  	v11 =	vld [tilespmem:s14+$0x5300]  }
0x367: {  	s15 =	sor.u32 $0x410, s2;
	v12 =	vld [tilespmem:s11+$0xFFFFFF20];
	[tilespmem:s11+$0x0] =	vst v3  }
0x368: {  	v3 =	vadd.f32 v7, v6;
	v6 =	vld [tilespmem:s15+$0x5300]  }
0x369: {  	s16 =	sor.u32 $0x410, s4;
	[tilespmem:s11+$0xFFFFFF00] =	vst v8;
	v7 =	vld [tilespmem:s1+$0x20]  }
0x36a: {  	v8 =	vld [tilespmem:s16+$0x5300];
	v3 =	vmax.f32 v3, $0.0e+00  }
0x36b: {  	v3 =	vmul.f32 v3, v10;
	v10 =	vld [tilespmem:s10+$0x10];
	v4 =	vadd.f32 v4, v11  }
0x36c: {  	v11 =	vld [tilespmem:s19+$0x10]  }
0x36d: {  	s17 =	sor.u32 $0x420, s6;
	[tilespmem:s11+$0xFFFFFF90] =	vst v3;
	v3 =	vld [tilespmem:s11+$0xFFFFFFA0];
	v4 =	vmax.f32 v4, $0.0e+00;
	v5 =	vadd.f32 v5, v6  }
0x36e: {  	v6 =	vld [tilespmem:s17+$0x5300];
	v4 =	vmul.f32 v4, v7  }
0x36f: {  	v8 =	vadd.f32 v9, v8;
	v7 =	vld [tilespmem:s11+$0x20];
	v5 =	vmax.f32 v5, $0.0e+00  }
0x370: {  	v9 =	vld [tilespmem:s0+$0x20];
	[tilespmem:s11+$0xA0] =	vst v4;
	v4 =	vmul.f32 v5, v10  }
0x371: {  	s18 =	sor.u32 $0x430, s7;
	v8 =	vmax.f32 v8, $0.0e+00;
	v5 =	vld [tilespmem:s11+$0xB0]  }
0x372: {  	s20 =	sor.u32 $0x420, s2;
	v8 =	vmul.f32 v8, v11;
	v10 =	vld [tilespmem:s18+$0x5300];
	[tilespmem:s11+$0x10] =	vst v4  }
0x373: {  	v4 =	vld [tilespmem:s20+$0x5300]  }
0x374: {  	s21 =	sor.u32 $0x420, s4;
	[tilespmem:s11+$0xFFFFFF10] =	vst v8;
	v3 =	vadd.f32 v3, v6;
	v6 =	vld [tilespmem:s1+$0x30]  }
0x375: {  	v8 =	vld [tilespmem:s21+$0x5300]  }
0x376: {  	v11 =	vld [tilespmem:s10+$0x20];
	v3 =	vmax.f32 v3, $0.0e+00  }
0x377: {  	v3 =	vmul.f32 v3, v9;
	v5 =	vadd.f32 v5, v10;
	v9 =	vld [tilespmem:s19+$0x20]  }
0x378: {  	v10 =	vld [tilespmem:s11+$0xFFFFFF30]  }
0x379: {  	s22 =	sor.u32 $0x430, s6;
	[tilespmem:s11+$0xFFFFFFA0] =	vst v3;
	v3 =	vmax.f32 v5, $0.0e+00;
	v4 =	vadd.f32 v7, v4;
	v7 =	vld [tilespmem:s11+$0x30]  }
0x37a: {  	v5 =	vld [tilespmem:s22+$0x5300];
	v3 =	vmul.f32 v3, v6  }
0x37b: {  	v6 =	vld [tilespmem:s11+$0xFFFFFFB0];
	v4 =	vmax.f32 v4, $0.0e+00  }
0x37c: {  	s23 =	sor.u32 $0x440, s7;
	[tilespmem:s11+$0xB0] =	vst v3;
	v3 =	vadd.f32 v12, v8;
	v4 =	vmul.f32 v4, v11;
	v8 =	vld [tilespmem:s11+$0xC0]  }
0x37d: {  	v11 =	vld [tilespmem:s23+$0x5300]  }
0x37e: {  	s24 =	sor.u32 $0x430, s2;
	v12 =	vld [tilespmem:s0+$0x30];
	v3 =	vmax.f32 v3, $0.0e+00;
	[tilespmem:s11+$0x20] =	vst v4  }
0x37f: {  	v3 =	vmul.f32 v3, v9;
	v4 =	vld [tilespmem:s24+$0x5300]  }
0x380: {  	v5 =	vadd.f32 v6, v5;
	v6 =	vld [tilespmem:s1+$0x40]  }
0x381: {  	s25 =	sor.u32 $0x430, s4;
	v9 =	vld [tilespmem:s10+$0x30];
	[tilespmem:s11+$0xFFFFFF20] =	vst v3  }
0x382: {  	v5 =	vmax.f32 v5, $0.0e+00;
	v3 =	vld [tilespmem:s25+$0x5300];
	v8 =	vadd.f32 v8, v11  }
0x383: {  	v5 =	vmul.f32 v5, v12;
	v11 =	vld [tilespmem:s19+$0x30]  }
0x384: {  	v12 =	vld [tilespmem:s11+$0xFFFFFF40];
	v8 =	vmax.f32 v8, $0.0e+00;
	v4 =	vadd.f32 v7, v4  }
0x385: {  	s26 =	sor.u32 $0x440, s6;
	[tilespmem:s11+$0xFFFFFFB0] =	vst v5;
	v7 =	vld [tilespmem:s11+$0x40];
	v5 =	vmul.f32 v8, v6  }
0x386: {  	v6 =	vld [tilespmem:s26+$0x5300];
	v4 =	vmax.f32 v4, $0.0e+00  }
0x387: {  	v3 =	vadd.f32 v10, v3;
	[tilespmem:s11+$0xC0] =	vst v5;
	v4 =	vmul.f32 v4, v9;
	v5 =	vld [tilespmem:s11+$0xD0]  }
0x388: {  	s29 =	sor.u32 $0x450, s7;
	v9 =	vld [tilespmem:s11+$0xFFFFFFC0]  }
0x389: {  	s31 =	sor.u32 $0x440, s2;
	v8 =	vld [tilespmem:s29+$0x5300];
	v3 =	vmax.f32 v3, $0.0e+00;
	[tilespmem:s11+$0x30] =	vst v4  }
0x38a: {  	v3 =	vmul.f32 v3, v11;
	v4 =	vld [tilespmem:s31+$0x5300]  }
0x38b: {  	v11 =	vld [tilespmem:s0+$0x40]  }
0x38c: {  	s5 =	sor.u32 $0x440, s4;
	[tilespmem:s11+$0xFFFFFF30] =	vst v3;
	v3 =	vld [tilespmem:s1+$0x50]  }
0x38d: {  	v10 =	vld [tilespmem:s5+$0x5300]  }
0x38e: {  	v5 =	vadd.f32 v5, v8;
	v8 =	vld [tilespmem:s10+$0x40]  }
0x38f: {  	v6 =	vadd.f32 v9, v6;
	v9 =	vld [tilespmem:s19+$0x40]  }
0x390: {  	v5 =	vmax.f32 v5, $0.0e+00;
	v4 =	vadd.f32 v7, v4;
	v7 =	vld [tilespmem:s11+$0xFFFFFF50]  }
0x391: {  	v3 =	vmul.f32 v5, v3;
	v5 =	vmax.f32 v6, $0.0e+00;
	v6 =	vld [tilespmem:s11+$0xFFFFFFD0]  }
0x392: {  	v4 =	vmax.f32 v4, $0.0e+00;
	v10 =	vadd.f32 v12, v10;
	v5 =	vmul.f32 v5, v11;
	v11 =	vld [tilespmem:s11+$0x50]  }
0x393: {  	s8 =	sor.u32 $0x460, s7;
	[tilespmem:s11+$0xD0] =	vst v3;
	v3 =	vmul.f32 v4, v8;
	v4 =	vld [tilespmem:s11+$0xE0]  }
0x394: {  	s9 =	sor.u32 $0x450, s6;
	v8 =	vmax.f32 v10, $0.0e+00;
	[tilespmem:s11+$0xFFFFFFC0] =	vst v5;
	v5 =	vld [tilespmem:s8+$0x5300]  }
0x395: {  	v8 =	vmul.f32 v8, v9;
	v9 =	vld [tilespmem:s9+$0x5300]  }
0x396: {  	[tilespmem:s11+$0x40] =	vst v3;
	v12 =	vld [tilespmem:s0+$0x50]  }
0x397: {  	s12 =	sor.u32 $0x450, s2;
	[tilespmem:s11+$0xFFFFFF40] =	vst v8;
	v8 =	vld [tilespmem:s1+$0x60]  }
0x398: {  	s13 =	sor.u32 $0x450, s4;
	v3 =	vld [tilespmem:s12+$0x5300]  }
0x399: {  	v10 =	vld [tilespmem:s13+$0x5300];
	v4 =	vadd.f32 v4, v5  }
0x39a: {  	v32 =	vld [tilespmem:s28+$0xFFFFFF20]  }
0x39b: {  	v5 =	vadd.f32 v6, v9;
	v6 =	vld [tilespmem:s10+$0x50];
	v4 =	vmax.f32 v4, $0.0e+00  }
0x39c: {  	v9 =	vld [tilespmem:s19+$0x50];
	v4 =	vmul.f32 v4, v8  }
0x39d: {  	v3 =	vadd.f32 v11, v3;
	v8 =	vld [tilespmem:s11+$0xFFFFFF60];
	v5 =	vmax.f32 v5, $0.0e+00  }
0x39e: {  	s14 =	sor.u32 $0x470, s7;
	v7 =	vadd.f32 v7, v10;
	v10 =	vld [tilespmem:s11+$0xFFFFFFE0];
	v5 =	vmul.f32 v5, v12;
	[tilespmem:s11+$0xE0] =	vst v4  }
0x39f: {  	v4 =	vmax.f32 v3, $0.0e+00;
	v3 =	vld [tilespmem:s14+$0x5300]  }
0x3a0: {  	s15 =	sor.u32 $0x460, s6;
	v7 =	vmax.f32 v7, $0.0e+00;
	[tilespmem:s11+$0xFFFFFFD0] =	vst v5;
	v5 =	vld [tilespmem:s11+$0x60]  }
0x3a1: {  	v4 =	vmul.f32 v4, v6;
	v6 =	vmul.f32 v7, v9;
	v7 =	vld [tilespmem:s15+$0x5300]  }
0x3a2: {  	v11 =	vld [tilespmem:s0+$0x60]  }
0x3a3: {  	s16 =	sor.u32 $0x460, s2;
	s15 =	simm.s32 $0x4;
	[tilespmem:s11+$0x50] =	vst v4;
	v4 =	vld [tilespmem:s1+$0x70]  }
0x3a4: {  	s17 =	sor.u32 $0x460, s4;
	s18 =	sand.u32 $0x7, s15;
	[tilespmem:s11+$0xFFFFFF50] =	vst v6;
	v6 =	vld [tilespmem:s16+$0x5300]  }
0x3a5: {  	s1 =	sshll.u32 s18, $0x7;
	v9 =	vld [tilespmem:s17+$0x5300]  }
0x3a6: {  	v12 =	vld [tilespmem:s10+$0x60];
	s20 =	sadd.s32 $0x400, s1  }
0x3a7: {  	v13 =	vld [tilespmem:s19+$0x60];
	s1 =	sadd.s32 $0x180, s20  }
0x3a8: {  	s21 =	simm.s32 $0x400;
	v7 =	vadd.f32 v10, v7;
	s22 =	sor.u32 $0x400, s1;
	v10 =	vld [tilespmem:s28+$0x80]  }
0x3a9: {  	s23 =	sand.u32 $0x3800, s21;
	s14 =	simm.s32 $0x380;
	v15 =	vld [tilespmem:s22+$0x5300];
	v14 =	vadd.f32 v5, v6  }
0x3aa: {  	v35 =	vld [tilespmem:s28+$0xFFFFFFB0];
	s7 =	sadd.s32 $0x5300, s23;
	s24 =	sand.u32 $0x380, s14;
	v7 =	vmax.f32 v7, $0.0e+00;
	v8 =	vadd.f32 v8, v9  }
0x3ab: {  	v37 =	vld [tilespmem:s28+$0x30];
	s3 =	sadd.s32 s24, s7;
	v9 =	vmul.f32 v7, v11;
	v7 =	vmax.f32 v14, $0.0e+00  }
0x3ac: {  	v8 =	vmax.f32 v8, $0.0e+00;
	v11 =	vmul.f32 v7, v12;
	v12 =	vld [tilespmem:s3+$0x0]  }
0x3ad: {  	s6 =	sor.u32 $0x470, s6;
	v14 =	vld [tilespmem:s28+$0xFFFFFF80];
	[tilespmem:s11+$0xFFFFFFE0] =	vst v9;
	v13 =	vmul.f32 v8, v13  }
0x3ae: {  	s2 =	sor.u32 $0x470, s2;
	v8 =	vld [tilespmem:s6+$0x5300];
	[tilespmem:s11+$0x60] =	vst v11;
	v11 =	vadd.f32 v10, v15  }
0x3af: {  	s4 =	sor.u32 $0x470, s4;
	[tilespmem:s11+$0xFFFFFF60] =	vst v13;
	v9 =	vld [tilespmem:s2+$0x5300]  }
0x3b0: {  	s30 =	simm.s32 $0x2;
	s2 =	sadd.s32 $0x80, s20;
	v10 =	vld [tilespmem:s4+$0x5300];
	v13 =	vmax.f32 v11, $0.0e+00  }
0x3b1: {  	p0 =	por !p0, !p0;
	s25 =	sand.u32 $0x3, s30;
	v11 =	vld [tilespmem:s0+$0x70];
	s26 =	sor.u32 $0x400, s2;
	v12 =	vmul.f32 v13, v12  }
0x3b2: {  	s29 =	simm.s32 $0x280;
	s31 =	sor.u32 $0x410, s1;
	s4 =	sshll.u32 s25, $0x8;
	v13 =	vld [tilespmem:s26+$0x5300]  }
0x3b3: {  	s6 =	sand.u32 $0x280, s29;
	s0 =	simm.s32 $0x1;
	s4 =	sadd.s32 $0x400, s4;
	[tilespmem:s28+$0x80] =	vst v12;
	v12 =	vld [tilespmem:s28+$0x90]  }
0x3b4: {  	s13 =	sadd.s32 s6, s7;
	s0 =	simm.s32 @!p0 $0x0;
	s4 =	sadd.s32 $0x100, s4;
	v15 =	vld [tilespmem:s31+$0x5300]  }
0x3b5: {  	v17 =	vld [tilespmem:s13+$0x0];
	s0 =	sshll.u32 s0, $0x9;
	s9 =	sor.u32 $0x400, s4  }
0x3b6: {  	s6 =	sadd.s32 $0x400, s0;
	v16 =	vld [tilespmem:s9+$0x5300]  }
0x3b7: {  	s0 =	sor.u32 $0x400, s6;
	v18 =	vld [tilespmem:s3+$0x10]  }
0x3b8: {  	v19 =	vld [tilespmem:s0+$0x5300];
	v13 =	vadd.f32 v14, v13  }
0x3b9: {  	s5 =	simm.s32 $0x200;
	v14 =	vld [tilespmem:s28+$0xFFFFFF00];
	v12 =	vadd.f32 v12, v15  }
0x3ba: {  	s8 =	sand.u32 $0x200, s5;
	s9 =	simm.s32 $0x300;
	v13 =	vmax.f32 v13, $0.0e+00;
	v15 =	vld [tilespmem:s28+$0x0]  }
0x3bb: {  	v21 =	vld [tilespmem:s28+$0xFFFFFF30];
	s16 =	sadd.s32 s8, s7;
	s12 =	sand.u32 $0x300, s9;
	v13 =	vmul.f32 v13, v17;
	v12 =	vmax.f32 v12, $0.0e+00  }
0x3bc: {  	v20 =	vld [tilespmem:s16+$0x0];
	s12 =	sadd.s32 s12, s7;
	v12 =	vmul.f32 v12, v18  }
0x3bd: {  	v60 =	vld [tilespmem:s12+$0x0];
	[tilespmem:s28+$0xFFFFFF80] =	vst v13  }
0x3be: {  	v42 =	vld [tilespmem:s28+$0xFFFFFF40];
	s17 =	sor.u32 $0x410, s2;
	[tilespmem:s28+$0x90] =	vst v12;
	v12 =	vadd.f32 v14, v19  }
0x3bf: {  	v13 =	vld [tilespmem:s17+$0x5300];
	v15 =	vadd.f32 v15, v16  }
0x3c0: {  	v62 =	vld [tilespmem:s13+$0x10];
	v12 =	vmax.f32 v12, $0.0e+00  }
0x3c1: {  	s18 =	sor.u32 $0x420, s1;
	v14 =	vld [tilespmem:s28+$0xA0];
	v15 =	vmax.f32 v15, $0.0e+00;
	v12 =	vmul.f32 v12, v20  }
0x3c2: {  	v61 =	vld [tilespmem:s18+$0x5300];
	v15 =	vmul.f32 v15, v60  }
0x3c3: {  	v23 =	vld [tilespmem:s3+$0x20];
	[tilespmem:s28+$0xFFFFFF00] =	vst v12  }
0x3c4: {  	s22 =	sor.u32 $0x410, s4;
	v12 =	vld [tilespmem:s28+$0x10];
	[tilespmem:s28+$0x0] =	vst v15  }
0x3c5: {  	s20 =	sor.u32 $0x410, s6;
	v13 =	vadd.f32 v59, v13;
	v15 =	vld [tilespmem:s22+$0x5300]  }
0x3c6: {  	v24 =	vld [tilespmem:s20+$0x5300]  }
0x3c7: {  	v44 =	vld [tilespmem:s28+$0xFFFFFFC0];
	v13 =	vmax.f32 v13, $0.0e+00;
	v14 =	vadd.f32 v14, v61  }
0x3c8: {  	v13 =	vmul.f32 v13, v62;
	v25 =	vld [tilespmem:s12+$0x10]  }
0x3c9: {  	v26 =	vld [tilespmem:s16+$0x10];
	v14 =	vmax.f32 v14, $0.0e+00  }
0x3ca: {  	s23 =	sor.u32 $0x420, s2;
	[tilespmem:s28+$0xFFFFFF90] =	vst v13;
	v13 =	vmul.f32 v14, v23;
	v14 =	vld [tilespmem:s28+$0xFFFFFFA0];
	v12 =	vadd.f32 v12, v15  }
0x3cb: {  	v27 =	vld [tilespmem:s23+$0x5300];
	v15 =	vadd.f32 v63, v24  }
0x3cc: {  	s24 =	sor.u32 $0x430, s1;
	[tilespmem:s28+$0xA0] =	vst v13;
	v13 =	vld [tilespmem:s28+$0xB0];
	v12 =	vmax.f32 v12, $0.0e+00  }
0x3cd: {  	v28 =	vld [tilespmem:s24+$0x5300];
	v15 =	vmax.f32 v15, $0.0e+00;
	v12 =	vmul.f32 v12, v25  }
0x3ce: {  	v29 =	vld [tilespmem:s13+$0x20];
	v15 =	vmul.f32 v15, v26  }
0x3cf: {  	s25 =	sor.u32 $0x420, s4;
	v31 =	vld [tilespmem:s3+$0x30];
	[tilespmem:s28+$0x10] =	vst v12  }
0x3d0: {  	s26 =	sor.u32 $0x420, s6;
	v14 =	vadd.f32 v14, v27;
	[tilespmem:s28+$0xFFFFFF10] =	vst v15;
	v12 =	vld [tilespmem:s25+$0x5300]  }
0x3d1: {  	v15 =	vld [tilespmem:s26+$0x5300]  }
0x3d2: {  	v45 =	vld [tilespmem:s28+$0x40];
	v14 =	vmax.f32 v14, $0.0e+00;
	v13 =	vadd.f32 v13, v28  }
0x3d3: {  	v14 =	vmul.f32 v14, v29;
	v33 =	vld [tilespmem:s12+$0x20]  }
0x3d4: {  	v34 =	vld [tilespmem:s16+$0x20];
	v13 =	vmax.f32 v13, $0.0e+00  }
0x3d5: {  	v50 =	vld [tilespmem:s28+$0xFFFFFFD0];
	s29 =	sor.u32 $0x430, s2;
	[tilespmem:s28+$0xFFFFFFA0] =	vst v14;
	v13 =	vmul.f32 v13, v31;
	v12 =	vadd.f32 v30, v12  }
0x3d6: {  	v14 =	vld [tilespmem:s29+$0x5300];
	v15 =	vadd.f32 v32, v15  }
0x3d7: {  	s31 =	sor.u32 $0x440, s1;
	[tilespmem:s28+$0xB0] =	vst v13;
	v13 =	vld [tilespmem:s28+$0xC0];
	v12 =	vmax.f32 v12, $0.0e+00  }
0x3d8: {  	v36 =	vld [tilespmem:s31+$0x5300];
	v15 =	vmax.f32 v15, $0.0e+00;
	v12 =	vmul.f32 v12, v33  }
0x3d9: {  	v38 =	vld [tilespmem:s13+$0x30];
	v15 =	vmul.f32 v15, v34  }
0x3da: {  	s5 =	sor.u32 $0x430, s4;
	v39 =	vld [tilespmem:s3+$0x40];
	[tilespmem:s28+$0x20] =	vst v12  }
0x3db: {  	s7 =	sor.u32 $0x430, s6;
	v12 =	vadd.f32 v35, v14;
	[tilespmem:s28+$0xFFFFFF20] =	vst v15;
	v14 =	vld [tilespmem:s5+$0x5300]  }
0x3dc: {  	v15 =	vld [tilespmem:s7+$0x5300]  }
0x3dd: {  	v52 =	vld [tilespmem:s28+$0xE0];
	v13 =	vadd.f32 v13, v36;
	v12 =	vmax.f32 v12, $0.0e+00  }
0x3de: {  	v40 =	vld [tilespmem:s12+$0x30];
	v12 =	vmul.f32 v12, v38  }
0x3df: {  	v41 =	vld [tilespmem:s16+$0x30];
	v13 =	vmax.f32 v13, $0.0e+00  }
0x3e0: {  	v53 =	vld [tilespmem:s28+$0xFFFFFF50];
	v13 =	vmul.f32 v13, v39;
	[tilespmem:s28+$0xFFFFFFB0] =	vst v12;
	v12 =	vadd.f32 v37, v14  }
0x3e1: {  	v58 =	vld [tilespmem:s28+$0xFFFFFF60];
	v15 =	vadd.f32 v21, v15  }
0x3e2: {  	s9 =	sor.u32 $0x450, s1;
	[tilespmem:s28+$0xC0] =	vst v13;
	v13 =	vld [tilespmem:s28+$0xD0];
	v12 =	vmax.f32 v12, $0.0e+00  }
0x3e3: {  	s8 =	sor.u32 $0x440, s2;
	v43 =	vld [tilespmem:s9+$0x5300];
	v15 =	vmax.f32 v15, $0.0e+00;
	v12 =	vmul.f32 v12, v40  }
0x3e4: {  	v14 =	vld [tilespmem:s8+$0x5300];
	v15 =	vmul.f32 v15, v41  }
0x3e5: {  	[tilespmem:s28+$0x30] =	vst v12;
	v12 =	vld [tilespmem:s3+$0x50]  }
0x3e6: {  	s17 =	sor.u32 $0x440, s4;
	[tilespmem:s28+$0xFFFFFF30] =	vst v15;
	v15 =	vld [tilespmem:s13+$0x40]  }
0x3e7: {  	s18 =	sor.u32 $0x440, s6;
	v46 =	vld [tilespmem:s17+$0x5300]  }
0x3e8: {  	v13 =	vadd.f32 v13, v43;
	v47 =	vld [tilespmem:s18+$0x5300]  }
0x3e9: {  	v55 =	vld [tilespmem:s11+$0xF0]  }
0x3ea: {  	v14 =	vadd.f32 v44, v14;
	v48 =	vld [tilespmem:s12+$0x40];
	v13 =	vmax.f32 v13, $0.0e+00  }
0x3eb: {  	v49 =	vld [tilespmem:s16+$0x40];
	v12 =	vmul.f32 v13, v12  }
0x3ec: {  	v5 =	vld [tilespmem:s11+$0xFFFFFF70];
	v13 =	vmax.f32 v14, $0.0e+00;
	v14 =	vadd.f32 v45, v46  }
0x3ed: {  	v6 =	vld [tilespmem:s11+$0xFFFFFFF0];
	v13 =	vmul.f32 v13, v15;
	[tilespmem:s28+$0xD0] =	vst v12;
	v12 =	vadd.f32 v42, v47  }
0x3ee: {  	s20 =	sor.u32 $0x460, s1;
	v15 =	vld [tilespmem:s28+$0x50];
	v14 =	vmax.f32 v14, $0.0e+00  }
0x3ef: {  	s22 =	sor.u32 $0x450, s2;
	v51 =	vld [tilespmem:s20+$0x5300];
	[tilespmem:s28+$0xFFFFFFC0] =	vst v13;
	v14 =	vmul.f32 v14, v48;
	v12 =	vmax.f32 v12, $0.0e+00  }
0x3f0: {  	v13 =	vld [tilespmem:s22+$0x5300];
	v12 =	vmul.f32 v12, v49  }
0x3f1: {  	v56 =	vld [tilespmem:s13+$0x50];
	[tilespmem:s28+$0x40] =	vst v14  }
0x3f2: {  	s23 =	sor.u32 $0x450, s4;
	[tilespmem:s28+$0xFFFFFF40] =	vst v12;
	v12 =	vld [tilespmem:s3+$0x60]  }
0x3f3: {  	s24 =	sor.u32 $0x450, s6;
	v14 =	vld [tilespmem:s23+$0x5300]  }
0x3f4: {  	v54 =	vld [tilespmem:s24+$0x5300];
	v17 =	vadd.f32 v52, v51  }
0x3f5: {  	v7 =	vld [tilespmem:s11+$0x70];
	v13 =	vadd.f32 v50, v13  }
0x3f6: {  	v22 =	vld [tilespmem:s12+$0x50];
	v17 =	vmax.f32 v17, $0.0e+00  }
0x3f7: {  	v57 =	vld [tilespmem:s16+$0x50];
	v13 =	vmax.f32 v13, $0.0e+00;
	v12 =	vmul.f32 v17, v12  }
0x3f8: {  	v59 =	vld [tilespmem:s28+$0xF0];
	v14 =	vadd.f32 v15, v14;
	v13 =	vmul.f32 v13, v56  }
0x3f9: {  	v15 =	vadd.f32 v53, v54;
	[tilespmem:s28+$0xE0] =	vst v12;
	v12 =	vld [tilespmem:s28+$0xFFFFFFE0]  }
0x3fa: {  	s25 =	sor.u32 $0x470, s1;
	v14 =	vmax.f32 v14, $0.0e+00;
	[tilespmem:s28+$0xFFFFFFD0] =	vst v13;
	v13 =	vld [tilespmem:s28+$0x60]  }
0x3fb: {  	s26 =	sor.u32 $0x460, s2;
	v60 =	vld [tilespmem:s25+$0x5300];
	v14 =	vmul.f32 v14, v22;
	v15 =	vmax.f32 v15, $0.0e+00  }
0x3fc: {  	v3 =	vadd.f32 v55, v3;
	v61 =	vld [tilespmem:s26+$0x5300];
	v15 =	vmul.f32 v15, v57  }
0x3fd: {  	s29 =	sor.u32 $0x460, s4;
	[tilespmem:s28+$0x50] =	vst v14;
	v14 =	vld [tilespmem:s3+$0x70]  }
0x3fe: {  	v3 =	vmax.f32 v3, $0.0e+00;
	v6 =	vadd.f32 v6, v8;
	[tilespmem:s28+$0xFFFFFF50] =	vst v15;
	v15 =	vld [tilespmem:s29+$0x5300]  }
0x3ff: {  	v3 =	vmul.f32 v3, v4;
	s31 =	sor.u32 $0x460, s6;
	v63 =	vld [tilespmem:s13+$0x60]  }
0x400: {  	v10 =	vadd.f32 v5, v10;
	v5 =	vmax.f32 v6, $0.0e+00;
	v62 =	vld [tilespmem:s31+$0x5300];
	v4 =	vadd.f32 v59, v60  }
0x401: {  	v6 =	vmul.f32 v5, v11;
	v5 =	vld [tilespmem:s28+$0xFFFFFF70]  }
0x402: {  	v7 =	vadd.f32 v7, v9;
	v9 =	vld [tilespmem:s12+$0x60];
	v11 =	vadd.f32 v12, v61;
	v4 =	vmax.f32 v4, $0.0e+00  }
0x403: {  	[tilespmem:s11+$0xF0] =	vst v3;
	v8 =	vld [tilespmem:s16+$0x60];
	v12 =	vmul.f32 v4, v14;
	v13 =	vadd.f32 v13, v15  }
0x404: {  	p0 =	por !p0, !p0;
	s0 =	simm.s32 $0x4;
	v3 =	vmax.f32 v10, $0.0e+00;
	[tilespmem:s11+$0xFFFFFFF0] =	vst v6;
	v6 =	vld [tilespmem:s28+$0xFFFFFFF0];
	s18 =	sor.u32 $0x470, s2;
	v4 =	vmax.f32 v7, $0.0e+00;
	v7 =	vmax.f32 v11, $0.0e+00  }
0x405: {  	s2 =	sor.u32 $0x470, s6;
	s17 =	sor.u32 $0x470, s4;
	s23 =	simm.s32 $0xA600;
	v11 =	vadd.f32 v58, v62;
	v10 =	vmul.f32 v7, v63;
	v7 =	vld [tilespmem:s28+$0x70];
	[tilespmem:s28+$0xF0] =	vst v12;
	v12 =	vmax.f32 v13, $0.0e+00  }
.LBB2_7:
0x406: {  	_ = 	snop  }
0x407: {  	s15 =	sadd.s32 $0x4, s15;
	v11 =	vmax.f32 v11, $0.0e+00;
	v9 =	vmul.f32 v12, v9;
	v12 =	vld [tilespmem:s10+$0x70]  }
0x408: {  	s1 =	simm.s32 $0x1;
	s30 =	sadd.s32 $0x2, s30;
	[tilespmem:s28+$0xFFFFFFE0] =	vst v10;
	v10 =	vld [tilespmem:s19+$0x70];
	s4 =	sand.u32 $0x7, s15;
	v8 =	vmul.f32 v11, v8  }
0x409: {  	s3 =	smov.u32 s12;
	s21 =	sadd.s32 $0x400, s21;
	s4 =	sshll.u32 s4, $0x7;
	v11 =	vld [tilespmem:s18+$0x5300];
	[tilespmem:s28+$0x60] =	vst v9  }
0x40a: {  	s14 =	sadd.s32 $0x200, s14;
	s12 =	sand.u32 $0x3, s30;
	s4 =	sadd.s32 s4, s21;
	[tilespmem:s28+$0xFFFFFF60] =	vst v8;
	v8 =	vld [tilespmem:s17+$0x5300]  }
0x40b: {  	[dreg:$0x15] =	wrdreg s3;
	s3 =	sshll.u32 s12, $0x8;
	v13 =	vld [tilespmem:s13+$0x70];
	s22 =	sadd.s32 $0x180, s4  }
0x40c: {  	s1 =	simm.s32 @!p0 $0x0;
	s3 =	sadd.s32 s21, s3;
	s24 =	sor.u32 $0x400, s22;
	v9 =	vld [tilespmem:s2+$0x5300];
	v4 =	vmul.f32 v4, v12  }
0x40d: {  	s1 =	sshll.u32 s1, $0x9;
	s25 =	sadd.s32 $0x100, s3;
	s28 =	sadd.s32 $0x200, s28;
	v3 =	vmul.f32 v3, v10;
	v10 =	vld [tilespmem:s24+$0x5300]  }
0x40e: {  	s26 =	sand.u32 $0x3800, s21;
	s6 =	sor.u32 $0x400, s25;
	s17 =	sadd.s32 s1, s21;
	v12 =	vld [tilespmem:s28+$0x80];
	[tilespmem:s11+$0x70] =	vst v4  }
0x40f: {  	s9 =	sand.u32 $0x380, s14;
	s29 =	sadd.s32 $0x5300, s26;
	s31 =	sor.u32 $0x400, s17;
	[tilespmem:s11+$0xFFFFFF70] =	vst v3;
	v6 =	vadd.f32 v6, v11;
	v4 =	vadd.f32 v7, v8;
	v7 =	vld [tilespmem:s6+$0x5300]  }
0x410: {  	s6 =	sadd.s32 s9, s29;
	v8 =	vld [tilespmem:s31+$0x5300]  }
0x411: {  	s1 =	sadd.s32 $0x80, s4;
	v3 =	vadd.f32 v5, v9;
	v5 =	vmax.f32 v6, $0.0e+00;
	v6 =	vld [tilespmem:s6+$0x0]  }
0x412: {  	s7 =	sadd.s32 $0xFFFFFE80, s14;
	s20 =	sor.u32 $0x400, s1;
	v9 =	vld [tilespmem:s28+$0xFFFFFF00];
	v5 =	vmul.f32 v5, v13  }
0x413: {  	s10 =	sand.u32 $0x200, s7;
	v11 =	vld [tilespmem:s20+$0x5300];
	v10 =	vadd.f32 v12, v10  }
0x414: {  	s8 =	sadd.s32 $0xFFFFFF00, s14;
	s5 =	sadd.s32 s10, s29;
	[tilespmem:s23+$0xFFFFFFF0] =	vst v5;
	v5 =	vld [tilespmem:s28+$0xFFFFFF80]  }
0x415: {  	s11 =	sand.u32 $0x280, s8;
	v13 =	vld [tilespmem:s5+$0x0];
	v10 =	vmax.f32 v10, $0.0e+00  }
0x416: {  	s12 =	sadd.s32 $0xFFFFFF80, s14;
	s13 =	sadd.s32 s11, s29;
	v12 =	vld [tilespmem:s28+$0x0];
	v6 =	vmul.f32 v10, v6  }
0x417: {  	s18 =	sand.u32 $0x300, s12;
	v8 =	vadd.f32 v9, v8;
	v10 =	vld [tilespmem:s13+$0x0]  }
0x418: {  	s12 =	sadd.s32 s18, s29;
	[tilespmem:s28+$0x80] =	vst v6;
	v6 =	vld [tilespmem:s28+$0x90]  }
0x419: {  	s2 =	sor.u32 $0x410, s22;
	v8 =	vmax.f32 v8, $0.0e+00;
	v5 =	vadd.f32 v5, v11;
	v11 =	vld [tilespmem:s12+$0x0]  }
0x41a: {  	v8 =	vmul.f32 v8, v13;
	v9 =	vld [tilespmem:s2+$0x5300]  }
0x41b: {  	v7 =	vadd.f32 v12, v7;
	v12 =	vld [tilespmem:s28+$0xFFFFFF10];
	v5 =	vmax.f32 v5, $0.0e+00  }
0x41c: {  	[tilespmem:s28+$0xFFFFFF00] =	vst v8;
	v8 =	vld [tilespmem:s28+$0xFFFFFF90];
	v5 =	vmul.f32 v5, v10  }
0x41d: {  	s20 =	sor.u32 $0x410, s17;
	v10 =	vld [tilespmem:s6+$0x10]  }
0x41e: {  	s7 =	sor.u32 $0x410, s1;
	v7 =	vmax.f32 v7, $0.0e+00;
	v13 =	vld [tilespmem:s20+$0x5300];
	[tilespmem:s28+$0xFFFFFF80] =	vst v5  }
0x41f: {  	v7 =	vmul.f32 v7, v11;
	v5 =	vadd.f32 v6, v9;
	v6 =	vld [tilespmem:s7+$0x5300]  }
0x420: {  	v9 =	vld [tilespmem:s28+$0x10]  }
0x421: {  	s29 =	sor.u32 $0x410, s25;
	v11 =	vld [tilespmem:s13+$0x10];
	[tilespmem:s28+$0x0] =	vst v7;
	v5 =	vmax.f32 v5, $0.0e+00  }
0x422: {  	s19 =	sor.u32 $0x450, s1;
	v7 =	vld [tilespmem:s29+$0x5300];
	v5 =	vmul.f32 v5, v10  }
0x423: {  	[dreg:$0x18] =	wrdreg s19;
	s19 =	sor.u32 $0x450, s17;
	v10 =	vadd.f32 v12, v13;
	v12 =	vld [tilespmem:s12+$0x10]  }
0x424: {  	[dreg:$0xd] =	wrdreg s19;
	s19 =	sor.u32 $0x460, s17;
	s20 =	sor.u32 $0x420, s22;
	[tilespmem:s28+$0x90] =	vst v5;
	v5 =	vld [tilespmem:s28+$0xA0];
	v6 =	vadd.f32 v8, v6  }
0x425: {  	[dreg:$0x5] =	wrdreg s19;
	s19 =	smov.u32 s16;
	s16 =	smov.u32 s5;
	v8 =	vld [tilespmem:s20+$0x5300]  }
0x426: {  	v13 =	vld [tilespmem:s16+$0x10];
	v6 =	vmax.f32 v6, $0.0e+00  }
0x427: {  	v7 =	vadd.f32 v9, v7;
	v9 =	vld [tilespmem:s6+$0x20];
	v6 =	vmul.f32 v6, v11  }
0x428: {  	v11 =	vld [tilespmem:s28+$0xFFFFFF20]  }
0x429: {  	v7 =	vmax.f32 v7, $0.0e+00;
	[tilespmem:s28+$0xFFFFFF90] =	vst v6;
	v6 =	vld [tilespmem:s28+$0xFFFFFFA0]  }
0x42a: {  	s26 =	sor.u32 $0x420, s1;
	v10 =	vmax.f32 v10, $0.0e+00;
	v7 =	vmul.f32 v7, v12;
	v12 =	vld [tilespmem:s28+$0x20];
	v5 =	vadd.f32 v5, v8  }
0x42b: {  	v10 =	vmul.f32 v10, v13;
	v8 =	vld [tilespmem:s26+$0x5300]  }
0x42c: {  	s11 =	sor.u32 $0x420, s25;
	v13 =	vld [tilespmem:s13+$0x20];
	[tilespmem:s28+$0x10] =	vst v7;
	v5 =	vmax.f32 v5, $0.0e+00  }
0x42d: {  	s4 =	sor.u32 $0x420, s17;
	[tilespmem:s28+$0xFFFFFF10] =	vst v10;
	v7 =	vld [tilespmem:s11+$0x5300];
	v5 =	vmul.f32 v5, v9  }
0x42e: {  	v9 =	vld [tilespmem:s4+$0x5300]  }
0x42f: {  	s29 =	sor.u32 $0x430, s22;
	[tilespmem:s28+$0xA0] =	vst v5;
	v5 =	vld [tilespmem:s28+$0xB0]  }
0x430: {  	v6 =	vadd.f32 v6, v8;
	v8 =	vld [tilespmem:s29+$0x5300];
	_ =	sdelay $0x1  }
0x431: {  	v10 =	vld [tilespmem:s12+$0x20];
	v6 =	vmax.f32 v6, $0.0e+00  }
0x432: {  	v7 =	vadd.f32 v12, v7;
	v12 =	vld [tilespmem:s6+$0x30];
	v6 =	vmul.f32 v6, v13  }
0x433: {  	v13 =	vld [tilespmem:s16+$0x20]  }
0x434: {  	s10 =	sor.u32 $0x430, s1;
	[tilespmem:s28+$0xFFFFFFA0] =	vst v6;
	v6 =	vmax.f32 v7, $0.0e+00;
	v7 =	vadd.f32 v11, v9;
	v9 =	vld [tilespmem:s28+$0xFFFFFFB0];
	v5 =	vadd.f32 v5, v8  }
0x435: {  	v8 =	vld [tilespmem:s10+$0x5300]  }
0x436: {  	v14 =	vld [tilespmem:s28+$0xFFFFFF30];
	v6 =	vmul.f32 v6, v10;
	v5 =	vmax.f32 v5, $0.0e+00  }
0x437: {  	v10 =	vld [tilespmem:s28+$0x30];
	v7 =	vmax.f32 v7, $0.0e+00;
	v5 =	vmul.f32 v5, v12  }
0x438: {  	v11 =	vld [tilespmem:s13+$0x30];
	v7 =	vmul.f32 v7, v13;
	[tilespmem:s28+$0x20] =	vst v6  }
0x439: {  	s3 =	sor.u32 $0x430, s25;
	[tilespmem:s28+$0xB0] =	vst v5;
	v5 =	vld [tilespmem:s28+$0xC0]  }
0x43a: {  	s5 =	sor.u32 $0x440, s22;
	[tilespmem:s28+$0xFFFFFF20] =	vst v7;
	v7 =	vadd.f32 v9, v8;
	v8 =	vld [tilespmem:s3+$0x5300]  }
0x43b: {  	s31 =	sor.u32 $0x430, s17;
	v6 =	vld [tilespmem:s5+$0x5300]  }
0x43c: {  	v9 =	vld [tilespmem:s31+$0x5300];
	v7 =	vmax.f32 v7, $0.0e+00  }
0x43d: {  	v7 =	vmul.f32 v7, v11;
	v11 =	vld [tilespmem:s12+$0x30]  }
0x43e: {  	v12 =	vld [tilespmem:s6+$0x40]  }
0x43f: {  	v13 =	vld [tilespmem:s16+$0x30];
	[tilespmem:s28+$0xFFFFFFB0] =	vst v7;
	v7 =	vadd.f32 v10, v8  }
0x440: {  	v5 =	vadd.f32 v5, v6  }
0x441: {  	s9 =	sor.u32 $0x440, s1;
	v8 =	vadd.f32 v14, v9;
	v10 =	vld [tilespmem:s28+$0xFFFFFFC0];
	v7 =	vmax.f32 v7, $0.0e+00  }
0x442: {  	v9 =	vld [tilespmem:s9+$0x5300];
	v5 =	vmax.f32 v5, $0.0e+00;
	v7 =	vmul.f32 v7, v11  }
0x443: {  	v8 =	vmax.f32 v8, $0.0e+00;
	v11 =	vld [tilespmem:s28+$0x40];
	v5 =	vmul.f32 v5, v12  }
0x444: {  	v8 =	vmul.f32 v8, v13;
	v13 =	vld [tilespmem:s13+$0x40];
	[tilespmem:s28+$0x30] =	vst v7  }
0x445: {  	s8 =	sor.u32 $0x440, s25;
	[tilespmem:s28+$0xC0] =	vst v5;
	v5 =	vld [tilespmem:s28+$0xD0]  }
0x446: {  	s7 =	sor.u32 $0x450, s22;
	[tilespmem:s28+$0xFFFFFF30] =	vst v8;
	v8 =	vld [tilespmem:s8+$0x5300]  }
0x447: {  	v7 =	vld [tilespmem:s7+$0x5300]  }
0x448: {  	s24 =	sor.u32 $0x440, s17;
	v6 =	vld [tilespmem:s28+$0xFFFFFF40]  }
0x449: {  	v12 =	vld [tilespmem:s24+$0x5300];
	v9 =	vadd.f32 v10, v9  }
0x44a: {  	v10 =	vld [tilespmem:s6+$0x50]  }
0x44b: {  	v14 =	vld [tilespmem:s12+$0x40];
	v9 =	vmax.f32 v9, $0.0e+00  }
0x44c: {  	v9 =	vmul.f32 v9, v13;
	v8 =	vadd.f32 v11, v8;
	v11 =	vld [tilespmem:s28+$0xFFFFFF50];
	v5 =	vadd.f32 v5, v7  }
0x44d: {  	v7 =	vld [tilespmem:s16+$0x40]  }
0x44e: {  	s20 =	rddreg [dreg:$0x18];
	v6 =	vadd.f32 v6, v12;
	v12 =	vld [tilespmem:s28+$0xFFFFFFD0];
	[tilespmem:s28+$0xFFFFFFC0] =	vst v9;
	v5 =	vmax.f32 v5, $0.0e+00  }
0x44f: {  	v9 =	vld [tilespmem:s20+$0x5300];
	v8 =	vmax.f32 v8, $0.0e+00;
	v5 =	vmul.f32 v5, v10  }
0x450: {  	s18 =	sor.u32 $0x450, s25;
	v8 =	vmul.f32 v8, v14;
	v14 =	vld [tilespmem:s13+$0x50]  }
0x451: {  	[dreg:$0x11] =	wrdreg s18;
	s18 =	sor.u32 $0x460, s1;
	s9 =	sor.u32 $0x460, s22;
	v6 =	vmax.f32 v6, $0.0e+00;
	[tilespmem:s28+$0xD0] =	vst v5;
	v5 =	vld [tilespmem:s28+$0xE0]  }
0x452: {  	[dreg:$0x9] =	wrdreg s18;
	v6 =	vmul.f32 v6, v7;
	v7 =	vld [tilespmem:s9+$0x5300]  }
0x453: {  	s18 =	sor.u32 $0x470, s1;
	s1 =	sor.u32 $0x460, s25;
	s2 =	sor.u32 $0x470, s17;
	v10 =	vld [tilespmem:s28+$0x50]  }
0x454: {  	s17 =	sor.u32 $0x470, s25;
	s25 =	smov.u32 s23;
	s24 =	rddreg [dreg:$0x11];
	[tilespmem:s28+$0x40] =	vst v8;
	v8 =	vld [tilespmem:s6+$0x60]  }
0x455: {  	s11 =	smov.u32 s25;
	s25 =	rddreg [dreg:$0xd];
	[tilespmem:s28+$0xFFFFFF40] =	vst v6;
	v6 =	vld [tilespmem:s24+$0x5300]  }
0x456: {  	v13 =	vld [tilespmem:s25+$0x5300]  }
0x457: {  	v5 =	vadd.f32 v5, v7  }
0x458: {  	v7 =	vadd.f32 v12, v9;
	v9 =	vld [tilespmem:s12+$0x50]  }
0x459: {  	v12 =	vld [tilespmem:s16+$0x50];
	v5 =	vmax.f32 v5, $0.0e+00  }
0x45a: {  	v6 =	vadd.f32 v10, v6;
	v10 =	vld [tilespmem:s28+$0xFFFFFF60];
	v7 =	vmax.f32 v7, $0.0e+00;
	v5 =	vmul.f32 v5, v8  }
0x45b: {  	v8 =	vadd.f32 v11, v13;
	v11 =	vld [tilespmem:s28+$0xFFFFFFE0];
	v7 =	vmul.f32 v7, v14  }
0x45c: {  	[tilespmem:s28+$0xE0] =	vst v5;
	v5 =	vld [tilespmem:s28+$0xF0]  }
0x45d: {  	s26 =	sor.u32 $0x470, s22;
	v6 =	vmax.f32 v6, $0.0e+00;
	[tilespmem:s28+$0xFFFFFFD0] =	vst v7;
	v7 =	vld [tilespmem:s28+$0x60]  }
0x45e: {  	s29 =	rddreg [dreg:$0x9];
	v8 =	vmax.f32 v8, $0.0e+00;
	v6 =	vmul.f32 v6, v9;
	v9 =	vld [tilespmem:s26+$0x5300]  }
0x45f: {  	v8 =	vmul.f32 v8, v12;
	v12 =	vld [tilespmem:s29+$0x5300]  }
0x460: {  	[tilespmem:s28+$0x50] =	vst v6;
	v6 =	vld [tilespmem:s6+$0x70]  }
0x461: {  	v13 =	vld [tilespmem:s1+$0x5300]  }
0x462: {  	s0 =	sadd.s32 $0x4, s0;
	s31 =	rddreg [dreg:$0x5];
	v15 =	vld [tilespmem:s13+$0x60];
	[tilespmem:s28+$0xFFFFFF50] =	vst v8  }
0x463: {  	p1 =	slt.u32 s0, $0x24;
	v14 =	vld [tilespmem:s31+$0x5300];
	v5 =	vadd.f32 v5, v9  }
.Ltmp2:
0x464: {  	v8 =	vld [tilespmem:s16+$0x60];
	(pc) =	sbr.rel @p1 .LBB2_7-.Ltmp2, $4  }
0x465: {  	v11 =	vadd.f32 v11, v12;
	v9 =	vld [tilespmem:s12+$0x60];
	v5 =	vmax.f32 v5, $0.0e+00  }
0x466: {  	v7 =	vadd.f32 v7, v13;
	v12 =	vmul.f32 v5, v6;
	v5 =	vld [tilespmem:s28+$0xFFFFFF70]  }
0x467: {  	v4 =	vmax.f32 v4, $0.0e+00;
	v3 =	vmax.f32 v3, $0.0e+00;
	v16 =	vmax.f32 v11, $0.0e+00;
	v6 =	vld [tilespmem:s28+$0xFFFFFFF0]  }
0x468: {  	p0 =	por !p0, !p0;
	s23 =	smov.u32 s28;
	s10 =	rddreg [dreg:$0x15];
	v11 =	vadd.f32 v10, v14;
	v10 =	vmul.f32 v16, v15;
	[tilespmem:s28+$0xF0] =	vst v12;
	v12 =	vmax.f32 v7, $0.0e+00;
	v7 =	vld [tilespmem:s28+$0x70]  }
0x469: {  	_ = 	snop  }
0x46a: {  	v55 =	vld [tilespmem:s10+$0x70];
	v11 =	vmax.f32 v11, $0.0e+00;
	v9 =	vmul.f32 v12, v9  }
0x46b: {  	v56 =	vld [tilespmem:s19+$0x70];
	[tilespmem:s28+$0xFFFFFFE0] =	vst v10;
	v8 =	vmul.f32 v11, v8  }
0x46c: {  	v57 =	vld [tilespmem:s18+$0x5300];
	[tilespmem:s28+$0x60] =	vst v9  }
0x46d: {  	[tilespmem:s28+$0xFFFFFF60] =	vst v8;
	v58 =	vld [tilespmem:s17+$0x5300]  }
0x46e: {  	v59 =	vld [tilespmem:s2+$0x5300]  }
0x46f: {  	v13 =	vld [tilespmem:s13+$0x70]  }
0x470: {  	v14 =	vld [tilespmem:s12+$0x70]  }
0x471: {  	v60 =	vld [tilespmem:s16+$0x70];
	v6 =	vadd.f32 v6, v57  }
0x472: {  	v4 =	vmul.f32 v4, v55;
	v7 =	vadd.f32 v7, v58  }
0x473: {  	v3 =	vmul.f32 v3, v56;
	v6 =	vmax.f32 v6, $0.0e+00;
	v5 =	vadd.f32 v5, v59  }
0x474: {  	[tilespmem:s11+$0x70] =	vst v4;
	v61 =	vmul.f32 v6, v13;
	v62 =	vmax.f32 v7, $0.0e+00  }
0x475: {  	[tilespmem:s11+$0xFFFFFF70] =	vst v3;
	v3 =	vmax.f32 v5, $0.0e+00;
	v63 =	vmul.f32 v62, v14  }
0x476: {  	[tilespmem:s23+$0xFFFFFFF0] =	vst v61;
	v3 =	vmul.f32 v3, v60  }
0x477: {  	[tilespmem:s23+$0x70] =	vst v63  }
0x478: {  	[tilespmem:s23+$0xFFFFFF70] =	vst v3  }
0x479: {  	s3 =	sld [smem:$0x7F0];
	_ =	sdelay $0x2  }
0x47a: {  	s3 =	sadd.s32 $0x1, s3  }
0x47b: {  	p0 =	sne.s32 s3, $0x53  }
.Ltmp3:
0x47c: {  	_ = 	snop;
	(pc) =	sbr.rel @p0 .LBB2_2-.Ltmp3, $4  }
0x47d: {  	_ = 	snop  }
0x47e: {  	s0 =	rddreg [dreg:$0x1]  }
0x47f: {  	s4 =	simm.s32 $0x28;
	s7 =	simm.s32 $0x280;
	s1 =	simm.s32 $0xA300  }
0x480: {  	[spmem:s0] =	stream.indirect.scatter.add.f32 [tilespmem:s1], [sflag:$0x9], $0x80, s7, s4, $0xb8;
	[tilespmem:$0x1F300] =	vst v63  }
0x481: {  	s0 =	simm.s32 $0x9  }
0x482: {  	_ =	swait.ge [sflag:s0], $0x1400  }
0x483: {  	[sflag:s0] =	ssyncset.done $0x0  }
0x484: {  	s3 =	simm.s32 $0x4;
	[sflag:s0] =	ssyncadd.s32 $0xFFFFEC00  }
0x485: {  	_ =	swait.ge [sflag:s3], $0x2800  }
0x486: {  	s24 =	simm.s32 $0x0;
	[sflag:s3] =	ssyncset.done $0x0  }
0x487: {  	s1 =	sand.u32 $0x7, s24;
	[sflag:s3] =	ssyncadd.s32 $0xFFFFD800  }
0x488: {  	s1 =	sshll.u32 s1, $0x7;
	_ =	swait.ge [sflag:s3], $0x1400  }
0x489: {  	s2 =	sadd.s32 $0x0, s1;
	[sflag:s3] =	ssyncset.done $0x0  }
0x48a: {  	s11 =	simm.s32 $0x7C00;
	s7 =	sadd.s32 $0x180, s2;
	[sflag:s3] =	ssyncadd.s32 $0xFFFFEC00  }
0x48b: {  	s25 =	sor.u32 $0x400, s7;
	v3 =	vld [tilespmem:s11+$0x80]  }
0x48c: {  	s26 =	simm.s32 $0x180;
	s4 =	sand.u32 $0x3800, s24;
	v4 =	vld [tilespmem:s25+$0x300]  }
0x48d: {  	s28 =	sand.u32 $0x380, s26;
	s5 =	sor.u32 $0x300, s4;
	s0 =	sand.u32 $0x3, s24  }
0x48e: {  	s1 =	sadd.s32 s28, s5;
	s0 =	sshll.u32 s0, $0x8  }
0x48f: {  	p0 =	por $0x0, $0x0;
	s0 =	sadd.s32 $0x0, s0;
	v5 =	vld [tilespmem:s1+$0x0]  }
0x490: {  	s4 =	simm.s32 $0x1;
	s6 =	sadd.s32 $0x80, s2;
	s2 =	sadd.s32 $0x100, s0  }
0x491: {  	s4 =	simm.s32 @!p0 $0x0;
	s0 =	sor.u32 $0x400, s2;
	v3 =	vadd.f32 v3, v4  }
0x492: {  	s8 =	sshll.u32 s4, $0x9;
	s30 =	sor.u32 $0x400, s6;
	v6 =	vld [tilespmem:s0+$0x300]  }
0x493: {  	s31 =	simm.s32 $0x80;
	s4 =	sadd.s32 $0x0, s8;
	v4 =	vld [tilespmem:s30+$0x300];
	v3 =	vmax.f32 v3, $0.0e+00  }
0x494: {  	s8 =	sor.u32 $0x400, s4;
	s3 =	sand.u32 $0x280, s31;
	v3 =	vmul.f32 v3, v5;
	v5 =	vld [tilespmem:s11+$0xFFFFFF80]  }
0x495: {  	s0 =	sadd.s32 s3, s5;
	v9 =	vld [tilespmem:s8+$0x300]  }
0x496: {  	v7 =	vld [tilespmem:s0+$0x0]  }
0x497: {  	s9 =	sor.u32 $0x410, s7;
	[tilespmem:s11+$0x80] =	vst v3;
	v3 =	vld [tilespmem:s11+$0x90]  }
0x498: {  	v8 =	vld [tilespmem:s9+$0x300]  }
0x499: {  	s10 =	simm.s32 $0x100;
	v10 =	vld [tilespmem:s11+$0x0];
	v4 =	vadd.f32 v5, v4  }
0x49a: {  	s3 =	sand.u32 $0x300, s10;
	v11 =	vld [tilespmem:s11+$0xFFFFFF00]  }
0x49b: {  	s12 =	simm.s32 $0x0;
	s10 =	sadd.s32 s3, s5;
	v5 =	vld [tilespmem:s1+$0x10];
	v4 =	vmax.f32 v4, $0.0e+00  }
0x49c: {  	s13 =	sand.u32 $0x200, s12;
	v12 =	vld [tilespmem:s10+$0x0];
	v4 =	vmul.f32 v4, v7  }
0x49d: {  	s19 =	sadd.s32 s13, s5;
	v3 =	vadd.f32 v3, v8;
	v7 =	vld [tilespmem:s11+$0xFFFFFF90]  }
0x49e: {  	s14 =	sor.u32 $0x410, s6;
	v8 =	vld [tilespmem:s19+$0x0];
	[tilespmem:s11+$0xFFFFFF80] =	vst v4  }
0x49f: {  	v3 =	vmax.f32 v3, $0.0e+00;
	v4 =	vadd.f32 v10, v6;
	v6 =	vld [tilespmem:s14+$0x300]  }
0x4a0: {  	v9 =	vadd.f32 v11, v9;
	v3 =	vmul.f32 v3, v5;
	v5 =	vld [tilespmem:s11+$0x10]  }
0x4a1: {  	v10 =	vld [tilespmem:s0+$0x10];
	v4 =	vmax.f32 v4, $0.0e+00  }
0x4a2: {  	v9 =	vmax.f32 v9, $0.0e+00;
	[tilespmem:s11+$0x90] =	vst v3;
	v3 =	vmul.f32 v4, v12;
	v4 =	vld [tilespmem:s11+$0xA0]  }
0x4a3: {  	s15 =	sor.u32 $0x420, s7;
	v8 =	vmul.f32 v9, v8;
	v9 =	vld [tilespmem:s11+$0xFFFFFF10]  }
0x4a4: {  	v11 =	vld [tilespmem:s15+$0x300]  }
0x4a5: {  	s16 =	sor.u32 $0x410, s2;
	v12 =	vld [tilespmem:s11+$0xFFFFFF20];
	[tilespmem:s11+$0x0] =	vst v3  }
0x4a6: {  	v3 =	vadd.f32 v7, v6;
	v6 =	vld [tilespmem:s16+$0x300]  }
0x4a7: {  	s17 =	sor.u32 $0x410, s4;
	[tilespmem:s11+$0xFFFFFF00] =	vst v8;
	v7 =	vld [tilespmem:s1+$0x20]  }
0x4a8: {  	v8 =	vld [tilespmem:s17+$0x300];
	v3 =	vmax.f32 v3, $0.0e+00  }
0x4a9: {  	v3 =	vmul.f32 v3, v10;
	v10 =	vld [tilespmem:s10+$0x10];
	v4 =	vadd.f32 v4, v11  }
0x4aa: {  	v11 =	vld [tilespmem:s19+$0x10]  }
0x4ab: {  	s18 =	sor.u32 $0x420, s6;
	[tilespmem:s11+$0xFFFFFF90] =	vst v3;
	v3 =	vld [tilespmem:s11+$0xFFFFFFA0];
	v4 =	vmax.f32 v4, $0.0e+00;
	v5 =	vadd.f32 v5, v6  }
0x4ac: {  	v6 =	vld [tilespmem:s18+$0x300];
	v4 =	vmul.f32 v4, v7  }
0x4ad: {  	v8 =	vadd.f32 v9, v8;
	v7 =	vld [tilespmem:s11+$0x20];
	v5 =	vmax.f32 v5, $0.0e+00  }
0x4ae: {  	v9 =	vld [tilespmem:s0+$0x20];
	[tilespmem:s11+$0xA0] =	vst v4;
	v4 =	vmul.f32 v5, v10  }
0x4af: {  	s20 =	sor.u32 $0x430, s7;
	v8 =	vmax.f32 v8, $0.0e+00;
	v5 =	vld [tilespmem:s11+$0xB0]  }
0x4b0: {  	s21 =	sor.u32 $0x420, s2;
	v8 =	vmul.f32 v8, v11;
	v10 =	vld [tilespmem:s20+$0x300];
	[tilespmem:s11+$0x10] =	vst v4  }
0x4b1: {  	v4 =	vld [tilespmem:s21+$0x300]  }
0x4b2: {  	s22 =	sor.u32 $0x420, s4;
	[tilespmem:s11+$0xFFFFFF10] =	vst v8;
	v3 =	vadd.f32 v3, v6;
	v6 =	vld [tilespmem:s1+$0x30]  }
0x4b3: {  	v8 =	vld [tilespmem:s22+$0x300]  }
0x4b4: {  	v11 =	vld [tilespmem:s10+$0x20];
	v3 =	vmax.f32 v3, $0.0e+00  }
0x4b5: {  	v3 =	vmul.f32 v3, v9;
	v5 =	vadd.f32 v5, v10;
	v9 =	vld [tilespmem:s19+$0x20]  }
0x4b6: {  	v10 =	vld [tilespmem:s11+$0xFFFFFF30]  }
0x4b7: {  	s23 =	sor.u32 $0x430, s6;
	[tilespmem:s11+$0xFFFFFFA0] =	vst v3;
	v3 =	vmax.f32 v5, $0.0e+00;
	v4 =	vadd.f32 v7, v4;
	v7 =	vld [tilespmem:s11+$0x30]  }
0x4b8: {  	v5 =	vld [tilespmem:s23+$0x300];
	v3 =	vmul.f32 v3, v6  }
0x4b9: {  	v6 =	vld [tilespmem:s11+$0xFFFFFFB0];
	v4 =	vmax.f32 v4, $0.0e+00  }
0x4ba: {  	[tilespmem:s11+$0xB0] =	vst v3;
	v3 =	vadd.f32 v12, v8;
	v4 =	vmul.f32 v4, v11;
	v8 =	vld [tilespmem:s11+$0xC0]  }
0x4bb: {  	s24 =	sor.u32 $0x440, s7;
	v12 =	vld [tilespmem:s0+$0x30]  }
0x4bc: {  	s25 =	sor.u32 $0x430, s2;
	v11 =	vld [tilespmem:s24+$0x300];
	v3 =	vmax.f32 v3, $0.0e+00;
	[tilespmem:s11+$0x20] =	vst v4  }
0x4bd: {  	v3 =	vmul.f32 v3, v9;
	v4 =	vld [tilespmem:s25+$0x300]  }
0x4be: {  	v5 =	vadd.f32 v6, v5;
	v6 =	vld [tilespmem:s1+$0x40]  }
0x4bf: {  	s26 =	sor.u32 $0x430, s4;
	v9 =	vld [tilespmem:s10+$0x30];
	[tilespmem:s11+$0xFFFFFF20] =	vst v3  }
0x4c0: {  	v3 =	vld [tilespmem:s26+$0x300]  }
0x4c1: {  	v5 =	vmax.f32 v5, $0.0e+00;
	v8 =	vadd.f32 v8, v11;
	v11 =	vld [tilespmem:s19+$0x30]  }
0x4c2: {  	v5 =	vmul.f32 v5, v12;
	v12 =	vld [tilespmem:s11+$0xFFFFFF40];
	s26 =	simm.s32 $0x7E00  }
0x4c3: {  	v59 =	vld [tilespmem:s26+$0xFFFFFF90]  }
0x4c4: {  	v63 =	vld [tilespmem:s26+$0xFFFFFF10]  }
0x4c5: {  	v30 =	vld [tilespmem:s26+$0x20];
	v8 =	vmax.f32 v8, $0.0e+00;
	v4 =	vadd.f32 v7, v4  }
0x4c6: {  	s28 =	sor.u32 $0x440, s6;
	[tilespmem:s11+$0xFFFFFFB0] =	vst v5;
	v7 =	vld [tilespmem:s11+$0x40];
	v5 =	vmul.f32 v8, v6  }
0x4c7: {  	v6 =	vld [tilespmem:s28+$0x300];
	v4 =	vmax.f32 v4, $0.0e+00  }
0x4c8: {  	v3 =	vadd.f32 v10, v3;
	[tilespmem:s11+$0xC0] =	vst v5;
	v4 =	vmul.f32 v4, v9;
	v5 =	vld [tilespmem:s11+$0xD0]  }
0x4c9: {  	s30 =	sor.u32 $0x450, s7;
	v9 =	vld [tilespmem:s11+$0xFFFFFFC0]  }
0x4ca: {  	s31 =	sor.u32 $0x440, s2;
	v8 =	vld [tilespmem:s30+$0x300];
	v3 =	vmax.f32 v3, $0.0e+00;
	[tilespmem:s11+$0x30] =	vst v4  }
0x4cb: {  	v3 =	vmul.f32 v3, v11;
	v4 =	vld [tilespmem:s31+$0x300]  }
0x4cc: {  	v11 =	vld [tilespmem:s0+$0x40]  }
0x4cd: {  	s5 =	sor.u32 $0x440, s4;
	[tilespmem:s11+$0xFFFFFF30] =	vst v3;
	v3 =	vld [tilespmem:s1+$0x50]  }
0x4ce: {  	v10 =	vld [tilespmem:s5+$0x300]  }
0x4cf: {  	v5 =	vadd.f32 v5, v8;
	v8 =	vld [tilespmem:s10+$0x40]  }
0x4d0: {  	v6 =	vadd.f32 v9, v6;
	v9 =	vld [tilespmem:s19+$0x40]  }
0x4d1: {  	v5 =	vmax.f32 v5, $0.0e+00;
	v4 =	vadd.f32 v7, v4;
	v7 =	vld [tilespmem:s11+$0xFFFFFF50]  }
0x4d2: {  	v3 =	vmul.f32 v5, v3;
	v5 =	vmax.f32 v6, $0.0e+00;
	v6 =	vld [tilespmem:s11+$0xFFFFFFD0]  }
0x4d3: {  	v4 =	vmax.f32 v4, $0.0e+00;
	v10 =	vadd.f32 v12, v10;
	v5 =	vmul.f32 v5, v11;
	v11 =	vld [tilespmem:s11+$0x50]  }
0x4d4: {  	s8 =	sor.u32 $0x460, s7;
	[tilespmem:s11+$0xD0] =	vst v3;
	v3 =	vmul.f32 v4, v8;
	v4 =	vld [tilespmem:s11+$0xE0]  }
0x4d5: {  	s9 =	sor.u32 $0x450, s6;
	v8 =	vmax.f32 v10, $0.0e+00;
	[tilespmem:s11+$0xFFFFFFC0] =	vst v5;
	v5 =	vld [tilespmem:s8+$0x300]  }
0x4d6: {  	v8 =	vmul.f32 v8, v9;
	v9 =	vld [tilespmem:s9+$0x300]  }
0x4d7: {  	[tilespmem:s11+$0x40] =	vst v3;
	v12 =	vld [tilespmem:s0+$0x50]  }
0x4d8: {  	s12 =	sor.u32 $0x450, s2;
	[tilespmem:s11+$0xFFFFFF40] =	vst v8;
	v8 =	vld [tilespmem:s1+$0x60]  }
0x4d9: {  	s13 =	sor.u32 $0x450, s4;
	v3 =	vld [tilespmem:s12+$0x300]  }
0x4da: {  	v10 =	vld [tilespmem:s13+$0x300];
	v4 =	vadd.f32 v4, v5  }
0x4db: {  	v32 =	vld [tilespmem:s26+$0xFFFFFF20]  }
0x4dc: {  	v5 =	vadd.f32 v6, v9;
	v6 =	vld [tilespmem:s10+$0x50];
	v4 =	vmax.f32 v4, $0.0e+00  }
0x4dd: {  	v9 =	vld [tilespmem:s19+$0x50];
	v4 =	vmul.f32 v4, v8  }
0x4de: {  	v3 =	vadd.f32 v11, v3;
	v8 =	vld [tilespmem:s11+$0xFFFFFF60];
	v5 =	vmax.f32 v5, $0.0e+00  }
0x4df: {  	s14 =	sor.u32 $0x470, s7;
	v7 =	vadd.f32 v7, v10;
	v10 =	vld [tilespmem:s11+$0xFFFFFFE0];
	v5 =	vmul.f32 v5, v12;
	[tilespmem:s11+$0xE0] =	vst v4  }
0x4e0: {  	v4 =	vmax.f32 v3, $0.0e+00;
	v3 =	vld [tilespmem:s14+$0x300]  }
0x4e1: {  	s15 =	sor.u32 $0x460, s6;
	v7 =	vmax.f32 v7, $0.0e+00;
	[tilespmem:s11+$0xFFFFFFD0] =	vst v5;
	v5 =	vld [tilespmem:s11+$0x60]  }
0x4e2: {  	v4 =	vmul.f32 v4, v6;
	v6 =	vmul.f32 v7, v9;
	v7 =	vld [tilespmem:s15+$0x300]  }
0x4e3: {  	v11 =	vld [tilespmem:s0+$0x60]  }
0x4e4: {  	s16 =	sor.u32 $0x460, s2;
	s15 =	simm.s32 $0x4;
	[tilespmem:s11+$0x50] =	vst v4;
	v4 =	vld [tilespmem:s1+$0x70]  }
0x4e5: {  	s17 =	sor.u32 $0x460, s4;
	s18 =	sand.u32 $0x7, s15;
	[tilespmem:s11+$0xFFFFFF50] =	vst v6;
	v6 =	vld [tilespmem:s16+$0x300]  }
0x4e6: {  	s1 =	sshll.u32 s18, $0x7;
	v9 =	vld [tilespmem:s17+$0x300]  }
0x4e7: {  	v12 =	vld [tilespmem:s10+$0x60];
	s20 =	sadd.s32 $0x400, s1  }
0x4e8: {  	v13 =	vld [tilespmem:s19+$0x60];
	s1 =	sadd.s32 $0x180, s20  }
0x4e9: {  	s21 =	simm.s32 $0x400;
	v7 =	vadd.f32 v10, v7;
	s22 =	sor.u32 $0x400, s1;
	v10 =	vld [tilespmem:s26+$0x80]  }
0x4ea: {  	s23 =	sand.u32 $0x3800, s21;
	s14 =	simm.s32 $0x380;
	v15 =	vld [tilespmem:s22+$0x300];
	v14 =	vadd.f32 v5, v6  }
0x4eb: {  	s7 =	sor.u32 $0x300, s23;
	v35 =	vld [tilespmem:s26+$0xFFFFFFB0];
	s24 =	sand.u32 $0x380, s14;
	v7 =	vmax.f32 v7, $0.0e+00;
	v8 =	vadd.f32 v8, v9  }
0x4ec: {  	v37 =	vld [tilespmem:s26+$0x30];
	s3 =	sadd.s32 s24, s7;
	v9 =	vmul.f32 v7, v11;
	v7 =	vmax.f32 v14, $0.0e+00  }
0x4ed: {  	v8 =	vmax.f32 v8, $0.0e+00;
	v11 =	vmul.f32 v7, v12;
	v12 =	vld [tilespmem:s3+$0x0]  }
0x4ee: {  	s6 =	sor.u32 $0x470, s6;
	v14 =	vld [tilespmem:s26+$0xFFFFFF80];
	[tilespmem:s11+$0xFFFFFFE0] =	vst v9;
	v13 =	vmul.f32 v8, v13  }
0x4ef: {  	s2 =	sor.u32 $0x470, s2;
	v8 =	vld [tilespmem:s6+$0x300];
	[tilespmem:s11+$0x60] =	vst v11;
	v11 =	vadd.f32 v10, v15  }
0x4f0: {  	s4 =	sor.u32 $0x470, s4;
	[tilespmem:s11+$0xFFFFFF60] =	vst v13;
	v9 =	vld [tilespmem:s2+$0x300]  }
0x4f1: {  	s29 =	simm.s32 $0x2;
	s2 =	sadd.s32 $0x80, s20;
	v10 =	vld [tilespmem:s4+$0x300];
	v13 =	vmax.f32 v11, $0.0e+00  }
0x4f2: {  	p0 =	por !p0, !p0;
	s25 =	sand.u32 $0x3, s29;
	v11 =	vld [tilespmem:s0+$0x70];
	s28 =	sor.u32 $0x400, s2;
	v12 =	vmul.f32 v13, v12  }
0x4f3: {  	s30 =	simm.s32 $0x280;
	s31 =	sor.u32 $0x410, s1;
	s4 =	sshll.u32 s25, $0x8;
	v13 =	vld [tilespmem:s28+$0x300]  }
0x4f4: {  	s6 =	sand.u32 $0x280, s30;
	s0 =	simm.s32 $0x1;
	s4 =	sadd.s32 $0x400, s4;
	[tilespmem:s26+$0x80] =	vst v12;
	v12 =	vld [tilespmem:s26+$0x90]  }
0x4f5: {  	s13 =	sadd.s32 s6, s7;
	s0 =	simm.s32 @!p0 $0x0;
	s4 =	sadd.s32 $0x100, s4;
	v15 =	vld [tilespmem:s31+$0x300]  }
0x4f6: {  	v17 =	vld [tilespmem:s13+$0x0];
	s0 =	sshll.u32 s0, $0x9;
	s9 =	sor.u32 $0x400, s4  }
0x4f7: {  	s6 =	sadd.s32 $0x400, s0;
	v16 =	vld [tilespmem:s9+$0x300]  }
0x4f8: {  	s0 =	sor.u32 $0x400, s6;
	v18 =	vld [tilespmem:s3+$0x10]  }
0x4f9: {  	v19 =	vld [tilespmem:s0+$0x300];
	v13 =	vadd.f32 v14, v13  }
0x4fa: {  	s5 =	simm.s32 $0x200;
	v14 =	vld [tilespmem:s26+$0xFFFFFF00];
	v12 =	vadd.f32 v12, v15  }
0x4fb: {  	s8 =	sand.u32 $0x200, s5;
	s9 =	simm.s32 $0x300;
	v13 =	vmax.f32 v13, $0.0e+00;
	v15 =	vld [tilespmem:s26+$0x0]  }
0x4fc: {  	v21 =	vld [tilespmem:s26+$0xFFFFFF30];
	s16 =	sadd.s32 s8, s7;
	s12 =	sand.u32 $0x300, s9;
	v13 =	vmul.f32 v13, v17;
	v12 =	vmax.f32 v12, $0.0e+00  }
0x4fd: {  	v20 =	vld [tilespmem:s16+$0x0];
	s12 =	sadd.s32 s12, s7;
	v12 =	vmul.f32 v12, v18  }
0x4fe: {  	v60 =	vld [tilespmem:s12+$0x0];
	[tilespmem:s26+$0xFFFFFF80] =	vst v13  }
0x4ff: {  	v42 =	vld [tilespmem:s26+$0xFFFFFF40];
	s17 =	sor.u32 $0x410, s2;
	[tilespmem:s26+$0x90] =	vst v12;
	v12 =	vadd.f32 v14, v19  }
0x500: {  	v13 =	vld [tilespmem:s17+$0x300];
	v15 =	vadd.f32 v15, v16  }
0x501: {  	v62 =	vld [tilespmem:s13+$0x10];
	v12 =	vmax.f32 v12, $0.0e+00  }
0x502: {  	s18 =	sor.u32 $0x420, s1;
	v14 =	vld [tilespmem:s26+$0xA0];
	v15 =	vmax.f32 v15, $0.0e+00;
	v12 =	vmul.f32 v12, v20  }
0x503: {  	v61 =	vld [tilespmem:s18+$0x300];
	v15 =	vmul.f32 v15, v60  }
0x504: {  	v23 =	vld [tilespmem:s3+$0x20];
	[tilespmem:s26+$0xFFFFFF00] =	vst v12  }
0x505: {  	s22 =	sor.u32 $0x410, s4;
	v12 =	vld [tilespmem:s26+$0x10];
	[tilespmem:s26+$0x0] =	vst v15  }
0x506: {  	s20 =	sor.u32 $0x410, s6;
	v13 =	vadd.f32 v59, v13;
	v15 =	vld [tilespmem:s22+$0x300]  }
0x507: {  	v24 =	vld [tilespmem:s20+$0x300]  }
0x508: {  	v44 =	vld [tilespmem:s26+$0xFFFFFFC0];
	v13 =	vmax.f32 v13, $0.0e+00;
	v14 =	vadd.f32 v14, v61  }
0x509: {  	v13 =	vmul.f32 v13, v62;
	v25 =	vld [tilespmem:s12+$0x10]  }
0x50a: {  	v26 =	vld [tilespmem:s16+$0x10];
	v14 =	vmax.f32 v14, $0.0e+00  }
0x50b: {  	s23 =	sor.u32 $0x420, s2;
	[tilespmem:s26+$0xFFFFFF90] =	vst v13;
	v13 =	vmul.f32 v14, v23;
	v14 =	vld [tilespmem:s26+$0xFFFFFFA0];
	v12 =	vadd.f32 v12, v15  }
0x50c: {  	v27 =	vld [tilespmem:s23+$0x300];
	v15 =	vadd.f32 v63, v24  }
0x50d: {  	s24 =	sor.u32 $0x430, s1;
	[tilespmem:s26+$0xA0] =	vst v13;
	v13 =	vld [tilespmem:s26+$0xB0];
	v12 =	vmax.f32 v12, $0.0e+00  }
0x50e: {  	v28 =	vld [tilespmem:s24+$0x300];
	v15 =	vmax.f32 v15, $0.0e+00;
	v12 =	vmul.f32 v12, v25  }
0x50f: {  	v29 =	vld [tilespmem:s13+$0x20];
	v15 =	vmul.f32 v15, v26  }
0x510: {  	s25 =	sor.u32 $0x420, s4;
	v31 =	vld [tilespmem:s3+$0x30];
	[tilespmem:s26+$0x10] =	vst v12  }
0x511: {  	s28 =	sor.u32 $0x420, s6;
	v14 =	vadd.f32 v14, v27;
	[tilespmem:s26+$0xFFFFFF10] =	vst v15;
	v12 =	vld [tilespmem:s25+$0x300]  }
0x512: {  	v15 =	vld [tilespmem:s28+$0x300]  }
0x513: {  	v45 =	vld [tilespmem:s26+$0x40];
	v14 =	vmax.f32 v14, $0.0e+00;
	v13 =	vadd.f32 v13, v28  }
0x514: {  	v14 =	vmul.f32 v14, v29;
	v33 =	vld [tilespmem:s12+$0x20]  }
0x515: {  	v34 =	vld [tilespmem:s16+$0x20];
	v13 =	vmax.f32 v13, $0.0e+00  }
0x516: {  	v50 =	vld [tilespmem:s26+$0xFFFFFFD0];
	s30 =	sor.u32 $0x430, s2;
	[tilespmem:s26+$0xFFFFFFA0] =	vst v14;
	v13 =	vmul.f32 v13, v31;
	v12 =	vadd.f32 v30, v12  }
0x517: {  	v14 =	vld [tilespmem:s30+$0x300];
	v15 =	vadd.f32 v32, v15  }
0x518: {  	s31 =	sor.u32 $0x440, s1;
	[tilespmem:s26+$0xB0] =	vst v13;
	v13 =	vld [tilespmem:s26+$0xC0];
	v12 =	vmax.f32 v12, $0.0e+00  }
0x519: {  	v36 =	vld [tilespmem:s31+$0x300];
	v15 =	vmax.f32 v15, $0.0e+00;
	v12 =	vmul.f32 v12, v33  }
0x51a: {  	v38 =	vld [tilespmem:s13+$0x30];
	v15 =	vmul.f32 v15, v34  }
0x51b: {  	s5 =	sor.u32 $0x430, s4;
	v39 =	vld [tilespmem:s3+$0x40];
	[tilespmem:s26+$0x20] =	vst v12  }
0x51c: {  	s7 =	sor.u32 $0x430, s6;
	v12 =	vadd.f32 v35, v14;
	[tilespmem:s26+$0xFFFFFF20] =	vst v15;
	v14 =	vld [tilespmem:s5+$0x300]  }
0x51d: {  	v15 =	vld [tilespmem:s7+$0x300]  }
0x51e: {  	v52 =	vld [tilespmem:s26+$0xE0];
	v13 =	vadd.f32 v13, v36;
	v12 =	vmax.f32 v12, $0.0e+00  }
0x51f: {  	v40 =	vld [tilespmem:s12+$0x30];
	v12 =	vmul.f32 v12, v38  }
0x520: {  	v41 =	vld [tilespmem:s16+$0x30];
	v13 =	vmax.f32 v13, $0.0e+00  }
0x521: {  	v53 =	vld [tilespmem:s26+$0xFFFFFF50];
	v13 =	vmul.f32 v13, v39;
	[tilespmem:s26+$0xFFFFFFB0] =	vst v12;
	v12 =	vadd.f32 v37, v14  }
0x522: {  	v58 =	vld [tilespmem:s26+$0xFFFFFF60];
	v15 =	vadd.f32 v21, v15  }
0x523: {  	s9 =	sor.u32 $0x450, s1;
	[tilespmem:s26+$0xC0] =	vst v13;
	v13 =	vld [tilespmem:s26+$0xD0];
	v12 =	vmax.f32 v12, $0.0e+00  }
0x524: {  	s8 =	sor.u32 $0x440, s2;
	v43 =	vld [tilespmem:s9+$0x300];
	v15 =	vmax.f32 v15, $0.0e+00;
	v12 =	vmul.f32 v12, v40  }
0x525: {  	v14 =	vld [tilespmem:s8+$0x300];
	v15 =	vmul.f32 v15, v41  }
0x526: {  	[tilespmem:s26+$0x30] =	vst v12;
	v12 =	vld [tilespmem:s3+$0x50]  }
0x527: {  	s17 =	sor.u32 $0x440, s4;
	[tilespmem:s26+$0xFFFFFF30] =	vst v15;
	v15 =	vld [tilespmem:s13+$0x40]  }
0x528: {  	s18 =	sor.u32 $0x440, s6;
	v46 =	vld [tilespmem:s17+$0x300]  }
0x529: {  	v13 =	vadd.f32 v13, v43;
	v47 =	vld [tilespmem:s18+$0x300]  }
0x52a: {  	v55 =	vld [tilespmem:s11+$0xF0]  }
0x52b: {  	v14 =	vadd.f32 v44, v14;
	v48 =	vld [tilespmem:s12+$0x40];
	v13 =	vmax.f32 v13, $0.0e+00  }
0x52c: {  	v49 =	vld [tilespmem:s16+$0x40];
	v12 =	vmul.f32 v13, v12  }
0x52d: {  	v5 =	vld [tilespmem:s11+$0xFFFFFF70];
	v13 =	vmax.f32 v14, $0.0e+00;
	v14 =	vadd.f32 v45, v46  }
0x52e: {  	v6 =	vld [tilespmem:s11+$0xFFFFFFF0];
	v13 =	vmul.f32 v13, v15;
	[tilespmem:s26+$0xD0] =	vst v12;
	v12 =	vadd.f32 v42, v47  }
0x52f: {  	s20 =	sor.u32 $0x460, s1;
	v15 =	vld [tilespmem:s26+$0x50];
	v14 =	vmax.f32 v14, $0.0e+00  }
0x530: {  	s22 =	sor.u32 $0x450, s2;
	v51 =	vld [tilespmem:s20+$0x300];
	[tilespmem:s26+$0xFFFFFFC0] =	vst v13;
	v14 =	vmul.f32 v14, v48;
	v12 =	vmax.f32 v12, $0.0e+00  }
0x531: {  	v13 =	vld [tilespmem:s22+$0x300];
	v12 =	vmul.f32 v12, v49  }
0x532: {  	v56 =	vld [tilespmem:s13+$0x50];
	[tilespmem:s26+$0x40] =	vst v14  }
0x533: {  	s23 =	sor.u32 $0x450, s4;
	[tilespmem:s26+$0xFFFFFF40] =	vst v12;
	v12 =	vld [tilespmem:s3+$0x60]  }
0x534: {  	s24 =	sor.u32 $0x450, s6;
	v14 =	vld [tilespmem:s23+$0x300]  }
0x535: {  	v54 =	vld [tilespmem:s24+$0x300];
	v17 =	vadd.f32 v52, v51  }
0x536: {  	v7 =	vld [tilespmem:s11+$0x70];
	v13 =	vadd.f32 v50, v13  }
0x537: {  	v22 =	vld [tilespmem:s12+$0x50];
	v17 =	vmax.f32 v17, $0.0e+00  }
0x538: {  	v57 =	vld [tilespmem:s16+$0x50];
	v13 =	vmax.f32 v13, $0.0e+00;
	v12 =	vmul.f32 v17, v12  }
0x539: {  	v59 =	vld [tilespmem:s26+$0xF0];
	v14 =	vadd.f32 v15, v14;
	v13 =	vmul.f32 v13, v56  }
0x53a: {  	v15 =	vadd.f32 v53, v54;
	[tilespmem:s26+$0xE0] =	vst v12;
	v12 =	vld [tilespmem:s26+$0xFFFFFFE0]  }
0x53b: {  	s25 =	sor.u32 $0x470, s1;
	v14 =	vmax.f32 v14, $0.0e+00;
	[tilespmem:s26+$0xFFFFFFD0] =	vst v13;
	v13 =	vld [tilespmem:s26+$0x60]  }
0x53c: {  	s28 =	sor.u32 $0x460, s2;
	v60 =	vld [tilespmem:s25+$0x300];
	v14 =	vmul.f32 v14, v22;
	v15 =	vmax.f32 v15, $0.0e+00  }
0x53d: {  	v3 =	vadd.f32 v55, v3;
	v61 =	vld [tilespmem:s28+$0x300];
	v15 =	vmul.f32 v15, v57  }
0x53e: {  	s30 =	sor.u32 $0x460, s4;
	[tilespmem:s26+$0x50] =	vst v14;
	v14 =	vld [tilespmem:s3+$0x70]  }
0x53f: {  	v3 =	vmax.f32 v3, $0.0e+00;
	v6 =	vadd.f32 v6, v8;
	[tilespmem:s26+$0xFFFFFF50] =	vst v15;
	v15 =	vld [tilespmem:s30+$0x300]  }
0x540: {  	v3 =	vmul.f32 v3, v4;
	s31 =	sor.u32 $0x460, s6;
	v63 =	vld [tilespmem:s13+$0x60]  }
0x541: {  	v10 =	vadd.f32 v5, v10;
	v5 =	vmax.f32 v6, $0.0e+00;
	v62 =	vld [tilespmem:s31+$0x300];
	v4 =	vadd.f32 v59, v60  }
0x542: {  	v6 =	vmul.f32 v5, v11;
	v5 =	vld [tilespmem:s26+$0xFFFFFF70]  }
0x543: {  	v7 =	vadd.f32 v7, v9;
	v9 =	vld [tilespmem:s12+$0x60];
	v11 =	vadd.f32 v12, v61;
	v4 =	vmax.f32 v4, $0.0e+00  }
0x544: {  	[tilespmem:s11+$0xF0] =	vst v3;
	v8 =	vld [tilespmem:s16+$0x60];
	v12 =	vmul.f32 v4, v14;
	v13 =	vadd.f32 v13, v15  }
0x545: {  	p0 =	por !p0, !p0;
	s0 =	simm.s32 $0x4;
	v3 =	vmax.f32 v10, $0.0e+00;
	[tilespmem:s11+$0xFFFFFFF0] =	vst v6;
	v6 =	vld [tilespmem:s26+$0xFFFFFFF0];
	s18 =	sor.u32 $0x470, s2;
	v4 =	vmax.f32 v7, $0.0e+00;
	v7 =	vmax.f32 v11, $0.0e+00  }
0x546: {  	s2 =	sor.u32 $0x470, s6;
	s17 =	sor.u32 $0x470, s4;
	s23 =	simm.s32 $0x7E00;
	v11 =	vadd.f32 v58, v62;
	v10 =	vmul.f32 v7, v63;
	v7 =	vld [tilespmem:s26+$0x70];
	[tilespmem:s26+$0xF0] =	vst v12;
	v12 =	vmax.f32 v13, $0.0e+00  }
.LBB2_10:
0x547: {  	_ = 	snop  }
0x548: {  	s1 =	simm.s32 $0x1;
	s15 =	sadd.s32 $0x4, s15;
	v11 =	vmax.f32 v11, $0.0e+00;
	v9 =	vmul.f32 v12, v9;
	v12 =	vld [tilespmem:s10+$0x70]  }
0x549: {  	s29 =	sadd.s32 $0x2, s29;
	s3 =	smov.u32 s12;
	[tilespmem:s26+$0xFFFFFFE0] =	vst v10;
	v10 =	vld [tilespmem:s19+$0x70];
	s4 =	sand.u32 $0x7, s15;
	v8 =	vmul.f32 v11, v8  }
0x54a: {  	s21 =	sadd.s32 $0x400, s21;
	s5 =	smov.u32 s11;
	s4 =	sshll.u32 s4, $0x7;
	v11 =	vld [tilespmem:s18+$0x300];
	[tilespmem:s26+$0x60] =	vst v9  }
0x54b: {  	s14 =	sadd.s32 $0x200, s14;
	s12 =	sand.u32 $0x3, s29;
	s4 =	sadd.s32 s4, s21;
	[tilespmem:s26+$0xFFFFFF60] =	vst v8;
	v8 =	vld [tilespmem:s17+$0x300]  }
0x54c: {  	[dreg:$0x1a] =	wrdreg s3;
	s3 =	sshll.u32 s12, $0x8;
	v13 =	vld [tilespmem:s13+$0x70];
	s22 =	sadd.s32 $0x180, s4  }
0x54d: {  	s1 =	simm.s32 @!p0 $0x0;
	s3 =	sadd.s32 s21, s3;
	s24 =	sor.u32 $0x400, s22;
	v9 =	vld [tilespmem:s2+$0x300];
	v4 =	vmul.f32 v4, v12  }
0x54e: {  	s1 =	sshll.u32 s1, $0x9;
	s11 =	sadd.s32 $0x100, s3;
	s26 =	sadd.s32 $0x200, s26;
	v3 =	vmul.f32 v3, v10;
	v10 =	vld [tilespmem:s24+$0x300]  }
0x54f: {  	s25 =	sand.u32 $0x3800, s21;
	s6 =	sor.u32 $0x400, s11;
	s17 =	sadd.s32 s1, s21;
	v12 =	vld [tilespmem:s26+$0x80];
	[tilespmem:s5+$0x70] =	vst v4  }
0x550: {  	s31 =	sand.u32 $0x380, s14;
	s28 =	sor.u32 $0x300, s25;
	s30 =	sor.u32 $0x400, s17;
	[tilespmem:s5+$0xFFFFFF70] =	vst v3;
	v6 =	vadd.f32 v6, v11;
	v4 =	vadd.f32 v7, v8;
	v7 =	vld [tilespmem:s6+$0x300]  }
0x551: {  	s6 =	sadd.s32 s31, s28;
	v8 =	vld [tilespmem:s30+$0x300]  }
0x552: {  	s1 =	sadd.s32 $0x80, s4;
	v3 =	vadd.f32 v5, v9;
	v5 =	vmax.f32 v6, $0.0e+00;
	v6 =	vld [tilespmem:s6+$0x0]  }
0x553: {  	s7 =	sadd.s32 $0xFFFFFE80, s14;
	s20 =	sor.u32 $0x400, s1;
	v9 =	vld [tilespmem:s26+$0xFFFFFF00];
	v5 =	vmul.f32 v5, v13  }
0x554: {  	s9 =	sand.u32 $0x200, s7;
	v11 =	vld [tilespmem:s20+$0x300];
	v10 =	vadd.f32 v12, v10  }
0x555: {  	s8 =	sadd.s32 $0xFFFFFF00, s14;
	s5 =	sadd.s32 s9, s28;
	[tilespmem:s23+$0xFFFFFFF0] =	vst v5;
	v5 =	vld [tilespmem:s26+$0xFFFFFF80]  }
0x556: {  	s10 =	sand.u32 $0x280, s8;
	v13 =	vld [tilespmem:s5+$0x0];
	v10 =	vmax.f32 v10, $0.0e+00  }
0x557: {  	s12 =	sadd.s32 $0xFFFFFF80, s14;
	s13 =	sadd.s32 s10, s28;
	v12 =	vld [tilespmem:s26+$0x0];
	v6 =	vmul.f32 v10, v6  }
0x558: {  	s18 =	sand.u32 $0x300, s12;
	v8 =	vadd.f32 v9, v8;
	v10 =	vld [tilespmem:s13+$0x0]  }
0x559: {  	s12 =	sadd.s32 s18, s28;
	[tilespmem:s26+$0x80] =	vst v6;
	v6 =	vld [tilespmem:s26+$0x90]  }
0x55a: {  	s2 =	sor.u32 $0x410, s22;
	v8 =	vmax.f32 v8, $0.0e+00;
	v5 =	vadd.f32 v5, v11;
	v11 =	vld [tilespmem:s12+$0x0]  }
0x55b: {  	v8 =	vmul.f32 v8, v13;
	v9 =	vld [tilespmem:s2+$0x300]  }
0x55c: {  	v7 =	vadd.f32 v12, v7;
	v12 =	vld [tilespmem:s26+$0xFFFFFF10];
	v5 =	vmax.f32 v5, $0.0e+00  }
0x55d: {  	[tilespmem:s26+$0xFFFFFF00] =	vst v8;
	v8 =	vld [tilespmem:s26+$0xFFFFFF90];
	v5 =	vmul.f32 v5, v10  }
0x55e: {  	s20 =	sor.u32 $0x410, s17;
	v10 =	vld [tilespmem:s6+$0x10]  }
0x55f: {  	s7 =	sor.u32 $0x410, s1;
	v7 =	vmax.f32 v7, $0.0e+00;
	v13 =	vld [tilespmem:s20+$0x300];
	[tilespmem:s26+$0xFFFFFF80] =	vst v5  }
0x560: {  	v7 =	vmul.f32 v7, v11;
	v5 =	vadd.f32 v6, v9;
	v6 =	vld [tilespmem:s7+$0x300]  }
0x561: {  	v9 =	vld [tilespmem:s26+$0x10]  }
0x562: {  	s28 =	sor.u32 $0x410, s11;
	v11 =	vld [tilespmem:s13+$0x10];
	[tilespmem:s26+$0x0] =	vst v7;
	v5 =	vmax.f32 v5, $0.0e+00  }
0x563: {  	s19 =	sor.u32 $0x450, s1;
	v7 =	vld [tilespmem:s28+$0x300];
	v5 =	vmul.f32 v5, v10  }
0x564: {  	[dreg:$0x19] =	wrdreg s19;
	s19 =	sor.u32 $0x450, s17;
	v10 =	vadd.f32 v12, v13;
	v12 =	vld [tilespmem:s12+$0x10]  }
0x565: {  	[dreg:$0xe] =	wrdreg s19;
	s19 =	sor.u32 $0x460, s17;
	s20 =	sor.u32 $0x420, s22;
	[tilespmem:s26+$0x90] =	vst v5;
	v5 =	vld [tilespmem:s26+$0xA0];
	v6 =	vadd.f32 v8, v6  }
0x566: {  	[dreg:$0x6] =	wrdreg s19;
	s19 =	smov.u32 s16;
	s16 =	smov.u32 s5;
	v8 =	vld [tilespmem:s20+$0x300]  }
0x567: {  	v13 =	vld [tilespmem:s16+$0x10];
	v6 =	vmax.f32 v6, $0.0e+00  }
0x568: {  	v7 =	vadd.f32 v9, v7;
	v9 =	vld [tilespmem:s6+$0x20];
	v6 =	vmul.f32 v6, v11  }
0x569: {  	v11 =	vld [tilespmem:s26+$0xFFFFFF20]  }
0x56a: {  	v7 =	vmax.f32 v7, $0.0e+00;
	[tilespmem:s26+$0xFFFFFF90] =	vst v6;
	v6 =	vld [tilespmem:s26+$0xFFFFFFA0]  }
0x56b: {  	s25 =	sor.u32 $0x420, s1;
	v10 =	vmax.f32 v10, $0.0e+00;
	v7 =	vmul.f32 v7, v12;
	v12 =	vld [tilespmem:s26+$0x20];
	v5 =	vadd.f32 v5, v8  }
0x56c: {  	v10 =	vmul.f32 v10, v13;
	v8 =	vld [tilespmem:s25+$0x300]  }
0x56d: {  	s10 =	sor.u32 $0x420, s11;
	v13 =	vld [tilespmem:s13+$0x20];
	[tilespmem:s26+$0x10] =	vst v7;
	v5 =	vmax.f32 v5, $0.0e+00  }
0x56e: {  	s4 =	sor.u32 $0x420, s17;
	[tilespmem:s26+$0xFFFFFF10] =	vst v10;
	v7 =	vld [tilespmem:s10+$0x300];
	v5 =	vmul.f32 v5, v9  }
0x56f: {  	v9 =	vld [tilespmem:s4+$0x300]  }
0x570: {  	s28 =	sor.u32 $0x430, s22;
	[tilespmem:s26+$0xA0] =	vst v5;
	v5 =	vld [tilespmem:s26+$0xB0]  }
0x571: {  	v6 =	vadd.f32 v6, v8;
	v8 =	vld [tilespmem:s28+$0x300];
	_ =	sdelay $0x1  }
0x572: {  	v10 =	vld [tilespmem:s12+$0x20];
	v6 =	vmax.f32 v6, $0.0e+00  }
0x573: {  	v7 =	vadd.f32 v12, v7;
	v12 =	vld [tilespmem:s6+$0x30];
	v6 =	vmul.f32 v6, v13  }
0x574: {  	v13 =	vld [tilespmem:s16+$0x20]  }
0x575: {  	s31 =	sor.u32 $0x430, s1;
	[tilespmem:s26+$0xFFFFFFA0] =	vst v6;
	v6 =	vmax.f32 v7, $0.0e+00;
	v7 =	vadd.f32 v11, v9;
	v9 =	vld [tilespmem:s26+$0xFFFFFFB0];
	v5 =	vadd.f32 v5, v8  }
0x576: {  	v8 =	vld [tilespmem:s31+$0x300]  }
0x577: {  	v14 =	vld [tilespmem:s26+$0xFFFFFF30];
	v6 =	vmul.f32 v6, v10;
	v5 =	vmax.f32 v5, $0.0e+00  }
0x578: {  	v10 =	vld [tilespmem:s26+$0x30];
	v7 =	vmax.f32 v7, $0.0e+00;
	v5 =	vmul.f32 v5, v12  }
0x579: {  	v11 =	vld [tilespmem:s13+$0x30];
	v7 =	vmul.f32 v7, v13;
	[tilespmem:s26+$0x20] =	vst v6  }
0x57a: {  	s3 =	sor.u32 $0x430, s11;
	[tilespmem:s26+$0xB0] =	vst v5;
	v5 =	vld [tilespmem:s26+$0xC0]  }
0x57b: {  	s5 =	sor.u32 $0x440, s22;
	[tilespmem:s26+$0xFFFFFF20] =	vst v7;
	v7 =	vadd.f32 v9, v8;
	v8 =	vld [tilespmem:s3+$0x300]  }
0x57c: {  	s30 =	sor.u32 $0x430, s17;
	v6 =	vld [tilespmem:s5+$0x300]  }
0x57d: {  	v9 =	vld [tilespmem:s30+$0x300];
	v7 =	vmax.f32 v7, $0.0e+00  }
0x57e: {  	v7 =	vmul.f32 v7, v11;
	v11 =	vld [tilespmem:s12+$0x30]  }
0x57f: {  	v12 =	vld [tilespmem:s6+$0x40]  }
0x580: {  	v13 =	vld [tilespmem:s16+$0x30];
	[tilespmem:s26+$0xFFFFFFB0] =	vst v7;
	v7 =	vadd.f32 v10, v8  }
0x581: {  	v5 =	vadd.f32 v5, v6  }
0x582: {  	s9 =	sor.u32 $0x440, s1;
	v8 =	vadd.f32 v14, v9;
	v10 =	vld [tilespmem:s26+$0xFFFFFFC0];
	v7 =	vmax.f32 v7, $0.0e+00  }
0x583: {  	v9 =	vld [tilespmem:s9+$0x300];
	v5 =	vmax.f32 v5, $0.0e+00;
	v7 =	vmul.f32 v7, v11  }
0x584: {  	v8 =	vmax.f32 v8, $0.0e+00;
	v11 =	vld [tilespmem:s26+$0x40];
	v5 =	vmul.f32 v5, v12  }
0x585: {  	v8 =	vmul.f32 v8, v13;
	v13 =	vld [tilespmem:s13+$0x40];
	[tilespmem:s26+$0x30] =	vst v7  }
0x586: {  	s8 =	sor.u32 $0x440, s11;
	[tilespmem:s26+$0xC0] =	vst v5;
	v5 =	vld [tilespmem:s26+$0xD0]  }
0x587: {  	s7 =	sor.u32 $0x450, s22;
	[tilespmem:s26+$0xFFFFFF30] =	vst v8;
	v8 =	vld [tilespmem:s8+$0x300]  }
0x588: {  	v7 =	vld [tilespmem:s7+$0x300]  }
0x589: {  	s24 =	sor.u32 $0x440, s17;
	v6 =	vld [tilespmem:s26+$0xFFFFFF40]  }
0x58a: {  	v12 =	vld [tilespmem:s24+$0x300];
	v9 =	vadd.f32 v10, v9  }
0x58b: {  	v10 =	vld [tilespmem:s6+$0x50]  }
0x58c: {  	v14 =	vld [tilespmem:s12+$0x40];
	v9 =	vmax.f32 v9, $0.0e+00  }
0x58d: {  	v9 =	vmul.f32 v9, v13;
	v8 =	vadd.f32 v11, v8;
	v11 =	vld [tilespmem:s26+$0xFFFFFF50];
	v5 =	vadd.f32 v5, v7  }
0x58e: {  	v7 =	vld [tilespmem:s16+$0x40]  }
0x58f: {  	s20 =	rddreg [dreg:$0x19];
	v6 =	vadd.f32 v6, v12;
	v12 =	vld [tilespmem:s26+$0xFFFFFFD0];
	[tilespmem:s26+$0xFFFFFFC0] =	vst v9;
	v5 =	vmax.f32 v5, $0.0e+00  }
0x590: {  	v9 =	vld [tilespmem:s20+$0x300];
	v8 =	vmax.f32 v8, $0.0e+00;
	v5 =	vmul.f32 v5, v10  }
0x591: {  	v8 =	vmul.f32 v8, v14;
	v14 =	vld [tilespmem:s13+$0x50]  }
0x592: {  	s9 =	sor.u32 $0x460, s22;
	v6 =	vmax.f32 v6, $0.0e+00;
	[tilespmem:s26+$0xD0] =	vst v5;
	v5 =	vld [tilespmem:s26+$0xE0]  }
0x593: {  	s18 =	sor.u32 $0x450, s11;
	v6 =	vmul.f32 v6, v7;
	v7 =	vld [tilespmem:s9+$0x300]  }
0x594: {  	[dreg:$0x12] =	wrdreg s18;
	v10 =	vld [tilespmem:s26+$0x50]  }
0x595: {  	s24 =	rddreg [dreg:$0x12];
	[tilespmem:s26+$0x40] =	vst v8;
	v8 =	vld [tilespmem:s6+$0x60]  }
0x596: {  	s25 =	rddreg [dreg:$0xe];
	[tilespmem:s26+$0xFFFFFF40] =	vst v6;
	v6 =	vld [tilespmem:s24+$0x300]  }
0x597: {  	v13 =	vld [tilespmem:s25+$0x300]  }
0x598: {  	v5 =	vadd.f32 v5, v7  }
0x599: {  	v7 =	vadd.f32 v12, v9;
	v9 =	vld [tilespmem:s12+$0x50]  }
0x59a: {  	v12 =	vld [tilespmem:s16+$0x50];
	v5 =	vmax.f32 v5, $0.0e+00  }
0x59b: {  	v6 =	vadd.f32 v10, v6;
	v10 =	vld [tilespmem:s26+$0xFFFFFF60];
	v7 =	vmax.f32 v7, $0.0e+00;
	v5 =	vmul.f32 v5, v8  }
0x59c: {  	v8 =	vadd.f32 v11, v13;
	v11 =	vld [tilespmem:s26+$0xFFFFFFE0];
	v7 =	vmul.f32 v7, v14  }
0x59d: {  	s18 =	sor.u32 $0x460, s1;
	[tilespmem:s26+$0xE0] =	vst v5;
	v5 =	vld [tilespmem:s26+$0xF0]  }
0x59e: {  	[dreg:$0xa] =	wrdreg s18;
	s28 =	sor.u32 $0x470, s22;
	v6 =	vmax.f32 v6, $0.0e+00;
	[tilespmem:s26+$0xFFFFFFD0] =	vst v7;
	v7 =	vld [tilespmem:s26+$0x60]  }
0x59f: {  	s30 =	rddreg [dreg:$0xa];
	v8 =	vmax.f32 v8, $0.0e+00;
	v6 =	vmul.f32 v6, v9;
	v9 =	vld [tilespmem:s28+$0x300]  }
0x5a0: {  	v8 =	vmul.f32 v8, v12;
	v12 =	vld [tilespmem:s30+$0x300]  }
0x5a1: {  	s18 =	sor.u32 $0x470, s1;
	s1 =	sor.u32 $0x460, s11;
	[tilespmem:s26+$0x50] =	vst v6;
	v6 =	vld [tilespmem:s6+$0x70]  }
0x5a2: {  	v13 =	vld [tilespmem:s1+$0x300]  }
0x5a3: {  	s0 =	sadd.s32 $0x4, s0;
	s31 =	rddreg [dreg:$0x6];
	v15 =	vld [tilespmem:s13+$0x60];
	[tilespmem:s26+$0xFFFFFF50] =	vst v8  }
0x5a4: {  	p1 =	slt.u32 s0, $0x24;
	v14 =	vld [tilespmem:s31+$0x300];
	v5 =	vadd.f32 v5, v9  }
.Ltmp4:
0x5a5: {  	v8 =	vld [tilespmem:s16+$0x60];
	(pc) =	sbr.rel @p1 .LBB2_10-.Ltmp4, $4  }
0x5a6: {  	v11 =	vadd.f32 v11, v12;
	v9 =	vld [tilespmem:s12+$0x60];
	v5 =	vmax.f32 v5, $0.0e+00  }
0x5a7: {  	v7 =	vadd.f32 v7, v13;
	v12 =	vmul.f32 v5, v6;
	v5 =	vld [tilespmem:s26+$0xFFFFFF70]  }
0x5a8: {  	p0 =	por !p0, !p0;
	v4 =	vmax.f32 v4, $0.0e+00;
	v3 =	vmax.f32 v3, $0.0e+00;
	s2 =	sor.u32 $0x470, s17;
	s17 =	sor.u32 $0x470, s11;
	v16 =	vmax.f32 v11, $0.0e+00;
	v6 =	vld [tilespmem:s26+$0xFFFFFFF0]  }
0x5a9: {  	s11 =	smov.u32 s23;
	s23 =	smov.u32 s26;
	s10 =	rddreg [dreg:$0x1a];
	v11 =	vadd.f32 v10, v14;
	v10 =	vmul.f32 v16, v15;
	[tilespmem:s26+$0xF0] =	vst v12;
	v12 =	vmax.f32 v7, $0.0e+00;
	v7 =	vld [tilespmem:s26+$0x70]  }
0x5aa: {  	_ = 	snop  }
0x5ab: {  	v55 =	vld [tilespmem:s10+$0x70];
	v11 =	vmax.f32 v11, $0.0e+00;
	v9 =	vmul.f32 v12, v9  }
0x5ac: {  	v56 =	vld [tilespmem:s19+$0x70];
	[tilespmem:s26+$0xFFFFFFE0] =	vst v10;
	v8 =	vmul.f32 v11, v8  }
0x5ad: {  	v57 =	vld [tilespmem:s18+$0x300];
	[tilespmem:s26+$0x60] =	vst v9  }
0x5ae: {  	[tilespmem:s26+$0xFFFFFF60] =	vst v8;
	v58 =	vld [tilespmem:s17+$0x300]  }
0x5af: {  	v59 =	vld [tilespmem:s2+$0x300]  }
0x5b0: {  	v13 =	vld [tilespmem:s13+$0x70]  }
0x5b1: {  	v14 =	vld [tilespmem:s12+$0x70]  }
0x5b2: {  	v60 =	vld [tilespmem:s16+$0x70];
	v6 =	vadd.f32 v6, v57  }
0x5b3: {  	v4 =	vmul.f32 v4, v55;
	v7 =	vadd.f32 v7, v58  }
0x5b4: {  	v3 =	vmul.f32 v3, v56;
	v6 =	vmax.f32 v6, $0.0e+00;
	v5 =	vadd.f32 v5, v59  }
0x5b5: {  	[tilespmem:s11+$0x70] =	vst v4;
	v61 =	vmul.f32 v6, v13;
	v62 =	vmax.f32 v7, $0.0e+00  }
0x5b6: {  	[tilespmem:s11+$0xFFFFFF70] =	vst v3;
	v3 =	vmax.f32 v5, $0.0e+00;
	v63 =	vmul.f32 v62, v14  }
0x5b7: {  	[tilespmem:s23+$0xFFFFFFF0] =	vst v61;
	v3 =	vmul.f32 v3, v60  }
0x5b8: {  	s0 =	rddreg [dreg:$0x1];
	s3 =	simm.s32 $0x180;
	[tilespmem:s23+$0x70] =	vst v63  }
0x5b9: {  	s4 =	simm.s32 $0x28;
	s5 =	simm.s32 $0x7B00;
	s29 =	simm.s32 $0x7;
	[tilespmem:s23+$0xFFFFFF70] =	vst v3  }
0x5ba: {  	[spmem:s0] =	stream.indirect.scatter.add.f32 [tilespmem:s5], [sflag:$0x7], $0x80, s3, s4, $0xb8;
	[tilespmem:$0x1F300] =	vst v63  }
0x5bb: {  	_ =	swait.ge [sflag:s29], $0x1400  }
0x5bc: {  	[sflag:s29] =	ssyncset.done $0x0  }
0x5bd: {  	[sflag:s29] =	ssyncadd.s32 $0xFFFFEC00  }
0x5be: {  	[bflag:$0x0] =	sbarrier.arrive $0xFFFF  }
0x5bf: {  	s6 =	sld [smem:$0x7FC]  }
0x5c0: {  	s30 =	sld [smem:$0x7FA]  }
0x5c1: {  	s1 =	sld [smem:$0x7FD];
	_ =	sdelay $0x1  }
0x5c2: {  	s2 =	simm.s32 $0xA  }
0x5c3: {  	[hbm:s30], [sflag:s6] =	dma.local [spmem:s1], $0x2780  }
0x5c4: {  	_ =	swait.ge [sflag:s2], $0x2780  }
0x5c5: {  	s8 =	sld [smem:$0x7F2]  }
0x5c6: {  	s31 =	sld [smem:$0x7FB];
	_ =	sdelay $0x1  }
0x5c7: {  	s8 =	sadd.s32 $0x1, s8  }
0x5c8: {  	p0 =	sne.s32 s8, s31  }
.Ltmp5:
0x5c9: {  	_ = 	snop;
	(pc) =	sbr.rel @p0 .LBB2_1-.Ltmp5, $3  }
0x5ca: {  	_ =	sdelay $0x1  }
0x5cb: {  	[sflag:s2] =	ssyncset.done $0x0  }
0x5cc: {  	s7 =	simm.s32 $0x280;
	[sflag:s2] =	ssyncadd.s32 $0xFFFFD880  }
0x5cd: {  	_ =	sfence.sel $0x180000  }
0x5ce: {  	[bflag:$0x0] =	sbarrier.arrive $0xFFFF  }
0x5cf: {  	_ =	strace $0x90000047  }
0x5d0: {  	s0 =	stileid.u32;
	[bflag:$0x2] =	sbarrier.arrive $0xFFFF  }
0x5d1: {  	p0 =	sne.s32 s0, $0x0;
	s0 =	rddreg [dreg:$0x2]  }
0x5d2: {  	s0 =	sadd.s32 @!p0 $0x100000, s0  }
0x5d3: {  	[sflag:s0] =	ssyncadd.tile.s32 @!p0 $0x1;
	_ =	shalt  }
.Lfunc_end2:
_tile_overlayer_lowered:
.L_overlay_start_2:
0x5d4: {  	(tag) =	ssettag $0x2  }
0x5d5: {  	s0 =	rddreg [dreg:$0x0];
	s2 =	stileid.u32  }
0x5d6: {  	s1 =	rddreg [dreg:$0x1];
	p0 =	sne.s32 s2, $0x0  }
0x5d7: {  	s3 =	rddreg [dreg:$0x2];
	[bflag:$0x3] =	sbarrier.arrive $0xFFFF;
	s2 =	simm.s32 @!p0 $0x1C0A  }
0x5d8: {  	[timem:s3], [sflag:s2] =	dma.local @!p0 [hbm:s0], s1  }
0x5d9: {  	s0 =	simm.s32 @!p0 $0xA  }
0x5da: {  	_ =	swait.ge @!p0 [sflag:s0], s1  }
0x5db: {  	s1 =	ssub.s32 @!p0 $0x0, s1;
	[sflag:s0] =	ssyncset.done @!p0 $0x0  }
0x5dc: {  	[sflag:s0] =	ssyncadd.s32 @!p0 s1  }
0x5dd: {  	[bflag:$0x3] =	sbarrier.arrive $0xFFFF  }
0x5de: {  	_ =	shalt  }

</sc_bundles>
